<compile_context>
chip_gen: v7x
topology: tpu7x:2x2x1
jax: 0.10.2.dev20260603
libtpu: 0.0.44.dev20260713+nightly
codegen_flags: <defaults>
</compile_context>

<pallas_src>
import functools

import jax
import jax.numpy as jnp
from jax import lax
from jax.experimental import pallas as pl
from jax.experimental.pallas import tpu as pltpu
from jax.experimental.pallas import tpu_sc as plsc

TM = 512
NW = 32
CH = 32


def _cumsum0_excl(v):
    n = v.shape[0]
    total = v
    k = 1
    while k < n:
        shifted = jnp.concatenate(
            [jnp.zeros((k, v.shape[1]), v.dtype), total[:-k]], axis=0)
        total = total + shifted
        k *= 2
    return total - v


def _gating_body(x_ref, wg_ref, bg_ref,
                 pa_ref, pb_ref, wa_ref, wb_ref, te_ref, tv_ref, xb_ref,
                 ll_ref, il_ref):
    B = x_ref.shape[0]
    E = wg_ref.shape[0]
    NT = te_ref.shape[0]
    s = lax.dot_general(x_ref[...], wg_ref[...], (((1,), (1,)), ((), ())),
                        preferred_element_type=jnp.float32) + bg_ref[...]
    ids = lax.broadcasted_iota(jnp.int32, s.shape, 1)
    m1 = jnp.max(s, axis=1, keepdims=True)
    a1 = jnp.min(jnp.where(s == m1, ids, E), axis=1, keepdims=True)
    s2 = jnp.where(ids == a1, -jnp.inf, s)
    m2 = jnp.max(s2, axis=1, keepdims=True)
    a2 = jnp.min(jnp.where(s2 == m2, ids, E), axis=1, keepdims=True)
    t = jnp.exp(m2 - m1)
    lanes = jnp.ones((1, 16), jnp.float32)
    wa_ref[...] = (1.0 / (1.0 + t)) * lanes
    wb_ref[...] = (t / (1.0 + t)) * lanes
    oh1 = (ids == a1).astype(jnp.float32)
    oh2 = (ids == a2).astype(jnp.float32)
    c12 = _cumsum0_excl(jnp.concatenate([oh1, oh2], axis=1))
    c1, c2 = c12[:, :E], c12[:, E:]
    cnt1 = jnp.sum(oh1, axis=0, keepdims=True)
    cnt2 = jnp.sum(oh2, axis=0, keepdims=True)
    counts = cnt1 + cnt2
    padded = jnp.ceil(counts / TM) * TM
    offpad = jnp.zeros_like(padded)
    acc = padded
    k = 1
    while k < E:
        offpad = offpad + jnp.concatenate(
            [jnp.zeros((1, k), jnp.float32), acc[:, :-k]], axis=1)
        acc = jnp.concatenate(
            [jnp.zeros((1, k), jnp.float32), acc[:, :-k]], axis=1) + acc
        k *= 2
    pa = jnp.sum(oh1 * (offpad + c1), axis=1, keepdims=True)
    pb = jnp.sum(oh2 * (offpad + cnt1 + c2), axis=1, keepdims=True)
    pa_ref[...] = pa.astype(jnp.int32)[:, 0]
    pb_ref[...] = pb.astype(jnp.int32)[:, 0]
    cumtiles = (offpad + padded) / TM
    mrow = lax.broadcasted_iota(jnp.int32, (NT, E), 0).astype(jnp.float32)
    te = jnp.sum((mrow >= cumtiles).astype(jnp.float32), axis=1, keepdims=True)
    total_tiles = jnp.sum(padded, axis=1, keepdims=True) / TM
    eids = lax.broadcasted_iota(jnp.int32, (1, E), 1).astype(jnp.float32)
    laste = jnp.max(jnp.where(counts > 0, eids, 0.0), axis=1, keepdims=True)
    mcol = lax.broadcasted_iota(jnp.int32, (NT, 1), 0).astype(jnp.float32)
    tvalid = (mcol < total_tiles).astype(jnp.float32)
    te = jnp.where(tvalid > 0, jnp.minimum(te, E - 1), laste)
    te_ref[...] = te.astype(jnp.int32)[:, 0]
    tv_ref[...] = tvalid.astype(jnp.int32)[:, 0]
    xb_ref[...] = jnp.minimum(mcol, total_tiles - 1).astype(jnp.int32)[:, 0]
    lmean = jnp.sum(counts, axis=1, keepdims=True) / E
    ldev = counts - lmean
    lvar = jnp.sum(ldev * ldev, axis=1, keepdims=True) / (E - 1)
    ll_ref[...] = lvar / (E * (B / E))
    p = jnp.exp(s - m1)
    p = p / jnp.sum(p, axis=1, keepdims=True)
    imp = jnp.sum(p, axis=0, keepdims=True)
    imean = jnp.sum(imp, axis=1, keepdims=True) / E
    idev = imp - imean
    ivar = jnp.sum(idev * idev, axis=1, keepdims=True) / (E - 1)
    il_ref[...] = ivar / (imean + 1e-8)


def _gating(x, Wg, bg, NT):
    B, D = x.shape
    E = Wg.shape[0]
    outs = [
        jax.ShapeDtypeStruct((B,), jnp.int32),
        jax.ShapeDtypeStruct((B,), jnp.int32),
        jax.ShapeDtypeStruct((B, 16), jnp.float32),
        jax.ShapeDtypeStruct((B, 16), jnp.float32),
        jax.ShapeDtypeStruct((NT,), jnp.int32),
        jax.ShapeDtypeStruct((NT,), jnp.int32),
        jax.ShapeDtypeStruct((NT,), jnp.int32),
        jax.ShapeDtypeStruct((1, 1), jnp.float32),
        jax.ShapeDtypeStruct((1, 1), jnp.float32),
    ]
    return pl.pallas_call(_gating_body, out_shape=outs)(x, Wg, bg.reshape(1, E))


def _gmm_body(te_ref, tv_ref, xb_ref, xs_ref, w1_ref, b1_ref, w2_ref, b2_ref,
              out_ref):
    i = pl.program_id(0)

    @pl.when(tv_ref[i] == 1)
    def _():
        h = lax.dot_general(xs_ref[...], w1_ref[0], (((1,), (1,)), ((), ())),
                            preferred_element_type=jnp.float32)
        h = jnp.maximum(h + b1_ref[0], 0.0)
        o = lax.dot_general(h, w2_ref[0], (((1,), (1,)), ((), ())),
                            preferred_element_type=jnp.float32)
        out_ref[...] = o + b2_ref[0]


def _gmm(tile_expert, tile_valid, xs_blk, xs, W1, b1, W2, b2):
    NPAD, D = xs.shape
    NT = NPAD // TM
    grid_spec = pltpu.PrefetchScalarGridSpec(
        num_scalar_prefetch=3,
        grid=(NT,),
        in_specs=[
            pl.BlockSpec((TM, D), lambda i, te, tv, xb: (xb[i], 0)),
            pl.BlockSpec((1, D, D), lambda i, te, tv, xb: (te[i], 0, 0)),
            pl.BlockSpec((1, 1, D), lambda i, te, tv, xb: (te[i], 0, 0)),
            pl.BlockSpec((1, D, D), lambda i, te, tv, xb: (te[i], 0, 0)),
            pl.BlockSpec((1, 1, D), lambda i, te, tv, xb: (te[i], 0, 0)),
        ],
        out_specs=pl.BlockSpec((TM, D), lambda i, te, tv, xb: (xb[i], 0)),
    )
    return pl.pallas_call(
        _gmm_body,
        grid_spec=grid_spec,
        out_shape=jax.ShapeDtypeStruct((NPAD, D), jnp.float32),
    )(tile_expert, tile_valid, xs_blk, xs, W1, b1.reshape(b1.shape[0], 1, D),
      W2, b2.reshape(b2.shape[0], 1, D))


def _sc_dispatch(x, pa, pb, NPAD):
    B, D = x.shape
    TPW = B // NW
    n_ch = TPW // CH
    mesh = plsc.VectorSubcoreMesh(core_axis_name="c", subcore_axis_name="s")

    @functools.partial(
        pl.kernel, mesh=mesh,
        out_type=jax.ShapeDtypeStruct((NPAD, D), jnp.float32),
        scratch_types=[
            pltpu.VMEM((2, 2, CH), jnp.int32),
            pltpu.VMEM((2, CH, D), jnp.float32),
            pltpu.SemaphoreType.DMA,
            pltpu.SemaphoreType.DMA,
            pltpu.SemaphoreType.DMA,
        ],
    )
    def k(x_hbm, pa_hbm, pb_hbm, out_hbm, idx_v, xv, semx, sem1, sem2):
        info = plsc.get_sparse_core_info()
        wid = lax.axis_index("s") * info.num_cores + lax.axis_index("c")
        base = wid * TPW

        def load(c, slot):
            return pltpu.async_copy(
                x_hbm.at[pl.ds(base + c * CH, CH)], xv.at[slot], semx)

        cpx = load(0, 0)
        scat = None
        for c in range(n_ch):
            slot = c % 2
            cpx.wait()
            pltpu.sync_copy(pa_hbm.at[pl.ds(base + c * CH, CH)],
                            idx_v.at[slot, 0])
            pltpu.sync_copy(pb_hbm.at[pl.ds(base + c * CH, CH)],
                            idx_v.at[slot, 1])
            if scat is not None:
                scat[0].wait()
                scat[1].wait()
            scat = (
                pltpu.async_copy(xv.at[slot],
                                 out_hbm.at[idx_v.at[slot, 0]], sem1),
                pltpu.async_copy(xv.at[slot],
                                 out_hbm.at[idx_v.at[slot, 1]], sem2),
            )
            if c + 1 < n_ch:
                cpx = load(c + 1, (c + 1) % 2)
        scat[0].wait()
        scat[1].wait()

    return k(x, pa, pb)


def _sc_combine(o, slotA, slotB, wA, wB):
    NPAD, D = o.shape
    B = slotA.shape[0]
    TPW = B // NW
    CC = 16
    n_ch = TPW // CC
    U = 4
    mesh = plsc.VectorSubcoreMesh(core_axis_name="c", subcore_axis_name="s")

    @functools.partial(
        pl.kernel, mesh=mesh,
        out_type=jax.ShapeDtypeStruct((B, D), jnp.float32),
        scratch_types=[
            pltpu.VMEM((TPW,), jnp.int32),
            pltpu.VMEM((TPW,), jnp.int32),
            pltpu.VMEM((TPW, 16), jnp.float32),
            pltpu.VMEM((TPW, 16), jnp.float32),
            pltpu.VMEM((2, CC, D), jnp.float32),
            pltpu.VMEM((2, CC, D), jnp.float32),
            pltpu.SemaphoreType.DMA,
            pltpu.SemaphoreType.DMA,
        ],
    )
    def k(o_hbm, ia_hbm, ib_hbm, wa_hbm, wb_hbm, out_hbm,
          ia_v, ib_v, wa_v, wb_v, bufa, bufb, sema, semb):
        info = plsc.get_sparse_core_info()
        wid = lax.axis_index("s") * info.num_cores + lax.axis_index("c")
        base = wid * TPW
        pltpu.sync_copy(ia_hbm.at[pl.ds(base, TPW)], ia_v)
        pltpu.sync_copy(ib_hbm.at[pl.ds(base, TPW)], ib_v)
        pltpu.sync_copy(wa_hbm.at[pl.ds(base, TPW)], wa_v)
        pltpu.sync_copy(wb_hbm.at[pl.ds(base, TPW)], wb_v)

        def fire(c, slot):
            return (
                pltpu.async_copy(o_hbm.at[ia_v.at[pl.ds(c * CC, CC)]],
                                 bufa.at[slot], sema),
                pltpu.async_copy(o_hbm.at[ib_v.at[pl.ds(c * CC, CC)]],
                                 bufb.at[slot], semb),
            )

        cps = fire(0, 0)
        for c in range(n_ch):
            slot = c % 2
            cps[0].wait()
            cps[1].wait()
            if c + 1 < n_ch:
                cps = fire(c + 1, (c + 1) % 2)

            def add_row(i, carry2):
                wa = wa_v[c * CC + i, pl.ds(0, 16)]
                wb = wb_v[c * CC + i, pl.ds(0, 16)]

                def add_blk(j, carry3):
                    off = j * (16 * U)
                    for u in range(U):
                        sl = pl.ds(off + 16 * u, 16)
                        bufa[slot, i, sl] = (wa * bufa[slot, i, sl]
                                             + wb * bufb[slot, i, sl])
                    return carry3
                return lax.fori_loop(0, D // (16 * U), add_blk, carry2)

            lax.fori_loop(0, CC, add_row, 0)
            pltpu.sync_copy(bufa.at[slot], out_hbm.at[pl.ds(base + c * CC, CC)])

        return None

    return k(o, slotA, slotB, wA, wB)


def kernel(x, Wg, bg, W1, b1, W2, b2):
    B, D = x.shape
    E = Wg.shape[0]
    BK = 2 * B
    NT = (BK + E * (TM - 1) + TM - 1) // TM
    NPAD = NT * TM

    pa, pb, wa, wb, te, tv, xb, ll, il = _gating(x, Wg, bg, NT)

    xs = _sc_dispatch(x, pa, pb, NPAD)
    o = _gmm(te, tv, xb, xs, W1, b1, W2, b2)
    out = _sc_combine(o, pa, pb, wa, wb)

    return out, ll[0, 0], il[0, 0]

# --- scband reference (transcript-rebuilt; emitter-appended) ---
"""Pipeline reference for scband-expert-parallel-layer-16372415333091 (READ-ONLY COPY).

The authoritative reference and input builder live on the scoring server;
editing this copy changes nothing except your own understanding.
"""

import jax, jax.numpy as jnp
import numpy as np

B = 4096
D = 1024
E = 8
K = 2


def setup_inputs(seed: int = 0) -> dict:
    key = jax.random.key(seed)
    ks = jax.random.split(key, 6)
    x = jax.random.normal(ks[0], (B, D), dtype=jnp.float32)
    Wg = jax.random.normal(ks[1], (E, D), dtype=jnp.float32) * 0.02
    bg = jnp.zeros((E,), dtype=jnp.float32)
    W1 = jax.random.normal(ks[2], (E, D, D), dtype=jnp.float32) * 0.02
    b1 = jnp.zeros((E, D), dtype=jnp.float32)
    W2 = jax.random.normal(ks[3], (E, D, D), dtype=jnp.float32) * 0.02
    b2 = jnp.zeros((E, D), dtype=jnp.float32)
    return {"x": x, "Wg": Wg, "bg": bg, "W1": W1, "b1": b1, "W2": W2, "b2": b2}


def reference(x, Wg, bg, W1, b1, W2, b2):
    batch = x.shape[0]
    n_exp = Wg.shape[0]
    # gating (gating_noise == 0.0, so no noise term)
    gate_scores = x @ Wg.T + bg  # [B, E]
    top_k_scores, top_k_idx = jax.lax.top_k(gate_scores, K)  # [B, K]
    rows = jnp.arange(batch)[:, None]
    routing_mask = jnp.zeros_like(gate_scores).at[rows, top_k_idx].set(1.0)
    gate_act = jax.nn.softmax(top_k_scores, axis=-1)  # [B, K]
    # combine weights: weight of expert e for token b (0 if not routed)
    weights_full = jnp.zeros_like(gate_scores).at[rows, top_k_idx].set(gate_act)
    # Dense equivalent of masked expert dispatch: every expert runs over all
    # tokens; tokens not routed to expert e have weights_full[:, e] == 0 so
    # their contribution vanishes, matching the torch masked gather/scatter.
    output = jnp.zeros_like(x)
    for e in range(n_exp):
        h = jax.nn.relu(x @ W1[e].T + b1[e])
        o = h @ W2[e].T + b2[e]
        output = output + o * weights_full[:, e:e + 1]
    # load balancing loss: torch.var is unbiased (ddof=1)
    expert_loads = jnp.sum(routing_mask, axis=0)  # [E]
    expected_load = batch / n_exp
    load_variance = jnp.var(expert_loads, ddof=1)
    load_loss = load_variance / (n_exp * expected_load)
    # importance loss
    importance = jnp.sum(jax.nn.softmax(gate_scores, axis=-1), axis=0)  # [E]
    mean_importance = jnp.mean(importance)
    importance_variance = jnp.var(importance, ddof=1)
    importance_loss = importance_variance / (mean_importance + 1e-08)
    return output, load_loss, importance_loss

if __name__ == "__main__":
    import jax
    _d = setup_inputs()
    print(jax.jit(kernel)(*tuple(_d.values())))

</pallas_src>

<mosaic_0001>
#map = affine_map<(d0, d1) -> (0, 0)>
#map1 = affine_map<(d0, d1) -> (0)>
module attributes {stable_mosaic.version = 14 : i64} {
  func.func @k(%arg0: i32, %arg1: i32, %arg2: memref<4096x1024xf32, #tpu.memory_space<hbm>>, %arg3: memref<4096xi32, #tpu.memory_space<hbm>>, %arg4: memref<4096xi32, #tpu.memory_space<hbm>>, %arg5: memref<12288x1024xf32, #tpu.memory_space<hbm>>, %arg6: memref<2x2x32xi32, #tpu.memory_space<vmem>>, %arg7: memref<2x32x1024xf32, #tpu.memory_space<vmem>>, %arg8: memref<!tpu.dma_semaphore, #tpu.memory_space<semaphore_mem>>, %arg9: memref<!tpu.dma_semaphore, #tpu.memory_space<semaphore_mem>>, %arg10: memref<!tpu.dma_semaphore, #tpu.memory_space<semaphore_mem>>) attributes {dimension_semantics = [#tpu.dimension_semantics<core_parallel>, #tpu.dimension_semantics<subcore_parallel>], iteration_bounds = array<i64: 2, 16>, scalar_prefetch = 0 : i64, scratch_operands = 5 : i64, tpu.core_type = #tpu.core_type<sc_vector_subcore>, window_params = [{transform_indices = #map}, {transform_indices = #map1}, {transform_indices = #map1}, {transform_indices = #map}]} {
    %mul3A = arith.constant 2 : i32
    %mul3A_0 = arith.muli %arg1, %mul3A : i32
    %add3A = arith.addi %mul3A_0, %arg0 : i32
    %mul3A_1 = arith.constant 128 : i32
    %mul3A_2 = arith.muli %add3A, %mul3A_1 : i32
    %add3A_3 = arith.constant 0 : i32
    %add3A_4 = arith.addi %mul3A_2, %add3A_3 : i32
    %dma_start3A = arith.constant 0 : i32
    %dma_start3A_5 = arith.constant 0 : i32
    %dma_start3A_6 = arith.constant 0 : i32
    %dma_start3A_7 = tpu.memref_slice %arg7[%dma_start3A, %dma_start3A_5, %dma_start3A_6] : memref<2x32x1024xf32, #tpu.memory_space<vmem>> -> memref<1x32x1024xf32, #tpu.memory_space<vmem>>
    %dma_start3A_8 = tpu.memref_squeeze %dma_start3A_7 : memref<1x32x1024xf32, #tpu.memory_space<vmem>> -> memref<32x1024xf32, #tpu.memory_space<vmem>>
    %dma_start3A_9 = arith.constant 0 : i32
    %dma_start3A_10 = tpu.memref_slice %arg2[%add3A_4, %dma_start3A_9] : memref<4096x1024xf32, #tpu.memory_space<hbm>> -> memref<32x1024xf32, #tpu.memory_space<hbm>>
    %dma_start3A_11 = arith.constant 0 : i32
    %dma_start3A_12 = arith.constant 0 : i32
    %dma_start3A_13 = tpu.memref_slice %arg7[%dma_start3A, %dma_start3A_11, %dma_start3A_12] : memref<2x32x1024xf32, #tpu.memory_space<vmem>> -> memref<1x32x1024xf32, #tpu.memory_space<vmem>>
    %dma_start3A_14 = tpu.memref_squeeze %dma_start3A_13 : memref<1x32x1024xf32, #tpu.memory_space<vmem>> -> memref<32x1024xf32, #tpu.memory_space<vmem>>
    %dma_start3A_15 = arith.constant 0 : i32
    %dma_start3A_16 = tpu.memref_slice %arg2[%add3A_4, %dma_start3A_15] : memref<4096x1024xf32, #tpu.memory_space<hbm>> -> memref<32x1024xf32, #tpu.memory_space<hbm>>
    tpu.enqueue_dma source(%dma_start3A_16 : memref<32x1024xf32, #tpu.memory_space<hbm>>) target(%dma_start3A_14 : memref<32x1024xf32, #tpu.memory_space<vmem>>) target_semaphore(%arg8 : memref<!tpu.dma_semaphore, #tpu.memory_space<semaphore_mem>>)
    %dma_wait3A = arith.constant 0 : i32
    %dma_wait3A_17 = arith.constant 0 : i32
    %dma_wait3A_18 = arith.constant 0 : i32
    %dma_wait3A_19 = tpu.memref_slice %arg7[%dma_wait3A, %dma_wait3A_17, %dma_wait3A_18] : memref<2x32x1024xf32, #tpu.memory_space<vmem>> -> memref<1x32x1024xf32, #tpu.memory_space<vmem>>
    %dma_wait3A_20 = tpu.memref_squeeze %dma_wait3A_19 : memref<1x32x1024xf32, #tpu.memory_space<vmem>> -> memref<32x1024xf32, #tpu.memory_space<vmem>>
    %dma_wait3A_21 = arith.constant 0 : i32
    %dma_wait3A_22 = tpu.memref_slice %arg2[%add3A_4, %dma_wait3A_21] : memref<4096x1024xf32, #tpu.memory_space<hbm>> -> memref<32x1024xf32, #tpu.memory_space<hbm>>
    %dma_wait3A_23 = arith.constant 0 : i32
    %dma_wait3A_24 = arith.constant 0 : i32
    %dma_wait3A_25 = tpu.memref_slice %arg7[%dma_wait3A, %dma_wait3A_23, %dma_wait3A_24] : memref<2x32x1024xf32, #tpu.memory_space<vmem>> -> memref<1x32x1024xf32, #tpu.memory_space<vmem>>
    %dma_wait3A_26 = tpu.memref_squeeze %dma_wait3A_25 : memref<1x32x1024xf32, #tpu.memory_space<vmem>> -> memref<32x1024xf32, #tpu.memory_space<vmem>>
    %dma_wait3A_27 = arith.constant 0 : i32
    %dma_wait3A_28 = tpu.memref_slice %arg2[%add3A_4, %dma_wait3A_27] : memref<4096x1024xf32, #tpu.memory_space<hbm>> -> memref<32x1024xf32, #tpu.memory_space<hbm>>
    tpu.wait_dma2 semaphore(%arg8 : memref<!tpu.dma_semaphore, #tpu.memory_space<semaphore_mem>>) src(%dma_wait3A_28 : memref<32x1024xf32, #tpu.memory_space<hbm>>) dst(%dma_wait3A_26 : memref<32x1024xf32, #tpu.memory_space<vmem>>)
    %add3A_29 = arith.constant 0 : i32
    %add3A_30 = arith.addi %mul3A_2, %add3A_29 : i32
    %run_scoped3A = arith.constant 0 : i32
    %run_scoped3A_31 = arith.constant 0 : i32
    "tpu.region"() ({
      %run_scoped3A_352 = tpu.sem_alloc : memref<!tpu.dma_semaphore, #tpu.memory_space<semaphore_mem>>
      %dma_start3A_353 = arith.constant 0 : i32
      %dma_start3A_354 = tpu.memref_slice %arg6[%run_scoped3A, %run_scoped3A_31, %dma_start3A_353] : memref<2x2x32xi32, #tpu.memory_space<vmem>> -> memref<1x1x32xi32, #tpu.memory_space<vmem>>
      %dma_start3A_355 = tpu.memref_squeeze %dma_start3A_354 : memref<1x1x32xi32, #tpu.memory_space<vmem>> -> memref<32xi32, #tpu.memory_space<vmem>>
      %dma_start3A_356 = tpu.memref_slice %arg3[%add3A_30] : memref<4096xi32, #tpu.memory_space<hbm>> -> memref<32xi32, #tpu.memory_space<hbm>>
      %dma_start3A_357 = arith.constant 0 : i32
      %dma_start3A_358 = tpu.memref_slice %arg6[%run_scoped3A, %run_scoped3A_31, %dma_start3A_357] : memref<2x2x32xi32, #tpu.memory_space<vmem>> -> memref<1x1x32xi32, #tpu.memory_space<vmem>>
      %dma_start3A_359 = tpu.memref_squeeze %dma_start3A_358 : memref<1x1x32xi32, #tpu.memory_space<vmem>> -> memref<32xi32, #tpu.memory_space<vmem>>
      %dma_start3A_360 = tpu.memref_slice %arg3[%add3A_30] : memref<4096xi32, #tpu.memory_space<hbm>> -> memref<32xi32, #tpu.memory_space<hbm>>
      tpu.enqueue_dma source(%dma_start3A_360 : memref<32xi32, #tpu.memory_space<hbm>>) target(%dma_start3A_359 : memref<32xi32, #tpu.memory_space<vmem>>) target_semaphore(%run_scoped3A_352 : memref<!tpu.dma_semaphore, #tpu.memory_space<semaphore_mem>>)
      %dma_wait3A_361 = arith.constant 0 : i32
      %dma_wait3A_362 = tpu.memref_slice %arg6[%run_scoped3A, %run_scoped3A_31, %dma_wait3A_361] : memref<2x2x32xi32, #tpu.memory_space<vmem>> -> memref<1x1x32xi32, #tpu.memory_space<vmem>>
      %dma_wait3A_363 = tpu.memref_squeeze %dma_wait3A_362 : memref<1x1x32xi32, #tpu.memory_space<vmem>> -> memref<32xi32, #tpu.memory_space<vmem>>
      %dma_wait3A_364 = tpu.memref_slice %arg3[%add3A_30] : memref<4096xi32, #tpu.memory_space<hbm>> -> memref<32xi32, #tpu.memory_space<hbm>>
      %dma_wait3A_365 = arith.constant 0 : i32
      %dma_wait3A_366 = tpu.memref_slice %arg6[%run_scoped3A, %run_scoped3A_31, %dma_wait3A_365] : memref<2x2x32xi32, #tpu.memory_space<vmem>> -> memref<1x1x32xi32, #tpu.memory_space<vmem>>
      %dma_wait3A_367 = tpu.memref_squeeze %dma_wait3A_366 : memref<1x1x32xi32, #tpu.memory_space<vmem>> -> memref<32xi32, #tpu.memory_space<vmem>>
      %dma_wait3A_368 = tpu.memref_slice %arg3[%add3A_30] : memref<4096xi32, #tpu.memory_space<hbm>> -> memref<32xi32, #tpu.memory_space<hbm>>
      tpu.wait_dma2 semaphore(%run_scoped3A_352 : memref<!tpu.dma_semaphore, #tpu.memory_space<semaphore_mem>>) src(%dma_wait3A_368 : memref<32xi32, #tpu.memory_space<hbm>>) dst(%dma_wait3A_367 : memref<32xi32, #tpu.memory_space<vmem>>)
      tpu.yield
    }) : () -> ()
    %add3A_32 = arith.constant 0 : i32
    %add3A_33 = arith.addi %mul3A_2, %add3A_32 : i32
    %run_scoped3A_34 = arith.constant 0 : i32
    %run_scoped3A_35 = arith.constant 1 : i32
    "tpu.region"() ({
      %run_scoped3A_352 = tpu.sem_alloc : memref<!tpu.dma_semaphore, #tpu.memory_space<semaphore_mem>>
      %dma_start3A_353 = arith.constant 0 : i32
      %dma_start3A_354 = tpu.memref_slice %arg6[%run_scoped3A_34, %run_scoped3A_35, %dma_start3A_353] : memref<2x2x32xi32, #tpu.memory_space<vmem>> -> memref<1x1x32xi32, #tpu.memory_space<vmem>>
      %dma_start3A_355 = tpu.memref_squeeze %dma_start3A_354 : memref<1x1x32xi32, #tpu.memory_space<vmem>> -> memref<32xi32, #tpu.memory_space<vmem>>
      %dma_start3A_356 = tpu.memref_slice %arg4[%add3A_33] : memref<4096xi32, #tpu.memory_space<hbm>> -> memref<32xi32, #tpu.memory_space<hbm>>
      %dma_start3A_357 = arith.constant 0 : i32
      %dma_start3A_358 = tpu.memref_slice %arg6[%run_scoped3A_34, %run_scoped3A_35, %dma_start3A_357] : memref<2x2x32xi32, #tpu.memory_space<vmem>> -> memref<1x1x32xi32, #tpu.memory_space<vmem>>
      %dma_start3A_359 = tpu.memref_squeeze %dma_start3A_358 : memref<1x1x32xi32, #tpu.memory_space<vmem>> -> memref<32xi32, #tpu.memory_space<vmem>>
      %dma_start3A_360 = tpu.memref_slice %arg4[%add3A_33] : memref<4096xi32, #tpu.memory_space<hbm>> -> memref<32xi32, #tpu.memory_space<hbm>>
      tpu.enqueue_dma source(%dma_start3A_360 : memref<32xi32, #tpu.memory_space<hbm>>) target(%dma_start3A_359 : memref<32xi32, #tpu.memory_space<vmem>>) target_semaphore(%run_scoped3A_352 : memref<!tpu.dma_semaphore, #tpu.memory_space<semaphore_mem>>)
      %dma_wait3A_361 = arith.constant 0 : i32
      %dma_wait3A_362 = tpu.memref_slice %arg6[%run_scoped3A_34, %run_scoped3A_35, %dma_wait3A_361] : memref<2x2x32xi32, #tpu.memory_space<vmem>> -> memref<1x1x32xi32, #tpu.memory_space<vmem>>
      %dma_wait3A_363 = tpu.memref_squeeze %dma_wait3A_362 : memref<1x1x32xi32, #tpu.memory_space<vmem>> -> memref<32xi32, #tpu.memory_space<vmem>>
      %dma_wait3A_364 = tpu.memref_slice %arg4[%add3A_33] : memref<4096xi32, #tpu.memory_space<hbm>> -> memref<32xi32, #tpu.memory_space<hbm>>
      %dma_wait3A_365 = arith.constant 0 : i32
      %dma_wait3A_366 = tpu.memref_slice %arg6[%run_scoped3A_34, %run_scoped3A_35, %dma_wait3A_365] : memref<2x2x32xi32, #tpu.memory_space<vmem>> -> memref<1x1x32xi32, #tpu.memory_space<vmem>>
      %dma_wait3A_367 = tpu.memref_squeeze %dma_wait3A_366 : memref<1x1x32xi32, #tpu.memory_space<vmem>> -> memref<32xi32, #tpu.memory_space<vmem>>
      %dma_wait3A_368 = tpu.memref_slice %arg4[%add3A_33] : memref<4096xi32, #tpu.memory_space<hbm>> -> memref<32xi32, #tpu.memory_space<hbm>>
      tpu.wait_dma2 semaphore(%run_scoped3A_352 : memref<!tpu.dma_semaphore, #tpu.memory_space<semaphore_mem>>) src(%dma_wait3A_368 : memref<32xi32, #tpu.memory_space<hbm>>) dst(%dma_wait3A_367 : memref<32xi32, #tpu.memory_space<vmem>>)
      tpu.yield
    }) : () -> ()
    %dma_start3A_36 = arith.constant 0 : i32
    %dma_start3A_37 = arith.constant 0 : i32
    %dma_start3A_38 = arith.constant 0 : i32
    %dma_start3A_39 = arith.constant 0 : i32
    %dma_start3A_40 = arith.constant 0 : i32
    %dma_start3A_41 = tpu.memref_slice %arg7[%dma_start3A_36, %dma_start3A_39, %dma_start3A_40] : memref<2x32x1024xf32, #tpu.memory_space<vmem>> -> memref<1x32x1024xf32, #tpu.memory_space<vmem>>
    %dma_start3A_42 = tpu.memref_squeeze %dma_start3A_41 : memref<1x32x1024xf32, #tpu.memory_space<vmem>> -> memref<32x1024xf32, #tpu.memory_space<vmem>>
    %dma_start3A_43 = arith.constant 0 : i32
    %dma_start3A_44 = tpu.memref_slice %arg6[%dma_start3A_37, %dma_start3A_38, %dma_start3A_43] : memref<2x2x32xi32, #tpu.memory_space<vmem>> -> memref<1x1x32xi32, #tpu.memory_space<vmem>>
    %dma_start3A_45 = tpu.memref_squeeze %dma_start3A_44 : memref<1x1x32xi32, #tpu.memory_space<vmem>> -> memref<32xi32, #tpu.memory_space<vmem>>
    %dma_start3A_46 = arith.constant 0 : i32
    %dma_start3A_47 = arith.constant 0 : i32
    %dma_start3A_48 = tpu.memref_slice %arg5[%dma_start3A_46, %dma_start3A_47] : memref<12288x1024xf32, #tpu.memory_space<hbm>> -> memref<12288x1024xf32, #tpu.memory_space<hbm>>
    tpu.enqueue_indirect_dma source(%dma_start3A_42 : memref<32x1024xf32, #tpu.memory_space<vmem>>) target(%dma_start3A_48 : memref<12288x1024xf32, #tpu.memory_space<hbm>>) offsets(%dma_start3A_45 : memref<32xi32, #tpu.memory_space<vmem>>) semaphore(%arg9 : memref<!tpu.dma_semaphore, #tpu.memory_space<semaphore_mem>>)
    %dma_start3A_49 = arith.constant 0 : i32
    %dma_start3A_50 = arith.constant 0 : i32
    %dma_start3A_51 = arith.constant 1 : i32
    %dma_start3A_52 = arith.constant 0 : i32
    %dma_start3A_53 = arith.constant 0 : i32
    %dma_start3A_54 = tpu.memref_slice %arg7[%dma_start3A_49, %dma_start3A_52, %dma_start3A_53] : memref<2x32x1024xf32, #tpu.memory_space<vmem>> -> memref<1x32x1024xf32, #tpu.memory_space<vmem>>
    %dma_start3A_55 = tpu.memref_squeeze %dma_start3A_54 : memref<1x32x1024xf32, #tpu.memory_space<vmem>> -> memref<32x1024xf32, #tpu.memory_space<vmem>>
    %dma_start3A_56 = arith.constant 0 : i32
    %dma_start3A_57 = tpu.memref_slice %arg6[%dma_start3A_50, %dma_start3A_51, %dma_start3A_56] : memref<2x2x32xi32, #tpu.memory_space<vmem>> -> memref<1x1x32xi32, #tpu.memory_space<vmem>>
    %dma_start3A_58 = tpu.memref_squeeze %dma_start3A_57 : memref<1x1x32xi32, #tpu.memory_space<vmem>> -> memref<32xi32, #tpu.memory_space<vmem>>
    %dma_start3A_59 = arith.constant 0 : i32
    %dma_start3A_60 = arith.constant 0 : i32
    %dma_start3A_61 = tpu.memref_slice %arg5[%dma_start3A_59, %dma_start3A_60] : memref<12288x1024xf32, #tpu.memory_space<hbm>> -> memref<12288x1024xf32, #tpu.memory_space<hbm>>
    tpu.enqueue_indirect_dma source(%dma_start3A_55 : memref<32x1024xf32, #tpu.memory_space<vmem>>) target(%dma_start3A_61 : memref<12288x1024xf32, #tpu.memory_space<hbm>>) offsets(%dma_start3A_58 : memref<32xi32, #tpu.memory_space<vmem>>) semaphore(%arg10 : memref<!tpu.dma_semaphore, #tpu.memory_space<semaphore_mem>>)
    %add3A_62 = arith.constant 32 : i32
    %add3A_63 = arith.addi %mul3A_2, %add3A_62 : i32
    %dma_start3A_64 = arith.constant 1 : i32
    %dma_start3A_65 = arith.constant 0 : i32
    %dma_start3A_66 = arith.constant 0 : i32
    %dma_start3A_67 = tpu.memref_slice %arg7[%dma_start3A_64, %dma_start3A_65, %dma_start3A_66] : memref<2x32x1024xf32, #tpu.memory_space<vmem>> -> memref<1x32x1024xf32, #tpu.memory_space<vmem>>
    %dma_start3A_68 = tpu.memref_squeeze %dma_start3A_67 : memref<1x32x1024xf32, #tpu.memory_space<vmem>> -> memref<32x1024xf32, #tpu.memory_space<vmem>>
    %dma_start3A_69 = arith.constant 0 : i32
    %dma_start3A_70 = tpu.memref_slice %arg2[%add3A_63, %dma_start3A_69] : memref<4096x1024xf32, #tpu.memory_space<hbm>> -> memref<32x1024xf32, #tpu.memory_space<hbm>>
    %dma_start3A_71 = arith.constant 0 : i32
    %dma_start3A_72 = arith.constant 0 : i32
    %dma_start3A_73 = tpu.memref_slice %arg7[%dma_start3A_64, %dma_start3A_71, %dma_start3A_72] : memref<2x32x1024xf32, #tpu.memory_space<vmem>> -> memref<1x32x1024xf32, #tpu.memory_space<vmem>>
    %dma_start3A_74 = tpu.memref_squeeze %dma_start3A_73 : memref<1x32x1024xf32, #tpu.memory_space<vmem>> -> memref<32x1024xf32, #tpu.memory_space<vmem>>
    %dma_start3A_75 = arith.constant 0 : i32
    %dma_start3A_76 = tpu.memref_slice %arg2[%add3A_63, %dma_start3A_75] : memref<4096x1024xf32, #tpu.memory_space<hbm>> -> memref<32x1024xf32, #tpu.memory_space<hbm>>
    tpu.enqueue_dma source(%dma_start3A_76 : memref<32x1024xf32, #tpu.memory_space<hbm>>) target(%dma_start3A_74 : memref<32x1024xf32, #tpu.memory_space<vmem>>) target_semaphore(%arg8 : memref<!tpu.dma_semaphore, #tpu.memory_space<semaphore_mem>>)
    %dma_wait3A_77 = arith.constant 1 : i32
    %dma_wait3A_78 = arith.constant 0 : i32
    %dma_wait3A_79 = arith.constant 0 : i32
    %dma_wait3A_80 = tpu.memref_slice %arg7[%dma_wait3A_77, %dma_wait3A_78, %dma_wait3A_79] : memref<2x32x1024xf32, #tpu.memory_space<vmem>> -> memref<1x32x1024xf32, #tpu.memory_space<vmem>>
    %dma_wait3A_81 = tpu.memref_squeeze %dma_wait3A_80 : memref<1x32x1024xf32, #tpu.memory_space<vmem>> -> memref<32x1024xf32, #tpu.memory_space<vmem>>
    %dma_wait3A_82 = arith.constant 0 : i32
    %dma_wait3A_83 = tpu.memref_slice %arg2[%add3A_63, %dma_wait3A_82] : memref<4096x1024xf32, #tpu.memory_space<hbm>> -> memref<32x1024xf32, #tpu.memory_space<hbm>>
    %dma_wait3A_84 = arith.constant 0 : i32
    %dma_wait3A_85 = arith.constant 0 : i32
    %dma_wait3A_86 = tpu.memref_slice %arg7[%dma_wait3A_77, %dma_wait3A_84, %dma_wait3A_85] : memref<2x32x1024xf32, #tpu.memory_space<vmem>> -> memref<1x32x1024xf32, #tpu.memory_space<vmem>>
    %dma_wait3A_87 = tpu.memref_squeeze %dma_wait3A_86 : memref<1x32x1024xf32, #tpu.memory_space<vmem>> -> memref<32x1024xf32, #tpu.memory_space<vmem>>
    %dma_wait3A_88 = arith.constant 0 : i32
    %dma_wait3A_89 = tpu.memref_slice %arg2[%add3A_63, %dma_wait3A_88] : memref<4096x1024xf32, #tpu.memory_space<hbm>> -> memref<32x1024xf32, #tpu.memory_space<hbm>>
    tpu.wait_dma2 semaphore(%arg8 : memref<!tpu.dma_semaphore, #tpu.memory_space<semaphore_mem>>) src(%dma_wait3A_89 : memref<32x1024xf32, #tpu.memory_space<hbm>>) dst(%dma_wait3A_87 : memref<32x1024xf32, #tpu.memory_space<vmem>>)
    %add3A_90 = arith.constant 32 : i32
    %add3A_91 = arith.addi %mul3A_2, %add3A_90 : i32
    %run_scoped3A_92 = arith.constant 1 : i32
    %run_scoped3A_93 = arith.constant 0 : i32
    "tpu.region"() ({
      %run_scoped3A_352 = tpu.sem_alloc : memref<!tpu.dma_semaphore, #tpu.memory_space<semaphore_mem>>
      %dma_start3A_353 = arith.constant 0 : i32
      %dma_start3A_354 = tpu.memref_slice %arg6[%run_scoped3A_92, %run_scoped3A_93, %dma_start3A_353] : memref<2x2x32xi32, #tpu.memory_space<vmem>> -> memref<1x1x32xi32, #tpu.memory_space<vmem>>
      %dma_start3A_355 = tpu.memref_squeeze %dma_start3A_354 : memref<1x1x32xi32, #tpu.memory_space<vmem>> -> memref<32xi32, #tpu.memory_space<vmem>>
      %dma_start3A_356 = tpu.memref_slice %arg3[%add3A_91] : memref<4096xi32, #tpu.memory_space<hbm>> -> memref<32xi32, #tpu.memory_space<hbm>>
      %dma_start3A_357 = arith.constant 0 : i32
      %dma_start3A_358 = tpu.memref_slice %arg6[%run_scoped3A_92, %run_scoped3A_93, %dma_start3A_357] : memref<2x2x32xi32, #tpu.memory_space<vmem>> -> memref<1x1x32xi32, #tpu.memory_space<vmem>>
      %dma_start3A_359 = tpu.memref_squeeze %dma_start3A_358 : memref<1x1x32xi32, #tpu.memory_space<vmem>> -> memref<32xi32, #tpu.memory_space<vmem>>
      %dma_start3A_360 = tpu.memref_slice %arg3[%add3A_91] : memref<4096xi32, #tpu.memory_space<hbm>> -> memref<32xi32, #tpu.memory_space<hbm>>
      tpu.enqueue_dma source(%dma_start3A_360 : memref<32xi32, #tpu.memory_space<hbm>>) target(%dma_start3A_359 : memref<32xi32, #tpu.memory_space<vmem>>) target_semaphore(%run_scoped3A_352 : memref<!tpu.dma_semaphore, #tpu.memory_space<semaphore_mem>>)
      %dma_wait3A_361 = arith.constant 0 : i32
      %dma_wait3A_362 = tpu.memref_slice %arg6[%run_scoped3A_92, %run_scoped3A_93, %dma_wait3A_361] : memref<2x2x32xi32, #tpu.memory_space<vmem>> -> memref<1x1x32xi32, #tpu.memory_space<vmem>>
      %dma_wait3A_363 = tpu.memref_squeeze %dma_wait3A_362 : memref<1x1x32xi32, #tpu.memory_space<vmem>> -> memref<32xi32, #tpu.memory_space<vmem>>
      %dma_wait3A_364 = tpu.memref_slice %arg3[%add3A_91] : memref<4096xi32, #tpu.memory_space<hbm>> -> memref<32xi32, #tpu.memory_space<hbm>>
      %dma_wait3A_365 = arith.constant 0 : i32
      %dma_wait3A_366 = tpu.memref_slice %arg6[%run_scoped3A_92, %run_scoped3A_93, %dma_wait3A_365] : memref<2x2x32xi32, #tpu.memory_space<vmem>> -> memref<1x1x32xi32, #tpu.memory_space<vmem>>
      %dma_wait3A_367 = tpu.memref_squeeze %dma_wait3A_366 : memref<1x1x32xi32, #tpu.memory_space<vmem>> -> memref<32xi32, #tpu.memory_space<vmem>>
      %dma_wait3A_368 = tpu.memref_slice %arg3[%add3A_91] : memref<4096xi32, #tpu.memory_space<hbm>> -> memref<32xi32, #tpu.memory_space<hbm>>
      tpu.wait_dma2 semaphore(%run_scoped3A_352 : memref<!tpu.dma_semaphore, #tpu.memory_space<semaphore_mem>>) src(%dma_wait3A_368 : memref<32xi32, #tpu.memory_space<hbm>>) dst(%dma_wait3A_367 : memref<32xi32, #tpu.memory_space<vmem>>)
      tpu.yield
    }) : () -> ()
    %add3A_94 = arith.constant 32 : i32
    %add3A_95 = arith.addi %mul3A_2, %add3A_94 : i32
    %run_scoped3A_96 = arith.constant 1 : i32
    %run_scoped3A_97 = arith.constant 1 : i32
    "tpu.region"() ({
      %run_scoped3A_352 = tpu.sem_alloc : memref<!tpu.dma_semaphore, #tpu.memory_space<semaphore_mem>>
      %dma_start3A_353 = arith.constant 0 : i32
      %dma_start3A_354 = tpu.memref_slice %arg6[%run_scoped3A_96, %run_scoped3A_97, %dma_start3A_353] : memref<2x2x32xi32, #tpu.memory_space<vmem>> -> memref<1x1x32xi32, #tpu.memory_space<vmem>>
      %dma_start3A_355 = tpu.memref_squeeze %dma_start3A_354 : memref<1x1x32xi32, #tpu.memory_space<vmem>> -> memref<32xi32, #tpu.memory_space<vmem>>
      %dma_start3A_356 = tpu.memref_slice %arg4[%add3A_95] : memref<4096xi32, #tpu.memory_space<hbm>> -> memref<32xi32, #tpu.memory_space<hbm>>
      %dma_start3A_357 = arith.constant 0 : i32
      %dma_start3A_358 = tpu.memref_slice %arg6[%run_scoped3A_96, %run_scoped3A_97, %dma_start3A_357] : memref<2x2x32xi32, #tpu.memory_space<vmem>> -> memref<1x1x32xi32, #tpu.memory_space<vmem>>
      %dma_start3A_359 = tpu.memref_squeeze %dma_start3A_358 : memref<1x1x32xi32, #tpu.memory_space<vmem>> -> memref<32xi32, #tpu.memory_space<vmem>>
      %dma_start3A_360 = tpu.memref_slice %arg4[%add3A_95] : memref<4096xi32, #tpu.memory_space<hbm>> -> memref<32xi32, #tpu.memory_space<hbm>>
      tpu.enqueue_dma source(%dma_start3A_360 : memref<32xi32, #tpu.memory_space<hbm>>) target(%dma_start3A_359 : memref<32xi32, #tpu.memory_space<vmem>>) target_semaphore(%run_scoped3A_352 : memref<!tpu.dma_semaphore, #tpu.memory_space<semaphore_mem>>)
      %dma_wait3A_361 = arith.constant 0 : i32
      %dma_wait3A_362 = tpu.memref_slice %arg6[%run_scoped3A_96, %run_scoped3A_97, %dma_wait3A_361] : memref<2x2x32xi32, #tpu.memory_space<vmem>> -> memref<1x1x32xi32, #tpu.memory_space<vmem>>
      %dma_wait3A_363 = tpu.memref_squeeze %dma_wait3A_362 : memref<1x1x32xi32, #tpu.memory_space<vmem>> -> memref<32xi32, #tpu.memory_space<vmem>>
      %dma_wait3A_364 = tpu.memref_slice %arg4[%add3A_95] : memref<4096xi32, #tpu.memory_space<hbm>> -> memref<32xi32, #tpu.memory_space<hbm>>
      %dma_wait3A_365 = arith.constant 0 : i32
      %dma_wait3A_366 = tpu.memref_slice %arg6[%run_scoped3A_96, %run_scoped3A_97, %dma_wait3A_365] : memref<2x2x32xi32, #tpu.memory_space<vmem>> -> memref<1x1x32xi32, #tpu.memory_space<vmem>>
      %dma_wait3A_367 = tpu.memref_squeeze %dma_wait3A_366 : memref<1x1x32xi32, #tpu.memory_space<vmem>> -> memref<32xi32, #tpu.memory_space<vmem>>
      %dma_wait3A_368 = tpu.memref_slice %arg4[%add3A_95] : memref<4096xi32, #tpu.memory_space<hbm>> -> memref<32xi32, #tpu.memory_space<hbm>>
      tpu.wait_dma2 semaphore(%run_scoped3A_352 : memref<!tpu.dma_semaphore, #tpu.memory_space<semaphore_mem>>) src(%dma_wait3A_368 : memref<32xi32, #tpu.memory_space<hbm>>) dst(%dma_wait3A_367 : memref<32xi32, #tpu.memory_space<vmem>>)
      tpu.yield
    }) : () -> ()
    %dma_wait3A_98 = arith.constant 0 : i32
    %dma_wait3A_99 = arith.constant 0 : i32
    %dma_wait3A_100 = arith.constant 0 : i32
    %dma_wait3A_101 = arith.constant 0 : i32
    %dma_wait3A_102 = arith.constant 0 : i32
    %dma_wait3A_103 = tpu.memref_slice %arg7[%dma_wait3A_98, %dma_wait3A_101, %dma_wait3A_102] : memref<2x32x1024xf32, #tpu.memory_space<vmem>> -> memref<1x32x1024xf32, #tpu.memory_space<vmem>>
    %dma_wait3A_104 = tpu.memref_squeeze %dma_wait3A_103 : memref<1x32x1024xf32, #tpu.memory_space<vmem>> -> memref<32x1024xf32, #tpu.memory_space<vmem>>
    %dma_wait3A_105 = arith.constant 0 : i32
    %dma_wait3A_106 = tpu.memref_slice %arg6[%dma_wait3A_99, %dma_wait3A_100, %dma_wait3A_105] : memref<2x2x32xi32, #tpu.memory_space<vmem>> -> memref<1x1x32xi32, #tpu.memory_space<vmem>>
    %dma_wait3A_107 = tpu.memref_squeeze %dma_wait3A_106 : memref<1x1x32xi32, #tpu.memory_space<vmem>> -> memref<32xi32, #tpu.memory_space<vmem>>
    %dma_wait3A_108 = arith.constant 0 : i32
    %dma_wait3A_109 = arith.constant 0 : i32
    %dma_wait3A_110 = tpu.memref_slice %arg5[%dma_wait3A_108, %dma_wait3A_109] : memref<12288x1024xf32, #tpu.memory_space<hbm>> -> memref<12288x1024xf32, #tpu.memory_space<hbm>>
    tpu.wait_indirect_dma semaphore(%arg9 : memref<!tpu.dma_semaphore, #tpu.memory_space<semaphore_mem>>) src(%dma_wait3A_104 : memref<32x1024xf32, #tpu.memory_space<vmem>>) dst(%dma_wait3A_110 : memref<12288x1024xf32, #tpu.memory_space<hbm>>)
    %dma_wait3A_111 = arith.constant 0 : i32
    %dma_wait3A_112 = arith.constant 0 : i32
    %dma_wait3A_113 = arith.constant 1 : i32
    %dma_wait3A_114 = arith.constant 0 : i32
    %dma_wait3A_115 = arith.constant 0 : i32
    %dma_wait3A_116 = tpu.memref_slice %arg7[%dma_wait3A_111, %dma_wait3A_114, %dma_wait3A_115] : memref<2x32x1024xf32, #tpu.memory_space<vmem>> -> memref<1x32x1024xf32, #tpu.memory_space<vmem>>
    %dma_wait3A_117 = tpu.memref_squeeze %dma_wait3A_116 : memref<1x32x1024xf32, #tpu.memory_space<vmem>> -> memref<32x1024xf32, #tpu.memory_space<vmem>>
    %dma_wait3A_118 = arith.constant 0 : i32
    %dma_wait3A_119 = tpu.memref_slice %arg6[%dma_wait3A_112, %dma_wait3A_113, %dma_wait3A_118] : memref<2x2x32xi32, #tpu.memory_space<vmem>> -> memref<1x1x32xi32, #tpu.memory_space<vmem>>
    %dma_wait3A_120 = tpu.memref_squeeze %dma_wait3A_119 : memref<1x1x32xi32, #tpu.memory_space<vmem>> -> memref<32xi32, #tpu.memory_space<vmem>>
    %dma_wait3A_121 = arith.constant 0 : i32
    %dma_wait3A_122 = arith.constant 0 : i32
    %dma_wait3A_123 = tpu.memref_slice %arg5[%dma_wait3A_121, %dma_wait3A_122] : memref<12288x1024xf32, #tpu.memory_space<hbm>> -> memref<12288x1024xf32, #tpu.memory_space<hbm>>
    tpu.wait_indirect_dma semaphore(%arg10 : memref<!tpu.dma_semaphore, #tpu.memory_space<semaphore_mem>>) src(%dma_wait3A_117 : memref<32x1024xf32, #tpu.memory_space<vmem>>) dst(%dma_wait3A_123 : memref<12288x1024xf32, #tpu.memory_space<hbm>>)
    %dma_start3A_124 = arith.constant 1 : i32
    %dma_start3A_125 = arith.constant 1 : i32
    %dma_start3A_126 = arith.constant 0 : i32
    %dma_start3A_127 = arith.constant 0 : i32
    %dma_start3A_128 = arith.constant 0 : i32
    %dma_start3A_129 = tpu.memref_slice %arg7[%dma_start3A_124, %dma_start3A_127, %dma_start3A_128] : memref<2x32x1024xf32, #tpu.memory_space<vmem>> -> memref<1x32x1024xf32, #tpu.memory_space<vmem>>
    %dma_start3A_130 = tpu.memref_squeeze %dma_start3A_129 : memref<1x32x1024xf32, #tpu.memory_space<vmem>> -> memref<32x1024xf32, #tpu.memory_space<vmem>>
    %dma_start3A_131 = arith.constant 0 : i32
    %dma_start3A_132 = tpu.memref_slice %arg6[%dma_start3A_125, %dma_start3A_126, %dma_start3A_131] : memref<2x2x32xi32, #tpu.memory_space<vmem>> -> memref<1x1x32xi32, #tpu.memory_space<vmem>>
    %dma_start3A_133 = tpu.memref_squeeze %dma_start3A_132 : memref<1x1x32xi32, #tpu.memory_space<vmem>> -> memref<32xi32, #tpu.memory_space<vmem>>
    %dma_start3A_134 = arith.constant 0 : i32
    %dma_start3A_135 = arith.constant 0 : i32
    %dma_start3A_136 = tpu.memref_slice %arg5[%dma_start3A_134, %dma_start3A_135] : memref<12288x1024xf32, #tpu.memory_space<hbm>> -> memref<12288x1024xf32, #tpu.memory_space<hbm>>
    tpu.enqueue_indirect_dma source(%dma_start3A_130 : memref<32x1024xf32, #tpu.memory_space<vmem>>) target(%dma_start3A_136 : memref<12288x1024xf32, #tpu.memory_space<hbm>>) offsets(%dma_start3A_133 : memref<32xi32, #tpu.memory_space<vmem>>) semaphore(%arg9 : memref<!tpu.dma_semaphore, #tpu.memory_space<semaphore_mem>>)
    %dma_start3A_137 = arith.constant 1 : i32
    %dma_start3A_138 = arith.constant 1 : i32
    %dma_start3A_139 = arith.constant 1 : i32
    %dma_start3A_140 = arith.constant 0 : i32
    %dma_start3A_141 = arith.constant 0 : i32
    %dma_start3A_142 = tpu.memref_slice %arg7[%dma_start3A_137, %dma_start3A_140, %dma_start3A_141] : memref<2x32x1024xf32, #tpu.memory_space<vmem>> -> memref<1x32x1024xf32, #tpu.memory_space<vmem>>
    %dma_start3A_143 = tpu.memref_squeeze %dma_start3A_142 : memref<1x32x1024xf32, #tpu.memory_space<vmem>> -> memref<32x1024xf32, #tpu.memory_space<vmem>>
    %dma_start3A_144 = arith.constant 0 : i32
    %dma_start3A_145 = tpu.memref_slice %arg6[%dma_start3A_138, %dma_start3A_139, %dma_start3A_144] : memref<2x2x32xi32, #tpu.memory_space<vmem>> -> memref<1x1x32xi32, #tpu.memory_space<vmem>>
    %dma_start3A_146 = tpu.memref_squeeze %dma_start3A_145 : memref<1x1x32xi32, #tpu.memory_space<vmem>> -> memref<32xi32, #tpu.memory_space<vmem>>
    %dma_start3A_147 = arith.constant 0 : i32
    %dma_start3A_148 = arith.constant 0 : i32
    %dma_start3A_149 = tpu.memref_slice %arg5[%dma_start3A_147, %dma_start3A_148] : memref<12288x1024xf32, #tpu.memory_space<hbm>> -> memref<12288x1024xf32, #tpu.memory_space<hbm>>
    tpu.enqueue_indirect_dma source(%dma_start3A_143 : memref<32x1024xf32, #tpu.memory_space<vmem>>) target(%dma_start3A_149 : memref<12288x1024xf32, #tpu.memory_space<hbm>>) offsets(%dma_start3A_146 : memref<32xi32, #tpu.memory_space<vmem>>) semaphore(%arg10 : memref<!tpu.dma_semaphore, #tpu.memory_space<semaphore_mem>>)
    %add3A_150 = arith.constant 64 : i32
    %add3A_151 = arith.addi %mul3A_2, %add3A_150 : i32
    %dma_start3A_152 = arith.constant 0 : i32
    %dma_start3A_153 = arith.constant 0 : i32
    %dma_start3A_154 = arith.constant 0 : i32
    %dma_start3A_155 = tpu.memref_slice %arg7[%dma_start3A_152, %dma_start3A_153, %dma_start3A_154] : memref<2x32x1024xf32, #tpu.memory_space<vmem>> -> memref<1x32x1024xf32, #tpu.memory_space<vmem>>
    %dma_start3A_156 = tpu.memref_squeeze %dma_start3A_155 : memref<1x32x1024xf32, #tpu.memory_space<vmem>> -> memref<32x1024xf32, #tpu.memory_space<vmem>>
    %dma_start3A_157 = arith.constant 0 : i32
    %dma_start3A_158 = tpu.memref_slice %arg2[%add3A_151, %dma_start3A_157] : memref<4096x1024xf32, #tpu.memory_space<hbm>> -> memref<32x1024xf32, #tpu.memory_space<hbm>>
    %dma_start3A_159 = arith.constant 0 : i32
    %dma_start3A_160 = arith.constant 0 : i32
    %dma_start3A_161 = tpu.memref_slice %arg7[%dma_start3A_152, %dma_start3A_159, %dma_start3A_160] : memref<2x32x1024xf32, #tpu.memory_space<vmem>> -> memref<1x32x1024xf32, #tpu.memory_space<vmem>>
    %dma_start3A_162 = tpu.memref_squeeze %dma_start3A_161 : memref<1x32x1024xf32, #tpu.memory_space<vmem>> -> memref<32x1024xf32, #tpu.memory_space<vmem>>
    %dma_start3A_163 = arith.constant 0 : i32
    %dma_start3A_164 = tpu.memref_slice %arg2[%add3A_151, %dma_start3A_163] : memref<4096x1024xf32, #tpu.memory_space<hbm>> -> memref<32x1024xf32, #tpu.memory_space<hbm>>
    tpu.enqueue_dma source(%dma_start3A_164 : memref<32x1024xf32, #tpu.memory_space<hbm>>) target(%dma_start3A_162 : memref<32x1024xf32, #tpu.memory_space<vmem>>) target_semaphore(%arg8 : memref<!tpu.dma_semaphore, #tpu.memory_space<semaphore_mem>>)
    %dma_wait3A_165 = arith.constant 0 : i32
    %dma_wait3A_166 = arith.constant 0 : i32
    %dma_wait3A_167 = arith.constant 0 : i32
    %dma_wait3A_168 = tpu.memref_slice %arg7[%dma_wait3A_165, %dma_wait3A_166, %dma_wait3A_167] : memref<2x32x1024xf32, #tpu.memory_space<vmem>> -> memref<1x32x1024xf32, #tpu.memory_space<vmem>>
    %dma_wait3A_169 = tpu.memref_squeeze %dma_wait3A_168 : memref<1x32x1024xf32, #tpu.memory_space<vmem>> -> memref<32x1024xf32, #tpu.memory_space<vmem>>
    %dma_wait3A_170 = arith.constant 0 : i32
    %dma_wait3A_171 = tpu.memref_slice %arg2[%add3A_151, %dma_wait3A_170] : memref<4096x1024xf32, #tpu.memory_space<hbm>> -> memref<32x1024xf32, #tpu.memory_space<hbm>>
    %dma_wait3A_172 = arith.constant 0 : i32
    %dma_wait3A_173 = arith.constant 0 : i32
    %dma_wait3A_174 = tpu.memref_slice %arg7[%dma_wait3A_165, %dma_wait3A_172, %dma_wait3A_173] : memref<2x32x1024xf32, #tpu.memory_space<vmem>> -> memref<1x32x1024xf32, #tpu.memory_space<vmem>>
    %dma_wait3A_175 = tpu.memref_squeeze %dma_wait3A_174 : memref<1x32x1024xf32, #tpu.memory_space<vmem>> -> memref<32x1024xf32, #tpu.memory_space<vmem>>
    %dma_wait3A_176 = arith.constant 0 : i32
    %dma_wait3A_177 = tpu.memref_slice %arg2[%add3A_151, %dma_wait3A_176] : memref<4096x1024xf32, #tpu.memory_space<hbm>> -> memref<32x1024xf32, #tpu.memory_space<hbm>>
    tpu.wait_dma2 semaphore(%arg8 : memref<!tpu.dma_semaphore, #tpu.memory_space<semaphore_mem>>) src(%dma_wait3A_177 : memref<32x1024xf32, #tpu.memory_space<hbm>>) dst(%dma_wait3A_175 : memref<32x1024xf32, #tpu.memory_space<vmem>>)
    %add3A_178 = arith.constant 64 : i32
    %add3A_179 = arith.addi %mul3A_2, %add3A_178 : i32
    %run_scoped3A_180 = arith.constant 0 : i32
    %run_scoped3A_181 = arith.constant 0 : i32
    "tpu.region"() ({
      %run_scoped3A_352 = tpu.sem_alloc : memref<!tpu.dma_semaphore, #tpu.memory_space<semaphore_mem>>
      %dma_start3A_353 = arith.constant 0 : i32
      %dma_start3A_354 = tpu.memref_slice %arg6[%run_scoped3A_180, %run_scoped3A_181, %dma_start3A_353] : memref<2x2x32xi32, #tpu.memory_space<vmem>> -> memref<1x1x32xi32, #tpu.memory_space<vmem>>
      %dma_start3A_355 = tpu.memref_squeeze %dma_start3A_354 : memref<1x1x32xi32, #tpu.memory_space<vmem>> -> memref<32xi32, #tpu.memory_space<vmem>>
      %dma_start3A_356 = tpu.memref_slice %arg3[%add3A_179] : memref<4096xi32, #tpu.memory_space<hbm>> -> memref<32xi32, #tpu.memory_space<hbm>>
      %dma_start3A_357 = arith.constant 0 : i32
      %dma_start3A_358 = tpu.memref_slice %arg6[%run_scoped3A_180, %run_scoped3A_181, %dma_start3A_357] : memref<2x2x32xi32, #tpu.memory_space<vmem>> -> memref<1x1x32xi32, #tpu.memory_space<vmem>>
      %dma_start3A_359 = tpu.memref_squeeze %dma_start3A_358 : memref<1x1x32xi32, #tpu.memory_space<vmem>> -> memref<32xi32, #tpu.memory_space<vmem>>
      %dma_start3A_360 = tpu.memref_slice %arg3[%add3A_179] : memref<4096xi32, #tpu.memory_space<hbm>> -> memref<32xi32, #tpu.memory_space<hbm>>
      tpu.enqueue_dma source(%dma_start3A_360 : memref<32xi32, #tpu.memory_space<hbm>>) target(%dma_start3A_359 : memref<32xi32, #tpu.memory_space<vmem>>) target_semaphore(%run_scoped3A_352 : memref<!tpu.dma_semaphore, #tpu.memory_space<semaphore_mem>>)
      %dma_wait3A_361 = arith.constant 0 : i32
      %dma_wait3A_362 = tpu.memref_slice %arg6[%run_scoped3A_180, %run_scoped3A_181, %dma_wait3A_361] : memref<2x2x32xi32, #tpu.memory_space<vmem>> -> memref<1x1x32xi32, #tpu.memory_space<vmem>>
      %dma_wait3A_363 = tpu.memref_squeeze %dma_wait3A_362 : memref<1x1x32xi32, #tpu.memory_space<vmem>> -> memref<32xi32, #tpu.memory_space<vmem>>
      %dma_wait3A_364 = tpu.memref_slice %arg3[%add3A_179] : memref<4096xi32, #tpu.memory_space<hbm>> -> memref<32xi32, #tpu.memory_space<hbm>>
      %dma_wait3A_365 = arith.constant 0 : i32
      %dma_wait3A_366 = tpu.memref_slice %arg6[%run_scoped3A_180, %run_scoped3A_181, %dma_wait3A_365] : memref<2x2x32xi32, #tpu.memory_space<vmem>> -> memref<1x1x32xi32, #tpu.memory_space<vmem>>
      %dma_wait3A_367 = tpu.memref_squeeze %dma_wait3A_366 : memref<1x1x32xi32, #tpu.memory_space<vmem>> -> memref<32xi32, #tpu.memory_space<vmem>>
      %dma_wait3A_368 = tpu.memref_slice %arg3[%add3A_179] : memref<4096xi32, #tpu.memory_space<hbm>> -> memref<32xi32, #tpu.memory_space<hbm>>
      tpu.wait_dma2 semaphore(%run_scoped3A_352 : memref<!tpu.dma_semaphore, #tpu.memory_space<semaphore_mem>>) src(%dma_wait3A_368 : memref<32xi32, #tpu.memory_space<hbm>>) dst(%dma_wait3A_367 : memref<32xi32, #tpu.memory_space<vmem>>)
      tpu.yield
    }) : () -> ()
    %add3A_182 = arith.constant 64 : i32
    %add3A_183 = arith.addi %mul3A_2, %add3A_182 : i32
    %run_scoped3A_184 = arith.constant 0 : i32
    %run_scoped3A_185 = arith.constant 1 : i32
    "tpu.region"() ({
      %run_scoped3A_352 = tpu.sem_alloc : memref<!tpu.dma_semaphore, #tpu.memory_space<semaphore_mem>>
      %dma_start3A_353 = arith.constant 0 : i32
      %dma_start3A_354 = tpu.memref_slice %arg6[%run_scoped3A_184, %run_scoped3A_185, %dma_start3A_353] : memref<2x2x32xi32, #tpu.memory_space<vmem>> -> memref<1x1x32xi32, #tpu.memory_space<vmem>>
      %dma_start3A_355 = tpu.memref_squeeze %dma_start3A_354 : memref<1x1x32xi32, #tpu.memory_space<vmem>> -> memref<32xi32, #tpu.memory_space<vmem>>
      %dma_start3A_356 = tpu.memref_slice %arg4[%add3A_183] : memref<4096xi32, #tpu.memory_space<hbm>> -> memref<32xi32, #tpu.memory_space<hbm>>
      %dma_start3A_357 = arith.constant 0 : i32
      %dma_start3A_358 = tpu.memref_slice %arg6[%run_scoped3A_184, %run_scoped3A_185, %dma_start3A_357] : memref<2x2x32xi32, #tpu.memory_space<vmem>> -> memref<1x1x32xi32, #tpu.memory_space<vmem>>
      %dma_start3A_359 = tpu.memref_squeeze %dma_start3A_358 : memref<1x1x32xi32, #tpu.memory_space<vmem>> -> memref<32xi32, #tpu.memory_space<vmem>>
      %dma_start3A_360 = tpu.memref_slice %arg4[%add3A_183] : memref<4096xi32, #tpu.memory_space<hbm>> -> memref<32xi32, #tpu.memory_space<hbm>>
      tpu.enqueue_dma source(%dma_start3A_360 : memref<32xi32, #tpu.memory_space<hbm>>) target(%dma_start3A_359 : memref<32xi32, #tpu.memory_space<vmem>>) target_semaphore(%run_scoped3A_352 : memref<!tpu.dma_semaphore, #tpu.memory_space<semaphore_mem>>)
      %dma_wait3A_361 = arith.constant 0 : i32
      %dma_wait3A_362 = tpu.memref_slice %arg6[%run_scoped3A_184, %run_scoped3A_185, %dma_wait3A_361] : memref<2x2x32xi32, #tpu.memory_space<vmem>> -> memref<1x1x32xi32, #tpu.memory_space<vmem>>
      %dma_wait3A_363 = tpu.memref_squeeze %dma_wait3A_362 : memref<1x1x32xi32, #tpu.memory_space<vmem>> -> memref<32xi32, #tpu.memory_space<vmem>>
      %dma_wait3A_364 = tpu.memref_slice %arg4[%add3A_183] : memref<4096xi32, #tpu.memory_space<hbm>> -> memref<32xi32, #tpu.memory_space<hbm>>
      %dma_wait3A_365 = arith.constant 0 : i32
      %dma_wait3A_366 = tpu.memref_slice %arg6[%run_scoped3A_184, %run_scoped3A_185, %dma_wait3A_365] : memref<2x2x32xi32, #tpu.memory_space<vmem>> -> memref<1x1x32xi32, #tpu.memory_space<vmem>>
      %dma_wait3A_367 = tpu.memref_squeeze %dma_wait3A_366 : memref<1x1x32xi32, #tpu.memory_space<vmem>> -> memref<32xi32, #tpu.memory_space<vmem>>
      %dma_wait3A_368 = tpu.memref_slice %arg4[%add3A_183] : memref<4096xi32, #tpu.memory_space<hbm>> -> memref<32xi32, #tpu.memory_space<hbm>>
      tpu.wait_dma2 semaphore(%run_scoped3A_352 : memref<!tpu.dma_semaphore, #tpu.memory_space<semaphore_mem>>) src(%dma_wait3A_368 : memref<32xi32, #tpu.memory_space<hbm>>) dst(%dma_wait3A_367 : memref<32xi32, #tpu.memory_space<vmem>>)
      tpu.yield
    }) : () -> ()
    %dma_wait3A_186 = arith.constant 1 : i32
    %dma_wait3A_187 = arith.constant 1 : i32
    %dma_wait3A_188 = arith.constant 0 : i32
    %dma_wait3A_189 = arith.constant 0 : i32
    %dma_wait3A_190 = arith.constant 0 : i32
    %dma_wait3A_191 = tpu.memref_slice %arg7[%dma_wait3A_186, %dma_wait3A_189, %dma_wait3A_190] : memref<2x32x1024xf32, #tpu.memory_space<vmem>> -> memref<1x32x1024xf32, #tpu.memory_space<vmem>>
    %dma_wait3A_192 = tpu.memref_squeeze %dma_wait3A_191 : memref<1x32x1024xf32, #tpu.memory_space<vmem>> -> memref<32x1024xf32, #tpu.memory_space<vmem>>
    %dma_wait3A_193 = arith.constant 0 : i32
    %dma_wait3A_194 = tpu.memref_slice %arg6[%dma_wait3A_187, %dma_wait3A_188, %dma_wait3A_193] : memref<2x2x32xi32, #tpu.memory_space<vmem>> -> memref<1x1x32xi32, #tpu.memory_space<vmem>>
    %dma_wait3A_195 = tpu.memref_squeeze %dma_wait3A_194 : memref<1x1x32xi32, #tpu.memory_space<vmem>> -> memref<32xi32, #tpu.memory_space<vmem>>
    %dma_wait3A_196 = arith.constant 0 : i32
    %dma_wait3A_197 = arith.constant 0 : i32
    %dma_wait3A_198 = tpu.memref_slice %arg5[%dma_wait3A_196, %dma_wait3A_197] : memref<12288x1024xf32, #tpu.memory_space<hbm>> -> memref<12288x1024xf32, #tpu.memory_space<hbm>>
    tpu.wait_indirect_dma semaphore(%arg9 : memref<!tpu.dma_semaphore, #tpu.memory_space<semaphore_mem>>) src(%dma_wait3A_192 : memref<32x1024xf32, #tpu.memory_space<vmem>>) dst(%dma_wait3A_198 : memref<12288x1024xf32, #tpu.memory_space<hbm>>)
    %dma_wait3A_199 = arith.constant 1 : i32
    %dma_wait3A_200 = arith.constant 1 : i32
    %dma_wait3A_201 = arith.constant 1 : i32
    %dma_wait3A_202 = arith.constant 0 : i32
    %dma_wait3A_203 = arith.constant 0 : i32
    %dma_wait3A_204 = tpu.memref_slice %arg7[%dma_wait3A_199, %dma_wait3A_202, %dma_wait3A_203] : memref<2x32x1024xf32, #tpu.memory_space<vmem>> -> memref<1x32x1024xf32, #tpu.memory_space<vmem>>
    %dma_wait3A_205 = tpu.memref_squeeze %dma_wait3A_204 : memref<1x32x1024xf32, #tpu.memory_space<vmem>> -> memref<32x1024xf32, #tpu.memory_space<vmem>>
    %dma_wait3A_206 = arith.constant 0 : i32
    %dma_wait3A_207 = tpu.memref_slice %arg6[%dma_wait3A_200, %dma_wait3A_201, %dma_wait3A_206] : memref<2x2x32xi32, #tpu.memory_space<vmem>> -> memref<1x1x32xi32, #tpu.memory_space<vmem>>
    %dma_wait3A_208 = tpu.memref_squeeze %dma_wait3A_207 : memref<1x1x32xi32, #tpu.memory_space<vmem>> -> memref<32xi32, #tpu.memory_space<vmem>>
    %dma_wait3A_209 = arith.constant 0 : i32
    %dma_wait3A_210 = arith.constant 0 : i32
    %dma_wait3A_211 = tpu.memref_slice %arg5[%dma_wait3A_209, %dma_wait3A_210] : memref<12288x1024xf32, #tpu.memory_space<hbm>> -> memref<12288x1024xf32, #tpu.memory_space<hbm>>
    tpu.wait_indirect_dma semaphore(%arg10 : memref<!tpu.dma_semaphore, #tpu.memory_space<semaphore_mem>>) src(%dma_wait3A_205 : memref<32x1024xf32, #tpu.memory_space<vmem>>) dst(%dma_wait3A_211 : memref<12288x1024xf32, #tpu.memory_space<hbm>>)
    %dma_start3A_212 = arith.constant 0 : i32
    %dma_start3A_213 = arith.constant 0 : i32
    %dma_start3A_214 = arith.constant 0 : i32
    %dma_start3A_215 = arith.constant 0 : i32
    %dma_start3A_216 = arith.constant 0 : i32
    %dma_start3A_217 = tpu.memref_slice %arg7[%dma_start3A_212, %dma_start3A_215, %dma_start3A_216] : memref<2x32x1024xf32, #tpu.memory_space<vmem>> -> memref<1x32x1024xf32, #tpu.memory_space<vmem>>
    %dma_start3A_218 = tpu.memref_squeeze %dma_start3A_217 : memref<1x32x1024xf32, #tpu.memory_space<vmem>> -> memref<32x1024xf32, #tpu.memory_space<vmem>>
    %dma_start3A_219 = arith.constant 0 : i32
    %dma_start3A_220 = tpu.memref_slice %arg6[%dma_start3A_213, %dma_start3A_214, %dma_start3A_219] : memref<2x2x32xi32, #tpu.memory_space<vmem>> -> memref<1x1x32xi32, #tpu.memory_space<vmem>>
    %dma_start3A_221 = tpu.memref_squeeze %dma_start3A_220 : memref<1x1x32xi32, #tpu.memory_space<vmem>> -> memref<32xi32, #tpu.memory_space<vmem>>
    %dma_start3A_222 = arith.constant 0 : i32
    %dma_start3A_223 = arith.constant 0 : i32
    %dma_start3A_224 = tpu.memref_slice %arg5[%dma_start3A_222, %dma_start3A_223] : memref<12288x1024xf32, #tpu.memory_space<hbm>> -> memref<12288x1024xf32, #tpu.memory_space<hbm>>
    tpu.enqueue_indirect_dma source(%dma_start3A_218 : memref<32x1024xf32, #tpu.memory_space<vmem>>) target(%dma_start3A_224 : memref<12288x1024xf32, #tpu.memory_space<hbm>>) offsets(%dma_start3A_221 : memref<32xi32, #tpu.memory_space<vmem>>) semaphore(%arg9 : memref<!tpu.dma_semaphore, #tpu.memory_space<semaphore_mem>>)
    %dma_start3A_225 = arith.constant 0 : i32
    %dma_start3A_226 = arith.constant 0 : i32
    %dma_start3A_227 = arith.constant 1 : i32
    %dma_start3A_228 = arith.constant 0 : i32
    %dma_start3A_229 = arith.constant 0 : i32
    %dma_start3A_230 = tpu.memref_slice %arg7[%dma_start3A_225, %dma_start3A_228, %dma_start3A_229] : memref<2x32x1024xf32, #tpu.memory_space<vmem>> -> memref<1x32x1024xf32, #tpu.memory_space<vmem>>
    %dma_start3A_231 = tpu.memref_squeeze %dma_start3A_230 : memref<1x32x1024xf32, #tpu.memory_space<vmem>> -> memref<32x1024xf32, #tpu.memory_space<vmem>>
    %dma_start3A_232 = arith.constant 0 : i32
    %dma_start3A_233 = tpu.memref_slice %arg6[%dma_start3A_226, %dma_start3A_227, %dma_start3A_232] : memref<2x2x32xi32, #tpu.memory_space<vmem>> -> memref<1x1x32xi32, #tpu.memory_space<vmem>>
    %dma_start3A_234 = tpu.memref_squeeze %dma_start3A_233 : memref<1x1x32xi32, #tpu.memory_space<vmem>> -> memref<32xi32, #tpu.memory_space<vmem>>
    %dma_start3A_235 = arith.constant 0 : i32
    %dma_start3A_236 = arith.constant 0 : i32
    %dma_start3A_237 = tpu.memref_slice %arg5[%dma_start3A_235, %dma_start3A_236] : memref<12288x1024xf32, #tpu.memory_space<hbm>> -> memref<12288x1024xf32, #tpu.memory_space<hbm>>
    tpu.enqueue_indirect_dma source(%dma_start3A_231 : memref<32x1024xf32, #tpu.memory_space<vmem>>) target(%dma_start3A_237 : memref<12288x1024xf32, #tpu.memory_space<hbm>>) offsets(%dma_start3A_234 : memref<32xi32, #tpu.memory_space<vmem>>) semaphore(%arg10 : memref<!tpu.dma_semaphore, #tpu.memory_space<semaphore_mem>>)
    %add3A_238 = arith.constant 96 : i32
    %add3A_239 = arith.addi %mul3A_2, %add3A_238 : i32
    %dma_start3A_240 = arith.constant 1 : i32
    %dma_start3A_241 = arith.constant 0 : i32
    %dma_start3A_242 = arith.constant 0 : i32
    %dma_start3A_243 = tpu.memref_slice %arg7[%dma_start3A_240, %dma_start3A_241, %dma_start3A_242] : memref<2x32x1024xf32, #tpu.memory_space<vmem>> -> memref<1x32x1024xf32, #tpu.memory_space<vmem>>
    %dma_start3A_244 = tpu.memref_squeeze %dma_start3A_243 : memref<1x32x1024xf32, #tpu.memory_space<vmem>> -> memref<32x1024xf32, #tpu.memory_space<vmem>>
    %dma_start3A_245 = arith.constant 0 : i32
    %dma_start3A_246 = tpu.memref_slice %arg2[%add3A_239, %dma_start3A_245] : memref<4096x1024xf32, #tpu.memory_space<hbm>> -> memref<32x1024xf32, #tpu.memory_space<hbm>>
    %dma_start3A_247 = arith.constant 0 : i32
    %dma_start3A_248 = arith.constant 0 : i32
    %dma_start3A_249 = tpu.memref_slice %arg7[%dma_start3A_240, %dma_start3A_247, %dma_start3A_248] : memref<2x32x1024xf32, #tpu.memory_space<vmem>> -> memref<1x32x1024xf32, #tpu.memory_space<vmem>>
    %dma_start3A_250 = tpu.memref_squeeze %dma_start3A_249 : memref<1x32x1024xf32, #tpu.memory_space<vmem>> -> memref<32x1024xf32, #tpu.memory_space<vmem>>
    %dma_start3A_251 = arith.constant 0 : i32
    %dma_start3A_252 = tpu.memref_slice %arg2[%add3A_239, %dma_start3A_251] : memref<4096x1024xf32, #tpu.memory_space<hbm>> -> memref<32x1024xf32, #tpu.memory_space<hbm>>
    tpu.enqueue_dma source(%dma_start3A_252 : memref<32x1024xf32, #tpu.memory_space<hbm>>) target(%dma_start3A_250 : memref<32x1024xf32, #tpu.memory_space<vmem>>) target_semaphore(%arg8 : memref<!tpu.dma_semaphore, #tpu.memory_space<semaphore_mem>>)
    %dma_wait3A_253 = arith.constant 1 : i32
    %dma_wait3A_254 = arith.constant 0 : i32
    %dma_wait3A_255 = arith.constant 0 : i32
    %dma_wait3A_256 = tpu.memref_slice %arg7[%dma_wait3A_253, %dma_wait3A_254, %dma_wait3A_255] : memref<2x32x1024xf32, #tpu.memory_space<vmem>> -> memref<1x32x1024xf32, #tpu.memory_space<vmem>>
    %dma_wait3A_257 = tpu.memref_squeeze %dma_wait3A_256 : memref<1x32x1024xf32, #tpu.memory_space<vmem>> -> memref<32x1024xf32, #tpu.memory_space<vmem>>
    %dma_wait3A_258 = arith.constant 0 : i32
    %dma_wait3A_259 = tpu.memref_slice %arg2[%add3A_239, %dma_wait3A_258] : memref<4096x1024xf32, #tpu.memory_space<hbm>> -> memref<32x1024xf32, #tpu.memory_space<hbm>>
    %dma_wait3A_260 = arith.constant 0 : i32
    %dma_wait3A_261 = arith.constant 0 : i32
    %dma_wait3A_262 = tpu.memref_slice %arg7[%dma_wait3A_253, %dma_wait3A_260, %dma_wait3A_261] : memref<2x32x1024xf32, #tpu.memory_space<vmem>> -> memref<1x32x1024xf32, #tpu.memory_space<vmem>>
    %dma_wait3A_263 = tpu.memref_squeeze %dma_wait3A_262 : memref<1x32x1024xf32, #tpu.memory_space<vmem>> -> memref<32x1024xf32, #tpu.memory_space<vmem>>
    %dma_wait3A_264 = arith.constant 0 : i32
    %dma_wait3A_265 = tpu.memref_slice %arg2[%add3A_239, %dma_wait3A_264] : memref<4096x1024xf32, #tpu.memory_space<hbm>> -> memref<32x1024xf32, #tpu.memory_space<hbm>>
    tpu.wait_dma2 semaphore(%arg8 : memref<!tpu.dma_semaphore, #tpu.memory_space<semaphore_mem>>) src(%dma_wait3A_265 : memref<32x1024xf32, #tpu.memory_space<hbm>>) dst(%dma_wait3A_263 : memref<32x1024xf32, #tpu.memory_space<vmem>>)
    %add3A_266 = arith.constant 96 : i32
    %add3A_267 = arith.addi %mul3A_2, %add3A_266 : i32
    %run_scoped3A_268 = arith.constant 1 : i32
    %run_scoped3A_269 = arith.constant 0 : i32
    "tpu.region"() ({
      %run_scoped3A_352 = tpu.sem_alloc : memref<!tpu.dma_semaphore, #tpu.memory_space<semaphore_mem>>
      %dma_start3A_353 = arith.constant 0 : i32
      %dma_start3A_354 = tpu.memref_slice %arg6[%run_scoped3A_268, %run_scoped3A_269, %dma_start3A_353] : memref<2x2x32xi32, #tpu.memory_space<vmem>> -> memref<1x1x32xi32, #tpu.memory_space<vmem>>
      %dma_start3A_355 = tpu.memref_squeeze %dma_start3A_354 : memref<1x1x32xi32, #tpu.memory_space<vmem>> -> memref<32xi32, #tpu.memory_space<vmem>>
      %dma_start3A_356 = tpu.memref_slice %arg3[%add3A_267] : memref<4096xi32, #tpu.memory_space<hbm>> -> memref<32xi32, #tpu.memory_space<hbm>>
      %dma_start3A_357 = arith.constant 0 : i32
      %dma_start3A_358 = tpu.memref_slice %arg6[%run_scoped3A_268, %run_scoped3A_269, %dma_start3A_357] : memref<2x2x32xi32, #tpu.memory_space<vmem>> -> memref<1x1x32xi32, #tpu.memory_space<vmem>>
      %dma_start3A_359 = tpu.memref_squeeze %dma_start3A_358 : memref<1x1x32xi32, #tpu.memory_space<vmem>> -> memref<32xi32, #tpu.memory_space<vmem>>
      %dma_start3A_360 = tpu.memref_slice %arg3[%add3A_267] : memref<4096xi32, #tpu.memory_space<hbm>> -> memref<32xi32, #tpu.memory_space<hbm>>
      tpu.enqueue_dma source(%dma_start3A_360 : memref<32xi32, #tpu.memory_space<hbm>>) target(%dma_start3A_359 : memref<32xi32, #tpu.memory_space<vmem>>) target_semaphore(%run_scoped3A_352 : memref<!tpu.dma_semaphore, #tpu.memory_space<semaphore_mem>>)
      %dma_wait3A_361 = arith.constant 0 : i32
      %dma_wait3A_362 = tpu.memref_slice %arg6[%run_scoped3A_268, %run_scoped3A_269, %dma_wait3A_361] : memref<2x2x32xi32, #tpu.memory_space<vmem>> -> memref<1x1x32xi32, #tpu.memory_space<vmem>>
      %dma_wait3A_363 = tpu.memref_squeeze %dma_wait3A_362 : memref<1x1x32xi32, #tpu.memory_space<vmem>> -> memref<32xi32, #tpu.memory_space<vmem>>
      %dma_wait3A_364 = tpu.memref_slice %arg3[%add3A_267] : memref<4096xi32, #tpu.memory_space<hbm>> -> memref<32xi32, #tpu.memory_space<hbm>>
      %dma_wait3A_365 = arith.constant 0 : i32
      %dma_wait3A_366 = tpu.memref_slice %arg6[%run_scoped3A_268, %run_scoped3A_269, %dma_wait3A_365] : memref<2x2x32xi32, #tpu.memory_space<vmem>> -> memref<1x1x32xi32, #tpu.memory_space<vmem>>
      %dma_wait3A_367 = tpu.memref_squeeze %dma_wait3A_366 : memref<1x1x32xi32, #tpu.memory_space<vmem>> -> memref<32xi32, #tpu.memory_space<vmem>>
      %dma_wait3A_368 = tpu.memref_slice %arg3[%add3A_267] : memref<4096xi32, #tpu.memory_space<hbm>> -> memref<32xi32, #tpu.memory_space<hbm>>
      tpu.wait_dma2 semaphore(%run_scoped3A_352 : memref<!tpu.dma_semaphore, #tpu.memory_space<semaphore_mem>>) src(%dma_wait3A_368 : memref<32xi32, #tpu.memory_space<hbm>>) dst(%dma_wait3A_367 : memref<32xi32, #tpu.memory_space<vmem>>)
      tpu.yield
    }) : () -> ()
    %add3A_270 = arith.constant 96 : i32
    %add3A_271 = arith.addi %mul3A_2, %add3A_270 : i32
    %run_scoped3A_272 = arith.constant 1 : i32
    %run_scoped3A_273 = arith.constant 1 : i32
    "tpu.region"() ({
      %run_scoped3A_352 = tpu.sem_alloc : memref<!tpu.dma_semaphore, #tpu.memory_space<semaphore_mem>>
      %dma_start3A_353 = arith.constant 0 : i32
      %dma_start3A_354 = tpu.memref_slice %arg6[%run_scoped3A_272, %run_scoped3A_273, %dma_start3A_353] : memref<2x2x32xi32, #tpu.memory_space<vmem>> -> memref<1x1x32xi32, #tpu.memory_space<vmem>>
      %dma_start3A_355 = tpu.memref_squeeze %dma_start3A_354 : memref<1x1x32xi32, #tpu.memory_space<vmem>> -> memref<32xi32, #tpu.memory_space<vmem>>
      %dma_start3A_356 = tpu.memref_slice %arg4[%add3A_271] : memref<4096xi32, #tpu.memory_space<hbm>> -> memref<32xi32, #tpu.memory_space<hbm>>
      %dma_start3A_357 = arith.constant 0 : i32
      %dma_start3A_358 = tpu.memref_slice %arg6[%run_scoped3A_272, %run_scoped3A_273, %dma_start3A_357] : memref<2x2x32xi32, #tpu.memory_space<vmem>> -> memref<1x1x32xi32, #tpu.memory_space<vmem>>
      %dma_start3A_359 = tpu.memref_squeeze %dma_start3A_358 : memref<1x1x32xi32, #tpu.memory_space<vmem>> -> memref<32xi32, #tpu.memory_space<vmem>>
      %dma_start3A_360 = tpu.memref_slice %arg4[%add3A_271] : memref<4096xi32, #tpu.memory_space<hbm>> -> memref<32xi32, #tpu.memory_space<hbm>>
      tpu.enqueue_dma source(%dma_start3A_360 : memref<32xi32, #tpu.memory_space<hbm>>) target(%dma_start3A_359 : memref<32xi32, #tpu.memory_space<vmem>>) target_semaphore(%run_scoped3A_352 : memref<!tpu.dma_semaphore, #tpu.memory_space<semaphore_mem>>)
      %dma_wait3A_361 = arith.constant 0 : i32
      %dma_wait3A_362 = tpu.memref_slice %arg6[%run_scoped3A_272, %run_scoped3A_273, %dma_wait3A_361] : memref<2x2x32xi32, #tpu.memory_space<vmem>> -> memref<1x1x32xi32, #tpu.memory_space<vmem>>
      %dma_wait3A_363 = tpu.memref_squeeze %dma_wait3A_362 : memref<1x1x32xi32, #tpu.memory_space<vmem>> -> memref<32xi32, #tpu.memory_space<vmem>>
      %dma_wait3A_364 = tpu.memref_slice %arg4[%add3A_271] : memref<4096xi32, #tpu.memory_space<hbm>> -> memref<32xi32, #tpu.memory_space<hbm>>
      %dma_wait3A_365 = arith.constant 0 : i32
      %dma_wait3A_366 = tpu.memref_slice %arg6[%run_scoped3A_272, %run_scoped3A_273, %dma_wait3A_365] : memref<2x2x32xi32, #tpu.memory_space<vmem>> -> memref<1x1x32xi32, #tpu.memory_space<vmem>>
      %dma_wait3A_367 = tpu.memref_squeeze %dma_wait3A_366 : memref<1x1x32xi32, #tpu.memory_space<vmem>> -> memref<32xi32, #tpu.memory_space<vmem>>
      %dma_wait3A_368 = tpu.memref_slice %arg4[%add3A_271] : memref<4096xi32, #tpu.memory_space<hbm>> -> memref<32xi32, #tpu.memory_space<hbm>>
      tpu.wait_dma2 semaphore(%run_scoped3A_352 : memref<!tpu.dma_semaphore, #tpu.memory_space<semaphore_mem>>) src(%dma_wait3A_368 : memref<32xi32, #tpu.memory_space<hbm>>) dst(%dma_wait3A_367 : memref<32xi32, #tpu.memory_space<vmem>>)
      tpu.yield
    }) : () -> ()
    %dma_wait3A_274 = arith.constant 0 : i32
    %dma_wait3A_275 = arith.constant 0 : i32
    %dma_wait3A_276 = arith.constant 0 : i32
    %dma_wait3A_277 = arith.constant 0 : i32
    %dma_wait3A_278 = arith.constant 0 : i32
    %dma_wait3A_279 = tpu.memref_slice %arg7[%dma_wait3A_274, %dma_wait3A_277, %dma_wait3A_278] : memref<2x32x1024xf32, #tpu.memory_space<vmem>> -> memref<1x32x1024xf32, #tpu.memory_space<vmem>>
    %dma_wait3A_280 = tpu.memref_squeeze %dma_wait3A_279 : memref<1x32x1024xf32, #tpu.memory_space<vmem>> -> memref<32x1024xf32, #tpu.memory_space<vmem>>
    %dma_wait3A_281 = arith.constant 0 : i32
    %dma_wait3A_282 = tpu.memref_slice %arg6[%dma_wait3A_275, %dma_wait3A_276, %dma_wait3A_281] : memref<2x2x32xi32, #tpu.memory_space<vmem>> -> memref<1x1x32xi32, #tpu.memory_space<vmem>>
    %dma_wait3A_283 = tpu.memref_squeeze %dma_wait3A_282 : memref<1x1x32xi32, #tpu.memory_space<vmem>> -> memref<32xi32, #tpu.memory_space<vmem>>
    %dma_wait3A_284 = arith.constant 0 : i32
    %dma_wait3A_285 = arith.constant 0 : i32
    %dma_wait3A_286 = tpu.memref_slice %arg5[%dma_wait3A_284, %dma_wait3A_285] : memref<12288x1024xf32, #tpu.memory_space<hbm>> -> memref<12288x1024xf32, #tpu.memory_space<hbm>>
    tpu.wait_indirect_dma semaphore(%arg9 : memref<!tpu.dma_semaphore, #tpu.memory_space<semaphore_mem>>) src(%dma_wait3A_280 : memref<32x1024xf32, #tpu.memory_space<vmem>>) dst(%dma_wait3A_286 : memref<12288x1024xf32, #tpu.memory_space<hbm>>)
    %dma_wait3A_287 = arith.constant 0 : i32
    %dma_wait3A_288 = arith.constant 0 : i32
    %dma_wait3A_289 = arith.constant 1 : i32
    %dma_wait3A_290 = arith.constant 0 : i32
    %dma_wait3A_291 = arith.constant 0 : i32
    %dma_wait3A_292 = tpu.memref_slice %arg7[%dma_wait3A_287, %dma_wait3A_290, %dma_wait3A_291] : memref<2x32x1024xf32, #tpu.memory_space<vmem>> -> memref<1x32x1024xf32, #tpu.memory_space<vmem>>
    %dma_wait3A_293 = tpu.memref_squeeze %dma_wait3A_292 : memref<1x32x1024xf32, #tpu.memory_space<vmem>> -> memref<32x1024xf32, #tpu.memory_space<vmem>>
    %dma_wait3A_294 = arith.constant 0 : i32
    %dma_wait3A_295 = tpu.memref_slice %arg6[%dma_wait3A_288, %dma_wait3A_289, %dma_wait3A_294] : memref<2x2x32xi32, #tpu.memory_space<vmem>> -> memref<1x1x32xi32, #tpu.memory_space<vmem>>
    %dma_wait3A_296 = tpu.memref_squeeze %dma_wait3A_295 : memref<1x1x32xi32, #tpu.memory_space<vmem>> -> memref<32xi32, #tpu.memory_space<vmem>>
    %dma_wait3A_297 = arith.constant 0 : i32
    %dma_wait3A_298 = arith.constant 0 : i32
    %dma_wait3A_299 = tpu.memref_slice %arg5[%dma_wait3A_297, %dma_wait3A_298] : memref<12288x1024xf32, #tpu.memory_space<hbm>> -> memref<12288x1024xf32, #tpu.memory_space<hbm>>
    tpu.wait_indirect_dma semaphore(%arg10 : memref<!tpu.dma_semaphore, #tpu.memory_space<semaphore_mem>>) src(%dma_wait3A_293 : memref<32x1024xf32, #tpu.memory_space<vmem>>) dst(%dma_wait3A_299 : memref<12288x1024xf32, #tpu.memory_space<hbm>>)
    %dma_start3A_300 = arith.constant 1 : i32
    %dma_start3A_301 = arith.constant 1 : i32
    %dma_start3A_302 = arith.constant 0 : i32
    %dma_start3A_303 = arith.constant 0 : i32
    %dma_start3A_304 = arith.constant 0 : i32
    %dma_start3A_305 = tpu.memref_slice %arg7[%dma_start3A_300, %dma_start3A_303, %dma_start3A_304] : memref<2x32x1024xf32, #tpu.memory_space<vmem>> -> memref<1x32x1024xf32, #tpu.memory_space<vmem>>
    %dma_start3A_306 = tpu.memref_squeeze %dma_start3A_305 : memref<1x32x1024xf32, #tpu.memory_space<vmem>> -> memref<32x1024xf32, #tpu.memory_space<vmem>>
    %dma_start3A_307 = arith.constant 0 : i32
    %dma_start3A_308 = tpu.memref_slice %arg6[%dma_start3A_301, %dma_start3A_302, %dma_start3A_307] : memref<2x2x32xi32, #tpu.memory_space<vmem>> -> memref<1x1x32xi32, #tpu.memory_space<vmem>>
    %dma_start3A_309 = tpu.memref_squeeze %dma_start3A_308 : memref<1x1x32xi32, #tpu.memory_space<vmem>> -> memref<32xi32, #tpu.memory_space<vmem>>
    %dma_start3A_310 = arith.constant 0 : i32
    %dma_start3A_311 = arith.constant 0 : i32
    %dma_start3A_312 = tpu.memref_slice %arg5[%dma_start3A_310, %dma_start3A_311] : memref<12288x1024xf32, #tpu.memory_space<hbm>> -> memref<12288x1024xf32, #tpu.memory_space<hbm>>
    tpu.enqueue_indirect_dma source(%dma_start3A_306 : memref<32x1024xf32, #tpu.memory_space<vmem>>) target(%dma_start3A_312 : memref<12288x1024xf32, #tpu.memory_space<hbm>>) offsets(%dma_start3A_309 : memref<32xi32, #tpu.memory_space<vmem>>) semaphore(%arg9 : memref<!tpu.dma_semaphore, #tpu.memory_space<semaphore_mem>>)
    %dma_start3A_313 = arith.constant 1 : i32
    %dma_start3A_314 = arith.constant 1 : i32
    %dma_start3A_315 = arith.constant 1 : i32
    %dma_start3A_316 = arith.constant 0 : i32
    %dma_start3A_317 = arith.constant 0 : i32
    %dma_start3A_318 = tpu.memref_slice %arg7[%dma_start3A_313, %dma_start3A_316, %dma_start3A_317] : memref<2x32x1024xf32, #tpu.memory_space<vmem>> -> memref<1x32x1024xf32, #tpu.memory_space<vmem>>
    %dma_start3A_319 = tpu.memref_squeeze %dma_start3A_318 : memref<1x32x1024xf32, #tpu.memory_space<vmem>> -> memref<32x1024xf32, #tpu.memory_space<vmem>>
    %dma_start3A_320 = arith.constant 0 : i32
    %dma_start3A_321 = tpu.memref_slice %arg6[%dma_start3A_314, %dma_start3A_315, %dma_start3A_320] : memref<2x2x32xi32, #tpu.memory_space<vmem>> -> memref<1x1x32xi32, #tpu.memory_space<vmem>>
    %dma_start3A_322 = tpu.memref_squeeze %dma_start3A_321 : memref<1x1x32xi32, #tpu.memory_space<vmem>> -> memref<32xi32, #tpu.memory_space<vmem>>
    %dma_start3A_323 = arith.constant 0 : i32
    %dma_start3A_324 = arith.constant 0 : i32
    %dma_start3A_325 = tpu.memref_slice %arg5[%dma_start3A_323, %dma_start3A_324] : memref<12288x1024xf32, #tpu.memory_space<hbm>> -> memref<12288x1024xf32, #tpu.memory_space<hbm>>
    tpu.enqueue_indirect_dma source(%dma_start3A_319 : memref<32x1024xf32, #tpu.memory_space<vmem>>) target(%dma_start3A_325 : memref<12288x1024xf32, #tpu.memory_space<hbm>>) offsets(%dma_start3A_322 : memref<32xi32, #tpu.memory_space<vmem>>) semaphore(%arg10 : memref<!tpu.dma_semaphore, #tpu.memory_space<semaphore_mem>>)
    %dma_wait3A_326 = arith.constant 1 : i32
    %dma_wait3A_327 = arith.constant 1 : i32
    %dma_wait3A_328 = arith.constant 0 : i32
    %dma_wait3A_329 = arith.constant 0 : i32
    %dma_wait3A_330 = arith.constant 0 : i32
    %dma_wait3A_331 = tpu.memref_slice %arg7[%dma_wait3A_326, %dma_wait3A_329, %dma_wait3A_330] : memref<2x32x1024xf32, #tpu.memory_space<vmem>> -> memref<1x32x1024xf32, #tpu.memory_space<vmem>>
    %dma_wait3A_332 = tpu.memref_squeeze %dma_wait3A_331 : memref<1x32x1024xf32, #tpu.memory_space<vmem>> -> memref<32x1024xf32, #tpu.memory_space<vmem>>
    %dma_wait3A_333 = arith.constant 0 : i32
    %dma_wait3A_334 = tpu.memref_slice %arg6[%dma_wait3A_327, %dma_wait3A_328, %dma_wait3A_333] : memref<2x2x32xi32, #tpu.memory_space<vmem>> -> memref<1x1x32xi32, #tpu.memory_space<vmem>>
    %dma_wait3A_335 = tpu.memref_squeeze %dma_wait3A_334 : memref<1x1x32xi32, #tpu.memory_space<vmem>> -> memref<32xi32, #tpu.memory_space<vmem>>
    %dma_wait3A_336 = arith.constant 0 : i32
    %dma_wait3A_337 = arith.constant 0 : i32
    %dma_wait3A_338 = tpu.memref_slice %arg5[%dma_wait3A_336, %dma_wait3A_337] : memref<12288x1024xf32, #tpu.memory_space<hbm>> -> memref<12288x1024xf32, #tpu.memory_space<hbm>>
    tpu.wait_indirect_dma semaphore(%arg9 : memref<!tpu.dma_semaphore, #tpu.memory_space<semaphore_mem>>) src(%dma_wait3A_332 : memref<32x1024xf32, #tpu.memory_space<vmem>>) dst(%dma_wait3A_338 : memref<12288x1024xf32, #tpu.memory_space<hbm>>)
    %dma_wait3A_339 = arith.constant 1 : i32
    %dma_wait3A_340 = arith.constant 1 : i32
    %dma_wait3A_341 = arith.constant 1 : i32
    %dma_wait3A_342 = arith.constant 0 : i32
    %dma_wait3A_343 = arith.constant 0 : i32
    %dma_wait3A_344 = tpu.memref_slice %arg7[%dma_wait3A_339, %dma_wait3A_342, %dma_wait3A_343] : memref<2x32x1024xf32, #tpu.memory_space<vmem>> -> memref<1x32x1024xf32, #tpu.memory_space<vmem>>
    %dma_wait3A_345 = tpu.memref_squeeze %dma_wait3A_344 : memref<1x32x1024xf32, #tpu.memory_space<vmem>> -> memref<32x1024xf32, #tpu.memory_space<vmem>>
    %dma_wait3A_346 = arith.constant 0 : i32
    %dma_wait3A_347 = tpu.memref_slice %arg6[%dma_wait3A_340, %dma_wait3A_341, %dma_wait3A_346] : memref<2x2x32xi32, #tpu.memory_space<vmem>> -> memref<1x1x32xi32, #tpu.memory_space<vmem>>
    %dma_wait3A_348 = tpu.memref_squeeze %dma_wait3A_347 : memref<1x1x32xi32, #tpu.memory_space<vmem>> -> memref<32xi32, #tpu.memory_space<vmem>>
    %dma_wait3A_349 = arith.constant 0 : i32
    %dma_wait3A_350 = arith.constant 0 : i32
    %dma_wait3A_351 = tpu.memref_slice %arg5[%dma_wait3A_349, %dma_wait3A_350] : memref<12288x1024xf32, #tpu.memory_space<hbm>> -> memref<12288x1024xf32, #tpu.memory_space<hbm>>
    tpu.wait_indirect_dma semaphore(%arg10 : memref<!tpu.dma_semaphore, #tpu.memory_space<semaphore_mem>>) src(%dma_wait3A_345 : memref<32x1024xf32, #tpu.memory_space<vmem>>) dst(%dma_wait3A_351 : memref<12288x1024xf32, #tpu.memory_space<hbm>>)
    return
  }
}

#map = affine_map<(d0, d1) -> (0, 0)>
#map1 = affine_map<(d0, d1) -> (0)>
module attributes {stable_mosaic.version = 14 : i64} {
  func.func @k(%arg0: i32, %arg1: i32, %arg2: memref<12288x1024xf32, #tpu.memory_space<hbm>>, %arg3: memref<4096xi32, #tpu.memory_space<hbm>>, %arg4: memref<4096xi32, #tpu.memory_space<hbm>>, %arg5: memref<4096x16xf32, #tpu.memory_space<hbm>>, %arg6: memref<4096x16xf32, #tpu.memory_space<hbm>>, %arg7: memref<4096x1024xf32, #tpu.memory_space<hbm>>, %arg8: memref<128xi32, #tpu.memory_space<vmem>>, %arg9: memref<128xi32, #tpu.memory_space<vmem>>, %arg10: memref<128x16xf32, #tpu.memory_space<vmem>>, %arg11: memref<128x16xf32, #tpu.memory_space<vmem>>, %arg12: memref<2x16x1024xf32, #tpu.memory_space<vmem>>, %arg13: memref<2x16x1024xf32, #tpu.memory_space<vmem>>, %arg14: memref<!tpu.dma_semaphore, #tpu.memory_space<semaphore_mem>>, %arg15: memref<!tpu.dma_semaphore, #tpu.memory_space<semaphore_mem>>) attributes {dimension_semantics = [#tpu.dimension_semantics<core_parallel>, #tpu.dimension_semantics<subcore_parallel>], iteration_bounds = array<i64: 2, 16>, scalar_prefetch = 0 : i64, scratch_operands = 8 : i64, tpu.core_type = #tpu.core_type<sc_vector_subcore>, window_params = [{transform_indices = #map}, {transform_indices = #map1}, {transform_indices = #map1}, {transform_indices = #map}, {transform_indices = #map}, {transform_indices = #map}]} {
    %mul3A = arith.constant 2 : i32
    %mul3A_0 = arith.muli %arg1, %mul3A : i32
    %add3A = arith.addi %mul3A_0, %arg0 : i32
    %mul3A_1 = arith.constant 128 : i32
    %mul3A_2 = arith.muli %add3A, %mul3A_1 : i32
    "tpu.region"() ({
      %run_scoped3A_391 = tpu.sem_alloc : memref<!tpu.dma_semaphore, #tpu.memory_space<semaphore_mem>>
      %dma_start3A_392 = tpu.memref_slice %arg3[%mul3A_2] : memref<4096xi32, #tpu.memory_space<hbm>> -> memref<128xi32, #tpu.memory_space<hbm>>
      %dma_start3A_393 = tpu.memref_slice %arg3[%mul3A_2] : memref<4096xi32, #tpu.memory_space<hbm>> -> memref<128xi32, #tpu.memory_space<hbm>>
      tpu.enqueue_dma source(%dma_start3A_393 : memref<128xi32, #tpu.memory_space<hbm>>) target(%arg8 : memref<128xi32, #tpu.memory_space<vmem>>) target_semaphore(%run_scoped3A_391 : memref<!tpu.dma_semaphore, #tpu.memory_space<semaphore_mem>>)
      %dma_wait3A_394 = tpu.memref_slice %arg3[%mul3A_2] : memref<4096xi32, #tpu.memory_space<hbm>> -> memref<128xi32, #tpu.memory_space<hbm>>
      %dma_wait3A_395 = tpu.memref_slice %arg3[%mul3A_2] : memref<4096xi32, #tpu.memory_space<hbm>> -> memref<128xi32, #tpu.memory_space<hbm>>
      tpu.wait_dma2 semaphore(%run_scoped3A_391 : memref<!tpu.dma_semaphore, #tpu.memory_space<semaphore_mem>>) src(%dma_wait3A_395 : memref<128xi32, #tpu.memory_space<hbm>>) dst(%arg8 : memref<128xi32, #tpu.memory_space<vmem>>)
      tpu.yield
    }) : () -> ()
    "tpu.region"() ({
      %run_scoped3A_391 = tpu.sem_alloc : memref<!tpu.dma_semaphore, #tpu.memory_space<semaphore_mem>>
      %dma_start3A_392 = tpu.memref_slice %arg4[%mul3A_2] : memref<4096xi32, #tpu.memory_space<hbm>> -> memref<128xi32, #tpu.memory_space<hbm>>
      %dma_start3A_393 = tpu.memref_slice %arg4[%mul3A_2] : memref<4096xi32, #tpu.memory_space<hbm>> -> memref<128xi32, #tpu.memory_space<hbm>>
      tpu.enqueue_dma source(%dma_start3A_393 : memref<128xi32, #tpu.memory_space<hbm>>) target(%arg9 : memref<128xi32, #tpu.memory_space<vmem>>) target_semaphore(%run_scoped3A_391 : memref<!tpu.dma_semaphore, #tpu.memory_space<semaphore_mem>>)
      %dma_wait3A_394 = tpu.memref_slice %arg4[%mul3A_2] : memref<4096xi32, #tpu.memory_space<hbm>> -> memref<128xi32, #tpu.memory_space<hbm>>
      %dma_wait3A_395 = tpu.memref_slice %arg4[%mul3A_2] : memref<4096xi32, #tpu.memory_space<hbm>> -> memref<128xi32, #tpu.memory_space<hbm>>
      tpu.wait_dma2 semaphore(%run_scoped3A_391 : memref<!tpu.dma_semaphore, #tpu.memory_space<semaphore_mem>>) src(%dma_wait3A_395 : memref<128xi32, #tpu.memory_space<hbm>>) dst(%arg9 : memref<128xi32, #tpu.memory_space<vmem>>)
      tpu.yield
    }) : () -> ()
    "tpu.region"() ({
      %run_scoped3A_391 = tpu.sem_alloc : memref<!tpu.dma_semaphore, #tpu.memory_space<semaphore_mem>>
      %dma_start3A_392 = arith.constant 0 : i32
      %dma_start3A_393 = tpu.memref_slice %arg5[%mul3A_2, %dma_start3A_392] : memref<4096x16xf32, #tpu.memory_space<hbm>> -> memref<128x16xf32, #tpu.memory_space<hbm>>
      %dma_start3A_394 = arith.constant 0 : i32
      %dma_start3A_395 = tpu.memref_slice %arg5[%mul3A_2, %dma_start3A_394] : memref<4096x16xf32, #tpu.memory_space<hbm>> -> memref<128x16xf32, #tpu.memory_space<hbm>>
      tpu.enqueue_dma source(%dma_start3A_395 : memref<128x16xf32, #tpu.memory_space<hbm>>) target(%arg10 : memref<128x16xf32, #tpu.memory_space<vmem>>) target_semaphore(%run_scoped3A_391 : memref<!tpu.dma_semaphore, #tpu.memory_space<semaphore_mem>>)
      %dma_wait3A_396 = arith.constant 0 : i32
      %dma_wait3A_397 = tpu.memref_slice %arg5[%mul3A_2, %dma_wait3A_396] : memref<4096x16xf32, #tpu.memory_space<hbm>> -> memref<128x16xf32, #tpu.memory_space<hbm>>
      %dma_wait3A_398 = arith.constant 0 : i32
      %dma_wait3A_399 = tpu.memref_slice %arg5[%mul3A_2, %dma_wait3A_398] : memref<4096x16xf32, #tpu.memory_space<hbm>> -> memref<128x16xf32, #tpu.memory_space<hbm>>
      tpu.wait_dma2 semaphore(%run_scoped3A_391 : memref<!tpu.dma_semaphore, #tpu.memory_space<semaphore_mem>>) src(%dma_wait3A_399 : memref<128x16xf32, #tpu.memory_space<hbm>>) dst(%arg10 : memref<128x16xf32, #tpu.memory_space<vmem>>)
      tpu.yield
    }) : () -> ()
    "tpu.region"() ({
      %run_scoped3A_391 = tpu.sem_alloc : memref<!tpu.dma_semaphore, #tpu.memory_space<semaphore_mem>>
      %dma_start3A_392 = arith.constant 0 : i32
      %dma_start3A_393 = tpu.memref_slice %arg6[%mul3A_2, %dma_start3A_392] : memref<4096x16xf32, #tpu.memory_space<hbm>> -> memref<128x16xf32, #tpu.memory_space<hbm>>
      %dma_start3A_394 = arith.constant 0 : i32
      %dma_start3A_395 = tpu.memref_slice %arg6[%mul3A_2, %dma_start3A_394] : memref<4096x16xf32, #tpu.memory_space<hbm>> -> memref<128x16xf32, #tpu.memory_space<hbm>>
      tpu.enqueue_dma source(%dma_start3A_395 : memref<128x16xf32, #tpu.memory_space<hbm>>) target(%arg11 : memref<128x16xf32, #tpu.memory_space<vmem>>) target_semaphore(%run_scoped3A_391 : memref<!tpu.dma_semaphore, #tpu.memory_space<semaphore_mem>>)
      %dma_wait3A_396 = arith.constant 0 : i32
      %dma_wait3A_397 = tpu.memref_slice %arg6[%mul3A_2, %dma_wait3A_396] : memref<4096x16xf32, #tpu.memory_space<hbm>> -> memref<128x16xf32, #tpu.memory_space<hbm>>
      %dma_wait3A_398 = arith.constant 0 : i32
      %dma_wait3A_399 = tpu.memref_slice %arg6[%mul3A_2, %dma_wait3A_398] : memref<4096x16xf32, #tpu.memory_space<hbm>> -> memref<128x16xf32, #tpu.memory_space<hbm>>
      tpu.wait_dma2 semaphore(%run_scoped3A_391 : memref<!tpu.dma_semaphore, #tpu.memory_space<semaphore_mem>>) src(%dma_wait3A_399 : memref<128x16xf32, #tpu.memory_space<hbm>>) dst(%arg11 : memref<128x16xf32, #tpu.memory_space<vmem>>)
      tpu.yield
    }) : () -> ()
    %dma_start3A = arith.constant 0 : i32
    %dma_start3A_3 = arith.constant 0 : i32
    %dma_start3A_4 = arith.constant 0 : i32
    %dma_start3A_5 = tpu.memref_slice %arg12[%dma_start3A, %dma_start3A_3, %dma_start3A_4] : memref<2x16x1024xf32, #tpu.memory_space<vmem>> -> memref<1x16x1024xf32, #tpu.memory_space<vmem>>
    %dma_start3A_6 = tpu.memref_squeeze %dma_start3A_5 : memref<1x16x1024xf32, #tpu.memory_space<vmem>> -> memref<16x1024xf32, #tpu.memory_space<vmem>>
    %dma_start3A_7 = arith.constant 0 : i32
    %dma_start3A_8 = tpu.memref_slice %arg8[%dma_start3A_7] : memref<128xi32, #tpu.memory_space<vmem>> -> memref<16xi32, #tpu.memory_space<vmem>>
    %dma_start3A_9 = arith.constant 0 : i32
    %dma_start3A_10 = arith.constant 0 : i32
    %dma_start3A_11 = tpu.memref_slice %arg2[%dma_start3A_9, %dma_start3A_10] : memref<12288x1024xf32, #tpu.memory_space<hbm>> -> memref<12288x1024xf32, #tpu.memory_space<hbm>>
    tpu.enqueue_indirect_dma source(%dma_start3A_11 : memref<12288x1024xf32, #tpu.memory_space<hbm>>) target(%dma_start3A_6 : memref<16x1024xf32, #tpu.memory_space<vmem>>) offsets(%dma_start3A_8 : memref<16xi32, #tpu.memory_space<vmem>>) semaphore(%arg14 : memref<!tpu.dma_semaphore, #tpu.memory_space<semaphore_mem>>)
    %dma_start3A_12 = arith.constant 0 : i32
    %dma_start3A_13 = arith.constant 0 : i32
    %dma_start3A_14 = arith.constant 0 : i32
    %dma_start3A_15 = tpu.memref_slice %arg13[%dma_start3A_12, %dma_start3A_13, %dma_start3A_14] : memref<2x16x1024xf32, #tpu.memory_space<vmem>> -> memref<1x16x1024xf32, #tpu.memory_space<vmem>>
    %dma_start3A_16 = tpu.memref_squeeze %dma_start3A_15 : memref<1x16x1024xf32, #tpu.memory_space<vmem>> -> memref<16x1024xf32, #tpu.memory_space<vmem>>
    %dma_start3A_17 = arith.constant 0 : i32
    %dma_start3A_18 = tpu.memref_slice %arg9[%dma_start3A_17] : memref<128xi32, #tpu.memory_space<vmem>> -> memref<16xi32, #tpu.memory_space<vmem>>
    %dma_start3A_19 = arith.constant 0 : i32
    %dma_start3A_20 = arith.constant 0 : i32
    %dma_start3A_21 = tpu.memref_slice %arg2[%dma_start3A_19, %dma_start3A_20] : memref<12288x1024xf32, #tpu.memory_space<hbm>> -> memref<12288x1024xf32, #tpu.memory_space<hbm>>
    tpu.enqueue_indirect_dma source(%dma_start3A_21 : memref<12288x1024xf32, #tpu.memory_space<hbm>>) target(%dma_start3A_16 : memref<16x1024xf32, #tpu.memory_space<vmem>>) offsets(%dma_start3A_18 : memref<16xi32, #tpu.memory_space<vmem>>) semaphore(%arg15 : memref<!tpu.dma_semaphore, #tpu.memory_space<semaphore_mem>>)
    %dma_wait3A = arith.constant 0 : i32
    %dma_wait3A_22 = arith.constant 0 : i32
    %dma_wait3A_23 = arith.constant 0 : i32
    %dma_wait3A_24 = tpu.memref_slice %arg12[%dma_wait3A, %dma_wait3A_22, %dma_wait3A_23] : memref<2x16x1024xf32, #tpu.memory_space<vmem>> -> memref<1x16x1024xf32, #tpu.memory_space<vmem>>
    %dma_wait3A_25 = tpu.memref_squeeze %dma_wait3A_24 : memref<1x16x1024xf32, #tpu.memory_space<vmem>> -> memref<16x1024xf32, #tpu.memory_space<vmem>>
    %dma_wait3A_26 = arith.constant 0 : i32
    %dma_wait3A_27 = tpu.memref_slice %arg8[%dma_wait3A_26] : memref<128xi32, #tpu.memory_space<vmem>> -> memref<16xi32, #tpu.memory_space<vmem>>
    %dma_wait3A_28 = arith.constant 0 : i32
    %dma_wait3A_29 = arith.constant 0 : i32
    %dma_wait3A_30 = tpu.memref_slice %arg2[%dma_wait3A_28, %dma_wait3A_29] : memref<12288x1024xf32, #tpu.memory_space<hbm>> -> memref<12288x1024xf32, #tpu.memory_space<hbm>>
    tpu.wait_indirect_dma semaphore(%arg14 : memref<!tpu.dma_semaphore, #tpu.memory_space<semaphore_mem>>) src(%dma_wait3A_30 : memref<12288x1024xf32, #tpu.memory_space<hbm>>) dst(%dma_wait3A_25 : memref<16x1024xf32, #tpu.memory_space<vmem>>)
    %dma_wait3A_31 = arith.constant 0 : i32
    %dma_wait3A_32 = arith.constant 0 : i32
    %dma_wait3A_33 = arith.constant 0 : i32
    %dma_wait3A_34 = tpu.memref_slice %arg13[%dma_wait3A_31, %dma_wait3A_32, %dma_wait3A_33] : memref<2x16x1024xf32, #tpu.memory_space<vmem>> -> memref<1x16x1024xf32, #tpu.memory_space<vmem>>
    %dma_wait3A_35 = tpu.memref_squeeze %dma_wait3A_34 : memref<1x16x1024xf32, #tpu.memory_space<vmem>> -> memref<16x1024xf32, #tpu.memory_space<vmem>>
    %dma_wait3A_36 = arith.constant 0 : i32
    %dma_wait3A_37 = tpu.memref_slice %arg9[%dma_wait3A_36] : memref<128xi32, #tpu.memory_space<vmem>> -> memref<16xi32, #tpu.memory_space<vmem>>
    %dma_wait3A_38 = arith.constant 0 : i32
    %dma_wait3A_39 = arith.constant 0 : i32
    %dma_wait3A_40 = tpu.memref_slice %arg2[%dma_wait3A_38, %dma_wait3A_39] : memref<12288x1024xf32, #tpu.memory_space<hbm>> -> memref<12288x1024xf32, #tpu.memory_space<hbm>>
    tpu.wait_indirect_dma semaphore(%arg15 : memref<!tpu.dma_semaphore, #tpu.memory_space<semaphore_mem>>) src(%dma_wait3A_40 : memref<12288x1024xf32, #tpu.memory_space<hbm>>) dst(%dma_wait3A_35 : memref<16x1024xf32, #tpu.memory_space<vmem>>)
    %dma_start3A_41 = arith.constant 1 : i32
    %dma_start3A_42 = arith.constant 0 : i32
    %dma_start3A_43 = arith.constant 0 : i32
    %dma_start3A_44 = tpu.memref_slice %arg12[%dma_start3A_41, %dma_start3A_42, %dma_start3A_43] : memref<2x16x1024xf32, #tpu.memory_space<vmem>> -> memref<1x16x1024xf32, #tpu.memory_space<vmem>>
    %dma_start3A_45 = tpu.memref_squeeze %dma_start3A_44 : memref<1x16x1024xf32, #tpu.memory_space<vmem>> -> memref<16x1024xf32, #tpu.memory_space<vmem>>
    %dma_start3A_46 = arith.constant 16 : i32
    %dma_start3A_47 = tpu.memref_slice %arg8[%dma_start3A_46] : memref<128xi32, #tpu.memory_space<vmem>> -> memref<16xi32, #tpu.memory_space<vmem>>
    %dma_start3A_48 = arith.constant 0 : i32
    %dma_start3A_49 = arith.constant 0 : i32
    %dma_start3A_50 = tpu.memref_slice %arg2[%dma_start3A_48, %dma_start3A_49] : memref<12288x1024xf32, #tpu.memory_space<hbm>> -> memref<12288x1024xf32, #tpu.memory_space<hbm>>
    tpu.enqueue_indirect_dma source(%dma_start3A_50 : memref<12288x1024xf32, #tpu.memory_space<hbm>>) target(%dma_start3A_45 : memref<16x1024xf32, #tpu.memory_space<vmem>>) offsets(%dma_start3A_47 : memref<16xi32, #tpu.memory_space<vmem>>) semaphore(%arg14 : memref<!tpu.dma_semaphore, #tpu.memory_space<semaphore_mem>>)
    %dma_start3A_51 = arith.constant 1 : i32
    %dma_start3A_52 = arith.constant 0 : i32
    %dma_start3A_53 = arith.constant 0 : i32
    %dma_start3A_54 = tpu.memref_slice %arg13[%dma_start3A_51, %dma_start3A_52, %dma_start3A_53] : memref<2x16x1024xf32, #tpu.memory_space<vmem>> -> memref<1x16x1024xf32, #tpu.memory_space<vmem>>
    %dma_start3A_55 = tpu.memref_squeeze %dma_start3A_54 : memref<1x16x1024xf32, #tpu.memory_space<vmem>> -> memref<16x1024xf32, #tpu.memory_space<vmem>>
    %dma_start3A_56 = arith.constant 16 : i32
    %dma_start3A_57 = tpu.memref_slice %arg9[%dma_start3A_56] : memref<128xi32, #tpu.memory_space<vmem>> -> memref<16xi32, #tpu.memory_space<vmem>>
    %dma_start3A_58 = arith.constant 0 : i32
    %dma_start3A_59 = arith.constant 0 : i32
    %dma_start3A_60 = tpu.memref_slice %arg2[%dma_start3A_58, %dma_start3A_59] : memref<12288x1024xf32, #tpu.memory_space<hbm>> -> memref<12288x1024xf32, #tpu.memory_space<hbm>>
    tpu.enqueue_indirect_dma source(%dma_start3A_60 : memref<12288x1024xf32, #tpu.memory_space<hbm>>) target(%dma_start3A_55 : memref<16x1024xf32, #tpu.memory_space<vmem>>) offsets(%dma_start3A_57 : memref<16xi32, #tpu.memory_space<vmem>>) semaphore(%arg15 : memref<!tpu.dma_semaphore, #tpu.memory_space<semaphore_mem>>)
    %scan3A = arith.constant 0 : i32
    %scan3A_61 = arith.constant 0 : i32
    %scan3A_62 = arith.constant 16 : i32
    %scan3A_63 = arith.addi %scan3A_61, %scan3A_62 : i32
    %scan3A_64 = arith.constant 1 : i32
    scf.for %scan3A_391 = %scan3A_61 to %scan3A_63 step %scan3A_64  : i32 {
      %add3A_392 = arith.constant 0 : i32
      %add3A_393 = arith.addi %add3A_392, %scan3A_391 : i32
      %get3A = arith.index_cast %add3A_393 : i32 to index
      %get3A_394 = arith.constant 0 : index
      %get3A_395 = tpu.vector_load %arg10[%get3A, %get3A_394] {strides = array<i32>} : memref<128x16xf32, #tpu.memory_space<vmem>>, vector<1x16xf32>,
      %get3A_396 = vector.shape_cast %get3A_395 : vector<1x16xf32> to vector<16xf32>
      %add3A_397 = arith.constant 0 : i32
      %add3A_398 = arith.addi %add3A_397, %scan3A_391 : i32
      %get3A_399 = arith.index_cast %add3A_398 : i32 to index
      %get3A_400 = arith.constant 0 : index
      %get3A_401 = tpu.vector_load %arg11[%get3A_399, %get3A_400] {strides = array<i32>} : memref<128x16xf32, #tpu.memory_space<vmem>>, vector<1x16xf32>,
      %get3A_402 = vector.shape_cast %get3A_401 : vector<1x16xf32> to vector<16xf32>
      %scan3A_403 = arith.constant 0 : i32
      %scan3A_404 = arith.constant 16 : i32
      %scan3A_405 = arith.addi %scan3A_403, %scan3A_404 : i32
      %scan3A_406 = arith.constant 1 : i32
      scf.for %scan3A_408 = %scan3A_403 to %scan3A_405 step %scan3A_406  : i32 {
        %mul3A_409 = arith.constant 64 : i32
        %mul3A_410 = arith.muli %scan3A_408, %mul3A_409 : i32
        %add3A_411 = arith.constant 0 : i32
        %add3A_412 = arith.addi %mul3A_410, %add3A_411 : i32
        %get3A_413 = arith.constant 0 : i32
        %get3A_414 = arith.index_cast %get3A_413 : i32 to index
        %get3A_415 = arith.index_cast %scan3A_391 : i32 to index
        %get3A_416 = arith.index_cast %add3A_412 : i32 to index
        %get3A_417 = tpu.vector_load %arg12[%get3A_414, %get3A_415, %get3A_416] {strides = array<i32>} : memref<2x16x1024xf32, #tpu.memory_space<vmem>>, vector<1x1x16xf32>,
        %get3A_418 = vector.shape_cast %get3A_417 : vector<1x1x16xf32> to vector<16xf32>
        %mul3A_419 = arith.mulf %get3A_396, %get3A_418 : vector<16xf32>
        %get3A_420 = arith.constant 0 : i32
        %get3A_421 = arith.index_cast %get3A_420 : i32 to index
        %get3A_422 = arith.index_cast %scan3A_391 : i32 to index
        %get3A_423 = arith.index_cast %add3A_412 : i32 to index
        %get3A_424 = tpu.vector_load %arg13[%get3A_421, %get3A_422, %get3A_423] {strides = array<i32>} : memref<2x16x1024xf32, #tpu.memory_space<vmem>>, vector<1x1x16xf32>,
        %get3A_425 = vector.shape_cast %get3A_424 : vector<1x1x16xf32> to vector<16xf32>
        %mul3A_426 = arith.mulf %get3A_402, %get3A_425 : vector<16xf32>
        %add3A_427 = arith.addf %mul3A_419, %mul3A_426 : vector<16xf32>
        %swap3A = arith.constant 0 : i32
        %swap3A_428 = arith.index_cast %swap3A : i32 to index
        %swap3A_429 = arith.index_cast %scan3A_391 : i32 to index
        %swap3A_430 = arith.index_cast %add3A_412 : i32 to index
        %swap3A_431 = tpu.vector_load %arg12[%swap3A_428, %swap3A_429, %swap3A_430] {strides = array<i32>} : memref<2x16x1024xf32, #tpu.memory_space<vmem>>, vector<1x1x16xf32>,
        %swap3A_432 = vector.shape_cast %swap3A_431 : vector<1x1x16xf32> to vector<16xf32>
        %swap3A_433 = vector.shape_cast %add3A_427 : vector<16xf32> to vector<1x1x16xf32>
        tpu.vector_store %arg12[%swap3A_428, %swap3A_429, %swap3A_430], %swap3A_433 {strides = array<i32>} : memref<2x16x1024xf32, #tpu.memory_space<vmem>>, vector<1x1x16xf32>,
        %add3A_434 = arith.constant 16 : i32
        %add3A_435 = arith.addi %mul3A_410, %add3A_434 : i32
        %get3A_436 = arith.constant 0 : i32
        %get3A_437 = arith.index_cast %get3A_436 : i32 to index
        %get3A_438 = arith.index_cast %scan3A_391 : i32 to index
        %get3A_439 = arith.index_cast %add3A_435 : i32 to index
        %get3A_440 = tpu.vector_load %arg12[%get3A_437, %get3A_438, %get3A_439] {strides = array<i32>} : memref<2x16x1024xf32, #tpu.memory_space<vmem>>, vector<1x1x16xf32>,
        %get3A_441 = vector.shape_cast %get3A_440 : vector<1x1x16xf32> to vector<16xf32>
        %mul3A_442 = arith.mulf %get3A_396, %get3A_441 : vector<16xf32>
        %get3A_443 = arith.constant 0 : i32
        %get3A_444 = arith.index_cast %get3A_443 : i32 to index
        %get3A_445 = arith.index_cast %scan3A_391 : i32 to index
        %get3A_446 = arith.index_cast %add3A_435 : i32 to index
        %get3A_447 = tpu.vector_load %arg13[%get3A_444, %get3A_445, %get3A_446] {strides = array<i32>} : memref<2x16x1024xf32, #tpu.memory_space<vmem>>, vector<1x1x16xf32>,
        %get3A_448 = vector.shape_cast %get3A_447 : vector<1x1x16xf32> to vector<16xf32>
        %mul3A_449 = arith.mulf %get3A_402, %get3A_448 : vector<16xf32>
        %add3A_450 = arith.addf %mul3A_442, %mul3A_449 : vector<16xf32>
        %swap3A_451 = arith.constant 0 : i32
        %swap3A_452 = arith.index_cast %swap3A_451 : i32 to index
        %swap3A_453 = arith.index_cast %scan3A_391 : i32 to index
        %swap3A_454 = arith.index_cast %add3A_435 : i32 to index
        %swap3A_455 = tpu.vector_load %arg12[%swap3A_452, %swap3A_453, %swap3A_454] {strides = array<i32>} : memref<2x16x1024xf32, #tpu.memory_space<vmem>>, vector<1x1x16xf32>,
        %swap3A_456 = vector.shape_cast %swap3A_455 : vector<1x1x16xf32> to vector<16xf32>
        %swap3A_457 = vector.shape_cast %add3A_450 : vector<16xf32> to vector<1x1x16xf32>
        tpu.vector_store %arg12[%swap3A_452, %swap3A_453, %swap3A_454], %swap3A_457 {strides = array<i32>} : memref<2x16x1024xf32, #tpu.memory_space<vmem>>, vector<1x1x16xf32>,
        %add3A_458 = arith.constant 32 : i32
        %add3A_459 = arith.addi %mul3A_410, %add3A_458 : i32
        %get3A_460 = arith.constant 0 : i32
        %get3A_461 = arith.index_cast %get3A_460 : i32 to index
        %get3A_462 = arith.index_cast %scan3A_391 : i32 to index
        %get3A_463 = arith.index_cast %add3A_459 : i32 to index
        %get3A_464 = tpu.vector_load %arg12[%get3A_461, %get3A_462, %get3A_463] {strides = array<i32>} : memref<2x16x1024xf32, #tpu.memory_space<vmem>>, vector<1x1x16xf32>,
        %get3A_465 = vector.shape_cast %get3A_464 : vector<1x1x16xf32> to vector<16xf32>
        %mul3A_466 = arith.mulf %get3A_396, %get3A_465 : vector<16xf32>
        %get3A_467 = arith.constant 0 : i32
        %get3A_468 = arith.index_cast %get3A_467 : i32 to index
        %get3A_469 = arith.index_cast %scan3A_391 : i32 to index
        %get3A_470 = arith.index_cast %add3A_459 : i32 to index
        %get3A_471 = tpu.vector_load %arg13[%get3A_468, %get3A_469, %get3A_470] {strides = array<i32>} : memref<2x16x1024xf32, #tpu.memory_space<vmem>>, vector<1x1x16xf32>,
        %get3A_472 = vector.shape_cast %get3A_471 : vector<1x1x16xf32> to vector<16xf32>
        %mul3A_473 = arith.mulf %get3A_402, %get3A_472 : vector<16xf32>
        %add3A_474 = arith.addf %mul3A_466, %mul3A_473 : vector<16xf32>
        %swap3A_475 = arith.constant 0 : i32
        %swap3A_476 = arith.index_cast %swap3A_475 : i32 to index
        %swap3A_477 = arith.index_cast %scan3A_391 : i32 to index
        %swap3A_478 = arith.index_cast %add3A_459 : i32 to index
        %swap3A_479 = tpu.vector_load %arg12[%swap3A_476, %swap3A_477, %swap3A_478] {strides = array<i32>} : memref<2x16x1024xf32, #tpu.memory_space<vmem>>, vector<1x1x16xf32>,
        %swap3A_480 = vector.shape_cast %swap3A_479 : vector<1x1x16xf32> to vector<16xf32>
        %swap3A_481 = vector.shape_cast %add3A_474 : vector<16xf32> to vector<1x1x16xf32>
        tpu.vector_store %arg12[%swap3A_476, %swap3A_477, %swap3A_478], %swap3A_481 {strides = array<i32>} : memref<2x16x1024xf32, #tpu.memory_space<vmem>>, vector<1x1x16xf32>,
        %add3A_482 = arith.constant 48 : i32
        %add3A_483 = arith.addi %mul3A_410, %add3A_482 : i32
        %get3A_484 = arith.constant 0 : i32
        %get3A_485 = arith.index_cast %get3A_484 : i32 to index
        %get3A_486 = arith.index_cast %scan3A_391 : i32 to index
        %get3A_487 = arith.index_cast %add3A_483 : i32 to index
        %get3A_488 = tpu.vector_load %arg12[%get3A_485, %get3A_486, %get3A_487] {strides = array<i32>} : memref<2x16x1024xf32, #tpu.memory_space<vmem>>, vector<1x1x16xf32>,
        %get3A_489 = vector.shape_cast %get3A_488 : vector<1x1x16xf32> to vector<16xf32>
        %mul3A_490 = arith.mulf %get3A_396, %get3A_489 : vector<16xf32>
        %get3A_491 = arith.constant 0 : i32
        %get3A_492 = arith.index_cast %get3A_491 : i32 to index
        %get3A_493 = arith.index_cast %scan3A_391 : i32 to index
        %get3A_494 = arith.index_cast %add3A_483 : i32 to index
        %get3A_495 = tpu.vector_load %arg13[%get3A_492, %get3A_493, %get3A_494] {strides = array<i32>} : memref<2x16x1024xf32, #tpu.memory_space<vmem>>, vector<1x1x16xf32>,
        %get3A_496 = vector.shape_cast %get3A_495 : vector<1x1x16xf32> to vector<16xf32>
        %mul3A_497 = arith.mulf %get3A_402, %get3A_496 : vector<16xf32>
        %add3A_498 = arith.addf %mul3A_490, %mul3A_497 : vector<16xf32>
        %swap3A_499 = arith.constant 0 : i32
        %swap3A_500 = arith.index_cast %swap3A_499 : i32 to index
        %swap3A_501 = arith.index_cast %scan3A_391 : i32 to index
        %swap3A_502 = arith.index_cast %add3A_483 : i32 to index
        %swap3A_503 = tpu.vector_load %arg12[%swap3A_500, %swap3A_501, %swap3A_502] {strides = array<i32>} : memref<2x16x1024xf32, #tpu.memory_space<vmem>>, vector<1x1x16xf32>,
        %swap3A_504 = vector.shape_cast %swap3A_503 : vector<1x1x16xf32> to vector<16xf32>
        %swap3A_505 = vector.shape_cast %add3A_498 : vector<16xf32> to vector<1x1x16xf32>
        tpu.vector_store %arg12[%swap3A_500, %swap3A_501, %swap3A_502], %swap3A_505 {strides = array<i32>} : memref<2x16x1024xf32, #tpu.memory_space<vmem>>, vector<1x1x16xf32>,
      }
      %scan3A_407 = arith.constant 16 : i32
    }
    %scan3A_65 = arith.constant 16 : i32
    %add3A_66 = arith.constant 0 : i32
    %add3A_67 = arith.addi %mul3A_2, %add3A_66 : i32
    %run_scoped3A = arith.constant 0 : i32
    "tpu.region"() ({
      %run_scoped3A_391 = tpu.sem_alloc : memref<!tpu.dma_semaphore, #tpu.memory_space<semaphore_mem>>
      %dma_start3A_392 = arith.constant 0 : i32
      %dma_start3A_393 = arith.constant 0 : i32
      %dma_start3A_394 = tpu.memref_slice %arg12[%run_scoped3A, %dma_start3A_392, %dma_start3A_393] : memref<2x16x1024xf32, #tpu.memory_space<vmem>> -> memref<1x16x1024xf32, #tpu.memory_space<vmem>>
      %dma_start3A_395 = tpu.memref_squeeze %dma_start3A_394 : memref<1x16x1024xf32, #tpu.memory_space<vmem>> -> memref<16x1024xf32, #tpu.memory_space<vmem>>
      %dma_start3A_396 = arith.constant 0 : i32
      %dma_start3A_397 = tpu.memref_slice %arg7[%add3A_67, %dma_start3A_396] : memref<4096x1024xf32, #tpu.memory_space<hbm>> -> memref<16x1024xf32, #tpu.memory_space<hbm>>
      %dma_start3A_398 = arith.constant 0 : i32
      %dma_start3A_399 = tpu.memref_slice %arg7[%add3A_67, %dma_start3A_398] : memref<4096x1024xf32, #tpu.memory_space<hbm>> -> memref<16x1024xf32, #tpu.memory_space<hbm>>
      %dma_start3A_400 = arith.constant 0 : i32
      %dma_start3A_401 = arith.constant 0 : i32
      %dma_start3A_402 = tpu.memref_slice %arg12[%run_scoped3A, %dma_start3A_400, %dma_start3A_401] : memref<2x16x1024xf32, #tpu.memory_space<vmem>> -> memref<1x16x1024xf32, #tpu.memory_space<vmem>>
      %dma_start3A_403 = tpu.memref_squeeze %dma_start3A_402 : memref<1x16x1024xf32, #tpu.memory_space<vmem>> -> memref<16x1024xf32, #tpu.memory_space<vmem>>
      tpu.enqueue_dma source(%dma_start3A_403 : memref<16x1024xf32, #tpu.memory_space<vmem>>) target(%dma_start3A_399 : memref<16x1024xf32, #tpu.memory_space<hbm>>) target_semaphore(%run_scoped3A_391 : memref<!tpu.dma_semaphore, #tpu.memory_space<semaphore_mem>>)
      %dma_wait3A_404 = arith.constant 0 : i32
      %dma_wait3A_405 = arith.constant 0 : i32
      %dma_wait3A_406 = tpu.memref_slice %arg12[%run_scoped3A, %dma_wait3A_404, %dma_wait3A_405] : memref<2x16x1024xf32, #tpu.memory_space<vmem>> -> memref<1x16x1024xf32, #tpu.memory_space<vmem>>
      %dma_wait3A_407 = tpu.memref_squeeze %dma_wait3A_406 : memref<1x16x1024xf32, #tpu.memory_space<vmem>> -> memref<16x1024xf32, #tpu.memory_space<vmem>>
      %dma_wait3A_408 = arith.constant 0 : i32
      %dma_wait3A_409 = tpu.memref_slice %arg7[%add3A_67, %dma_wait3A_408] : memref<4096x1024xf32, #tpu.memory_space<hbm>> -> memref<16x1024xf32, #tpu.memory_space<hbm>>
      %dma_wait3A_410 = arith.constant 0 : i32
      %dma_wait3A_411 = tpu.memref_slice %arg7[%add3A_67, %dma_wait3A_410] : memref<4096x1024xf32, #tpu.memory_space<hbm>> -> memref<16x1024xf32, #tpu.memory_space<hbm>>
      %dma_wait3A_412 = arith.constant 0 : i32
      %dma_wait3A_413 = arith.constant 0 : i32
      %dma_wait3A_414 = tpu.memref_slice %arg12[%run_scoped3A, %dma_wait3A_412, %dma_wait3A_413] : memref<2x16x1024xf32, #tpu.memory_space<vmem>> -> memref<1x16x1024xf32, #tpu.memory_space<vmem>>
      %dma_wait3A_415 = tpu.memref_squeeze %dma_wait3A_414 : memref<1x16x1024xf32, #tpu.memory_space<vmem>> -> memref<16x1024xf32, #tpu.memory_space<vmem>>
      tpu.wait_dma2 semaphore(%run_scoped3A_391 : memref<!tpu.dma_semaphore, #tpu.memory_space<semaphore_mem>>) src(%dma_wait3A_415 : memref<16x1024xf32, #tpu.memory_space<vmem>>) dst(%dma_wait3A_411 : memref<16x1024xf32, #tpu.memory_space<hbm>>)
      tpu.yield
    }) : () -> ()
    %dma_wait3A_68 = arith.constant 1 : i32
    %dma_wait3A_69 = arith.constant 0 : i32
    %dma_wait3A_70 = arith.constant 0 : i32
    %dma_wait3A_71 = tpu.memref_slice %arg12[%dma_wait3A_68, %dma_wait3A_69, %dma_wait3A_70] : memref<2x16x1024xf32, #tpu.memory_space<vmem>> -> memref<1x16x1024xf32, #tpu.memory_space<vmem>>
    %dma_wait3A_72 = tpu.memref_squeeze %dma_wait3A_71 : memref<1x16x1024xf32, #tpu.memory_space<vmem>> -> memref<16x1024xf32, #tpu.memory_space<vmem>>
    %dma_wait3A_73 = arith.constant 16 : i32
    %dma_wait3A_74 = tpu.memref_slice %arg8[%dma_wait3A_73] : memref<128xi32, #tpu.memory_space<vmem>> -> memref<16xi32, #tpu.memory_space<vmem>>
    %dma_wait3A_75 = arith.constant 0 : i32
    %dma_wait3A_76 = arith.constant 0 : i32
    %dma_wait3A_77 = tpu.memref_slice %arg2[%dma_wait3A_75, %dma_wait3A_76] : memref<12288x1024xf32, #tpu.memory_space<hbm>> -> memref<12288x1024xf32, #tpu.memory_space<hbm>>
    tpu.wait_indirect_dma semaphore(%arg14 : memref<!tpu.dma_semaphore, #tpu.memory_space<semaphore_mem>>) src(%dma_wait3A_77 : memref<12288x1024xf32, #tpu.memory_space<hbm>>) dst(%dma_wait3A_72 : memref<16x1024xf32, #tpu.memory_space<vmem>>)
    %dma_wait3A_78 = arith.constant 1 : i32
    %dma_wait3A_79 = arith.constant 0 : i32
    %dma_wait3A_80 = arith.constant 0 : i32
    %dma_wait3A_81 = tpu.memref_slice %arg13[%dma_wait3A_78, %dma_wait3A_79, %dma_wait3A_80] : memref<2x16x1024xf32, #tpu.memory_space<vmem>> -> memref<1x16x1024xf32, #tpu.memory_space<vmem>>
    %dma_wait3A_82 = tpu.memref_squeeze %dma_wait3A_81 : memref<1x16x1024xf32, #tpu.memory_space<vmem>> -> memref<16x1024xf32, #tpu.memory_space<vmem>>
    %dma_wait3A_83 = arith.constant 16 : i32
    %dma_wait3A_84 = tpu.memref_slice %arg9[%dma_wait3A_83] : memref<128xi32, #tpu.memory_space<vmem>> -> memref<16xi32, #tpu.memory_space<vmem>>
    %dma_wait3A_85 = arith.constant 0 : i32
    %dma_wait3A_86 = arith.constant 0 : i32
    %dma_wait3A_87 = tpu.memref_slice %arg2[%dma_wait3A_85, %dma_wait3A_86] : memref<12288x1024xf32, #tpu.memory_space<hbm>> -> memref<12288x1024xf32, #tpu.memory_space<hbm>>
    tpu.wait_indirect_dma semaphore(%arg15 : memref<!tpu.dma_semaphore, #tpu.memory_space<semaphore_mem>>) src(%dma_wait3A_87 : memref<12288x1024xf32, #tpu.memory_space<hbm>>) dst(%dma_wait3A_82 : memref<16x1024xf32, #tpu.memory_space<vmem>>)
    %dma_start3A_88 = arith.constant 0 : i32
    %dma_start3A_89 = arith.constant 0 : i32
    %dma_start3A_90 = arith.constant 0 : i32
    %dma_start3A_91 = tpu.memref_slice %arg12[%dma_start3A_88, %dma_start3A_89, %dma_start3A_90] : memref<2x16x1024xf32, #tpu.memory_space<vmem>> -> memref<1x16x1024xf32, #tpu.memory_space<vmem>>
    %dma_start3A_92 = tpu.memref_squeeze %dma_start3A_91 : memref<1x16x1024xf32, #tpu.memory_space<vmem>> -> memref<16x1024xf32, #tpu.memory_space<vmem>>
    %dma_start3A_93 = arith.constant 32 : i32
    %dma_start3A_94 = tpu.memref_slice %arg8[%dma_start3A_93] : memref<128xi32, #tpu.memory_space<vmem>> -> memref<16xi32, #tpu.memory_space<vmem>>
    %dma_start3A_95 = arith.constant 0 : i32
    %dma_start3A_96 = arith.constant 0 : i32
    %dma_start3A_97 = tpu.memref_slice %arg2[%dma_start3A_95, %dma_start3A_96] : memref<12288x1024xf32, #tpu.memory_space<hbm>> -> memref<12288x1024xf32, #tpu.memory_space<hbm>>
    tpu.enqueue_indirect_dma source(%dma_start3A_97 : memref<12288x1024xf32, #tpu.memory_space<hbm>>) target(%dma_start3A_92 : memref<16x1024xf32, #tpu.memory_space<vmem>>) offsets(%dma_start3A_94 : memref<16xi32, #tpu.memory_space<vmem>>) semaphore(%arg14 : memref<!tpu.dma_semaphore, #tpu.memory_space<semaphore_mem>>)
    %dma_start3A_98 = arith.constant 0 : i32
    %dma_start3A_99 = arith.constant 0 : i32
    %dma_start3A_100 = arith.constant 0 : i32
    %dma_start3A_101 = tpu.memref_slice %arg13[%dma_start3A_98, %dma_start3A_99, %dma_start3A_100] : memref<2x16x1024xf32, #tpu.memory_space<vmem>> -> memref<1x16x1024xf32, #tpu.memory_space<vmem>>
    %dma_start3A_102 = tpu.memref_squeeze %dma_start3A_101 : memref<1x16x1024xf32, #tpu.memory_space<vmem>> -> memref<16x1024xf32, #tpu.memory_space<vmem>>
    %dma_start3A_103 = arith.constant 32 : i32
    %dma_start3A_104 = tpu.memref_slice %arg9[%dma_start3A_103] : memref<128xi32, #tpu.memory_space<vmem>> -> memref<16xi32, #tpu.memory_space<vmem>>
    %dma_start3A_105 = arith.constant 0 : i32
    %dma_start3A_106 = arith.constant 0 : i32
    %dma_start3A_107 = tpu.memref_slice %arg2[%dma_start3A_105, %dma_start3A_106] : memref<12288x1024xf32, #tpu.memory_space<hbm>> -> memref<12288x1024xf32, #tpu.memory_space<hbm>>
    tpu.enqueue_indirect_dma source(%dma_start3A_107 : memref<12288x1024xf32, #tpu.memory_space<hbm>>) target(%dma_start3A_102 : memref<16x1024xf32, #tpu.memory_space<vmem>>) offsets(%dma_start3A_104 : memref<16xi32, #tpu.memory_space<vmem>>) semaphore(%arg15 : memref<!tpu.dma_semaphore, #tpu.memory_space<semaphore_mem>>)
    %scan3A_108 = arith.constant 0 : i32
    %scan3A_109 = arith.constant 0 : i32
    %scan3A_110 = arith.constant 16 : i32
    %scan3A_111 = arith.addi %scan3A_109, %scan3A_110 : i32
    %scan3A_112 = arith.constant 1 : i32
    scf.for %scan3A_391 = %scan3A_109 to %scan3A_111 step %scan3A_112  : i32 {
      %add3A_392 = arith.constant 16 : i32
      %add3A_393 = arith.addi %add3A_392, %scan3A_391 : i32
      %get3A = arith.index_cast %add3A_393 : i32 to index
      %get3A_394 = arith.constant 0 : index
      %get3A_395 = tpu.vector_load %arg10[%get3A, %get3A_394] {strides = array<i32>} : memref<128x16xf32, #tpu.memory_space<vmem>>, vector<1x16xf32>,
      %get3A_396 = vector.shape_cast %get3A_395 : vector<1x16xf32> to vector<16xf32>
      %add3A_397 = arith.constant 16 : i32
      %add3A_398 = arith.addi %add3A_397, %scan3A_391 : i32
      %get3A_399 = arith.index_cast %add3A_398 : i32 to index
      %get3A_400 = arith.constant 0 : index
      %get3A_401 = tpu.vector_load %arg11[%get3A_399, %get3A_400] {strides = array<i32>} : memref<128x16xf32, #tpu.memory_space<vmem>>, vector<1x16xf32>,
      %get3A_402 = vector.shape_cast %get3A_401 : vector<1x16xf32> to vector<16xf32>
      %scan3A_403 = arith.constant 0 : i32
      %scan3A_404 = arith.constant 16 : i32
      %scan3A_405 = arith.addi %scan3A_403, %scan3A_404 : i32
      %scan3A_406 = arith.constant 1 : i32
      scf.for %scan3A_408 = %scan3A_403 to %scan3A_405 step %scan3A_406  : i32 {
        %mul3A_409 = arith.constant 64 : i32
        %mul3A_410 = arith.muli %scan3A_408, %mul3A_409 : i32
        %add3A_411 = arith.constant 0 : i32
        %add3A_412 = arith.addi %mul3A_410, %add3A_411 : i32
        %get3A_413 = arith.constant 1 : i32
        %get3A_414 = arith.index_cast %get3A_413 : i32 to index
        %get3A_415 = arith.index_cast %scan3A_391 : i32 to index
        %get3A_416 = arith.index_cast %add3A_412 : i32 to index
        %get3A_417 = tpu.vector_load %arg12[%get3A_414, %get3A_415, %get3A_416] {strides = array<i32>} : memref<2x16x1024xf32, #tpu.memory_space<vmem>>, vector<1x1x16xf32>,
        %get3A_418 = vector.shape_cast %get3A_417 : vector<1x1x16xf32> to vector<16xf32>
        %mul3A_419 = arith.mulf %get3A_396, %get3A_418 : vector<16xf32>
        %get3A_420 = arith.constant 1 : i32
        %get3A_421 = arith.index_cast %get3A_420 : i32 to index
        %get3A_422 = arith.index_cast %scan3A_391 : i32 to index
        %get3A_423 = arith.index_cast %add3A_412 : i32 to index
        %get3A_424 = tpu.vector_load %arg13[%get3A_421, %get3A_422, %get3A_423] {strides = array<i32>} : memref<2x16x1024xf32, #tpu.memory_space<vmem>>, vector<1x1x16xf32>,
        %get3A_425 = vector.shape_cast %get3A_424 : vector<1x1x16xf32> to vector<16xf32>
        %mul3A_426 = arith.mulf %get3A_402, %get3A_425 : vector<16xf32>
        %add3A_427 = arith.addf %mul3A_419, %mul3A_426 : vector<16xf32>
        %swap3A = arith.constant 1 : i32
        %swap3A_428 = arith.index_cast %swap3A : i32 to index
        %swap3A_429 = arith.index_cast %scan3A_391 : i32 to index
        %swap3A_430 = arith.index_cast %add3A_412 : i32 to index
        %swap3A_431 = tpu.vector_load %arg12[%swap3A_428, %swap3A_429, %swap3A_430] {strides = array<i32>} : memref<2x16x1024xf32, #tpu.memory_space<vmem>>, vector<1x1x16xf32>,
        %swap3A_432 = vector.shape_cast %swap3A_431 : vector<1x1x16xf32> to vector<16xf32>
        %swap3A_433 = vector.shape_cast %add3A_427 : vector<16xf32> to vector<1x1x16xf32>
        tpu.vector_store %arg12[%swap3A_428, %swap3A_429, %swap3A_430], %swap3A_433 {strides = array<i32>} : memref<2x16x1024xf32, #tpu.memory_space<vmem>>, vector<1x1x16xf32>,
        %add3A_434 = arith.constant 16 : i32
        %add3A_435 = arith.addi %mul3A_410, %add3A_434 : i32
        %get3A_436 = arith.constant 1 : i32
        %get3A_437 = arith.index_cast %get3A_436 : i32 to index
        %get3A_438 = arith.index_cast %scan3A_391 : i32 to index
        %get3A_439 = arith.index_cast %add3A_435 : i32 to index
        %get3A_440 = tpu.vector_load %arg12[%get3A_437, %get3A_438, %get3A_439] {strides = array<i32>} : memref<2x16x1024xf32, #tpu.memory_space<vmem>>, vector<1x1x16xf32>,
        %get3A_441 = vector.shape_cast %get3A_440 : vector<1x1x16xf32> to vector<16xf32>
        %mul3A_442 = arith.mulf %get3A_396, %get3A_441 : vector<16xf32>
        %get3A_443 = arith.constant 1 : i32
        %get3A_444 = arith.index_cast %get3A_443 : i32 to index
        %get3A_445 = arith.index_cast %scan3A_391 : i32 to index
        %get3A_446 = arith.index_cast %add3A_435 : i32 to index
        %get3A_447 = tpu.vector_load %arg13[%get3A_444, %get3A_445, %get3A_446] {strides = array<i32>} : memref<2x16x1024xf32, #tpu.memory_space<vmem>>, vector<1x1x16xf32>,
        %get3A_448 = vector.shape_cast %get3A_447 : vector<1x1x16xf32> to vector<16xf32>
        %mul3A_449 = arith.mulf %get3A_402, %get3A_448 : vector<16xf32>
        %add3A_450 = arith.addf %mul3A_442, %mul3A_449 : vector<16xf32>
        %swap3A_451 = arith.constant 1 : i32
        %swap3A_452 = arith.index_cast %swap3A_451 : i32 to index
        %swap3A_453 = arith.index_cast %scan3A_391 : i32 to index
        %swap3A_454 = arith.index_cast %add3A_435 : i32 to index
        %swap3A_455 = tpu.vector_load %arg12[%swap3A_452, %swap3A_453, %swap3A_454] {strides = array<i32>} : memref<2x16x1024xf32, #tpu.memory_space<vmem>>, vector<1x1x16xf32>,
        %swap3A_456 = vector.shape_cast %swap3A_455 : vector<1x1x16xf32> to vector<16xf32>
        %swap3A_457 = vector.shape_cast %add3A_450 : vector<16xf32> to vector<1x1x16xf32>
        tpu.vector_store %arg12[%swap3A_452, %swap3A_453, %swap3A_454], %swap3A_457 {strides = array<i32>} : memref<2x16x1024xf32, #tpu.memory_space<vmem>>, vector<1x1x16xf32>,
        %add3A_458 = arith.constant 32 : i32
        %add3A_459 = arith.addi %mul3A_410, %add3A_458 : i32
        %get3A_460 = arith.constant 1 : i32
        %get3A_461 = arith.index_cast %get3A_460 : i32 to index
        %get3A_462 = arith.index_cast %scan3A_391 : i32 to index
        %get3A_463 = arith.index_cast %add3A_459 : i32 to index
        %get3A_464 = tpu.vector_load %arg12[%get3A_461, %get3A_462, %get3A_463] {strides = array<i32>} : memref<2x16x1024xf32, #tpu.memory_space<vmem>>, vector<1x1x16xf32>,
        %get3A_465 = vector.shape_cast %get3A_464 : vector<1x1x16xf32> to vector<16xf32>
        %mul3A_466 = arith.mulf %get3A_396, %get3A_465 : vector<16xf32>
        %get3A_467 = arith.constant 1 : i32
        %get3A_468 = arith.index_cast %get3A_467 : i32 to index
        %get3A_469 = arith.index_cast %scan3A_391 : i32 to index
        %get3A_470 = arith.index_cast %add3A_459 : i32 to index
        %get3A_471 = tpu.vector_load %arg13[%get3A_468, %get3A_469, %get3A_470] {strides = array<i32>} : memref<2x16x1024xf32, #tpu.memory_space<vmem>>, vector<1x1x16xf32>,
        %get3A_472 = vector.shape_cast %get3A_471 : vector<1x1x16xf32> to vector<16xf32>
        %mul3A_473 = arith.mulf %get3A_402, %get3A_472 : vector<16xf32>
        %add3A_474 = arith.addf %mul3A_466, %mul3A_473 : vector<16xf32>
        %swap3A_475 = arith.constant 1 : i32
        %swap3A_476 = arith.index_cast %swap3A_475 : i32 to index
        %swap3A_477 = arith.index_cast %scan3A_391 : i32 to index
        %swap3A_478 = arith.index_cast %add3A_459 : i32 to index
        %swap3A_479 = tpu.vector_load %arg12[%swap3A_476, %swap3A_477, %swap3A_478] {strides = array<i32>} : memref<2x16x1024xf32, #tpu.memory_space<vmem>>, vector<1x1x16xf32>,
        %swap3A_480 = vector.shape_cast %swap3A_479 : vector<1x1x16xf32> to vector<16xf32>
        %swap3A_481 = vector.shape_cast %add3A_474 : vector<16xf32> to vector<1x1x16xf32>
        tpu.vector_store %arg12[%swap3A_476, %swap3A_477, %swap3A_478], %swap3A_481 {strides = array<i32>} : memref<2x16x1024xf32, #tpu.memory_space<vmem>>, vector<1x1x16xf32>,
        %add3A_482 = arith.constant 48 : i32
        %add3A_483 = arith.addi %mul3A_410, %add3A_482 : i32
        %get3A_484 = arith.constant 1 : i32
        %get3A_485 = arith.index_cast %get3A_484 : i32 to index
        %get3A_486 = arith.index_cast %scan3A_391 : i32 to index
        %get3A_487 = arith.index_cast %add3A_483 : i32 to index
        %get3A_488 = tpu.vector_load %arg12[%get3A_485, %get3A_486, %get3A_487] {strides = array<i32>} : memref<2x16x1024xf32, #tpu.memory_space<vmem>>, vector<1x1x16xf32>,
        %get3A_489 = vector.shape_cast %get3A_488 : vector<1x1x16xf32> to vector<16xf32>
        %mul3A_490 = arith.mulf %get3A_396, %get3A_489 : vector<16xf32>
        %get3A_491 = arith.constant 1 : i32
        %get3A_492 = arith.index_cast %get3A_491 : i32 to index
        %get3A_493 = arith.index_cast %scan3A_391 : i32 to index
        %get3A_494 = arith.index_cast %add3A_483 : i32 to index
        %get3A_495 = tpu.vector_load %arg13[%get3A_492, %get3A_493, %get3A_494] {strides = array<i32>} : memref<2x16x1024xf32, #tpu.memory_space<vmem>>, vector<1x1x16xf32>,
        %get3A_496 = vector.shape_cast %get3A_495 : vector<1x1x16xf32> to vector<16xf32>
        %mul3A_497 = arith.mulf %get3A_402, %get3A_496 : vector<16xf32>
        %add3A_498 = arith.addf %mul3A_490, %mul3A_497 : vector<16xf32>
        %swap3A_499 = arith.constant 1 : i32
        %swap3A_500 = arith.index_cast %swap3A_499 : i32 to index
        %swap3A_501 = arith.index_cast %scan3A_391 : i32 to index
        %swap3A_502 = arith.index_cast %add3A_483 : i32 to index
        %swap3A_503 = tpu.vector_load %arg12[%swap3A_500, %swap3A_501, %swap3A_502] {strides = array<i32>} : memref<2x16x1024xf32, #tpu.memory_space<vmem>>, vector<1x1x16xf32>,
        %swap3A_504 = vector.shape_cast %swap3A_503 : vector<1x1x16xf32> to vector<16xf32>
        %swap3A_505 = vector.shape_cast %add3A_498 : vector<16xf32> to vector<1x1x16xf32>
        tpu.vector_store %arg12[%swap3A_500, %swap3A_501, %swap3A_502], %swap3A_505 {strides = array<i32>} : memref<2x16x1024xf32, #tpu.memory_space<vmem>>, vector<1x1x16xf32>,
      }
      %scan3A_407 = arith.constant 16 : i32
    }
    %scan3A_113 = arith.constant 16 : i32
    %add3A_114 = arith.constant 16 : i32
    %add3A_115 = arith.addi %mul3A_2, %add3A_114 : i32
    %run_scoped3A_116 = arith.constant 1 : i32
    "tpu.region"() ({
      %run_scoped3A_391 = tpu.sem_alloc : memref<!tpu.dma_semaphore, #tpu.memory_space<semaphore_mem>>
      %dma_start3A_392 = arith.constant 0 : i32
      %dma_start3A_393 = arith.constant 0 : i32
      %dma_start3A_394 = tpu.memref_slice %arg12[%run_scoped3A_116, %dma_start3A_392, %dma_start3A_393] : memref<2x16x1024xf32, #tpu.memory_space<vmem>> -> memref<1x16x1024xf32, #tpu.memory_space<vmem>>
      %dma_start3A_395 = tpu.memref_squeeze %dma_start3A_394 : memref<1x16x1024xf32, #tpu.memory_space<vmem>> -> memref<16x1024xf32, #tpu.memory_space<vmem>>
      %dma_start3A_396 = arith.constant 0 : i32
      %dma_start3A_397 = tpu.memref_slice %arg7[%add3A_115, %dma_start3A_396] : memref<4096x1024xf32, #tpu.memory_space<hbm>> -> memref<16x1024xf32, #tpu.memory_space<hbm>>
      %dma_start3A_398 = arith.constant 0 : i32
      %dma_start3A_399 = tpu.memref_slice %arg7[%add3A_115, %dma_start3A_398] : memref<4096x1024xf32, #tpu.memory_space<hbm>> -> memref<16x1024xf32, #tpu.memory_space<hbm>>
      %dma_start3A_400 = arith.constant 0 : i32
      %dma_start3A_401 = arith.constant 0 : i32
      %dma_start3A_402 = tpu.memref_slice %arg12[%run_scoped3A_116, %dma_start3A_400, %dma_start3A_401] : memref<2x16x1024xf32, #tpu.memory_space<vmem>> -> memref<1x16x1024xf32, #tpu.memory_space<vmem>>
      %dma_start3A_403 = tpu.memref_squeeze %dma_start3A_402 : memref<1x16x1024xf32, #tpu.memory_space<vmem>> -> memref<16x1024xf32, #tpu.memory_space<vmem>>
      tpu.enqueue_dma source(%dma_start3A_403 : memref<16x1024xf32, #tpu.memory_space<vmem>>) target(%dma_start3A_399 : memref<16x1024xf32, #tpu.memory_space<hbm>>) target_semaphore(%run_scoped3A_391 : memref<!tpu.dma_semaphore, #tpu.memory_space<semaphore_mem>>)
      %dma_wait3A_404 = arith.constant 0 : i32
      %dma_wait3A_405 = arith.constant 0 : i32
      %dma_wait3A_406 = tpu.memref_slice %arg12[%run_scoped3A_116, %dma_wait3A_404, %dma_wait3A_405] : memref<2x16x1024xf32, #tpu.memory_space<vmem>> -> memref<1x16x1024xf32, #tpu.memory_space<vmem>>
      %dma_wait3A_407 = tpu.memref_squeeze %dma_wait3A_406 : memref<1x16x1024xf32, #tpu.memory_space<vmem>> -> memref<16x1024xf32, #tpu.memory_space<vmem>>
      %dma_wait3A_408 = arith.constant 0 : i32
      %dma_wait3A_409 = tpu.memref_slice %arg7[%add3A_115, %dma_wait3A_408] : memref<4096x1024xf32, #tpu.memory_space<hbm>> -> memref<16x1024xf32, #tpu.memory_space<hbm>>
      %dma_wait3A_410 = arith.constant 0 : i32
      %dma_wait3A_411 = tpu.memref_slice %arg7[%add3A_115, %dma_wait3A_410] : memref<4096x1024xf32, #tpu.memory_space<hbm>> -> memref<16x1024xf32, #tpu.memory_space<hbm>>
      %dma_wait3A_412 = arith.constant 0 : i32
      %dma_wait3A_413 = arith.constant 0 : i32
      %dma_wait3A_414 = tpu.memref_slice %arg12[%run_scoped3A_116, %dma_wait3A_412, %dma_wait3A_413] : memref<2x16x1024xf32, #tpu.memory_space<vmem>> -> memref<1x16x1024xf32, #tpu.memory_space<vmem>>
      %dma_wait3A_415 = tpu.memref_squeeze %dma_wait3A_414 : memref<1x16x1024xf32, #tpu.memory_space<vmem>> -> memref<16x1024xf32, #tpu.memory_space<vmem>>
      tpu.wait_dma2 semaphore(%run_scoped3A_391 : memref<!tpu.dma_semaphore, #tpu.memory_space<semaphore_mem>>) src(%dma_wait3A_415 : memref<16x1024xf32, #tpu.memory_space<vmem>>) dst(%dma_wait3A_411 : memref<16x1024xf32, #tpu.memory_space<hbm>>)
      tpu.yield
    }) : () -> ()
    %dma_wait3A_117 = arith.constant 0 : i32
    %dma_wait3A_118 = arith.constant 0 : i32
    %dma_wait3A_119 = arith.constant 0 : i32
    %dma_wait3A_120 = tpu.memref_slice %arg12[%dma_wait3A_117, %dma_wait3A_118, %dma_wait3A_119] : memref<2x16x1024xf32, #tpu.memory_space<vmem>> -> memref<1x16x1024xf32, #tpu.memory_space<vmem>>
    %dma_wait3A_121 = tpu.memref_squeeze %dma_wait3A_120 : memref<1x16x1024xf32, #tpu.memory_space<vmem>> -> memref<16x1024xf32, #tpu.memory_space<vmem>>
    %dma_wait3A_122 = arith.constant 32 : i32
    %dma_wait3A_123 = tpu.memref_slice %arg8[%dma_wait3A_122] : memref<128xi32, #tpu.memory_space<vmem>> -> memref<16xi32, #tpu.memory_space<vmem>>
    %dma_wait3A_124 = arith.constant 0 : i32
    %dma_wait3A_125 = arith.constant 0 : i32
    %dma_wait3A_126 = tpu.memref_slice %arg2[%dma_wait3A_124, %dma_wait3A_125] : memref<12288x1024xf32, #tpu.memory_space<hbm>> -> memref<12288x1024xf32, #tpu.memory_space<hbm>>
    tpu.wait_indirect_dma semaphore(%arg14 : memref<!tpu.dma_semaphore, #tpu.memory_space<semaphore_mem>>) src(%dma_wait3A_126 : memref<12288x1024xf32, #tpu.memory_space<hbm>>) dst(%dma_wait3A_121 : memref<16x1024xf32, #tpu.memory_space<vmem>>)
    %dma_wait3A_127 = arith.constant 0 : i32
    %dma_wait3A_128 = arith.constant 0 : i32
    %dma_wait3A_129 = arith.constant 0 : i32
    %dma_wait3A_130 = tpu.memref_slice %arg13[%dma_wait3A_127, %dma_wait3A_128, %dma_wait3A_129] : memref<2x16x1024xf32, #tpu.memory_space<vmem>> -> memref<1x16x1024xf32, #tpu.memory_space<vmem>>
    %dma_wait3A_131 = tpu.memref_squeeze %dma_wait3A_130 : memref<1x16x1024xf32, #tpu.memory_space<vmem>> -> memref<16x1024xf32, #tpu.memory_space<vmem>>
    %dma_wait3A_132 = arith.constant 32 : i32
    %dma_wait3A_133 = tpu.memref_slice %arg9[%dma_wait3A_132] : memref<128xi32, #tpu.memory_space<vmem>> -> memref<16xi32, #tpu.memory_space<vmem>>
    %dma_wait3A_134 = arith.constant 0 : i32
    %dma_wait3A_135 = arith.constant 0 : i32
    %dma_wait3A_136 = tpu.memref_slice %arg2[%dma_wait3A_134, %dma_wait3A_135] : memref<12288x1024xf32, #tpu.memory_space<hbm>> -> memref<12288x1024xf32, #tpu.memory_space<hbm>>
    tpu.wait_indirect_dma semaphore(%arg15 : memref<!tpu.dma_semaphore, #tpu.memory_space<semaphore_mem>>) src(%dma_wait3A_136 : memref<12288x1024xf32, #tpu.memory_space<hbm>>) dst(%dma_wait3A_131 : memref<16x1024xf32, #tpu.memory_space<vmem>>)
    %dma_start3A_137 = arith.constant 1 : i32
    %dma_start3A_138 = arith.constant 0 : i32
    %dma_start3A_139 = arith.constant 0 : i32
    %dma_start3A_140 = tpu.memref_slice %arg12[%dma_start3A_137, %dma_start3A_138, %dma_start3A_139] : memref<2x16x1024xf32, #tpu.memory_space<vmem>> -> memref<1x16x1024xf32, #tpu.memory_space<vmem>>
    %dma_start3A_141 = tpu.memref_squeeze %dma_start3A_140 : memref<1x16x1024xf32, #tpu.memory_space<vmem>> -> memref<16x1024xf32, #tpu.memory_space<vmem>>
    %dma_start3A_142 = arith.constant 48 : i32
    %dma_start3A_143 = tpu.memref_slice %arg8[%dma_start3A_142] : memref<128xi32, #tpu.memory_space<vmem>> -> memref<16xi32, #tpu.memory_space<vmem>>
    %dma_start3A_144 = arith.constant 0 : i32
    %dma_start3A_145 = arith.constant 0 : i32
    %dma_start3A_146 = tpu.memref_slice %arg2[%dma_start3A_144, %dma_start3A_145] : memref<12288x1024xf32, #tpu.memory_space<hbm>> -> memref<12288x1024xf32, #tpu.memory_space<hbm>>
    tpu.enqueue_indirect_dma source(%dma_start3A_146 : memref<12288x1024xf32, #tpu.memory_space<hbm>>) target(%dma_start3A_141 : memref<16x1024xf32, #tpu.memory_space<vmem>>) offsets(%dma_start3A_143 : memref<16xi32, #tpu.memory_space<vmem>>) semaphore(%arg14 : memref<!tpu.dma_semaphore, #tpu.memory_space<semaphore_mem>>)
    %dma_start3A_147 = arith.constant 1 : i32
    %dma_start3A_148 = arith.constant 0 : i32
    %dma_start3A_149 = arith.constant 0 : i32
    %dma_start3A_150 = tpu.memref_slice %arg13[%dma_start3A_147, %dma_start3A_148, %dma_start3A_149] : memref<2x16x1024xf32, #tpu.memory_space<vmem>> -> memref<1x16x1024xf32, #tpu.memory_space<vmem>>
    %dma_start3A_151 = tpu.memref_squeeze %dma_start3A_150 : memref<1x16x1024xf32, #tpu.memory_space<vmem>> -> memref<16x1024xf32, #tpu.memory_space<vmem>>
    %dma_start3A_152 = arith.constant 48 : i32
    %dma_start3A_153 = tpu.memref_slice %arg9[%dma_start3A_152] : memref<128xi32, #tpu.memory_space<vmem>> -> memref<16xi32, #tpu.memory_space<vmem>>
    %dma_start3A_154 = arith.constant 0 : i32
    %dma_start3A_155 = arith.constant 0 : i32
    %dma_start3A_156 = tpu.memref_slice %arg2[%dma_start3A_154, %dma_start3A_155] : memref<12288x1024xf32, #tpu.memory_space<hbm>> -> memref<12288x1024xf32, #tpu.memory_space<hbm>>
    tpu.enqueue_indirect_dma source(%dma_start3A_156 : memref<12288x1024xf32, #tpu.memory_space<hbm>>) target(%dma_start3A_151 : memref<16x1024xf32, #tpu.memory_space<vmem>>) offsets(%dma_start3A_153 : memref<16xi32, #tpu.memory_space<vmem>>) semaphore(%arg15 : memref<!tpu.dma_semaphore, #tpu.memory_space<semaphore_mem>>)
    %scan3A_157 = arith.constant 0 : i32
    %scan3A_158 = arith.constant 0 : i32
    %scan3A_159 = arith.constant 16 : i32
    %scan3A_160 = arith.addi %scan3A_158, %scan3A_159 : i32
    %scan3A_161 = arith.constant 1 : i32
    scf.for %scan3A_391 = %scan3A_158 to %scan3A_160 step %scan3A_161  : i32 {
      %add3A_392 = arith.constant 32 : i32
      %add3A_393 = arith.addi %add3A_392, %scan3A_391 : i32
      %get3A = arith.index_cast %add3A_393 : i32 to index
      %get3A_394 = arith.constant 0 : index
      %get3A_395 = tpu.vector_load %arg10[%get3A, %get3A_394] {strides = array<i32>} : memref<128x16xf32, #tpu.memory_space<vmem>>, vector<1x16xf32>,
      %get3A_396 = vector.shape_cast %get3A_395 : vector<1x16xf32> to vector<16xf32>
      %add3A_397 = arith.constant 32 : i32
      %add3A_398 = arith.addi %add3A_397, %scan3A_391 : i32
      %get3A_399 = arith.index_cast %add3A_398 : i32 to index
      %get3A_400 = arith.constant 0 : index
      %get3A_401 = tpu.vector_load %arg11[%get3A_399, %get3A_400] {strides = array<i32>} : memref<128x16xf32, #tpu.memory_space<vmem>>, vector<1x16xf32>,
      %get3A_402 = vector.shape_cast %get3A_401 : vector<1x16xf32> to vector<16xf32>
      %scan3A_403 = arith.constant 0 : i32
      %scan3A_404 = arith.constant 16 : i32
      %scan3A_405 = arith.addi %scan3A_403, %scan3A_404 : i32
      %scan3A_406 = arith.constant 1 : i32
      scf.for %scan3A_408 = %scan3A_403 to %scan3A_405 step %scan3A_406  : i32 {
        %mul3A_409 = arith.constant 64 : i32
        %mul3A_410 = arith.muli %scan3A_408, %mul3A_409 : i32
        %add3A_411 = arith.constant 0 : i32
        %add3A_412 = arith.addi %mul3A_410, %add3A_411 : i32
        %get3A_413 = arith.constant 0 : i32
        %get3A_414 = arith.index_cast %get3A_413 : i32 to index
        %get3A_415 = arith.index_cast %scan3A_391 : i32 to index
        %get3A_416 = arith.index_cast %add3A_412 : i32 to index
        %get3A_417 = tpu.vector_load %arg12[%get3A_414, %get3A_415, %get3A_416] {strides = array<i32>} : memref<2x16x1024xf32, #tpu.memory_space<vmem>>, vector<1x1x16xf32>,
        %get3A_418 = vector.shape_cast %get3A_417 : vector<1x1x16xf32> to vector<16xf32>
        %mul3A_419 = arith.mulf %get3A_396, %get3A_418 : vector<16xf32>
        %get3A_420 = arith.constant 0 : i32
        %get3A_421 = arith.index_cast %get3A_420 : i32 to index
        %get3A_422 = arith.index_cast %scan3A_391 : i32 to index
        %get3A_423 = arith.index_cast %add3A_412 : i32 to index
        %get3A_424 = tpu.vector_load %arg13[%get3A_421, %get3A_422, %get3A_423] {strides = array<i32>} : memref<2x16x1024xf32, #tpu.memory_space<vmem>>, vector<1x1x16xf32>,
        %get3A_425 = vector.shape_cast %get3A_424 : vector<1x1x16xf32> to vector<16xf32>
        %mul3A_426 = arith.mulf %get3A_402, %get3A_425 : vector<16xf32>
        %add3A_427 = arith.addf %mul3A_419, %mul3A_426 : vector<16xf32>
        %swap3A = arith.constant 0 : i32
        %swap3A_428 = arith.index_cast %swap3A : i32 to index
        %swap3A_429 = arith.index_cast %scan3A_391 : i32 to index
        %swap3A_430 = arith.index_cast %add3A_412 : i32 to index
        %swap3A_431 = tpu.vector_load %arg12[%swap3A_428, %swap3A_429, %swap3A_430] {strides = array<i32>} : memref<2x16x1024xf32, #tpu.memory_space<vmem>>, vector<1x1x16xf32>,
        %swap3A_432 = vector.shape_cast %swap3A_431 : vector<1x1x16xf32> to vector<16xf32>
        %swap3A_433 = vector.shape_cast %add3A_427 : vector<16xf32> to vector<1x1x16xf32>
        tpu.vector_store %arg12[%swap3A_428, %swap3A_429, %swap3A_430], %swap3A_433 {strides = array<i32>} : memref<2x16x1024xf32, #tpu.memory_space<vmem>>, vector<1x1x16xf32>,
        %add3A_434 = arith.constant 16 : i32
        %add3A_435 = arith.addi %mul3A_410, %add3A_434 : i32
        %get3A_436 = arith.constant 0 : i32
        %get3A_437 = arith.index_cast %get3A_436 : i32 to index
        %get3A_438 = arith.index_cast %scan3A_391 : i32 to index
        %get3A_439 = arith.index_cast %add3A_435 : i32 to index
        %get3A_440 = tpu.vector_load %arg12[%get3A_437, %get3A_438, %get3A_439] {strides = array<i32>} : memref<2x16x1024xf32, #tpu.memory_space<vmem>>, vector<1x1x16xf32>,
        %get3A_441 = vector.shape_cast %get3A_440 : vector<1x1x16xf32> to vector<16xf32>
        %mul3A_442 = arith.mulf %get3A_396, %get3A_441 : vector<16xf32>
        %get3A_443 = arith.constant 0 : i32
        %get3A_444 = arith.index_cast %get3A_443 : i32 to index
        %get3A_445 = arith.index_cast %scan3A_391 : i32 to index
        %get3A_446 = arith.index_cast %add3A_435 : i32 to index
        %get3A_447 = tpu.vector_load %arg13[%get3A_444, %get3A_445, %get3A_446] {strides = array<i32>} : memref<2x16x1024xf32, #tpu.memory_space<vmem>>, vector<1x1x16xf32>,
        %get3A_448 = vector.shape_cast %get3A_447 : vector<1x1x16xf32> to vector<16xf32>
        %mul3A_449 = arith.mulf %get3A_402, %get3A_448 : vector<16xf32>
        %add3A_450 = arith.addf %mul3A_442, %mul3A_449 : vector<16xf32>
        %swap3A_451 = arith.constant 0 : i32
        %swap3A_452 = arith.index_cast %swap3A_451 : i32 to index
        %swap3A_453 = arith.index_cast %scan3A_391 : i32 to index
        %swap3A_454 = arith.index_cast %add3A_435 : i32 to index
        %swap3A_455 = tpu.vector_load %arg12[%swap3A_452, %swap3A_453, %swap3A_454] {strides = array<i32>} : memref<2x16x1024xf32, #tpu.memory_space<vmem>>, vector<1x1x16xf32>,
        %swap3A_456 = vector.shape_cast %swap3A_455 : vector<1x1x16xf32> to vector<16xf32>
        %swap3A_457 = vector.shape_cast %add3A_450 : vector<16xf32> to vector<1x1x16xf32>
        tpu.vector_store %arg12[%swap3A_452, %swap3A_453, %swap3A_454], %swap3A_457 {strides = array<i32>} : memref<2x16x1024xf32, #tpu.memory_space<vmem>>, vector<1x1x16xf32>,
        %add3A_458 = arith.constant 32 : i32
        %add3A_459 = arith.addi %mul3A_410, %add3A_458 : i32
        %get3A_460 = arith.constant 0 : i32
        %get3A_461 = arith.index_cast %get3A_460 : i32 to index
        %get3A_462 = arith.index_cast %scan3A_391 : i32 to index
        %get3A_463 = arith.index_cast %add3A_459 : i32 to index
        %get3A_464 = tpu.vector_load %arg12[%get3A_461, %get3A_462, %get3A_463] {strides = array<i32>} : memref<2x16x1024xf32, #tpu.memory_space<vmem>>, vector<1x1x16xf32>,
        %get3A_465 = vector.shape_cast %get3A_464 : vector<1x1x16xf32> to vector<16xf32>
        %mul3A_466 = arith.mulf %get3A_396, %get3A_465 : vector<16xf32>
        %get3A_467 = arith.constant 0 : i32
        %get3A_468 = arith.index_cast %get3A_467 : i32 to index
        %get3A_469 = arith.index_cast %scan3A_391 : i32 to index
        %get3A_470 = arith.index_cast %add3A_459 : i32 to index
        %get3A_471 = tpu.vector_load %arg13[%get3A_468, %get3A_469, %get3A_470] {strides = array<i32>} : memref<2x16x1024xf32, #tpu.memory_space<vmem>>, vector<1x1x16xf32>,
        %get3A_472 = vector.shape_cast %get3A_471 : vector<1x1x16xf32> to vector<16xf32>
        %mul3A_473 = arith.mulf %get3A_402, %get3A_472 : vector<16xf32>
        %add3A_474 = arith.addf %mul3A_466, %mul3A_473 : vector<16xf32>
        %swap3A_475 = arith.constant 0 : i32
        %swap3A_476 = arith.index_cast %swap3A_475 : i32 to index
        %swap3A_477 = arith.index_cast %scan3A_391 : i32 to index
        %swap3A_478 = arith.index_cast %add3A_459 : i32 to index
        %swap3A_479 = tpu.vector_load %arg12[%swap3A_476, %swap3A_477, %swap3A_478] {strides = array<i32>} : memref<2x16x1024xf32, #tpu.memory_space<vmem>>, vector<1x1x16xf32>,
        %swap3A_480 = vector.shape_cast %swap3A_479 : vector<1x1x16xf32> to vector<16xf32>
        %swap3A_481 = vector.shape_cast %add3A_474 : vector<16xf32> to vector<1x1x16xf32>
        tpu.vector_store %arg12[%swap3A_476, %swap3A_477, %swap3A_478], %swap3A_481 {strides = array<i32>} : memref<2x16x1024xf32, #tpu.memory_space<vmem>>, vector<1x1x16xf32>,
        %add3A_482 = arith.constant 48 : i32
        %add3A_483 = arith.addi %mul3A_410, %add3A_482 : i32
        %get3A_484 = arith.constant 0 : i32
        %get3A_485 = arith.index_cast %get3A_484 : i32 to index
        %get3A_486 = arith.index_cast %scan3A_391 : i32 to index
        %get3A_487 = arith.index_cast %add3A_483 : i32 to index
        %get3A_488 = tpu.vector_load %arg12[%get3A_485, %get3A_486, %get3A_487] {strides = array<i32>} : memref<2x16x1024xf32, #tpu.memory_space<vmem>>, vector<1x1x16xf32>,
        %get3A_489 = vector.shape_cast %get3A_488 : vector<1x1x16xf32> to vector<16xf32>
        %mul3A_490 = arith.mulf %get3A_396, %get3A_489 : vector<16xf32>
        %get3A_491 = arith.constant 0 : i32
        %get3A_492 = arith.index_cast %get3A_491 : i32 to index
        %get3A_493 = arith.index_cast %scan3A_391 : i32 to index
        %get3A_494 = arith.index_cast %add3A_483 : i32 to index
        %get3A_495 = tpu.vector_load %arg13[%get3A_492, %get3A_493, %get3A_494] {strides = array<i32>} : memref<2x16x1024xf32, #tpu.memory_space<vmem>>, vector<1x1x16xf32>,
        %get3A_496 = vector.shape_cast %get3A_495 : vector<1x1x16xf32> to vector<16xf32>
        %mul3A_497 = arith.mulf %get3A_402, %get3A_496 : vector<16xf32>
        %add3A_498 = arith.addf %mul3A_490, %mul3A_497 : vector<16xf32>
        %swap3A_499 = arith.constant 0 : i32
        %swap3A_500 = arith.index_cast %swap3A_499 : i32 to index
        %swap3A_501 = arith.index_cast %scan3A_391 : i32 to index
        %swap3A_502 = arith.index_cast %add3A_483 : i32 to index
        %swap3A_503 = tpu.vector_load %arg12[%swap3A_500, %swap3A_501, %swap3A_502] {strides = array<i32>} : memref<2x16x1024xf32, #tpu.memory_space<vmem>>, vector<1x1x16xf32>,
        %swap3A_504 = vector.shape_cast %swap3A_503 : vector<1x1x16xf32> to vector<16xf32>
        %swap3A_505 = vector.shape_cast %add3A_498 : vector<16xf32> to vector<1x1x16xf32>
        tpu.vector_store %arg12[%swap3A_500, %swap3A_501, %swap3A_502], %swap3A_505 {strides = array<i32>} : memref<2x16x1024xf32, #tpu.memory_space<vmem>>, vector<1x1x16xf32>,
      }
      %scan3A_407 = arith.constant 16 : i32
    }
    %scan3A_162 = arith.constant 16 : i32
    %add3A_163 = arith.constant 32 : i32
    %add3A_164 = arith.addi %mul3A_2, %add3A_163 : i32
    %run_scoped3A_165 = arith.constant 0 : i32
    "tpu.region"() ({
      %run_scoped3A_391 = tpu.sem_alloc : memref<!tpu.dma_semaphore, #tpu.memory_space<semaphore_mem>>
      %dma_start3A_392 = arith.constant 0 : i32
      %dma_start3A_393 = arith.constant 0 : i32
      %dma_start3A_394 = tpu.memref_slice %arg12[%run_scoped3A_165, %dma_start3A_392, %dma_start3A_393] : memref<2x16x1024xf32, #tpu.memory_space<vmem>> -> memref<1x16x1024xf32, #tpu.memory_space<vmem>>
      %dma_start3A_395 = tpu.memref_squeeze %dma_start3A_394 : memref<1x16x1024xf32, #tpu.memory_space<vmem>> -> memref<16x1024xf32, #tpu.memory_space<vmem>>
      %dma_start3A_396 = arith.constant 0 : i32
      %dma_start3A_397 = tpu.memref_slice %arg7[%add3A_164, %dma_start3A_396] : memref<4096x1024xf32, #tpu.memory_space<hbm>> -> memref<16x1024xf32, #tpu.memory_space<hbm>>
      %dma_start3A_398 = arith.constant 0 : i32
      %dma_start3A_399 = tpu.memref_slice %arg7[%add3A_164, %dma_start3A_398] : memref<4096x1024xf32, #tpu.memory_space<hbm>> -> memref<16x1024xf32, #tpu.memory_space<hbm>>
      %dma_start3A_400 = arith.constant 0 : i32
      %dma_start3A_401 = arith.constant 0 : i32
      %dma_start3A_402 = tpu.memref_slice %arg12[%run_scoped3A_165, %dma_start3A_400, %dma_start3A_401] : memref<2x16x1024xf32, #tpu.memory_space<vmem>> -> memref<1x16x1024xf32, #tpu.memory_space<vmem>>
      %dma_start3A_403 = tpu.memref_squeeze %dma_start3A_402 : memref<1x16x1024xf32, #tpu.memory_space<vmem>> -> memref<16x1024xf32, #tpu.memory_space<vmem>>
      tpu.enqueue_dma source(%dma_start3A_403 : memref<16x1024xf32, #tpu.memory_space<vmem>>) target(%dma_start3A_399 : memref<16x1024xf32, #tpu.memory_space<hbm>>) target_semaphore(%run_scoped3A_391 : memref<!tpu.dma_semaphore, #tpu.memory_space<semaphore_mem>>)
      %dma_wait3A_404 = arith.constant 0 : i32
      %dma_wait3A_405 = arith.constant 0 : i32
      %dma_wait3A_406 = tpu.memref_slice %arg12[%run_scoped3A_165, %dma_wait3A_404, %dma_wait3A_405] : memref<2x16x1024xf32, #tpu.memory_space<vmem>> -> memref<1x16x1024xf32, #tpu.memory_space<vmem>>
      %dma_wait3A_407 = tpu.memref_squeeze %dma_wait3A_406 : memref<1x16x1024xf32, #tpu.memory_space<vmem>> -> memref<16x1024xf32, #tpu.memory_space<vmem>>
      %dma_wait3A_408 = arith.constant 0 : i32
      %dma_wait3A_409 = tpu.memref_slice %arg7[%add3A_164, %dma_wait3A_408] : memref<4096x1024xf32, #tpu.memory_space<hbm>> -> memref<16x1024xf32, #tpu.memory_space<hbm>>
      %dma_wait3A_410 = arith.constant 0 : i32
      %dma_wait3A_411 = tpu.memref_slice %arg7[%add3A_164, %dma_wait3A_410] : memref<4096x1024xf32, #tpu.memory_space<hbm>> -> memref<16x1024xf32, #tpu.memory_space<hbm>>
      %dma_wait3A_412 = arith.constant 0 : i32
      %dma_wait3A_413 = arith.constant 0 : i32
      %dma_wait3A_414 = tpu.memref_slice %arg12[%run_scoped3A_165, %dma_wait3A_412, %dma_wait3A_413] : memref<2x16x1024xf32, #tpu.memory_space<vmem>> -> memref<1x16x1024xf32, #tpu.memory_space<vmem>>
      %dma_wait3A_415 = tpu.memref_squeeze %dma_wait3A_414 : memref<1x16x1024xf32, #tpu.memory_space<vmem>> -> memref<16x1024xf32, #tpu.memory_space<vmem>>
      tpu.wait_dma2 semaphore(%run_scoped3A_391 : memref<!tpu.dma_semaphore, #tpu.memory_space<semaphore_mem>>) src(%dma_wait3A_415 : memref<16x1024xf32, #tpu.memory_space<vmem>>) dst(%dma_wait3A_411 : memref<16x1024xf32, #tpu.memory_space<hbm>>)
      tpu.yield
    }) : () -> ()
    %dma_wait3A_166 = arith.constant 1 : i32
    %dma_wait3A_167 = arith.constant 0 : i32
    %dma_wait3A_168 = arith.constant 0 : i32
    %dma_wait3A_169 = tpu.memref_slice %arg12[%dma_wait3A_166, %dma_wait3A_167, %dma_wait3A_168] : memref<2x16x1024xf32, #tpu.memory_space<vmem>> -> memref<1x16x1024xf32, #tpu.memory_space<vmem>>
    %dma_wait3A_170 = tpu.memref_squeeze %dma_wait3A_169 : memref<1x16x1024xf32, #tpu.memory_space<vmem>> -> memref<16x1024xf32, #tpu.memory_space<vmem>>
    %dma_wait3A_171 = arith.constant 48 : i32
    %dma_wait3A_172 = tpu.memref_slice %arg8[%dma_wait3A_171] : memref<128xi32, #tpu.memory_space<vmem>> -> memref<16xi32, #tpu.memory_space<vmem>>
    %dma_wait3A_173 = arith.constant 0 : i32
    %dma_wait3A_174 = arith.constant 0 : i32
    %dma_wait3A_175 = tpu.memref_slice %arg2[%dma_wait3A_173, %dma_wait3A_174] : memref<12288x1024xf32, #tpu.memory_space<hbm>> -> memref<12288x1024xf32, #tpu.memory_space<hbm>>
    tpu.wait_indirect_dma semaphore(%arg14 : memref<!tpu.dma_semaphore, #tpu.memory_space<semaphore_mem>>) src(%dma_wait3A_175 : memref<12288x1024xf32, #tpu.memory_space<hbm>>) dst(%dma_wait3A_170 : memref<16x1024xf32, #tpu.memory_space<vmem>>)
    %dma_wait3A_176 = arith.constant 1 : i32
    %dma_wait3A_177 = arith.constant 0 : i32
    %dma_wait3A_178 = arith.constant 0 : i32
    %dma_wait3A_179 = tpu.memref_slice %arg13[%dma_wait3A_176, %dma_wait3A_177, %dma_wait3A_178] : memref<2x16x1024xf32, #tpu.memory_space<vmem>> -> memref<1x16x1024xf32, #tpu.memory_space<vmem>>
    %dma_wait3A_180 = tpu.memref_squeeze %dma_wait3A_179 : memref<1x16x1024xf32, #tpu.memory_space<vmem>> -> memref<16x1024xf32, #tpu.memory_space<vmem>>
    %dma_wait3A_181 = arith.constant 48 : i32
    %dma_wait3A_182 = tpu.memref_slice %arg9[%dma_wait3A_181] : memref<128xi32, #tpu.memory_space<vmem>> -> memref<16xi32, #tpu.memory_space<vmem>>
    %dma_wait3A_183 = arith.constant 0 : i32
    %dma_wait3A_184 = arith.constant 0 : i32
    %dma_wait3A_185 = tpu.memref_slice %arg2[%dma_wait3A_183, %dma_wait3A_184] : memref<12288x1024xf32, #tpu.memory_space<hbm>> -> memref<12288x1024xf32, #tpu.memory_space<hbm>>
    tpu.wait_indirect_dma semaphore(%arg15 : memref<!tpu.dma_semaphore, #tpu.memory_space<semaphore_mem>>) src(%dma_wait3A_185 : memref<12288x1024xf32, #tpu.memory_space<hbm>>) dst(%dma_wait3A_180 : memref<16x1024xf32, #tpu.memory_space<vmem>>)
    %dma_start3A_186 = arith.constant 0 : i32
    %dma_start3A_187 = arith.constant 0 : i32
    %dma_start3A_188 = arith.constant 0 : i32
    %dma_start3A_189 = tpu.memref_slice %arg12[%dma_start3A_186, %dma_start3A_187, %dma_start3A_188] : memref<2x16x1024xf32, #tpu.memory_space<vmem>> -> memref<1x16x1024xf32, #tpu.memory_space<vmem>>
    %dma_start3A_190 = tpu.memref_squeeze %dma_start3A_189 : memref<1x16x1024xf32, #tpu.memory_space<vmem>> -> memref<16x1024xf32, #tpu.memory_space<vmem>>
    %dma_start3A_191 = arith.constant 64 : i32
    %dma_start3A_192 = tpu.memref_slice %arg8[%dma_start3A_191] : memref<128xi32, #tpu.memory_space<vmem>> -> memref<16xi32, #tpu.memory_space<vmem>>
    %dma_start3A_193 = arith.constant 0 : i32
    %dma_start3A_194 = arith.constant 0 : i32
    %dma_start3A_195 = tpu.memref_slice %arg2[%dma_start3A_193, %dma_start3A_194] : memref<12288x1024xf32, #tpu.memory_space<hbm>> -> memref<12288x1024xf32, #tpu.memory_space<hbm>>
    tpu.enqueue_indirect_dma source(%dma_start3A_195 : memref<12288x1024xf32, #tpu.memory_space<hbm>>) target(%dma_start3A_190 : memref<16x1024xf32, #tpu.memory_space<vmem>>) offsets(%dma_start3A_192 : memref<16xi32, #tpu.memory_space<vmem>>) semaphore(%arg14 : memref<!tpu.dma_semaphore, #tpu.memory_space<semaphore_mem>>)
    %dma_start3A_196 = arith.constant 0 : i32
    %dma_start3A_197 = arith.constant 0 : i32
    %dma_start3A_198 = arith.constant 0 : i32
    %dma_start3A_199 = tpu.memref_slice %arg13[%dma_start3A_196, %dma_start3A_197, %dma_start3A_198] : memref<2x16x1024xf32, #tpu.memory_space<vmem>> -> memref<1x16x1024xf32, #tpu.memory_space<vmem>>
    %dma_start3A_200 = tpu.memref_squeeze %dma_start3A_199 : memref<1x16x1024xf32, #tpu.memory_space<vmem>> -> memref<16x1024xf32, #tpu.memory_space<vmem>>
    %dma_start3A_201 = arith.constant 64 : i32
    %dma_start3A_202 = tpu.memref_slice %arg9[%dma_start3A_201] : memref<128xi32, #tpu.memory_space<vmem>> -> memref<16xi32, #tpu.memory_space<vmem>>
    %dma_start3A_203 = arith.constant 0 : i32
    %dma_start3A_204 = arith.constant 0 : i32
    %dma_start3A_205 = tpu.memref_slice %arg2[%dma_start3A_203, %dma_start3A_204] : memref<12288x1024xf32, #tpu.memory_space<hbm>> -> memref<12288x1024xf32, #tpu.memory_space<hbm>>
    tpu.enqueue_indirect_dma source(%dma_start3A_205 : memref<12288x1024xf32, #tpu.memory_space<hbm>>) target(%dma_start3A_200 : memref<16x1024xf32, #tpu.memory_space<vmem>>) offsets(%dma_start3A_202 : memref<16xi32, #tpu.memory_space<vmem>>) semaphore(%arg15 : memref<!tpu.dma_semaphore, #tpu.memory_space<semaphore_mem>>)
    %scan3A_206 = arith.constant 0 : i32
    %scan3A_207 = arith.constant 0 : i32
    %scan3A_208 = arith.constant 16 : i32
    %scan3A_209 = arith.addi %scan3A_207, %scan3A_208 : i32
    %scan3A_210 = arith.constant 1 : i32
    scf.for %scan3A_391 = %scan3A_207 to %scan3A_209 step %scan3A_210  : i32 {
      %add3A_392 = arith.constant 48 : i32
      %add3A_393 = arith.addi %add3A_392, %scan3A_391 : i32
      %get3A = arith.index_cast %add3A_393 : i32 to index
      %get3A_394 = arith.constant 0 : index
      %get3A_395 = tpu.vector_load %arg10[%get3A, %get3A_394] {strides = array<i32>} : memref<128x16xf32, #tpu.memory_space<vmem>>, vector<1x16xf32>,
      %get3A_396 = vector.shape_cast %get3A_395 : vector<1x16xf32> to vector<16xf32>
      %add3A_397 = arith.constant 48 : i32
      %add3A_398 = arith.addi %add3A_397, %scan3A_391 : i32
      %get3A_399 = arith.index_cast %add3A_398 : i32 to index
      %get3A_400 = arith.constant 0 : index
      %get3A_401 = tpu.vector_load %arg11[%get3A_399, %get3A_400] {strides = array<i32>} : memref<128x16xf32, #tpu.memory_space<vmem>>, vector<1x16xf32>,
      %get3A_402 = vector.shape_cast %get3A_401 : vector<1x16xf32> to vector<16xf32>
      %scan3A_403 = arith.constant 0 : i32
      %scan3A_404 = arith.constant 16 : i32
      %scan3A_405 = arith.addi %scan3A_403, %scan3A_404 : i32
      %scan3A_406 = arith.constant 1 : i32
      scf.for %scan3A_408 = %scan3A_403 to %scan3A_405 step %scan3A_406  : i32 {
        %mul3A_409 = arith.constant 64 : i32
        %mul3A_410 = arith.muli %scan3A_408, %mul3A_409 : i32
        %add3A_411 = arith.constant 0 : i32
        %add3A_412 = arith.addi %mul3A_410, %add3A_411 : i32
        %get3A_413 = arith.constant 1 : i32
        %get3A_414 = arith.index_cast %get3A_413 : i32 to index
        %get3A_415 = arith.index_cast %scan3A_391 : i32 to index
        %get3A_416 = arith.index_cast %add3A_412 : i32 to index
        %get3A_417 = tpu.vector_load %arg12[%get3A_414, %get3A_415, %get3A_416] {strides = array<i32>} : memref<2x16x1024xf32, #tpu.memory_space<vmem>>, vector<1x1x16xf32>,
        %get3A_418 = vector.shape_cast %get3A_417 : vector<1x1x16xf32> to vector<16xf32>
        %mul3A_419 = arith.mulf %get3A_396, %get3A_418 : vector<16xf32>
        %get3A_420 = arith.constant 1 : i32
        %get3A_421 = arith.index_cast %get3A_420 : i32 to index
        %get3A_422 = arith.index_cast %scan3A_391 : i32 to index
        %get3A_423 = arith.index_cast %add3A_412 : i32 to index
        %get3A_424 = tpu.vector_load %arg13[%get3A_421, %get3A_422, %get3A_423] {strides = array<i32>} : memref<2x16x1024xf32, #tpu.memory_space<vmem>>, vector<1x1x16xf32>,
        %get3A_425 = vector.shape_cast %get3A_424 : vector<1x1x16xf32> to vector<16xf32>
        %mul3A_426 = arith.mulf %get3A_402, %get3A_425 : vector<16xf32>
        %add3A_427 = arith.addf %mul3A_419, %mul3A_426 : vector<16xf32>
        %swap3A = arith.constant 1 : i32
        %swap3A_428 = arith.index_cast %swap3A : i32 to index
        %swap3A_429 = arith.index_cast %scan3A_391 : i32 to index
        %swap3A_430 = arith.index_cast %add3A_412 : i32 to index
        %swap3A_431 = tpu.vector_load %arg12[%swap3A_428, %swap3A_429, %swap3A_430] {strides = array<i32>} : memref<2x16x1024xf32, #tpu.memory_space<vmem>>, vector<1x1x16xf32>,
        %swap3A_432 = vector.shape_cast %swap3A_431 : vector<1x1x16xf32> to vector<16xf32>
        %swap3A_433 = vector.shape_cast %add3A_427 : vector<16xf32> to vector<1x1x16xf32>
        tpu.vector_store %arg12[%swap3A_428, %swap3A_429, %swap3A_430], %swap3A_433 {strides = array<i32>} : memref<2x16x1024xf32, #tpu.memory_space<vmem>>, vector<1x1x16xf32>,
        %add3A_434 = arith.constant 16 : i32
        %add3A_435 = arith.addi %mul3A_410, %add3A_434 : i32
        %get3A_436 = arith.constant 1 : i32
        %get3A_437 = arith.index_cast %get3A_436 : i32 to index
        %get3A_438 = arith.index_cast %scan3A_391 : i32 to index
        %get3A_439 = arith.index_cast %add3A_435 : i32 to index
        %get3A_440 = tpu.vector_load %arg12[%get3A_437, %get3A_438, %get3A_439] {strides = array<i32>} : memref<2x16x1024xf32, #tpu.memory_space<vmem>>, vector<1x1x16xf32>,
        %get3A_441 = vector.shape_cast %get3A_440 : vector<1x1x16xf32> to vector<16xf32>
        %mul3A_442 = arith.mulf %get3A_396, %get3A_441 : vector<16xf32>
        %get3A_443 = arith.constant 1 : i32
        %get3A_444 = arith.index_cast %get3A_443 : i32 to index
        %get3A_445 = arith.index_cast %scan3A_391 : i32 to index
        %get3A_446 = arith.index_cast %add3A_435 : i32 to index
        %get3A_447 = tpu.vector_load %arg13[%get3A_444, %get3A_445, %get3A_446] {strides = array<i32>} : memref<2x16x1024xf32, #tpu.memory_space<vmem>>, vector<1x1x16xf32>,
        %get3A_448 = vector.shape_cast %get3A_447 : vector<1x1x16xf32> to vector<16xf32>
        %mul3A_449 = arith.mulf %get3A_402, %get3A_448 : vector<16xf32>
        %add3A_450 = arith.addf %mul3A_442, %mul3A_449 : vector<16xf32>
        %swap3A_451 = arith.constant 1 : i32
        %swap3A_452 = arith.index_cast %swap3A_451 : i32 to index
        %swap3A_453 = arith.index_cast %scan3A_391 : i32 to index
        %swap3A_454 = arith.index_cast %add3A_435 : i32 to index
        %swap3A_455 = tpu.vector_load %arg12[%swap3A_452, %swap3A_453, %swap3A_454] {strides = array<i32>} : memref<2x16x1024xf32, #tpu.memory_space<vmem>>, vector<1x1x16xf32>,
        %swap3A_456 = vector.shape_cast %swap3A_455 : vector<1x1x16xf32> to vector<16xf32>
        %swap3A_457 = vector.shape_cast %add3A_450 : vector<16xf32> to vector<1x1x16xf32>
        tpu.vector_store %arg12[%swap3A_452, %swap3A_453, %swap3A_454], %swap3A_457 {strides = array<i32>} : memref<2x16x1024xf32, #tpu.memory_space<vmem>>, vector<1x1x16xf32>,
        %add3A_458 = arith.constant 32 : i32
        %add3A_459 = arith.addi %mul3A_410, %add3A_458 : i32
        %get3A_460 = arith.constant 1 : i32
        %get3A_461 = arith.index_cast %get3A_460 : i32 to index
        %get3A_462 = arith.index_cast %scan3A_391 : i32 to index
        %get3A_463 = arith.index_cast %add3A_459 : i32 to index
        %get3A_464 = tpu.vector_load %arg12[%get3A_461, %get3A_462, %get3A_463] {strides = array<i32>} : memref<2x16x1024xf32, #tpu.memory_space<vmem>>, vector<1x1x16xf32>,
        %get3A_465 = vector.shape_cast %get3A_464 : vector<1x1x16xf32> to vector<16xf32>
        %mul3A_466 = arith.mulf %get3A_396, %get3A_465 : vector<16xf32>
        %get3A_467 = arith.constant 1 : i32
        %get3A_468 = arith.index_cast %get3A_467 : i32 to index
        %get3A_469 = arith.index_cast %scan3A_391 : i32 to index
        %get3A_470 = arith.index_cast %add3A_459 : i32 to index
        %get3A_471 = tpu.vector_load %arg13[%get3A_468, %get3A_469, %get3A_470] {strides = array<i32>} : memref<2x16x1024xf32, #tpu.memory_space<vmem>>, vector<1x1x16xf32>,
        %get3A_472 = vector.shape_cast %get3A_471 : vector<1x1x16xf32> to vector<16xf32>
        %mul3A_473 = arith.mulf %get3A_402, %get3A_472 : vector<16xf32>
        %add3A_474 = arith.addf %mul3A_466, %mul3A_473 : vector<16xf32>
        %swap3A_475 = arith.constant 1 : i32
        %swap3A_476 = arith.index_cast %swap3A_475 : i32 to index
        %swap3A_477 = arith.index_cast %scan3A_391 : i32 to index
        %swap3A_478 = arith.index_cast %add3A_459 : i32 to index
        %swap3A_479 = tpu.vector_load %arg12[%swap3A_476, %swap3A_477, %swap3A_478] {strides = array<i32>} : memref<2x16x1024xf32, #tpu.memory_space<vmem>>, vector<1x1x16xf32>,
        %swap3A_480 = vector.shape_cast %swap3A_479 : vector<1x1x16xf32> to vector<16xf32>
        %swap3A_481 = vector.shape_cast %add3A_474 : vector<16xf32> to vector<1x1x16xf32>
        tpu.vector_store %arg12[%swap3A_476, %swap3A_477, %swap3A_478], %swap3A_481 {strides = array<i32>} : memref<2x16x1024xf32, #tpu.memory_space<vmem>>, vector<1x1x16xf32>,
        %add3A_482 = arith.constant 48 : i32
        %add3A_483 = arith.addi %mul3A_410, %add3A_482 : i32
        %get3A_484 = arith.constant 1 : i32
        %get3A_485 = arith.index_cast %get3A_484 : i32 to index
        %get3A_486 = arith.index_cast %scan3A_391 : i32 to index
        %get3A_487 = arith.index_cast %add3A_483 : i32 to index
        %get3A_488 = tpu.vector_load %arg12[%get3A_485, %get3A_486, %get3A_487] {strides = array<i32>} : memref<2x16x1024xf32, #tpu.memory_space<vmem>>, vector<1x1x16xf32>,
        %get3A_489 = vector.shape_cast %get3A_488 : vector<1x1x16xf32> to vector<16xf32>
        %mul3A_490 = arith.mulf %get3A_396, %get3A_489 : vector<16xf32>
        %get3A_491 = arith.constant 1 : i32
        %get3A_492 = arith.index_cast %get3A_491 : i32 to index
        %get3A_493 = arith.index_cast %scan3A_391 : i32 to index
        %get3A_494 = arith.index_cast %add3A_483 : i32 to index
        %get3A_495 = tpu.vector_load %arg13[%get3A_492, %get3A_493, %get3A_494] {strides = array<i32>} : memref<2x16x1024xf32, #tpu.memory_space<vmem>>, vector<1x1x16xf32>,
        %get3A_496 = vector.shape_cast %get3A_495 : vector<1x1x16xf32> to vector<16xf32>
        %mul3A_497 = arith.mulf %get3A_402, %get3A_496 : vector<16xf32>
        %add3A_498 = arith.addf %mul3A_490, %mul3A_497 : vector<16xf32>
        %swap3A_499 = arith.constant 1 : i32
        %swap3A_500 = arith.index_cast %swap3A_499 : i32 to index
        %swap3A_501 = arith.index_cast %scan3A_391 : i32 to index
        %swap3A_502 = arith.index_cast %add3A_483 : i32 to index
        %swap3A_503 = tpu.vector_load %arg12[%swap3A_500, %swap3A_501, %swap3A_502] {strides = array<i32>} : memref<2x16x1024xf32, #tpu.memory_space<vmem>>, vector<1x1x16xf32>,
        %swap3A_504 = vector.shape_cast %swap3A_503 : vector<1x1x16xf32> to vector<16xf32>
        %swap3A_505 = vector.shape_cast %add3A_498 : vector<16xf32> to vector<1x1x16xf32>
        tpu.vector_store %arg12[%swap3A_500, %swap3A_501, %swap3A_502], %swap3A_505 {strides = array<i32>} : memref<2x16x1024xf32, #tpu.memory_space<vmem>>, vector<1x1x16xf32>,
      }
      %scan3A_407 = arith.constant 16 : i32
    }
    %scan3A_211 = arith.constant 16 : i32
    %add3A_212 = arith.constant 48 : i32
    %add3A_213 = arith.addi %mul3A_2, %add3A_212 : i32
    %run_scoped3A_214 = arith.constant 1 : i32
    "tpu.region"() ({
      %run_scoped3A_391 = tpu.sem_alloc : memref<!tpu.dma_semaphore, #tpu.memory_space<semaphore_mem>>
      %dma_start3A_392 = arith.constant 0 : i32
      %dma_start3A_393 = arith.constant 0 : i32
      %dma_start3A_394 = tpu.memref_slice %arg12[%run_scoped3A_214, %dma_start3A_392, %dma_start3A_393] : memref<2x16x1024xf32, #tpu.memory_space<vmem>> -> memref<1x16x1024xf32, #tpu.memory_space<vmem>>
      %dma_start3A_395 = tpu.memref_squeeze %dma_start3A_394 : memref<1x16x1024xf32, #tpu.memory_space<vmem>> -> memref<16x1024xf32, #tpu.memory_space<vmem>>
      %dma_start3A_396 = arith.constant 0 : i32
      %dma_start3A_397 = tpu.memref_slice %arg7[%add3A_213, %dma_start3A_396] : memref<4096x1024xf32, #tpu.memory_space<hbm>> -> memref<16x1024xf32, #tpu.memory_space<hbm>>
      %dma_start3A_398 = arith.constant 0 : i32
      %dma_start3A_399 = tpu.memref_slice %arg7[%add3A_213, %dma_start3A_398] : memref<4096x1024xf32, #tpu.memory_space<hbm>> -> memref<16x1024xf32, #tpu.memory_space<hbm>>
      %dma_start3A_400 = arith.constant 0 : i32
      %dma_start3A_401 = arith.constant 0 : i32
      %dma_start3A_402 = tpu.memref_slice %arg12[%run_scoped3A_214, %dma_start3A_400, %dma_start3A_401] : memref<2x16x1024xf32, #tpu.memory_space<vmem>> -> memref<1x16x1024xf32, #tpu.memory_space<vmem>>
      %dma_start3A_403 = tpu.memref_squeeze %dma_start3A_402 : memref<1x16x1024xf32, #tpu.memory_space<vmem>> -> memref<16x1024xf32, #tpu.memory_space<vmem>>
      tpu.enqueue_dma source(%dma_start3A_403 : memref<16x1024xf32, #tpu.memory_space<vmem>>) target(%dma_start3A_399 : memref<16x1024xf32, #tpu.memory_space<hbm>>) target_semaphore(%run_scoped3A_391 : memref<!tpu.dma_semaphore, #tpu.memory_space<semaphore_mem>>)
      %dma_wait3A_404 = arith.constant 0 : i32
      %dma_wait3A_405 = arith.constant 0 : i32
      %dma_wait3A_406 = tpu.memref_slice %arg12[%run_scoped3A_214, %dma_wait3A_404, %dma_wait3A_405] : memref<2x16x1024xf32, #tpu.memory_space<vmem>> -> memref<1x16x1024xf32, #tpu.memory_space<vmem>>
      %dma_wait3A_407 = tpu.memref_squeeze %dma_wait3A_406 : memref<1x16x1024xf32, #tpu.memory_space<vmem>> -> memref<16x1024xf32, #tpu.memory_space<vmem>>
      %dma_wait3A_408 = arith.constant 0 : i32
      %dma_wait3A_409 = tpu.memref_slice %arg7[%add3A_213, %dma_wait3A_408] : memref<4096x1024xf32, #tpu.memory_space<hbm>> -> memref<16x1024xf32, #tpu.memory_space<hbm>>
      %dma_wait3A_410 = arith.constant 0 : i32
      %dma_wait3A_411 = tpu.memref_slice %arg7[%add3A_213, %dma_wait3A_410] : memref<4096x1024xf32, #tpu.memory_space<hbm>> -> memref<16x1024xf32, #tpu.memory_space<hbm>>
      %dma_wait3A_412 = arith.constant 0 : i32
      %dma_wait3A_413 = arith.constant 0 : i32
      %dma_wait3A_414 = tpu.memref_slice %arg12[%run_scoped3A_214, %dma_wait3A_412, %dma_wait3A_413] : memref<2x16x1024xf32, #tpu.memory_space<vmem>> -> memref<1x16x1024xf32, #tpu.memory_space<vmem>>
      %dma_wait3A_415 = tpu.memref_squeeze %dma_wait3A_414 : memref<1x16x1024xf32, #tpu.memory_space<vmem>> -> memref<16x1024xf32, #tpu.memory_space<vmem>>
      tpu.wait_dma2 semaphore(%run_scoped3A_391 : memref<!tpu.dma_semaphore, #tpu.memory_space<semaphore_mem>>) src(%dma_wait3A_415 : memref<16x1024xf32, #tpu.memory_space<vmem>>) dst(%dma_wait3A_411 : memref<16x1024xf32, #tpu.memory_space<hbm>>)
      tpu.yield
    }) : () -> ()
    %dma_wait3A_215 = arith.constant 0 : i32
    %dma_wait3A_216 = arith.constant 0 : i32
    %dma_wait3A_217 = arith.constant 0 : i32
    %dma_wait3A_218 = tpu.memref_slice %arg12[%dma_wait3A_215, %dma_wait3A_216, %dma_wait3A_217] : memref<2x16x1024xf32, #tpu.memory_space<vmem>> -> memref<1x16x1024xf32, #tpu.memory_space<vmem>>
    %dma_wait3A_219 = tpu.memref_squeeze %dma_wait3A_218 : memref<1x16x1024xf32, #tpu.memory_space<vmem>> -> memref<16x1024xf32, #tpu.memory_space<vmem>>
    %dma_wait3A_220 = arith.constant 64 : i32
    %dma_wait3A_221 = tpu.memref_slice %arg8[%dma_wait3A_220] : memref<128xi32, #tpu.memory_space<vmem>> -> memref<16xi32, #tpu.memory_space<vmem>>
    %dma_wait3A_222 = arith.constant 0 : i32
    %dma_wait3A_223 = arith.constant 0 : i32
    %dma_wait3A_224 = tpu.memref_slice %arg2[%dma_wait3A_222, %dma_wait3A_223] : memref<12288x1024xf32, #tpu.memory_space<hbm>> -> memref<12288x1024xf32, #tpu.memory_space<hbm>>
    tpu.wait_indirect_dma semaphore(%arg14 : memref<!tpu.dma_semaphore, #tpu.memory_space<semaphore_mem>>) src(%dma_wait3A_224 : memref<12288x1024xf32, #tpu.memory_space<hbm>>) dst(%dma_wait3A_219 : memref<16x1024xf32, #tpu.memory_space<vmem>>)
    %dma_wait3A_225 = arith.constant 0 : i32
    %dma_wait3A_226 = arith.constant 0 : i32
    %dma_wait3A_227 = arith.constant 0 : i32
    %dma_wait3A_228 = tpu.memref_slice %arg13[%dma_wait3A_225, %dma_wait3A_226, %dma_wait3A_227] : memref<2x16x1024xf32, #tpu.memory_space<vmem>> -> memref<1x16x1024xf32, #tpu.memory_space<vmem>>
    %dma_wait3A_229 = tpu.memref_squeeze %dma_wait3A_228 : memref<1x16x1024xf32, #tpu.memory_space<vmem>> -> memref<16x1024xf32, #tpu.memory_space<vmem>>
    %dma_wait3A_230 = arith.constant 64 : i32
    %dma_wait3A_231 = tpu.memref_slice %arg9[%dma_wait3A_230] : memref<128xi32, #tpu.memory_space<vmem>> -> memref<16xi32, #tpu.memory_space<vmem>>
    %dma_wait3A_232 = arith.constant 0 : i32
    %dma_wait3A_233 = arith.constant 0 : i32
    %dma_wait3A_234 = tpu.memref_slice %arg2[%dma_wait3A_232, %dma_wait3A_233] : memref<12288x1024xf32, #tpu.memory_space<hbm>> -> memref<12288x1024xf32, #tpu.memory_space<hbm>>
    tpu.wait_indirect_dma semaphore(%arg15 : memref<!tpu.dma_semaphore, #tpu.memory_space<semaphore_mem>>) src(%dma_wait3A_234 : memref<12288x1024xf32, #tpu.memory_space<hbm>>) dst(%dma_wait3A_229 : memref<16x1024xf32, #tpu.memory_space<vmem>>)
    %dma_start3A_235 = arith.constant 1 : i32
    %dma_start3A_236 = arith.constant 0 : i32
    %dma_start3A_237 = arith.constant 0 : i32
    %dma_start3A_238 = tpu.memref_slice %arg12[%dma_start3A_235, %dma_start3A_236, %dma_start3A_237] : memref<2x16x1024xf32, #tpu.memory_space<vmem>> -> memref<1x16x1024xf32, #tpu.memory_space<vmem>>
    %dma_start3A_239 = tpu.memref_squeeze %dma_start3A_238 : memref<1x16x1024xf32, #tpu.memory_space<vmem>> -> memref<16x1024xf32, #tpu.memory_space<vmem>>
    %dma_start3A_240 = arith.constant 80 : i32
    %dma_start3A_241 = tpu.memref_slice %arg8[%dma_start3A_240] : memref<128xi32, #tpu.memory_space<vmem>> -> memref<16xi32, #tpu.memory_space<vmem>>
    %dma_start3A_242 = arith.constant 0 : i32
    %dma_start3A_243 = arith.constant 0 : i32
    %dma_start3A_244 = tpu.memref_slice %arg2[%dma_start3A_242, %dma_start3A_243] : memref<12288x1024xf32, #tpu.memory_space<hbm>> -> memref<12288x1024xf32, #tpu.memory_space<hbm>>
    tpu.enqueue_indirect_dma source(%dma_start3A_244 : memref<12288x1024xf32, #tpu.memory_space<hbm>>) target(%dma_start3A_239 : memref<16x1024xf32, #tpu.memory_space<vmem>>) offsets(%dma_start3A_241 : memref<16xi32, #tpu.memory_space<vmem>>) semaphore(%arg14 : memref<!tpu.dma_semaphore, #tpu.memory_space<semaphore_mem>>)
    %dma_start3A_245 = arith.constant 1 : i32
    %dma_start3A_246 = arith.constant 0 : i32
    %dma_start3A_247 = arith.constant 0 : i32
    %dma_start3A_248 = tpu.memref_slice %arg13[%dma_start3A_245, %dma_start3A_246, %dma_start3A_247] : memref<2x16x1024xf32, #tpu.memory_space<vmem>> -> memref<1x16x1024xf32, #tpu.memory_space<vmem>>
    %dma_start3A_249 = tpu.memref_squeeze %dma_start3A_248 : memref<1x16x1024xf32, #tpu.memory_space<vmem>> -> memref<16x1024xf32, #tpu.memory_space<vmem>>
    %dma_start3A_250 = arith.constant 80 : i32
    %dma_start3A_251 = tpu.memref_slice %arg9[%dma_start3A_250] : memref<128xi32, #tpu.memory_space<vmem>> -> memref<16xi32, #tpu.memory_space<vmem>>
    %dma_start3A_252 = arith.constant 0 : i32
    %dma_start3A_253 = arith.constant 0 : i32
    %dma_start3A_254 = tpu.memref_slice %arg2[%dma_start3A_252, %dma_start3A_253] : memref<12288x1024xf32, #tpu.memory_space<hbm>> -> memref<12288x1024xf32, #tpu.memory_space<hbm>>
    tpu.enqueue_indirect_dma source(%dma_start3A_254 : memref<12288x1024xf32, #tpu.memory_space<hbm>>) target(%dma_start3A_249 : memref<16x1024xf32, #tpu.memory_space<vmem>>) offsets(%dma_start3A_251 : memref<16xi32, #tpu.memory_space<vmem>>) semaphore(%arg15 : memref<!tpu.dma_semaphore, #tpu.memory_space<semaphore_mem>>)
    %scan3A_255 = arith.constant 0 : i32
    %scan3A_256 = arith.constant 0 : i32
    %scan3A_257 = arith.constant 16 : i32
    %scan3A_258 = arith.addi %scan3A_256, %scan3A_257 : i32
    %scan3A_259 = arith.constant 1 : i32
    scf.for %scan3A_391 = %scan3A_256 to %scan3A_258 step %scan3A_259  : i32 {
      %add3A_392 = arith.constant 64 : i32
      %add3A_393 = arith.addi %add3A_392, %scan3A_391 : i32
      %get3A = arith.index_cast %add3A_393 : i32 to index
      %get3A_394 = arith.constant 0 : index
      %get3A_395 = tpu.vector_load %arg10[%get3A, %get3A_394] {strides = array<i32>} : memref<128x16xf32, #tpu.memory_space<vmem>>, vector<1x16xf32>,
      %get3A_396 = vector.shape_cast %get3A_395 : vector<1x16xf32> to vector<16xf32>
      %add3A_397 = arith.constant 64 : i32
      %add3A_398 = arith.addi %add3A_397, %scan3A_391 : i32
      %get3A_399 = arith.index_cast %add3A_398 : i32 to index
      %get3A_400 = arith.constant 0 : index
      %get3A_401 = tpu.vector_load %arg11[%get3A_399, %get3A_400] {strides = array<i32>} : memref<128x16xf32, #tpu.memory_space<vmem>>, vector<1x16xf32>,
      %get3A_402 = vector.shape_cast %get3A_401 : vector<1x16xf32> to vector<16xf32>
      %scan3A_403 = arith.constant 0 : i32
      %scan3A_404 = arith.constant 16 : i32
      %scan3A_405 = arith.addi %scan3A_403, %scan3A_404 : i32
      %scan3A_406 = arith.constant 1 : i32
      scf.for %scan3A_408 = %scan3A_403 to %scan3A_405 step %scan3A_406  : i32 {
        %mul3A_409 = arith.constant 64 : i32
        %mul3A_410 = arith.muli %scan3A_408, %mul3A_409 : i32
        %add3A_411 = arith.constant 0 : i32
        %add3A_412 = arith.addi %mul3A_410, %add3A_411 : i32
        %get3A_413 = arith.constant 0 : i32
        %get3A_414 = arith.index_cast %get3A_413 : i32 to index
        %get3A_415 = arith.index_cast %scan3A_391 : i32 to index
        %get3A_416 = arith.index_cast %add3A_412 : i32 to index
        %get3A_417 = tpu.vector_load %arg12[%get3A_414, %get3A_415, %get3A_416] {strides = array<i32>} : memref<2x16x1024xf32, #tpu.memory_space<vmem>>, vector<1x1x16xf32>,
        %get3A_418 = vector.shape_cast %get3A_417 : vector<1x1x16xf32> to vector<16xf32>
        %mul3A_419 = arith.mulf %get3A_396, %get3A_418 : vector<16xf32>
        %get3A_420 = arith.constant 0 : i32
        %get3A_421 = arith.index_cast %get3A_420 : i32 to index
        %get3A_422 = arith.index_cast %scan3A_391 : i32 to index
        %get3A_423 = arith.index_cast %add3A_412 : i32 to index
        %get3A_424 = tpu.vector_load %arg13[%get3A_421, %get3A_422, %get3A_423] {strides = array<i32>} : memref<2x16x1024xf32, #tpu.memory_space<vmem>>, vector<1x1x16xf32>,
        %get3A_425 = vector.shape_cast %get3A_424 : vector<1x1x16xf32> to vector<16xf32>
        %mul3A_426 = arith.mulf %get3A_402, %get3A_425 : vector<16xf32>
        %add3A_427 = arith.addf %mul3A_419, %mul3A_426 : vector<16xf32>
        %swap3A = arith.constant 0 : i32
        %swap3A_428 = arith.index_cast %swap3A : i32 to index
        %swap3A_429 = arith.index_cast %scan3A_391 : i32 to index
        %swap3A_430 = arith.index_cast %add3A_412 : i32 to index
        %swap3A_431 = tpu.vector_load %arg12[%swap3A_428, %swap3A_429, %swap3A_430] {strides = array<i32>} : memref<2x16x1024xf32, #tpu.memory_space<vmem>>, vector<1x1x16xf32>,
        %swap3A_432 = vector.shape_cast %swap3A_431 : vector<1x1x16xf32> to vector<16xf32>
        %swap3A_433 = vector.shape_cast %add3A_427 : vector<16xf32> to vector<1x1x16xf32>
        tpu.vector_store %arg12[%swap3A_428, %swap3A_429, %swap3A_430], %swap3A_433 {strides = array<i32>} : memref<2x16x1024xf32, #tpu.memory_space<vmem>>, vector<1x1x16xf32>,
        %add3A_434 = arith.constant 16 : i32
        %add3A_435 = arith.addi %mul3A_410, %add3A_434 : i32
        %get3A_436 = arith.constant 0 : i32
        %get3A_437 = arith.index_cast %get3A_436 : i32 to index
        %get3A_438 = arith.index_cast %scan3A_391 : i32 to index
        %get3A_439 = arith.index_cast %add3A_435 : i32 to index
        %get3A_440 = tpu.vector_load %arg12[%get3A_437, %get3A_438, %get3A_439] {strides = array<i32>} : memref<2x16x1024xf32, #tpu.memory_space<vmem>>, vector<1x1x16xf32>,
        %get3A_441 = vector.shape_cast %get3A_440 : vector<1x1x16xf32> to vector<16xf32>
        %mul3A_442 = arith.mulf %get3A_396, %get3A_441 : vector<16xf32>
        %get3A_443 = arith.constant 0 : i32
        %get3A_444 = arith.index_cast %get3A_443 : i32 to index
        %get3A_445 = arith.index_cast %scan3A_391 : i32 to index
        %get3A_446 = arith.index_cast %add3A_435 : i32 to index
        %get3A_447 = tpu.vector_load %arg13[%get3A_444, %get3A_445, %get3A_446] {strides = array<i32>} : memref<2x16x1024xf32, #tpu.memory_space<vmem>>, vector<1x1x16xf32>,
        %get3A_448 = vector.shape_cast %get3A_447 : vector<1x1x16xf32> to vector<16xf32>
        %mul3A_449 = arith.mulf %get3A_402, %get3A_448 : vector<16xf32>
        %add3A_450 = arith.addf %mul3A_442, %mul3A_449 : vector<16xf32>
        %swap3A_451 = arith.constant 0 : i32
        %swap3A_452 = arith.index_cast %swap3A_451 : i32 to index
        %swap3A_453 = arith.index_cast %scan3A_391 : i32 to index
        %swap3A_454 = arith.index_cast %add3A_435 : i32 to index
        %swap3A_455 = tpu.vector_load %arg12[%swap3A_452, %swap3A_453, %swap3A_454] {strides = array<i32>} : memref<2x16x1024xf32, #tpu.memory_space<vmem>>, vector<1x1x16xf32>,
        %swap3A_456 = vector.shape_cast %swap3A_455 : vector<1x1x16xf32> to vector<16xf32>
        %swap3A_457 = vector.shape_cast %add3A_450 : vector<16xf32> to vector<1x1x16xf32>
        tpu.vector_store %arg12[%swap3A_452, %swap3A_453, %swap3A_454], %swap3A_457 {strides = array<i32>} : memref<2x16x1024xf32, #tpu.memory_space<vmem>>, vector<1x1x16xf32>,
        %add3A_458 = arith.constant 32 : i32
        %add3A_459 = arith.addi %mul3A_410, %add3A_458 : i32
        %get3A_460 = arith.constant 0 : i32
        %get3A_461 = arith.index_cast %get3A_460 : i32 to index
        %get3A_462 = arith.index_cast %scan3A_391 : i32 to index
        %get3A_463 = arith.index_cast %add3A_459 : i32 to index
        %get3A_464 = tpu.vector_load %arg12[%get3A_461, %get3A_462, %get3A_463] {strides = array<i32>} : memref<2x16x1024xf32, #tpu.memory_space<vmem>>, vector<1x1x16xf32>,
        %get3A_465 = vector.shape_cast %get3A_464 : vector<1x1x16xf32> to vector<16xf32>
        %mul3A_466 = arith.mulf %get3A_396, %get3A_465 : vector<16xf32>
        %get3A_467 = arith.constant 0 : i32
        %get3A_468 = arith.index_cast %get3A_467 : i32 to index
        %get3A_469 = arith.index_cast %scan3A_391 : i32 to index
        %get3A_470 = arith.index_cast %add3A_459 : i32 to index
        %get3A_471 = tpu.vector_load %arg13[%get3A_468, %get3A_469, %get3A_470] {strides = array<i32>} : memref<2x16x1024xf32, #tpu.memory_space<vmem>>, vector<1x1x16xf32>,
        %get3A_472 = vector.shape_cast %get3A_471 : vector<1x1x16xf32> to vector<16xf32>
        %mul3A_473 = arith.mulf %get3A_402, %get3A_472 : vector<16xf32>
        %add3A_474 = arith.addf %mul3A_466, %mul3A_473 : vector<16xf32>
        %swap3A_475 = arith.constant 0 : i32
        %swap3A_476 = arith.index_cast %swap3A_475 : i32 to index
        %swap3A_477 = arith.index_cast %scan3A_391 : i32 to index
        %swap3A_478 = arith.index_cast %add3A_459 : i32 to index
        %swap3A_479 = tpu.vector_load %arg12[%swap3A_476, %swap3A_477, %swap3A_478] {strides = array<i32>} : memref<2x16x1024xf32, #tpu.memory_space<vmem>>, vector<1x1x16xf32>,
        %swap3A_480 = vector.shape_cast %swap3A_479 : vector<1x1x16xf32> to vector<16xf32>
        %swap3A_481 = vector.shape_cast %add3A_474 : vector<16xf32> to vector<1x1x16xf32>
        tpu.vector_store %arg12[%swap3A_476, %swap3A_477, %swap3A_478], %swap3A_481 {strides = array<i32>} : memref<2x16x1024xf32, #tpu.memory_space<vmem>>, vector<1x1x16xf32>,
        %add3A_482 = arith.constant 48 : i32
        %add3A_483 = arith.addi %mul3A_410, %add3A_482 : i32
        %get3A_484 = arith.constant 0 : i32
        %get3A_485 = arith.index_cast %get3A_484 : i32 to index
        %get3A_486 = arith.index_cast %scan3A_391 : i32 to index
        %get3A_487 = arith.index_cast %add3A_483 : i32 to index
        %get3A_488 = tpu.vector_load %arg12[%get3A_485, %get3A_486, %get3A_487] {strides = array<i32>} : memref<2x16x1024xf32, #tpu.memory_space<vmem>>, vector<1x1x16xf32>,
        %get3A_489 = vector.shape_cast %get3A_488 : vector<1x1x16xf32> to vector<16xf32>
        %mul3A_490 = arith.mulf %get3A_396, %get3A_489 : vector<16xf32>
        %get3A_491 = arith.constant 0 : i32
        %get3A_492 = arith.index_cast %get3A_491 : i32 to index
        %get3A_493 = arith.index_cast %scan3A_391 : i32 to index
        %get3A_494 = arith.index_cast %add3A_483 : i32 to index
        %get3A_495 = tpu.vector_load %arg13[%get3A_492, %get3A_493, %get3A_494] {strides = array<i32>} : memref<2x16x1024xf32, #tpu.memory_space<vmem>>, vector<1x1x16xf32>,
        %get3A_496 = vector.shape_cast %get3A_495 : vector<1x1x16xf32> to vector<16xf32>
        %mul3A_497 = arith.mulf %get3A_402, %get3A_496 : vector<16xf32>
        %add3A_498 = arith.addf %mul3A_490, %mul3A_497 : vector<16xf32>
        %swap3A_499 = arith.constant 0 : i32
        %swap3A_500 = arith.index_cast %swap3A_499 : i32 to index
        %swap3A_501 = arith.index_cast %scan3A_391 : i32 to index
        %swap3A_502 = arith.index_cast %add3A_483 : i32 to index
        %swap3A_503 = tpu.vector_load %arg12[%swap3A_500, %swap3A_501, %swap3A_502] {strides = array<i32>} : memref<2x16x1024xf32, #tpu.memory_space<vmem>>, vector<1x1x16xf32>,
        %swap3A_504 = vector.shape_cast %swap3A_503 : vector<1x1x16xf32> to vector<16xf32>
        %swap3A_505 = vector.shape_cast %add3A_498 : vector<16xf32> to vector<1x1x16xf32>
        tpu.vector_store %arg12[%swap3A_500, %swap3A_501, %swap3A_502], %swap3A_505 {strides = array<i32>} : memref<2x16x1024xf32, #tpu.memory_space<vmem>>, vector<1x1x16xf32>,
      }
      %scan3A_407 = arith.constant 16 : i32
    }
    %scan3A_260 = arith.constant 16 : i32
    %add3A_261 = arith.constant 64 : i32
    %add3A_262 = arith.addi %mul3A_2, %add3A_261 : i32
    %run_scoped3A_263 = arith.constant 0 : i32
    "tpu.region"() ({
      %run_scoped3A_391 = tpu.sem_alloc : memref<!tpu.dma_semaphore, #tpu.memory_space<semaphore_mem>>
      %dma_start3A_392 = arith.constant 0 : i32
      %dma_start3A_393 = arith.constant 0 : i32
      %dma_start3A_394 = tpu.memref_slice %arg12[%run_scoped3A_263, %dma_start3A_392, %dma_start3A_393] : memref<2x16x1024xf32, #tpu.memory_space<vmem>> -> memref<1x16x1024xf32, #tpu.memory_space<vmem>>
      %dma_start3A_395 = tpu.memref_squeeze %dma_start3A_394 : memref<1x16x1024xf32, #tpu.memory_space<vmem>> -> memref<16x1024xf32, #tpu.memory_space<vmem>>
      %dma_start3A_396 = arith.constant 0 : i32
      %dma_start3A_397 = tpu.memref_slice %arg7[%add3A_262, %dma_start3A_396] : memref<4096x1024xf32, #tpu.memory_space<hbm>> -> memref<16x1024xf32, #tpu.memory_space<hbm>>
      %dma_start3A_398 = arith.constant 0 : i32
      %dma_start3A_399 = tpu.memref_slice %arg7[%add3A_262, %dma_start3A_398] : memref<4096x1024xf32, #tpu.memory_space<hbm>> -> memref<16x1024xf32, #tpu.memory_space<hbm>>
      %dma_start3A_400 = arith.constant 0 : i32
      %dma_start3A_401 = arith.constant 0 : i32
      %dma_start3A_402 = tpu.memref_slice %arg12[%run_scoped3A_263, %dma_start3A_400, %dma_start3A_401] : memref<2x16x1024xf32, #tpu.memory_space<vmem>> -> memref<1x16x1024xf32, #tpu.memory_space<vmem>>
      %dma_start3A_403 = tpu.memref_squeeze %dma_start3A_402 : memref<1x16x1024xf32, #tpu.memory_space<vmem>> -> memref<16x1024xf32, #tpu.memory_space<vmem>>
      tpu.enqueue_dma source(%dma_start3A_403 : memref<16x1024xf32, #tpu.memory_space<vmem>>) target(%dma_start3A_399 : memref<16x1024xf32, #tpu.memory_space<hbm>>) target_semaphore(%run_scoped3A_391 : memref<!tpu.dma_semaphore, #tpu.memory_space<semaphore_mem>>)
      %dma_wait3A_404 = arith.constant 0 : i32
      %dma_wait3A_405 = arith.constant 0 : i32
      %dma_wait3A_406 = tpu.memref_slice %arg12[%run_scoped3A_263, %dma_wait3A_404, %dma_wait3A_405] : memref<2x16x1024xf32, #tpu.memory_space<vmem>> -> memref<1x16x1024xf32, #tpu.memory_space<vmem>>
      %dma_wait3A_407 = tpu.memref_squeeze %dma_wait3A_406 : memref<1x16x1024xf32, #tpu.memory_space<vmem>> -> memref<16x1024xf32, #tpu.memory_space<vmem>>
      %dma_wait3A_408 = arith.constant 0 : i32
      %dma_wait3A_409 = tpu.memref_slice %arg7[%add3A_262, %dma_wait3A_408] : memref<4096x1024xf32, #tpu.memory_space<hbm>> -> memref<16x1024xf32, #tpu.memory_space<hbm>>
      %dma_wait3A_410 = arith.constant 0 : i32
      %dma_wait3A_411 = tpu.memref_slice %arg7[%add3A_262, %dma_wait3A_410] : memref<4096x1024xf32, #tpu.memory_space<hbm>> -> memref<16x1024xf32, #tpu.memory_space<hbm>>
      %dma_wait3A_412 = arith.constant 0 : i32
      %dma_wait3A_413 = arith.constant 0 : i32
      %dma_wait3A_414 = tpu.memref_slice %arg12[%run_scoped3A_263, %dma_wait3A_412, %dma_wait3A_413] : memref<2x16x1024xf32, #tpu.memory_space<vmem>> -> memref<1x16x1024xf32, #tpu.memory_space<vmem>>
      %dma_wait3A_415 = tpu.memref_squeeze %dma_wait3A_414 : memref<1x16x1024xf32, #tpu.memory_space<vmem>> -> memref<16x1024xf32, #tpu.memory_space<vmem>>
      tpu.wait_dma2 semaphore(%run_scoped3A_391 : memref<!tpu.dma_semaphore, #tpu.memory_space<semaphore_mem>>) src(%dma_wait3A_415 : memref<16x1024xf32, #tpu.memory_space<vmem>>) dst(%dma_wait3A_411 : memref<16x1024xf32, #tpu.memory_space<hbm>>)
      tpu.yield
    }) : () -> ()
    %dma_wait3A_264 = arith.constant 1 : i32
    %dma_wait3A_265 = arith.constant 0 : i32
    %dma_wait3A_266 = arith.constant 0 : i32
    %dma_wait3A_267 = tpu.memref_slice %arg12[%dma_wait3A_264, %dma_wait3A_265, %dma_wait3A_266] : memref<2x16x1024xf32, #tpu.memory_space<vmem>> -> memref<1x16x1024xf32, #tpu.memory_space<vmem>>
    %dma_wait3A_268 = tpu.memref_squeeze %dma_wait3A_267 : memref<1x16x1024xf32, #tpu.memory_space<vmem>> -> memref<16x1024xf32, #tpu.memory_space<vmem>>
    %dma_wait3A_269 = arith.constant 80 : i32
    %dma_wait3A_270 = tpu.memref_slice %arg8[%dma_wait3A_269] : memref<128xi32, #tpu.memory_space<vmem>> -> memref<16xi32, #tpu.memory_space<vmem>>
    %dma_wait3A_271 = arith.constant 0 : i32
    %dma_wait3A_272 = arith.constant 0 : i32
    %dma_wait3A_273 = tpu.memref_slice %arg2[%dma_wait3A_271, %dma_wait3A_272] : memref<12288x1024xf32, #tpu.memory_space<hbm>> -> memref<12288x1024xf32, #tpu.memory_space<hbm>>
    tpu.wait_indirect_dma semaphore(%arg14 : memref<!tpu.dma_semaphore, #tpu.memory_space<semaphore_mem>>) src(%dma_wait3A_273 : memref<12288x1024xf32, #tpu.memory_space<hbm>>) dst(%dma_wait3A_268 : memref<16x1024xf32, #tpu.memory_space<vmem>>)
    %dma_wait3A_274 = arith.constant 1 : i32
    %dma_wait3A_275 = arith.constant 0 : i32
    %dma_wait3A_276 = arith.constant 0 : i32
    %dma_wait3A_277 = tpu.memref_slice %arg13[%dma_wait3A_274, %dma_wait3A_275, %dma_wait3A_276] : memref<2x16x1024xf32, #tpu.memory_space<vmem>> -> memref<1x16x1024xf32, #tpu.memory_space<vmem>>
    %dma_wait3A_278 = tpu.memref_squeeze %dma_wait3A_277 : memref<1x16x1024xf32, #tpu.memory_space<vmem>> -> memref<16x1024xf32, #tpu.memory_space<vmem>>
    %dma_wait3A_279 = arith.constant 80 : i32
    %dma_wait3A_280 = tpu.memref_slice %arg9[%dma_wait3A_279] : memref<128xi32, #tpu.memory_space<vmem>> -> memref<16xi32, #tpu.memory_space<vmem>>
    %dma_wait3A_281 = arith.constant 0 : i32
    %dma_wait3A_282 = arith.constant 0 : i32
    %dma_wait3A_283 = tpu.memref_slice %arg2[%dma_wait3A_281, %dma_wait3A_282] : memref<12288x1024xf32, #tpu.memory_space<hbm>> -> memref<12288x1024xf32, #tpu.memory_space<hbm>>
    tpu.wait_indirect_dma semaphore(%arg15 : memref<!tpu.dma_semaphore, #tpu.memory_space<semaphore_mem>>) src(%dma_wait3A_283 : memref<12288x1024xf32, #tpu.memory_space<hbm>>) dst(%dma_wait3A_278 : memref<16x1024xf32, #tpu.memory_space<vmem>>)
    %dma_start3A_284 = arith.constant 0 : i32
    %dma_start3A_285 = arith.constant 0 : i32
    %dma_start3A_286 = arith.constant 0 : i32
    %dma_start3A_287 = tpu.memref_slice %arg12[%dma_start3A_284, %dma_start3A_285, %dma_start3A_286] : memref<2x16x1024xf32, #tpu.memory_space<vmem>> -> memref<1x16x1024xf32, #tpu.memory_space<vmem>>
    %dma_start3A_288 = tpu.memref_squeeze %dma_start3A_287 : memref<1x16x1024xf32, #tpu.memory_space<vmem>> -> memref<16x1024xf32, #tpu.memory_space<vmem>>
    %dma_start3A_289 = arith.constant 96 : i32
    %dma_start3A_290 = tpu.memref_slice %arg8[%dma_start3A_289] : memref<128xi32, #tpu.memory_space<vmem>> -> memref<16xi32, #tpu.memory_space<vmem>>
    %dma_start3A_291 = arith.constant 0 : i32
    %dma_start3A_292 = arith.constant 0 : i32
    %dma_start3A_293 = tpu.memref_slice %arg2[%dma_start3A_291, %dma_start3A_292] : memref<12288x1024xf32, #tpu.memory_space<hbm>> -> memref<12288x1024xf32, #tpu.memory_space<hbm>>
    tpu.enqueue_indirect_dma source(%dma_start3A_293 : memref<12288x1024xf32, #tpu.memory_space<hbm>>) target(%dma_start3A_288 : memref<16x1024xf32, #tpu.memory_space<vmem>>) offsets(%dma_start3A_290 : memref<16xi32, #tpu.memory_space<vmem>>) semaphore(%arg14 : memref<!tpu.dma_semaphore, #tpu.memory_space<semaphore_mem>>)
    %dma_start3A_294 = arith.constant 0 : i32
    %dma_start3A_295 = arith.constant 0 : i32
    %dma_start3A_296 = arith.constant 0 : i32
    %dma_start3A_297 = tpu.memref_slice %arg13[%dma_start3A_294, %dma_start3A_295, %dma_start3A_296] : memref<2x16x1024xf32, #tpu.memory_space<vmem>> -> memref<1x16x1024xf32, #tpu.memory_space<vmem>>
    %dma_start3A_298 = tpu.memref_squeeze %dma_start3A_297 : memref<1x16x1024xf32, #tpu.memory_space<vmem>> -> memref<16x1024xf32, #tpu.memory_space<vmem>>
    %dma_start3A_299 = arith.constant 96 : i32
    %dma_start3A_300 = tpu.memref_slice %arg9[%dma_start3A_299] : memref<128xi32, #tpu.memory_space<vmem>> -> memref<16xi32, #tpu.memory_space<vmem>>
    %dma_start3A_301 = arith.constant 0 : i32
    %dma_start3A_302 = arith.constant 0 : i32
    %dma_start3A_303 = tpu.memref_slice %arg2[%dma_start3A_301, %dma_start3A_302] : memref<12288x1024xf32, #tpu.memory_space<hbm>> -> memref<12288x1024xf32, #tpu.memory_space<hbm>>
    tpu.enqueue_indirect_dma source(%dma_start3A_303 : memref<12288x1024xf32, #tpu.memory_space<hbm>>) target(%dma_start3A_298 : memref<16x1024xf32, #tpu.memory_space<vmem>>) offsets(%dma_start3A_300 : memref<16xi32, #tpu.memory_space<vmem>>) semaphore(%arg15 : memref<!tpu.dma_semaphore, #tpu.memory_space<semaphore_mem>>)
    %scan3A_304 = arith.constant 0 : i32
    %scan3A_305 = arith.constant 0 : i32
    %scan3A_306 = arith.constant 16 : i32
    %scan3A_307 = arith.addi %scan3A_305, %scan3A_306 : i32
    %scan3A_308 = arith.constant 1 : i32
    scf.for %scan3A_391 = %scan3A_305 to %scan3A_307 step %scan3A_308  : i32 {
      %add3A_392 = arith.constant 80 : i32
      %add3A_393 = arith.addi %add3A_392, %scan3A_391 : i32
      %get3A = arith.index_cast %add3A_393 : i32 to index
      %get3A_394 = arith.constant 0 : index
      %get3A_395 = tpu.vector_load %arg10[%get3A, %get3A_394] {strides = array<i32>} : memref<128x16xf32, #tpu.memory_space<vmem>>, vector<1x16xf32>,
      %get3A_396 = vector.shape_cast %get3A_395 : vector<1x16xf32> to vector<16xf32>
      %add3A_397 = arith.constant 80 : i32
      %add3A_398 = arith.addi %add3A_397, %scan3A_391 : i32
      %get3A_399 = arith.index_cast %add3A_398 : i32 to index
      %get3A_400 = arith.constant 0 : index
      %get3A_401 = tpu.vector_load %arg11[%get3A_399, %get3A_400] {strides = array<i32>} : memref<128x16xf32, #tpu.memory_space<vmem>>, vector<1x16xf32>,
      %get3A_402 = vector.shape_cast %get3A_401 : vector<1x16xf32> to vector<16xf32>
      %scan3A_403 = arith.constant 0 : i32
      %scan3A_404 = arith.constant 16 : i32
      %scan3A_405 = arith.addi %scan3A_403, %scan3A_404 : i32
      %scan3A_406 = arith.constant 1 : i32
      scf.for %scan3A_408 = %scan3A_403 to %scan3A_405 step %scan3A_406  : i32 {
        %mul3A_409 = arith.constant 64 : i32
        %mul3A_410 = arith.muli %scan3A_408, %mul3A_409 : i32
        %add3A_411 = arith.constant 0 : i32
        %add3A_412 = arith.addi %mul3A_410, %add3A_411 : i32
        %get3A_413 = arith.constant 1 : i32
        %get3A_414 = arith.index_cast %get3A_413 : i32 to index
        %get3A_415 = arith.index_cast %scan3A_391 : i32 to index
        %get3A_416 = arith.index_cast %add3A_412 : i32 to index
        %get3A_417 = tpu.vector_load %arg12[%get3A_414, %get3A_415, %get3A_416] {strides = array<i32>} : memref<2x16x1024xf32, #tpu.memory_space<vmem>>, vector<1x1x16xf32>,
        %get3A_418 = vector.shape_cast %get3A_417 : vector<1x1x16xf32> to vector<16xf32>
        %mul3A_419 = arith.mulf %get3A_396, %get3A_418 : vector<16xf32>
        %get3A_420 = arith.constant 1 : i32
        %get3A_421 = arith.index_cast %get3A_420 : i32 to index
        %get3A_422 = arith.index_cast %scan3A_391 : i32 to index
        %get3A_423 = arith.index_cast %add3A_412 : i32 to index
        %get3A_424 = tpu.vector_load %arg13[%get3A_421, %get3A_422, %get3A_423] {strides = array<i32>} : memref<2x16x1024xf32, #tpu.memory_space<vmem>>, vector<1x1x16xf32>,
        %get3A_425 = vector.shape_cast %get3A_424 : vector<1x1x16xf32> to vector<16xf32>
        %mul3A_426 = arith.mulf %get3A_402, %get3A_425 : vector<16xf32>
        %add3A_427 = arith.addf %mul3A_419, %mul3A_426 : vector<16xf32>
        %swap3A = arith.constant 1 : i32
        %swap3A_428 = arith.index_cast %swap3A : i32 to index
        %swap3A_429 = arith.index_cast %scan3A_391 : i32 to index
        %swap3A_430 = arith.index_cast %add3A_412 : i32 to index
        %swap3A_431 = tpu.vector_load %arg12[%swap3A_428, %swap3A_429, %swap3A_430] {strides = array<i32>} : memref<2x16x1024xf32, #tpu.memory_space<vmem>>, vector<1x1x16xf32>,
        %swap3A_432 = vector.shape_cast %swap3A_431 : vector<1x1x16xf32> to vector<16xf32>
        %swap3A_433 = vector.shape_cast %add3A_427 : vector<16xf32> to vector<1x1x16xf32>
        tpu.vector_store %arg12[%swap3A_428, %swap3A_429, %swap3A_430], %swap3A_433 {strides = array<i32>} : memref<2x16x1024xf32, #tpu.memory_space<vmem>>, vector<1x1x16xf32>,
        %add3A_434 = arith.constant 16 : i32
        %add3A_435 = arith.addi %mul3A_410, %add3A_434 : i32
        %get3A_436 = arith.constant 1 : i32
        %get3A_437 = arith.index_cast %get3A_436 : i32 to index
        %get3A_438 = arith.index_cast %scan3A_391 : i32 to index
        %get3A_439 = arith.index_cast %add3A_435 : i32 to index
        %get3A_440 = tpu.vector_load %arg12[%get3A_437, %get3A_438, %get3A_439] {strides = array<i32>} : memref<2x16x1024xf32, #tpu.memory_space<vmem>>, vector<1x1x16xf32>,
        %get3A_441 = vector.shape_cast %get3A_440 : vector<1x1x16xf32> to vector<16xf32>
        %mul3A_442 = arith.mulf %get3A_396, %get3A_441 : vector<16xf32>
        %get3A_443 = arith.constant 1 : i32
        %get3A_444 = arith.index_cast %get3A_443 : i32 to index
        %get3A_445 = arith.index_cast %scan3A_391 : i32 to index
        %get3A_446 = arith.index_cast %add3A_435 : i32 to index
        %get3A_447 = tpu.vector_load %arg13[%get3A_444, %get3A_445, %get3A_446] {strides = array<i32>} : memref<2x16x1024xf32, #tpu.memory_space<vmem>>, vector<1x1x16xf32>,
        %get3A_448 = vector.shape_cast %get3A_447 : vector<1x1x16xf32> to vector<16xf32>
        %mul3A_449 = arith.mulf %get3A_402, %get3A_448 : vector<16xf32>
        %add3A_450 = arith.addf %mul3A_442, %mul3A_449 : vector<16xf32>
        %swap3A_451 = arith.constant 1 : i32
        %swap3A_452 = arith.index_cast %swap3A_451 : i32 to index
        %swap3A_453 = arith.index_cast %scan3A_391 : i32 to index
        %swap3A_454 = arith.index_cast %add3A_435 : i32 to index
        %swap3A_455 = tpu.vector_load %arg12[%swap3A_452, %swap3A_453, %swap3A_454] {strides = array<i32>} : memref<2x16x1024xf32, #tpu.memory_space<vmem>>, vector<1x1x16xf32>,
        %swap3A_456 = vector.shape_cast %swap3A_455 : vector<1x1x16xf32> to vector<16xf32>
        %swap3A_457 = vector.shape_cast %add3A_450 : vector<16xf32> to vector<1x1x16xf32>
        tpu.vector_store %arg12[%swap3A_452, %swap3A_453, %swap3A_454], %swap3A_457 {strides = array<i32>} : memref<2x16x1024xf32, #tpu.memory_space<vmem>>, vector<1x1x16xf32>,
        %add3A_458 = arith.constant 32 : i32
        %add3A_459 = arith.addi %mul3A_410, %add3A_458 : i32
        %get3A_460 = arith.constant 1 : i32
        %get3A_461 = arith.index_cast %get3A_460 : i32 to index
        %get3A_462 = arith.index_cast %scan3A_391 : i32 to index
        %get3A_463 = arith.index_cast %add3A_459 : i32 to index
        %get3A_464 = tpu.vector_load %arg12[%get3A_461, %get3A_462, %get3A_463] {strides = array<i32>} : memref<2x16x1024xf32, #tpu.memory_space<vmem>>, vector<1x1x16xf32>,
        %get3A_465 = vector.shape_cast %get3A_464 : vector<1x1x16xf32> to vector<16xf32>
        %mul3A_466 = arith.mulf %get3A_396, %get3A_465 : vector<16xf32>
        %get3A_467 = arith.constant 1 : i32
        %get3A_468 = arith.index_cast %get3A_467 : i32 to index
        %get3A_469 = arith.index_cast %scan3A_391 : i32 to index
        %get3A_470 = arith.index_cast %add3A_459 : i32 to index
        %get3A_471 = tpu.vector_load %arg13[%get3A_468, %get3A_469, %get3A_470] {strides = array<i32>} : memref<2x16x1024xf32, #tpu.memory_space<vmem>>, vector<1x1x16xf32>,
        %get3A_472 = vector.shape_cast %get3A_471 : vector<1x1x16xf32> to vector<16xf32>
        %mul3A_473 = arith.mulf %get3A_402, %get3A_472 : vector<16xf32>
        %add3A_474 = arith.addf %mul3A_466, %mul3A_473 : vector<16xf32>
        %swap3A_475 = arith.constant 1 : i32
        %swap3A_476 = arith.index_cast %swap3A_475 : i32 to index
        %swap3A_477 = arith.index_cast %scan3A_391 : i32 to index
        %swap3A_478 = arith.index_cast %add3A_459 : i32 to index
        %swap3A_479 = tpu.vector_load %arg12[%swap3A_476, %swap3A_477, %swap3A_478] {strides = array<i32>} : memref<2x16x1024xf32, #tpu.memory_space<vmem>>, vector<1x1x16xf32>,
        %swap3A_480 = vector.shape_cast %swap3A_479 : vector<1x1x16xf32> to vector<16xf32>
        %swap3A_481 = vector.shape_cast %add3A_474 : vector<16xf32> to vector<1x1x16xf32>
        tpu.vector_store %arg12[%swap3A_476, %swap3A_477, %swap3A_478], %swap3A_481 {strides = array<i32>} : memref<2x16x1024xf32, #tpu.memory_space<vmem>>, vector<1x1x16xf32>,
        %add3A_482 = arith.constant 48 : i32
        %add3A_483 = arith.addi %mul3A_410, %add3A_482 : i32
        %get3A_484 = arith.constant 1 : i32
        %get3A_485 = arith.index_cast %get3A_484 : i32 to index
        %get3A_486 = arith.index_cast %scan3A_391 : i32 to index
        %get3A_487 = arith.index_cast %add3A_483 : i32 to index
        %get3A_488 = tpu.vector_load %arg12[%get3A_485, %get3A_486, %get3A_487] {strides = array<i32>} : memref<2x16x1024xf32, #tpu.memory_space<vmem>>, vector<1x1x16xf32>,
        %get3A_489 = vector.shape_cast %get3A_488 : vector<1x1x16xf32> to vector<16xf32>
        %mul3A_490 = arith.mulf %get3A_396, %get3A_489 : vector<16xf32>
        %get3A_491 = arith.constant 1 : i32
        %get3A_492 = arith.index_cast %get3A_491 : i32 to index
        %get3A_493 = arith.index_cast %scan3A_391 : i32 to index
        %get3A_494 = arith.index_cast %add3A_483 : i32 to index
        %get3A_495 = tpu.vector_load %arg13[%get3A_492, %get3A_493, %get3A_494] {strides = array<i32>} : memref<2x16x1024xf32, #tpu.memory_space<vmem>>, vector<1x1x16xf32>,
        %get3A_496 = vector.shape_cast %get3A_495 : vector<1x1x16xf32> to vector<16xf32>
        %mul3A_497 = arith.mulf %get3A_402, %get3A_496 : vector<16xf32>
        %add3A_498 = arith.addf %mul3A_490, %mul3A_497 : vector<16xf32>
        %swap3A_499 = arith.constant 1 : i32
        %swap3A_500 = arith.index_cast %swap3A_499 : i32 to index
        %swap3A_501 = arith.index_cast %scan3A_391 : i32 to index
        %swap3A_502 = arith.index_cast %add3A_483 : i32 to index
        %swap3A_503 = tpu.vector_load %arg12[%swap3A_500, %swap3A_501, %swap3A_502] {strides = array<i32>} : memref<2x16x1024xf32, #tpu.memory_space<vmem>>, vector<1x1x16xf32>,
        %swap3A_504 = vector.shape_cast %swap3A_503 : vector<1x1x16xf32> to vector<16xf32>
        %swap3A_505 = vector.shape_cast %add3A_498 : vector<16xf32> to vector<1x1x16xf32>
        tpu.vector_store %arg12[%swap3A_500, %swap3A_501, %swap3A_502], %swap3A_505 {strides = array<i32>} : memref<2x16x1024xf32, #tpu.memory_space<vmem>>, vector<1x1x16xf32>,
      }
      %scan3A_407 = arith.constant 16 : i32
    }
    %scan3A_309 = arith.constant 16 : i32
    %add3A_310 = arith.constant 80 : i32
    %add3A_311 = arith.addi %mul3A_2, %add3A_310 : i32
    %run_scoped3A_312 = arith.constant 1 : i32
    "tpu.region"() ({
      %run_scoped3A_391 = tpu.sem_alloc : memref<!tpu.dma_semaphore, #tpu.memory_space<semaphore_mem>>
      %dma_start3A_392 = arith.constant 0 : i32
      %dma_start3A_393 = arith.constant 0 : i32
      %dma_start3A_394 = tpu.memref_slice %arg12[%run_scoped3A_312, %dma_start3A_392, %dma_start3A_393] : memref<2x16x1024xf32, #tpu.memory_space<vmem>> -> memref<1x16x1024xf32, #tpu.memory_space<vmem>>
      %dma_start3A_395 = tpu.memref_squeeze %dma_start3A_394 : memref<1x16x1024xf32, #tpu.memory_space<vmem>> -> memref<16x1024xf32, #tpu.memory_space<vmem>>
      %dma_start3A_396 = arith.constant 0 : i32
      %dma_start3A_397 = tpu.memref_slice %arg7[%add3A_311, %dma_start3A_396] : memref<4096x1024xf32, #tpu.memory_space<hbm>> -> memref<16x1024xf32, #tpu.memory_space<hbm>>
      %dma_start3A_398 = arith.constant 0 : i32
      %dma_start3A_399 = tpu.memref_slice %arg7[%add3A_311, %dma_start3A_398] : memref<4096x1024xf32, #tpu.memory_space<hbm>> -> memref<16x1024xf32, #tpu.memory_space<hbm>>
      %dma_start3A_400 = arith.constant 0 : i32
      %dma_start3A_401 = arith.constant 0 : i32
      %dma_start3A_402 = tpu.memref_slice %arg12[%run_scoped3A_312, %dma_start3A_400, %dma_start3A_401] : memref<2x16x1024xf32, #tpu.memory_space<vmem>> -> memref<1x16x1024xf32, #tpu.memory_space<vmem>>
      %dma_start3A_403 = tpu.memref_squeeze %dma_start3A_402 : memref<1x16x1024xf32, #tpu.memory_space<vmem>> -> memref<16x1024xf32, #tpu.memory_space<vmem>>
      tpu.enqueue_dma source(%dma_start3A_403 : memref<16x1024xf32, #tpu.memory_space<vmem>>) target(%dma_start3A_399 : memref<16x1024xf32, #tpu.memory_space<hbm>>) target_semaphore(%run_scoped3A_391 : memref<!tpu.dma_semaphore, #tpu.memory_space<semaphore_mem>>)
      %dma_wait3A_404 = arith.constant 0 : i32
      %dma_wait3A_405 = arith.constant 0 : i32
      %dma_wait3A_406 = tpu.memref_slice %arg12[%run_scoped3A_312, %dma_wait3A_404, %dma_wait3A_405] : memref<2x16x1024xf32, #tpu.memory_space<vmem>> -> memref<1x16x1024xf32, #tpu.memory_space<vmem>>
      %dma_wait3A_407 = tpu.memref_squeeze %dma_wait3A_406 : memref<1x16x1024xf32, #tpu.memory_space<vmem>> -> memref<16x1024xf32, #tpu.memory_space<vmem>>
      %dma_wait3A_408 = arith.constant 0 : i32
      %dma_wait3A_409 = tpu.memref_slice %arg7[%add3A_311, %dma_wait3A_408] : memref<4096x1024xf32, #tpu.memory_space<hbm>> -> memref<16x1024xf32, #tpu.memory_space<hbm>>
      %dma_wait3A_410 = arith.constant 0 : i32
      %dma_wait3A_411 = tpu.memref_slice %arg7[%add3A_311, %dma_wait3A_410] : memref<4096x1024xf32, #tpu.memory_space<hbm>> -> memref<16x1024xf32, #tpu.memory_space<hbm>>
      %dma_wait3A_412 = arith.constant 0 : i32
      %dma_wait3A_413 = arith.constant 0 : i32
      %dma_wait3A_414 = tpu.memref_slice %arg12[%run_scoped3A_312, %dma_wait3A_412, %dma_wait3A_413] : memref<2x16x1024xf32, #tpu.memory_space<vmem>> -> memref<1x16x1024xf32, #tpu.memory_space<vmem>>
      %dma_wait3A_415 = tpu.memref_squeeze %dma_wait3A_414 : memref<1x16x1024xf32, #tpu.memory_space<vmem>> -> memref<16x1024xf32, #tpu.memory_space<vmem>>
      tpu.wait_dma2 semaphore(%run_scoped3A_391 : memref<!tpu.dma_semaphore, #tpu.memory_space<semaphore_mem>>) src(%dma_wait3A_415 : memref<16x1024xf32, #tpu.memory_space<vmem>>) dst(%dma_wait3A_411 : memref<16x1024xf32, #tpu.memory_space<hbm>>)
      tpu.yield
    }) : () -> ()
    %dma_wait3A_313 = arith.constant 0 : i32
    %dma_wait3A_314 = arith.constant 0 : i32
    %dma_wait3A_315 = arith.constant 0 : i32
    %dma_wait3A_316 = tpu.memref_slice %arg12[%dma_wait3A_313, %dma_wait3A_314, %dma_wait3A_315] : memref<2x16x1024xf32, #tpu.memory_space<vmem>> -> memref<1x16x1024xf32, #tpu.memory_space<vmem>>
    %dma_wait3A_317 = tpu.memref_squeeze %dma_wait3A_316 : memref<1x16x1024xf32, #tpu.memory_space<vmem>> -> memref<16x1024xf32, #tpu.memory_space<vmem>>
    %dma_wait3A_318 = arith.constant 96 : i32
    %dma_wait3A_319 = tpu.memref_slice %arg8[%dma_wait3A_318] : memref<128xi32, #tpu.memory_space<vmem>> -> memref<16xi32, #tpu.memory_space<vmem>>
    %dma_wait3A_320 = arith.constant 0 : i32
    %dma_wait3A_321 = arith.constant 0 : i32
    %dma_wait3A_322 = tpu.memref_slice %arg2[%dma_wait3A_320, %dma_wait3A_321] : memref<12288x1024xf32, #tpu.memory_space<hbm>> -> memref<12288x1024xf32, #tpu.memory_space<hbm>>
    tpu.wait_indirect_dma semaphore(%arg14 : memref<!tpu.dma_semaphore, #tpu.memory_space<semaphore_mem>>) src(%dma_wait3A_322 : memref<12288x1024xf32, #tpu.memory_space<hbm>>) dst(%dma_wait3A_317 : memref<16x1024xf32, #tpu.memory_space<vmem>>)
    %dma_wait3A_323 = arith.constant 0 : i32
    %dma_wait3A_324 = arith.constant 0 : i32
    %dma_wait3A_325 = arith.constant 0 : i32
    %dma_wait3A_326 = tpu.memref_slice %arg13[%dma_wait3A_323, %dma_wait3A_324, %dma_wait3A_325] : memref<2x16x1024xf32, #tpu.memory_space<vmem>> -> memref<1x16x1024xf32, #tpu.memory_space<vmem>>
    %dma_wait3A_327 = tpu.memref_squeeze %dma_wait3A_326 : memref<1x16x1024xf32, #tpu.memory_space<vmem>> -> memref<16x1024xf32, #tpu.memory_space<vmem>>
    %dma_wait3A_328 = arith.constant 96 : i32
    %dma_wait3A_329 = tpu.memref_slice %arg9[%dma_wait3A_328] : memref<128xi32, #tpu.memory_space<vmem>> -> memref<16xi32, #tpu.memory_space<vmem>>
    %dma_wait3A_330 = arith.constant 0 : i32
    %dma_wait3A_331 = arith.constant 0 : i32
    %dma_wait3A_332 = tpu.memref_slice %arg2[%dma_wait3A_330, %dma_wait3A_331] : memref<12288x1024xf32, #tpu.memory_space<hbm>> -> memref<12288x1024xf32, #tpu.memory_space<hbm>>
    tpu.wait_indirect_dma semaphore(%arg15 : memref<!tpu.dma_semaphore, #tpu.memory_space<semaphore_mem>>) src(%dma_wait3A_332 : memref<12288x1024xf32, #tpu.memory_space<hbm>>) dst(%dma_wait3A_327 : memref<16x1024xf32, #tpu.memory_space<vmem>>)
    %dma_start3A_333 = arith.constant 1 : i32
    %dma_start3A_334 = arith.constant 0 : i32
    %dma_start3A_335 = arith.constant 0 : i32
    %dma_start3A_336 = tpu.memref_slice %arg12[%dma_start3A_333, %dma_start3A_334, %dma_start3A_335] : memref<2x16x1024xf32, #tpu.memory_space<vmem>> -> memref<1x16x1024xf32, #tpu.memory_space<vmem>>
    %dma_start3A_337 = tpu.memref_squeeze %dma_start3A_336 : memref<1x16x1024xf32, #tpu.memory_space<vmem>> -> memref<16x1024xf32, #tpu.memory_space<vmem>>
    %dma_start3A_338 = arith.constant 112 : i32
    %dma_start3A_339 = tpu.memref_slice %arg8[%dma_start3A_338] : memref<128xi32, #tpu.memory_space<vmem>> -> memref<16xi32, #tpu.memory_space<vmem>>
    %dma_start3A_340 = arith.constant 0 : i32
    %dma_start3A_341 = arith.constant 0 : i32
    %dma_start3A_342 = tpu.memref_slice %arg2[%dma_start3A_340, %dma_start3A_341] : memref<12288x1024xf32, #tpu.memory_space<hbm>> -> memref<12288x1024xf32, #tpu.memory_space<hbm>>
    tpu.enqueue_indirect_dma source(%dma_start3A_342 : memref<12288x1024xf32, #tpu.memory_space<hbm>>) target(%dma_start3A_337 : memref<16x1024xf32, #tpu.memory_space<vmem>>) offsets(%dma_start3A_339 : memref<16xi32, #tpu.memory_space<vmem>>) semaphore(%arg14 : memref<!tpu.dma_semaphore, #tpu.memory_space<semaphore_mem>>)
    %dma_start3A_343 = arith.constant 1 : i32
    %dma_start3A_344 = arith.constant 0 : i32
    %dma_start3A_345 = arith.constant 0 : i32
    %dma_start3A_346 = tpu.memref_slice %arg13[%dma_start3A_343, %dma_start3A_344, %dma_start3A_345] : memref<2x16x1024xf32, #tpu.memory_space<vmem>> -> memref<1x16x1024xf32, #tpu.memory_space<vmem>>
    %dma_start3A_347 = tpu.memref_squeeze %dma_start3A_346 : memref<1x16x1024xf32, #tpu.memory_space<vmem>> -> memref<16x1024xf32, #tpu.memory_space<vmem>>
    %dma_start3A_348 = arith.constant 112 : i32
    %dma_start3A_349 = tpu.memref_slice %arg9[%dma_start3A_348] : memref<128xi32, #tpu.memory_space<vmem>> -> memref<16xi32, #tpu.memory_space<vmem>>
    %dma_start3A_350 = arith.constant 0 : i32
    %dma_start3A_351 = arith.constant 0 : i32
    %dma_start3A_352 = tpu.memref_slice %arg2[%dma_start3A_350, %dma_start3A_351] : memref<12288x1024xf32, #tpu.memory_space<hbm>> -> memref<12288x1024xf32, #tpu.memory_space<hbm>>
    tpu.enqueue_indirect_dma source(%dma_start3A_352 : memref<12288x1024xf32, #tpu.memory_space<hbm>>) target(%dma_start3A_347 : memref<16x1024xf32, #tpu.memory_space<vmem>>) offsets(%dma_start3A_349 : memref<16xi32, #tpu.memory_space<vmem>>) semaphore(%arg15 : memref<!tpu.dma_semaphore, #tpu.memory_space<semaphore_mem>>)
    %scan3A_353 = arith.constant 0 : i32
    %scan3A_354 = arith.constant 0 : i32
    %scan3A_355 = arith.constant 16 : i32
    %scan3A_356 = arith.addi %scan3A_354, %scan3A_355 : i32
    %scan3A_357 = arith.constant 1 : i32
    scf.for %scan3A_391 = %scan3A_354 to %scan3A_356 step %scan3A_357  : i32 {
      %add3A_392 = arith.constant 96 : i32
      %add3A_393 = arith.addi %add3A_392, %scan3A_391 : i32
      %get3A = arith.index_cast %add3A_393 : i32 to index
      %get3A_394 = arith.constant 0 : index
      %get3A_395 = tpu.vector_load %arg10[%get3A, %get3A_394] {strides = array<i32>} : memref<128x16xf32, #tpu.memory_space<vmem>>, vector<1x16xf32>,
      %get3A_396 = vector.shape_cast %get3A_395 : vector<1x16xf32> to vector<16xf32>
      %add3A_397 = arith.constant 96 : i32
      %add3A_398 = arith.addi %add3A_397, %scan3A_391 : i32
      %get3A_399 = arith.index_cast %add3A_398 : i32 to index
      %get3A_400 = arith.constant 0 : index
      %get3A_401 = tpu.vector_load %arg11[%get3A_399, %get3A_400] {strides = array<i32>} : memref<128x16xf32, #tpu.memory_space<vmem>>, vector<1x16xf32>,
      %get3A_402 = vector.shape_cast %get3A_401 : vector<1x16xf32> to vector<16xf32>
      %scan3A_403 = arith.constant 0 : i32
      %scan3A_404 = arith.constant 16 : i32
      %scan3A_405 = arith.addi %scan3A_403, %scan3A_404 : i32
      %scan3A_406 = arith.constant 1 : i32
      scf.for %scan3A_408 = %scan3A_403 to %scan3A_405 step %scan3A_406  : i32 {
        %mul3A_409 = arith.constant 64 : i32
        %mul3A_410 = arith.muli %scan3A_408, %mul3A_409 : i32
        %add3A_411 = arith.constant 0 : i32
        %add3A_412 = arith.addi %mul3A_410, %add3A_411 : i32
        %get3A_413 = arith.constant 0 : i32
        %get3A_414 = arith.index_cast %get3A_413 : i32 to index
        %get3A_415 = arith.index_cast %scan3A_391 : i32 to index
        %get3A_416 = arith.index_cast %add3A_412 : i32 to index
        %get3A_417 = tpu.vector_load %arg12[%get3A_414, %get3A_415, %get3A_416] {strides = array<i32>} : memref<2x16x1024xf32, #tpu.memory_space<vmem>>, vector<1x1x16xf32>,
        %get3A_418 = vector.shape_cast %get3A_417 : vector<1x1x16xf32> to vector<16xf32>
        %mul3A_419 = arith.mulf %get3A_396, %get3A_418 : vector<16xf32>
        %get3A_420 = arith.constant 0 : i32
        %get3A_421 = arith.index_cast %get3A_420 : i32 to index
        %get3A_422 = arith.index_cast %scan3A_391 : i32 to index
        %get3A_423 = arith.index_cast %add3A_412 : i32 to index
        %get3A_424 = tpu.vector_load %arg13[%get3A_421, %get3A_422, %get3A_423] {strides = array<i32>} : memref<2x16x1024xf32, #tpu.memory_space<vmem>>, vector<1x1x16xf32>,
        %get3A_425 = vector.shape_cast %get3A_424 : vector<1x1x16xf32> to vector<16xf32>
        %mul3A_426 = arith.mulf %get3A_402, %get3A_425 : vector<16xf32>
        %add3A_427 = arith.addf %mul3A_419, %mul3A_426 : vector<16xf32>
        %swap3A = arith.constant 0 : i32
        %swap3A_428 = arith.index_cast %swap3A : i32 to index
        %swap3A_429 = arith.index_cast %scan3A_391 : i32 to index
        %swap3A_430 = arith.index_cast %add3A_412 : i32 to index
        %swap3A_431 = tpu.vector_load %arg12[%swap3A_428, %swap3A_429, %swap3A_430] {strides = array<i32>} : memref<2x16x1024xf32, #tpu.memory_space<vmem>>, vector<1x1x16xf32>,
        %swap3A_432 = vector.shape_cast %swap3A_431 : vector<1x1x16xf32> to vector<16xf32>
        %swap3A_433 = vector.shape_cast %add3A_427 : vector<16xf32> to vector<1x1x16xf32>
        tpu.vector_store %arg12[%swap3A_428, %swap3A_429, %swap3A_430], %swap3A_433 {strides = array<i32>} : memref<2x16x1024xf32, #tpu.memory_space<vmem>>, vector<1x1x16xf32>,
        %add3A_434 = arith.constant 16 : i32
        %add3A_435 = arith.addi %mul3A_410, %add3A_434 : i32
        %get3A_436 = arith.constant 0 : i32
        %get3A_437 = arith.index_cast %get3A_436 : i32 to index
        %get3A_438 = arith.index_cast %scan3A_391 : i32 to index
        %get3A_439 = arith.index_cast %add3A_435 : i32 to index
        %get3A_440 = tpu.vector_load %arg12[%get3A_437, %get3A_438, %get3A_439] {strides = array<i32>} : memref<2x16x1024xf32, #tpu.memory_space<vmem>>, vector<1x1x16xf32>,
        %get3A_441 = vector.shape_cast %get3A_440 : vector<1x1x16xf32> to vector<16xf32>
        %mul3A_442 = arith.mulf %get3A_396, %get3A_441 : vector<16xf32>
        %get3A_443 = arith.constant 0 : i32
        %get3A_444 = arith.index_cast %get3A_443 : i32 to index
        %get3A_445 = arith.index_cast %scan3A_391 : i32 to index
        %get3A_446 = arith.index_cast %add3A_435 : i32 to index
        %get3A_447 = tpu.vector_load %arg13[%get3A_444, %get3A_445, %get3A_446] {strides = array<i32>} : memref<2x16x1024xf32, #tpu.memory_space<vmem>>, vector<1x1x16xf32>,
        %get3A_448 = vector.shape_cast %get3A_447 : vector<1x1x16xf32> to vector<16xf32>
        %mul3A_449 = arith.mulf %get3A_402, %get3A_448 : vector<16xf32>
        %add3A_450 = arith.addf %mul3A_442, %mul3A_449 : vector<16xf32>
        %swap3A_451 = arith.constant 0 : i32
        %swap3A_452 = arith.index_cast %swap3A_451 : i32 to index
        %swap3A_453 = arith.index_cast %scan3A_391 : i32 to index
        %swap3A_454 = arith.index_cast %add3A_435 : i32 to index
        %swap3A_455 = tpu.vector_load %arg12[%swap3A_452, %swap3A_453, %swap3A_454] {strides = array<i32>} : memref<2x16x1024xf32, #tpu.memory_space<vmem>>, vector<1x1x16xf32>,
        %swap3A_456 = vector.shape_cast %swap3A_455 : vector<1x1x16xf32> to vector<16xf32>
        %swap3A_457 = vector.shape_cast %add3A_450 : vector<16xf32> to vector<1x1x16xf32>
        tpu.vector_store %arg12[%swap3A_452, %swap3A_453, %swap3A_454], %swap3A_457 {strides = array<i32>} : memref<2x16x1024xf32, #tpu.memory_space<vmem>>, vector<1x1x16xf32>,
        %add3A_458 = arith.constant 32 : i32
        %add3A_459 = arith.addi %mul3A_410, %add3A_458 : i32
        %get3A_460 = arith.constant 0 : i32
        %get3A_461 = arith.index_cast %get3A_460 : i32 to index
        %get3A_462 = arith.index_cast %scan3A_391 : i32 to index
        %get3A_463 = arith.index_cast %add3A_459 : i32 to index
        %get3A_464 = tpu.vector_load %arg12[%get3A_461, %get3A_462, %get3A_463] {strides = array<i32>} : memref<2x16x1024xf32, #tpu.memory_space<vmem>>, vector<1x1x16xf32>,
        %get3A_465 = vector.shape_cast %get3A_464 : vector<1x1x16xf32> to vector<16xf32>
        %mul3A_466 = arith.mulf %get3A_396, %get3A_465 : vector<16xf32>
        %get3A_467 = arith.constant 0 : i32
        %get3A_468 = arith.index_cast %get3A_467 : i32 to index
        %get3A_469 = arith.index_cast %scan3A_391 : i32 to index
        %get3A_470 = arith.index_cast %add3A_459 : i32 to index
        %get3A_471 = tpu.vector_load %arg13[%get3A_468, %get3A_469, %get3A_470] {strides = array<i32>} : memref<2x16x1024xf32, #tpu.memory_space<vmem>>, vector<1x1x16xf32>,
        %get3A_472 = vector.shape_cast %get3A_471 : vector<1x1x16xf32> to vector<16xf32>
        %mul3A_473 = arith.mulf %get3A_402, %get3A_472 : vector<16xf32>
        %add3A_474 = arith.addf %mul3A_466, %mul3A_473 : vector<16xf32>
        %swap3A_475 = arith.constant 0 : i32
        %swap3A_476 = arith.index_cast %swap3A_475 : i32 to index
        %swap3A_477 = arith.index_cast %scan3A_391 : i32 to index
        %swap3A_478 = arith.index_cast %add3A_459 : i32 to index
        %swap3A_479 = tpu.vector_load %arg12[%swap3A_476, %swap3A_477, %swap3A_478] {strides = array<i32>} : memref<2x16x1024xf32, #tpu.memory_space<vmem>>, vector<1x1x16xf32>,
        %swap3A_480 = vector.shape_cast %swap3A_479 : vector<1x1x16xf32> to vector<16xf32>
        %swap3A_481 = vector.shape_cast %add3A_474 : vector<16xf32> to vector<1x1x16xf32>
        tpu.vector_store %arg12[%swap3A_476, %swap3A_477, %swap3A_478], %swap3A_481 {strides = array<i32>} : memref<2x16x1024xf32, #tpu.memory_space<vmem>>, vector<1x1x16xf32>,
        %add3A_482 = arith.constant 48 : i32
        %add3A_483 = arith.addi %mul3A_410, %add3A_482 : i32
        %get3A_484 = arith.constant 0 : i32
        %get3A_485 = arith.index_cast %get3A_484 : i32 to index
        %get3A_486 = arith.index_cast %scan3A_391 : i32 to index
        %get3A_487 = arith.index_cast %add3A_483 : i32 to index
        %get3A_488 = tpu.vector_load %arg12[%get3A_485, %get3A_486, %get3A_487] {strides = array<i32>} : memref<2x16x1024xf32, #tpu.memory_space<vmem>>, vector<1x1x16xf32>,
        %get3A_489 = vector.shape_cast %get3A_488 : vector<1x1x16xf32> to vector<16xf32>
        %mul3A_490 = arith.mulf %get3A_396, %get3A_489 : vector<16xf32>
        %get3A_491 = arith.constant 0 : i32
        %get3A_492 = arith.index_cast %get3A_491 : i32 to index
        %get3A_493 = arith.index_cast %scan3A_391 : i32 to index
        %get3A_494 = arith.index_cast %add3A_483 : i32 to index
        %get3A_495 = tpu.vector_load %arg13[%get3A_492, %get3A_493, %get3A_494] {strides = array<i32>} : memref<2x16x1024xf32, #tpu.memory_space<vmem>>, vector<1x1x16xf32>,
        %get3A_496 = vector.shape_cast %get3A_495 : vector<1x1x16xf32> to vector<16xf32>
        %mul3A_497 = arith.mulf %get3A_402, %get3A_496 : vector<16xf32>
        %add3A_498 = arith.addf %mul3A_490, %mul3A_497 : vector<16xf32>
        %swap3A_499 = arith.constant 0 : i32
        %swap3A_500 = arith.index_cast %swap3A_499 : i32 to index
        %swap3A_501 = arith.index_cast %scan3A_391 : i32 to index
        %swap3A_502 = arith.index_cast %add3A_483 : i32 to index
        %swap3A_503 = tpu.vector_load %arg12[%swap3A_500, %swap3A_501, %swap3A_502] {strides = array<i32>} : memref<2x16x1024xf32, #tpu.memory_space<vmem>>, vector<1x1x16xf32>,
        %swap3A_504 = vector.shape_cast %swap3A_503 : vector<1x1x16xf32> to vector<16xf32>
        %swap3A_505 = vector.shape_cast %add3A_498 : vector<16xf32> to vector<1x1x16xf32>
        tpu.vector_store %arg12[%swap3A_500, %swap3A_501, %swap3A_502], %swap3A_505 {strides = array<i32>} : memref<2x16x1024xf32, #tpu.memory_space<vmem>>, vector<1x1x16xf32>,
      }
      %scan3A_407 = arith.constant 16 : i32
    }
    %scan3A_358 = arith.constant 16 : i32
    %add3A_359 = arith.constant 96 : i32
    %add3A_360 = arith.addi %mul3A_2, %add3A_359 : i32
    %run_scoped3A_361 = arith.constant 0 : i32
    "tpu.region"() ({
      %run_scoped3A_391 = tpu.sem_alloc : memref<!tpu.dma_semaphore, #tpu.memory_space<semaphore_mem>>
      %dma_start3A_392 = arith.constant 0 : i32
      %dma_start3A_393 = arith.constant 0 : i32
      %dma_start3A_394 = tpu.memref_slice %arg12[%run_scoped3A_361, %dma_start3A_392, %dma_start3A_393] : memref<2x16x1024xf32, #tpu.memory_space<vmem>> -> memref<1x16x1024xf32, #tpu.memory_space<vmem>>
      %dma_start3A_395 = tpu.memref_squeeze %dma_start3A_394 : memref<1x16x1024xf32, #tpu.memory_space<vmem>> -> memref<16x1024xf32, #tpu.memory_space<vmem>>
      %dma_start3A_396 = arith.constant 0 : i32
      %dma_start3A_397 = tpu.memref_slice %arg7[%add3A_360, %dma_start3A_396] : memref<4096x1024xf32, #tpu.memory_space<hbm>> -> memref<16x1024xf32, #tpu.memory_space<hbm>>
      %dma_start3A_398 = arith.constant 0 : i32
      %dma_start3A_399 = tpu.memref_slice %arg7[%add3A_360, %dma_start3A_398] : memref<4096x1024xf32, #tpu.memory_space<hbm>> -> memref<16x1024xf32, #tpu.memory_space<hbm>>
      %dma_start3A_400 = arith.constant 0 : i32
      %dma_start3A_401 = arith.constant 0 : i32
      %dma_start3A_402 = tpu.memref_slice %arg12[%run_scoped3A_361, %dma_start3A_400, %dma_start3A_401] : memref<2x16x1024xf32, #tpu.memory_space<vmem>> -> memref<1x16x1024xf32, #tpu.memory_space<vmem>>
      %dma_start3A_403 = tpu.memref_squeeze %dma_start3A_402 : memref<1x16x1024xf32, #tpu.memory_space<vmem>> -> memref<16x1024xf32, #tpu.memory_space<vmem>>
      tpu.enqueue_dma source(%dma_start3A_403 : memref<16x1024xf32, #tpu.memory_space<vmem>>) target(%dma_start3A_399 : memref<16x1024xf32, #tpu.memory_space<hbm>>) target_semaphore(%run_scoped3A_391 : memref<!tpu.dma_semaphore, #tpu.memory_space<semaphore_mem>>)
      %dma_wait3A_404 = arith.constant 0 : i32
      %dma_wait3A_405 = arith.constant 0 : i32
      %dma_wait3A_406 = tpu.memref_slice %arg12[%run_scoped3A_361, %dma_wait3A_404, %dma_wait3A_405] : memref<2x16x1024xf32, #tpu.memory_space<vmem>> -> memref<1x16x1024xf32, #tpu.memory_space<vmem>>
      %dma_wait3A_407 = tpu.memref_squeeze %dma_wait3A_406 : memref<1x16x1024xf32, #tpu.memory_space<vmem>> -> memref<16x1024xf32, #tpu.memory_space<vmem>>
      %dma_wait3A_408 = arith.constant 0 : i32
      %dma_wait3A_409 = tpu.memref_slice %arg7[%add3A_360, %dma_wait3A_408] : memref<4096x1024xf32, #tpu.memory_space<hbm>> -> memref<16x1024xf32, #tpu.memory_space<hbm>>
      %dma_wait3A_410 = arith.constant 0 : i32
      %dma_wait3A_411 = tpu.memref_slice %arg7[%add3A_360, %dma_wait3A_410] : memref<4096x1024xf32, #tpu.memory_space<hbm>> -> memref<16x1024xf32, #tpu.memory_space<hbm>>
      %dma_wait3A_412 = arith.constant 0 : i32
      %dma_wait3A_413 = arith.constant 0 : i32
      %dma_wait3A_414 = tpu.memref_slice %arg12[%run_scoped3A_361, %dma_wait3A_412, %dma_wait3A_413] : memref<2x16x1024xf32, #tpu.memory_space<vmem>> -> memref<1x16x1024xf32, #tpu.memory_space<vmem>>
      %dma_wait3A_415 = tpu.memref_squeeze %dma_wait3A_414 : memref<1x16x1024xf32, #tpu.memory_space<vmem>> -> memref<16x1024xf32, #tpu.memory_space<vmem>>
      tpu.wait_dma2 semaphore(%run_scoped3A_391 : memref<!tpu.dma_semaphore, #tpu.memory_space<semaphore_mem>>) src(%dma_wait3A_415 : memref<16x1024xf32, #tpu.memory_space<vmem>>) dst(%dma_wait3A_411 : memref<16x1024xf32, #tpu.memory_space<hbm>>)
      tpu.yield
    }) : () -> ()
    %dma_wait3A_362 = arith.constant 1 : i32
    %dma_wait3A_363 = arith.constant 0 : i32
    %dma_wait3A_364 = arith.constant 0 : i32
    %dma_wait3A_365 = tpu.memref_slice %arg12[%dma_wait3A_362, %dma_wait3A_363, %dma_wait3A_364] : memref<2x16x1024xf32, #tpu.memory_space<vmem>> -> memref<1x16x1024xf32, #tpu.memory_space<vmem>>
    %dma_wait3A_366 = tpu.memref_squeeze %dma_wait3A_365 : memref<1x16x1024xf32, #tpu.memory_space<vmem>> -> memref<16x1024xf32, #tpu.memory_space<vmem>>
    %dma_wait3A_367 = arith.constant 112 : i32
    %dma_wait3A_368 = tpu.memref_slice %arg8[%dma_wait3A_367] : memref<128xi32, #tpu.memory_space<vmem>> -> memref<16xi32, #tpu.memory_space<vmem>>
    %dma_wait3A_369 = arith.constant 0 : i32
    %dma_wait3A_370 = arith.constant 0 : i32
    %dma_wait3A_371 = tpu.memref_slice %arg2[%dma_wait3A_369, %dma_wait3A_370] : memref<12288x1024xf32, #tpu.memory_space<hbm>> -> memref<12288x1024xf32, #tpu.memory_space<hbm>>
    tpu.wait_indirect_dma semaphore(%arg14 : memref<!tpu.dma_semaphore, #tpu.memory_space<semaphore_mem>>) src(%dma_wait3A_371 : memref<12288x1024xf32, #tpu.memory_space<hbm>>) dst(%dma_wait3A_366 : memref<16x1024xf32, #tpu.memory_space<vmem>>)
    %dma_wait3A_372 = arith.constant 1 : i32
    %dma_wait3A_373 = arith.constant 0 : i32
    %dma_wait3A_374 = arith.constant 0 : i32
    %dma_wait3A_375 = tpu.memref_slice %arg13[%dma_wait3A_372, %dma_wait3A_373, %dma_wait3A_374] : memref<2x16x1024xf32, #tpu.memory_space<vmem>> -> memref<1x16x1024xf32, #tpu.memory_space<vmem>>
    %dma_wait3A_376 = tpu.memref_squeeze %dma_wait3A_375 : memref<1x16x1024xf32, #tpu.memory_space<vmem>> -> memref<16x1024xf32, #tpu.memory_space<vmem>>
    %dma_wait3A_377 = arith.constant 112 : i32
    %dma_wait3A_378 = tpu.memref_slice %arg9[%dma_wait3A_377] : memref<128xi32, #tpu.memory_space<vmem>> -> memref<16xi32, #tpu.memory_space<vmem>>
    %dma_wait3A_379 = arith.constant 0 : i32
    %dma_wait3A_380 = arith.constant 0 : i32
    %dma_wait3A_381 = tpu.memref_slice %arg2[%dma_wait3A_379, %dma_wait3A_380] : memref<12288x1024xf32, #tpu.memory_space<hbm>> -> memref<12288x1024xf32, #tpu.memory_space<hbm>>
    tpu.wait_indirect_dma semaphore(%arg15 : memref<!tpu.dma_semaphore, #tpu.memory_space<semaphore_mem>>) src(%dma_wait3A_381 : memref<12288x1024xf32, #tpu.memory_space<hbm>>) dst(%dma_wait3A_376 : memref<16x1024xf32, #tpu.memory_space<vmem>>)
    %scan3A_382 = arith.constant 0 : i32
    %scan3A_383 = arith.constant 0 : i32
    %scan3A_384 = arith.constant 16 : i32
    %scan3A_385 = arith.addi %scan3A_383, %scan3A_384 : i32
    %scan3A_386 = arith.constant 1 : i32
    scf.for %scan3A_391 = %scan3A_383 to %scan3A_385 step %scan3A_386  : i32 {
      %add3A_392 = arith.constant 112 : i32
      %add3A_393 = arith.addi %add3A_392, %scan3A_391 : i32
      %get3A = arith.index_cast %add3A_393 : i32 to index
      %get3A_394 = arith.constant 0 : index
      %get3A_395 = tpu.vector_load %arg10[%get3A, %get3A_394] {strides = array<i32>} : memref<128x16xf32, #tpu.memory_space<vmem>>, vector<1x16xf32>,
      %get3A_396 = vector.shape_cast %get3A_395 : vector<1x16xf32> to vector<16xf32>
      %add3A_397 = arith.constant 112 : i32
      %add3A_398 = arith.addi %add3A_397, %scan3A_391 : i32
      %get3A_399 = arith.index_cast %add3A_398 : i32 to index
      %get3A_400 = arith.constant 0 : index
      %get3A_401 = tpu.vector_load %arg11[%get3A_399, %get3A_400] {strides = array<i32>} : memref<128x16xf32, #tpu.memory_space<vmem>>, vector<1x16xf32>,
      %get3A_402 = vector.shape_cast %get3A_401 : vector<1x16xf32> to vector<16xf32>
      %scan3A_403 = arith.constant 0 : i32
      %scan3A_404 = arith.constant 16 : i32
      %scan3A_405 = arith.addi %scan3A_403, %scan3A_404 : i32
      %scan3A_406 = arith.constant 1 : i32
      scf.for %scan3A_408 = %scan3A_403 to %scan3A_405 step %scan3A_406  : i32 {
        %mul3A_409 = arith.constant 64 : i32
        %mul3A_410 = arith.muli %scan3A_408, %mul3A_409 : i32
        %add3A_411 = arith.constant 0 : i32
        %add3A_412 = arith.addi %mul3A_410, %add3A_411 : i32
        %get3A_413 = arith.constant 1 : i32
        %get3A_414 = arith.index_cast %get3A_413 : i32 to index
        %get3A_415 = arith.index_cast %scan3A_391 : i32 to index
        %get3A_416 = arith.index_cast %add3A_412 : i32 to index
        %get3A_417 = tpu.vector_load %arg12[%get3A_414, %get3A_415, %get3A_416] {strides = array<i32>} : memref<2x16x1024xf32, #tpu.memory_space<vmem>>, vector<1x1x16xf32>,
        %get3A_418 = vector.shape_cast %get3A_417 : vector<1x1x16xf32> to vector<16xf32>
        %mul3A_419 = arith.mulf %get3A_396, %get3A_418 : vector<16xf32>
        %get3A_420 = arith.constant 1 : i32
        %get3A_421 = arith.index_cast %get3A_420 : i32 to index
        %get3A_422 = arith.index_cast %scan3A_391 : i32 to index
        %get3A_423 = arith.index_cast %add3A_412 : i32 to index
        %get3A_424 = tpu.vector_load %arg13[%get3A_421, %get3A_422, %get3A_423] {strides = array<i32>} : memref<2x16x1024xf32, #tpu.memory_space<vmem>>, vector<1x1x16xf32>,
        %get3A_425 = vector.shape_cast %get3A_424 : vector<1x1x16xf32> to vector<16xf32>
        %mul3A_426 = arith.mulf %get3A_402, %get3A_425 : vector<16xf32>
        %add3A_427 = arith.addf %mul3A_419, %mul3A_426 : vector<16xf32>
        %swap3A = arith.constant 1 : i32
        %swap3A_428 = arith.index_cast %swap3A : i32 to index
        %swap3A_429 = arith.index_cast %scan3A_391 : i32 to index
        %swap3A_430 = arith.index_cast %add3A_412 : i32 to index
        %swap3A_431 = tpu.vector_load %arg12[%swap3A_428, %swap3A_429, %swap3A_430] {strides = array<i32>} : memref<2x16x1024xf32, #tpu.memory_space<vmem>>, vector<1x1x16xf32>,
        %swap3A_432 = vector.shape_cast %swap3A_431 : vector<1x1x16xf32> to vector<16xf32>
        %swap3A_433 = vector.shape_cast %add3A_427 : vector<16xf32> to vector<1x1x16xf32>
        tpu.vector_store %arg12[%swap3A_428, %swap3A_429, %swap3A_430], %swap3A_433 {strides = array<i32>} : memref<2x16x1024xf32, #tpu.memory_space<vmem>>, vector<1x1x16xf32>,
        %add3A_434 = arith.constant 16 : i32
        %add3A_435 = arith.addi %mul3A_410, %add3A_434 : i32
        %get3A_436 = arith.constant 1 : i32
        %get3A_437 = arith.index_cast %get3A_436 : i32 to index
        %get3A_438 = arith.index_cast %scan3A_391 : i32 to index
        %get3A_439 = arith.index_cast %add3A_435 : i32 to index
        %get3A_440 = tpu.vector_load %arg12[%get3A_437, %get3A_438, %get3A_439] {strides = array<i32>} : memref<2x16x1024xf32, #tpu.memory_space<vmem>>, vector<1x1x16xf32>,
        %get3A_441 = vector.shape_cast %get3A_440 : vector<1x1x16xf32> to vector<16xf32>
        %mul3A_442 = arith.mulf %get3A_396, %get3A_441 : vector<16xf32>
        %get3A_443 = arith.constant 1 : i32
        %get3A_444 = arith.index_cast %get3A_443 : i32 to index
        %get3A_445 = arith.index_cast %scan3A_391 : i32 to index
        %get3A_446 = arith.index_cast %add3A_435 : i32 to index
        %get3A_447 = tpu.vector_load %arg13[%get3A_444, %get3A_445, %get3A_446] {strides = array<i32>} : memref<2x16x1024xf32, #tpu.memory_space<vmem>>, vector<1x1x16xf32>,
        %get3A_448 = vector.shape_cast %get3A_447 : vector<1x1x16xf32> to vector<16xf32>
        %mul3A_449 = arith.mulf %get3A_402, %get3A_448 : vector<16xf32>
        %add3A_450 = arith.addf %mul3A_442, %mul3A_449 : vector<16xf32>
        %swap3A_451 = arith.constant 1 : i32
        %swap3A_452 = arith.index_cast %swap3A_451 : i32 to index
        %swap3A_453 = arith.index_cast %scan3A_391 : i32 to index
        %swap3A_454 = arith.index_cast %add3A_435 : i32 to index
        %swap3A_455 = tpu.vector_load %arg12[%swap3A_452, %swap3A_453, %swap3A_454] {strides = array<i32>} : memref<2x16x1024xf32, #tpu.memory_space<vmem>>, vector<1x1x16xf32>,
        %swap3A_456 = vector.shape_cast %swap3A_455 : vector<1x1x16xf32> to vector<16xf32>
        %swap3A_457 = vector.shape_cast %add3A_450 : vector<16xf32> to vector<1x1x16xf32>
        tpu.vector_store %arg12[%swap3A_452, %swap3A_453, %swap3A_454], %swap3A_457 {strides = array<i32>} : memref<2x16x1024xf32, #tpu.memory_space<vmem>>, vector<1x1x16xf32>,
        %add3A_458 = arith.constant 32 : i32
        %add3A_459 = arith.addi %mul3A_410, %add3A_458 : i32
        %get3A_460 = arith.constant 1 : i32
        %get3A_461 = arith.index_cast %get3A_460 : i32 to index
        %get3A_462 = arith.index_cast %scan3A_391 : i32 to index
        %get3A_463 = arith.index_cast %add3A_459 : i32 to index
        %get3A_464 = tpu.vector_load %arg12[%get3A_461, %get3A_462, %get3A_463] {strides = array<i32>} : memref<2x16x1024xf32, #tpu.memory_space<vmem>>, vector<1x1x16xf32>,
        %get3A_465 = vector.shape_cast %get3A_464 : vector<1x1x16xf32> to vector<16xf32>
        %mul3A_466 = arith.mulf %get3A_396, %get3A_465 : vector<16xf32>
        %get3A_467 = arith.constant 1 : i32
        %get3A_468 = arith.index_cast %get3A_467 : i32 to index
        %get3A_469 = arith.index_cast %scan3A_391 : i32 to index
        %get3A_470 = arith.index_cast %add3A_459 : i32 to index
        %get3A_471 = tpu.vector_load %arg13[%get3A_468, %get3A_469, %get3A_470] {strides = array<i32>} : memref<2x16x1024xf32, #tpu.memory_space<vmem>>, vector<1x1x16xf32>,
        %get3A_472 = vector.shape_cast %get3A_471 : vector<1x1x16xf32> to vector<16xf32>
        %mul3A_473 = arith.mulf %get3A_402, %get3A_472 : vector<16xf32>
        %add3A_474 = arith.addf %mul3A_466, %mul3A_473 : vector<16xf32>
        %swap3A_475 = arith.constant 1 : i32
        %swap3A_476 = arith.index_cast %swap3A_475 : i32 to index
        %swap3A_477 = arith.index_cast %scan3A_391 : i32 to index
        %swap3A_478 = arith.index_cast %add3A_459 : i32 to index
        %swap3A_479 = tpu.vector_load %arg12[%swap3A_476, %swap3A_477, %swap3A_478] {strides = array<i32>} : memref<2x16x1024xf32, #tpu.memory_space<vmem>>, vector<1x1x16xf32>,
        %swap3A_480 = vector.shape_cast %swap3A_479 : vector<1x1x16xf32> to vector<16xf32>
        %swap3A_481 = vector.shape_cast %add3A_474 : vector<16xf32> to vector<1x1x16xf32>
        tpu.vector_store %arg12[%swap3A_476, %swap3A_477, %swap3A_478], %swap3A_481 {strides = array<i32>} : memref<2x16x1024xf32, #tpu.memory_space<vmem>>, vector<1x1x16xf32>,
        %add3A_482 = arith.constant 48 : i32
        %add3A_483 = arith.addi %mul3A_410, %add3A_482 : i32
        %get3A_484 = arith.constant 1 : i32
        %get3A_485 = arith.index_cast %get3A_484 : i32 to index
        %get3A_486 = arith.index_cast %scan3A_391 : i32 to index
        %get3A_487 = arith.index_cast %add3A_483 : i32 to index
        %get3A_488 = tpu.vector_load %arg12[%get3A_485, %get3A_486, %get3A_487] {strides = array<i32>} : memref<2x16x1024xf32, #tpu.memory_space<vmem>>, vector<1x1x16xf32>,
        %get3A_489 = vector.shape_cast %get3A_488 : vector<1x1x16xf32> to vector<16xf32>
        %mul3A_490 = arith.mulf %get3A_396, %get3A_489 : vector<16xf32>
        %get3A_491 = arith.constant 1 : i32
        %get3A_492 = arith.index_cast %get3A_491 : i32 to index
        %get3A_493 = arith.index_cast %scan3A_391 : i32 to index
        %get3A_494 = arith.index_cast %add3A_483 : i32 to index
        %get3A_495 = tpu.vector_load %arg13[%get3A_492, %get3A_493, %get3A_494] {strides = array<i32>} : memref<2x16x1024xf32, #tpu.memory_space<vmem>>, vector<1x1x16xf32>,
        %get3A_496 = vector.shape_cast %get3A_495 : vector<1x1x16xf32> to vector<16xf32>
        %mul3A_497 = arith.mulf %get3A_402, %get3A_496 : vector<16xf32>
        %add3A_498 = arith.addf %mul3A_490, %mul3A_497 : vector<16xf32>
        %swap3A_499 = arith.constant 1 : i32
        %swap3A_500 = arith.index_cast %swap3A_499 : i32 to index
        %swap3A_501 = arith.index_cast %scan3A_391 : i32 to index
        %swap3A_502 = arith.index_cast %add3A_483 : i32 to index
        %swap3A_503 = tpu.vector_load %arg12[%swap3A_500, %swap3A_501, %swap3A_502] {strides = array<i32>} : memref<2x16x1024xf32, #tpu.memory_space<vmem>>, vector<1x1x16xf32>,
        %swap3A_504 = vector.shape_cast %swap3A_503 : vector<1x1x16xf32> to vector<16xf32>
        %swap3A_505 = vector.shape_cast %add3A_498 : vector<16xf32> to vector<1x1x16xf32>
        tpu.vector_store %arg12[%swap3A_500, %swap3A_501, %swap3A_502], %swap3A_505 {strides = array<i32>} : memref<2x16x1024xf32, #tpu.memory_space<vmem>>, vector<1x1x16xf32>,
      }
      %scan3A_407 = arith.constant 16 : i32
    }
    %scan3A_387 = arith.constant 16 : i32
    %add3A_388 = arith.constant 112 : i32
    %add3A_389 = arith.addi %mul3A_2, %add3A_388 : i32
    %run_scoped3A_390 = arith.constant 1 : i32
    "tpu.region"() ({
      %run_scoped3A_391 = tpu.sem_alloc : memref<!tpu.dma_semaphore, #tpu.memory_space<semaphore_mem>>
      %dma_start3A_392 = arith.constant 0 : i32
      %dma_start3A_393 = arith.constant 0 : i32
      %dma_start3A_394 = tpu.memref_slice %arg12[%run_scoped3A_390, %dma_start3A_392, %dma_start3A_393] : memref<2x16x1024xf32, #tpu.memory_space<vmem>> -> memref<1x16x1024xf32, #tpu.memory_space<vmem>>
      %dma_start3A_395 = tpu.memref_squeeze %dma_start3A_394 : memref<1x16x1024xf32, #tpu.memory_space<vmem>> -> memref<16x1024xf32, #tpu.memory_space<vmem>>
      %dma_start3A_396 = arith.constant 0 : i32
      %dma_start3A_397 = tpu.memref_slice %arg7[%add3A_389, %dma_start3A_396] : memref<4096x1024xf32, #tpu.memory_space<hbm>> -> memref<16x1024xf32, #tpu.memory_space<hbm>>
      %dma_start3A_398 = arith.constant 0 : i32
      %dma_start3A_399 = tpu.memref_slice %arg7[%add3A_389, %dma_start3A_398] : memref<4096x1024xf32, #tpu.memory_space<hbm>> -> memref<16x1024xf32, #tpu.memory_space<hbm>>
      %dma_start3A_400 = arith.constant 0 : i32
      %dma_start3A_401 = arith.constant 0 : i32
      %dma_start3A_402 = tpu.memref_slice %arg12[%run_scoped3A_390, %dma_start3A_400, %dma_start3A_401] : memref<2x16x1024xf32, #tpu.memory_space<vmem>> -> memref<1x16x1024xf32, #tpu.memory_space<vmem>>
      %dma_start3A_403 = tpu.memref_squeeze %dma_start3A_402 : memref<1x16x1024xf32, #tpu.memory_space<vmem>> -> memref<16x1024xf32, #tpu.memory_space<vmem>>
      tpu.enqueue_dma source(%dma_start3A_403 : memref<16x1024xf32, #tpu.memory_space<vmem>>) target(%dma_start3A_399 : memref<16x1024xf32, #tpu.memory_space<hbm>>) target_semaphore(%run_scoped3A_391 : memref<!tpu.dma_semaphore, #tpu.memory_space<semaphore_mem>>)
      %dma_wait3A_404 = arith.constant 0 : i32
      %dma_wait3A_405 = arith.constant 0 : i32
      %dma_wait3A_406 = tpu.memref_slice %arg12[%run_scoped3A_390, %dma_wait3A_404, %dma_wait3A_405] : memref<2x16x1024xf32, #tpu.memory_space<vmem>> -> memref<1x16x1024xf32, #tpu.memory_space<vmem>>
      %dma_wait3A_407 = tpu.memref_squeeze %dma_wait3A_406 : memref<1x16x1024xf32, #tpu.memory_space<vmem>> -> memref<16x1024xf32, #tpu.memory_space<vmem>>
      %dma_wait3A_408 = arith.constant 0 : i32
      %dma_wait3A_409 = tpu.memref_slice %arg7[%add3A_389, %dma_wait3A_408] : memref<4096x1024xf32, #tpu.memory_space<hbm>> -> memref<16x1024xf32, #tpu.memory_space<hbm>>
      %dma_wait3A_410 = arith.constant 0 : i32
      %dma_wait3A_411 = tpu.memref_slice %arg7[%add3A_389, %dma_wait3A_410] : memref<4096x1024xf32, #tpu.memory_space<hbm>> -> memref<16x1024xf32, #tpu.memory_space<hbm>>
      %dma_wait3A_412 = arith.constant 0 : i32
      %dma_wait3A_413 = arith.constant 0 : i32
      %dma_wait3A_414 = tpu.memref_slice %arg12[%run_scoped3A_390, %dma_wait3A_412, %dma_wait3A_413] : memref<2x16x1024xf32, #tpu.memory_space<vmem>> -> memref<1x16x1024xf32, #tpu.memory_space<vmem>>
      %dma_wait3A_415 = tpu.memref_squeeze %dma_wait3A_414 : memref<1x16x1024xf32, #tpu.memory_space<vmem>> -> memref<16x1024xf32, #tpu.memory_space<vmem>>
      tpu.wait_dma2 semaphore(%run_scoped3A_391 : memref<!tpu.dma_semaphore, #tpu.memory_space<semaphore_mem>>) src(%dma_wait3A_415 : memref<16x1024xf32, #tpu.memory_space<vmem>>) dst(%dma_wait3A_411 : memref<16x1024xf32, #tpu.memory_space<hbm>>)
      tpu.yield
    }) : () -> ()
    return
  }
}

module attributes {stable_mosaic.version = 14 : i64} {
  func.func @_gmm_body(%arg0: i32, %arg1: memref<24xi32, #tpu.memory_space<smem>>, %arg2: memref<24xi32, #tpu.memory_space<smem>>, %arg3: memref<24xi32, #tpu.memory_space<smem>>, %arg4: memref<512x1024xf32, #tpu.memory_space<vmem>>, %arg5: memref<1x1024x1024xf32, #tpu.memory_space<vmem>>, %arg6: memref<1x1x1024xf32, #tpu.memory_space<vmem>>, %arg7: memref<1x1024x1024xf32, #tpu.memory_space<vmem>>, %arg8: memref<1x1x1024xf32, #tpu.memory_space<vmem>>, %arg9: memref<512x1024xf32, #tpu.memory_space<vmem>>) attributes {dimension_semantics = [#tpu.dimension_semantics<arbitrary>], iteration_bounds = array<i64: 24>, scalar_prefetch = 3 : i64, scratch_operands = 0 : i64, tpu.core_type = #tpu.core_type<tc>, window_params = [{transform_indices = @transform_0, window_bounds = array<i64: 512, 1024>}, {transform_indices = @transform_1, window_bounds = array<i64: 1, 1024, 1024>}, {transform_indices = @transform_2, window_bounds = array<i64: 1, 1, 1024>}, {transform_indices = @transform_3, window_bounds = array<i64: 1, 1024, 1024>}, {transform_indices = @transform_4, window_bounds = array<i64: 1, 1, 1024>}, {transform_indices = @transform_5, window_bounds = array<i64: 512, 1024>}]} {
    %get3A = arith.index_cast %arg0 : i32 to index
    %get3A_0 = memref.load %arg2[%get3A] : memref<24xi32, #tpu.memory_space<smem>>
    %eq3A = arith.constant 1 : i32
    %eq3A_1 = arith.cmpi eq, %get3A_0, %eq3A : i32
    %convert_element_type3A = arith.extui %eq3A_1 : i1 to i32
    %cond3A = arith.constant 0 : i32
    %cond3A_2 = arith.cmpi ne, %convert_element_type3A, %cond3A : i32
    scf.if %cond3A_2 {
      %get3A_3 = arith.constant 0 : index
      %get3A_4 = arith.constant 0 : index
      %get3A_5 = vector.load %arg4[%get3A_3, %get3A_4] : memref<512x1024xf32, #tpu.memory_space<vmem>>, vector<512x1024xf32>
      %get3A_6 = arith.constant 0 : index
      %get3A_7 = arith.constant 0 : index
      %get3A_8 = arith.constant 0 : index
      %get3A_9 = vector.load %arg5[%get3A_6, %get3A_7, %get3A_8] : memref<1x1024x1024xf32, #tpu.memory_space<vmem>>, vector<1x1024x1024xf32>
      %get3A_10 = vector.shape_cast %get3A_9 : vector<1x1024x1024xf32> to vector<1024x1024xf32>
      %dot_general3A = arith.constant dense<0.000000e+00> : vector<512x1024xf32>
      %dot_general3A_11 = tpu.matmul %get3A_5, %get3A_10, %dot_general3A {dimension_numbers = #tpu.dot_dimension_numbers<[1], [1], [0], [0], [0, 0, 1, 0], [], []>, transpose_lhs_hint = false} : vector<512x1024xf32>, vector<1024x1024xf32>, vector<512x1024xf32> -> vector<512x1024xf32>
      %get3A_12 = arith.constant 0 : index
      %get3A_13 = arith.constant 0 : index
      %get3A_14 = arith.constant 0 : index
      %get3A_15 = vector.load %arg6[%get3A_12, %get3A_13, %get3A_14] : memref<1x1x1024xf32, #tpu.memory_space<vmem>>, vector<1x1x1024xf32>
      %get3A_16 = vector.shape_cast %get3A_15 : vector<1x1x1024xf32> to vector<1x1024xf32>
      %add3A = vector.broadcast %get3A_16 : vector<1x1024xf32> to vector<512x1024xf32>
      %add3A_17 = arith.addf %dot_general3A_11, %add3A : vector<512x1024xf32>
      %max3A = arith.constant 0.000000e+00 : f32
      %max3A_18 = vector.broadcast %max3A : f32 to vector<512x1024xf32>
      %max3A_19 = arith.maximumf %add3A_17, %max3A_18 : vector<512x1024xf32>
      %get3A_20 = arith.constant 0 : index
      %get3A_21 = arith.constant 0 : index
      %get3A_22 = arith.constant 0 : index
      %get3A_23 = vector.load %arg7[%get3A_20, %get3A_21, %get3A_22] : memref<1x1024x1024xf32, #tpu.memory_space<vmem>>, vector<1x1024x1024xf32>
      %get3A_24 = vector.shape_cast %get3A_23 : vector<1x1024x1024xf32> to vector<1024x1024xf32>
      %dot_general3A_25 = arith.constant dense<0.000000e+00> : vector<512x1024xf32>
      %dot_general3A_26 = tpu.matmul %max3A_19, %get3A_24, %dot_general3A_25 {dimension_numbers = #tpu.dot_dimension_numbers<[1], [1], [0], [0], [0, 0, 1, 0], [], []>, transpose_lhs_hint = false} : vector<512x1024xf32>, vector<1024x1024xf32>, vector<512x1024xf32> -> vector<512x1024xf32>
      %get3A_27 = arith.constant 0 : index
      %get3A_28 = arith.constant 0 : index
      %get3A_29 = arith.constant 0 : index
      %get3A_30 = vector.load %arg8[%get3A_27, %get3A_28, %get3A_29] : memref<1x1x1024xf32, #tpu.memory_space<vmem>>, vector<1x1x1024xf32>
      %get3A_31 = vector.shape_cast %get3A_30 : vector<1x1x1024xf32> to vector<1x1024xf32>
      %add3A_32 = vector.broadcast %get3A_31 : vector<1x1024xf32> to vector<512x1024xf32>
      %add3A_33 = arith.addf %dot_general3A_26, %add3A_32 : vector<512x1024xf32>
      %swap3A = arith.constant 0 : index
      %swap3A_34 = arith.constant 0 : index
      %swap3A_35 = vector.load %arg9[%swap3A, %swap3A_34] : memref<512x1024xf32, #tpu.memory_space<vmem>>, vector<512x1024xf32>
      tpu.vector_store %arg9[%swap3A, %swap3A_34], %add3A_33 {strides = array<i32>} : memref<512x1024xf32, #tpu.memory_space<vmem>>, vector<512x1024xf32>,
    } else {
    }
    return
  }
  func.func @transform_0(%arg0: i32, %arg1: memref<24xi32, #tpu.memory_space<smem>>, %arg2: memref<24xi32, #tpu.memory_space<smem>>, %arg3: memref<24xi32, #tpu.memory_space<smem>>) -> (i32, i32) {
    %get3A = arith.index_cast %arg0 : i32 to index
    %get3A_0 = memref.load %arg3[%get3A] : memref<24xi32, #tpu.memory_space<smem>>
    %c0_i32 = arith.constant 0 : i32
    %c0_i32_1 = arith.constant 0 : i32
    return %get3A_0, %c0_i32 : i32, i32
  }
  func.func @transform_1(%arg0: i32, %arg1: memref<24xi32, #tpu.memory_space<smem>>, %arg2: memref<24xi32, #tpu.memory_space<smem>>, %arg3: memref<24xi32, #tpu.memory_space<smem>>) -> (i32, i32, i32) {
    %get3A = arith.index_cast %arg0 : i32 to index
    %get3A_0 = memref.load %arg1[%get3A] : memref<24xi32, #tpu.memory_space<smem>>
    %c0_i32 = arith.constant 0 : i32
    %c0_i32_1 = arith.constant 0 : i32
    %c0_i32_2 = arith.constant 0 : i32
    return %get3A_0, %c0_i32, %c0_i32_1 : i32, i32, i32
  }
  func.func @transform_2(%arg0: i32, %arg1: memref<24xi32, #tpu.memory_space<smem>>, %arg2: memref<24xi32, #tpu.memory_space<smem>>, %arg3: memref<24xi32, #tpu.memory_space<smem>>) -> (i32, i32, i32) {
    %get3A = arith.index_cast %arg0 : i32 to index
    %get3A_0 = memref.load %arg1[%get3A] : memref<24xi32, #tpu.memory_space<smem>>
    %c0_i32 = arith.constant 0 : i32
    %c0_i32_1 = arith.constant 0 : i32
    %c0_i32_2 = arith.constant 0 : i32
    return %get3A_0, %c0_i32, %c0_i32_1 : i32, i32, i32
  }
  func.func @transform_3(%arg0: i32, %arg1: memref<24xi32, #tpu.memory_space<smem>>, %arg2: memref<24xi32, #tpu.memory_space<smem>>, %arg3: memref<24xi32, #tpu.memory_space<smem>>) -> (i32, i32, i32) {
    %get3A = arith.index_cast %arg0 : i32 to index
    %get3A_0 = memref.load %arg1[%get3A] : memref<24xi32, #tpu.memory_space<smem>>
    %c0_i32 = arith.constant 0 : i32
    %c0_i32_1 = arith.constant 0 : i32
    %c0_i32_2 = arith.constant 0 : i32
    return %get3A_0, %c0_i32, %c0_i32_1 : i32, i32, i32
  }
  func.func @transform_4(%arg0: i32, %arg1: memref<24xi32, #tpu.memory_space<smem>>, %arg2: memref<24xi32, #tpu.memory_space<smem>>, %arg3: memref<24xi32, #tpu.memory_space<smem>>) -> (i32, i32, i32) {
    %get3A = arith.index_cast %arg0 : i32 to index
    %get3A_0 = memref.load %arg1[%get3A] : memref<24xi32, #tpu.memory_space<smem>>
    %c0_i32 = arith.constant 0 : i32
    %c0_i32_1 = arith.constant 0 : i32
    %c0_i32_2 = arith.constant 0 : i32
    return %get3A_0, %c0_i32, %c0_i32_1 : i32, i32, i32
  }
  func.func @transform_5(%arg0: i32, %arg1: memref<24xi32, #tpu.memory_space<smem>>, %arg2: memref<24xi32, #tpu.memory_space<smem>>, %arg3: memref<24xi32, #tpu.memory_space<smem>>) -> (i32, i32) {
    %get3A = arith.index_cast %arg0 : i32 to index
    %get3A_0 = memref.load %arg3[%get3A] : memref<24xi32, #tpu.memory_space<smem>>
    %c0_i32 = arith.constant 0 : i32
    %c0_i32_1 = arith.constant 0 : i32
    return %get3A_0, %c0_i32 : i32, i32
  }
}

module attributes {stable_mosaic.version = 14 : i64} {
  func.func @_gating_body(%arg0: memref<4096x1024xf32, #tpu.memory_space<vmem>>, %arg1: memref<8x1024xf32, #tpu.memory_space<vmem>>, %arg2: memref<1x8xf32, #tpu.memory_space<vmem>>, %arg3: memref<4096xi32, #tpu.memory_space<vmem>>, %arg4: memref<4096xi32, #tpu.memory_space<vmem>>, %arg5: memref<4096x16xf32, #tpu.memory_space<vmem>>, %arg6: memref<4096x16xf32, #tpu.memory_space<vmem>>, %arg7: memref<24xi32, #tpu.memory_space<vmem>>, %arg8: memref<24xi32, #tpu.memory_space<vmem>>, %arg9: memref<24xi32, #tpu.memory_space<vmem>>, %arg10: memref<1x1xf32, #tpu.memory_space<vmem>>, %arg11: memref<1x1xf32, #tpu.memory_space<vmem>>) attributes {dimension_semantics = [], scalar_prefetch = 0 : i64, scratch_operands = 0 : i64, tpu.core_type = #tpu.core_type<tc>} {
    %get3A = arith.constant 0 : index
    %get3A_0 = arith.constant 0 : index
    %get3A_1 = vector.load %arg0[%get3A, %get3A_0] : memref<4096x1024xf32, #tpu.memory_space<vmem>>, vector<4096x1024xf32>
    %get3A_2 = arith.constant 0 : index
    %get3A_3 = arith.constant 0 : index
    %get3A_4 = vector.load %arg1[%get3A_2, %get3A_3] : memref<8x1024xf32, #tpu.memory_space<vmem>>, vector<8x1024xf32>
    %dot_general3A = arith.constant dense<0.000000e+00> : vector<4096x8xf32>
    %dot_general3A_5 = tpu.matmul %get3A_1, %get3A_4, %dot_general3A {dimension_numbers = #tpu.dot_dimension_numbers<[1], [1], [0], [0], [0, 0, 1, 0], [], []>, transpose_lhs_hint = false} : vector<4096x1024xf32>, vector<8x1024xf32>, vector<4096x8xf32> -> vector<4096x8xf32>
    %get3A_6 = arith.constant 0 : index
    %get3A_7 = arith.constant 0 : index
    %get3A_8 = vector.load %arg2[%get3A_6, %get3A_7] : memref<1x8xf32, #tpu.memory_space<vmem>>, vector<1x8xf32>
    %add3A = vector.broadcast %get3A_8 : vector<1x8xf32> to vector<4096x8xf32>
    %add3A_9 = arith.addf %dot_general3A_5, %add3A : vector<4096x8xf32>
    %iota3A = tpu.iota {dimensions = array<i32: 1>} : vector<4096x8xi32>
    %reduce_max3A = arith.constant dense<0xFF800000> : vector<4096xf32>
    %reduce_max3A_10 = vector.multi_reduction <maximumf>, %add3A_9, %reduce_max3A [1] : vector<4096x8xf32> to vector<4096xf32>
    %broadcast_in_dim3A = vector.shape_cast %reduce_max3A_10 : vector<4096xf32> to vector<4096x1xf32>
    %eq3A = vector.broadcast %broadcast_in_dim3A : vector<4096x1xf32> to vector<4096x8xf32>
    %eq3A_11 = arith.cmpf oeq, %add3A_9, %eq3A : vector<4096x8xf32>
    %jit3A = arith.constant 8 : i32
    %broadcast_in_dim3A_12 = vector.broadcast %jit3A : i32 to vector<4096x8xi32>
    %select_n3A = arith.select %eq3A_11, %iota3A, %broadcast_in_dim3A_12 : vector<4096x8xi1>, vector<4096x8xi32>
    %reduce_min3A = arith.constant dense<2147483647> : vector<4096xi32>
    %reduce_min3A_13 = vector.multi_reduction <minsi>, %select_n3A, %reduce_min3A [1] : vector<4096x8xi32> to vector<4096xi32>
    %broadcast_in_dim3A_14 = vector.shape_cast %reduce_min3A_13 : vector<4096xi32> to vector<4096x1xi32>
    %eq3A_15 = vector.broadcast %broadcast_in_dim3A_14 : vector<4096x1xi32> to vector<4096x8xi32>
    %eq3A_16 = arith.cmpi eq, %iota3A, %eq3A_15 : vector<4096x8xi32>
    %jit3A_17 = arith.constant 0xFF800000 : f32
    %broadcast_in_dim3A_18 = vector.broadcast %jit3A_17 : f32 to vector<4096x8xf32>
    %select_n3A_19 = arith.select %eq3A_16, %broadcast_in_dim3A_18, %add3A_9 : vector<4096x8xi1>, vector<4096x8xf32>
    %reduce_max3A_20 = arith.constant dense<0xFF800000> : vector<4096xf32>
    %reduce_max3A_21 = vector.multi_reduction <maximumf>, %select_n3A_19, %reduce_max3A_20 [1] : vector<4096x8xf32> to vector<4096xf32>
    %broadcast_in_dim3A_22 = vector.shape_cast %reduce_max3A_21 : vector<4096xf32> to vector<4096x1xf32>
    %eq3A_23 = vector.broadcast %broadcast_in_dim3A_22 : vector<4096x1xf32> to vector<4096x8xf32>
    %eq3A_24 = arith.cmpf oeq, %select_n3A_19, %eq3A_23 : vector<4096x8xf32>
    %jit3A_25 = arith.constant 8 : i32
    %broadcast_in_dim3A_26 = vector.broadcast %jit3A_25 : i32 to vector<4096x8xi32>
    %select_n3A_27 = arith.select %eq3A_24, %iota3A, %broadcast_in_dim3A_26 : vector<4096x8xi1>, vector<4096x8xi32>
    %reduce_min3A_28 = arith.constant dense<2147483647> : vector<4096xi32>
    %reduce_min3A_29 = vector.multi_reduction <minsi>, %select_n3A_27, %reduce_min3A_28 [1] : vector<4096x8xi32> to vector<4096xi32>
    %broadcast_in_dim3A_30 = vector.shape_cast %reduce_min3A_29 : vector<4096xi32> to vector<4096x1xi32>
    %sub3A = arith.subf %broadcast_in_dim3A_22, %broadcast_in_dim3A : vector<4096x1xf32>
    %exp3A = math.exp %sub3A : vector<4096x1xf32>
    %broadcast_in_dim3A_31 = arith.constant 1.000000e+00 : f32
    %broadcast_in_dim3A_32 = vector.broadcast %broadcast_in_dim3A_31 : f32 to vector<1x16xf32>
    %add3A_33 = arith.constant 1.000000e+00 : f32
    %add3A_34 = vector.broadcast %add3A_33 : f32 to vector<4096x1xf32>
    %add3A_35 = arith.addf %add3A_34, %exp3A : vector<4096x1xf32>
    %div3A = arith.constant 1.000000e+00 : f32
    %div3A_36 = vector.broadcast %div3A : f32 to vector<4096x1xf32>
    %div3A_37 = arith.divf %div3A_36, %add3A_35 : vector<4096x1xf32>
    %mul3A = vector.broadcast %div3A_37 : vector<4096x1xf32> to vector<4096x16xf32>
    %mul3A_38 = vector.broadcast %broadcast_in_dim3A_32 : vector<1x16xf32> to vector<4096x16xf32>
    %mul3A_39 = arith.mulf %mul3A, %mul3A_38 : vector<4096x16xf32>
    %swap3A = arith.constant 0 : index
    %swap3A_40 = arith.constant 0 : index
    %swap3A_41 = vector.load %arg5[%swap3A, %swap3A_40] : memref<4096x16xf32, #tpu.memory_space<vmem>>, vector<4096x16xf32>
    tpu.vector_store %arg5[%swap3A, %swap3A_40], %mul3A_39 {strides = array<i32>} : memref<4096x16xf32, #tpu.memory_space<vmem>>, vector<4096x16xf32>,
    %add3A_42 = arith.constant 1.000000e+00 : f32
    %add3A_43 = vector.broadcast %add3A_42 : f32 to vector<4096x1xf32>
    %add3A_44 = arith.addf %add3A_43, %exp3A : vector<4096x1xf32>
    %div3A_45 = arith.divf %exp3A, %add3A_44 : vector<4096x1xf32>
    %mul3A_46 = vector.broadcast %div3A_45 : vector<4096x1xf32> to vector<4096x16xf32>
    %mul3A_47 = vector.broadcast %broadcast_in_dim3A_32 : vector<1x16xf32> to vector<4096x16xf32>
    %mul3A_48 = arith.mulf %mul3A_46, %mul3A_47 : vector<4096x16xf32>
    %swap3A_49 = arith.constant 0 : index
    %swap3A_50 = arith.constant 0 : index
    %swap3A_51 = vector.load %arg6[%swap3A_49, %swap3A_50] : memref<4096x16xf32, #tpu.memory_space<vmem>>, vector<4096x16xf32>
    tpu.vector_store %arg6[%swap3A_49, %swap3A_50], %mul3A_48 {strides = array<i32>} : memref<4096x16xf32, #tpu.memory_space<vmem>>, vector<4096x16xf32>,
    %eq3A_52 = vector.broadcast %broadcast_in_dim3A_14 : vector<4096x1xi32> to vector<4096x8xi32>
    %eq3A_53 = arith.cmpi eq, %iota3A, %eq3A_52 : vector<4096x8xi32>
    %convert_element_type3A = arith.extui %eq3A_53 : vector<4096x8xi1> to vector<4096x8xi32>
    %convert_element_type3A_54 = arith.sitofp %convert_element_type3A : vector<4096x8xi32> to vector<4096x8xf32>
    %eq3A_55 = vector.broadcast %broadcast_in_dim3A_30 : vector<4096x1xi32> to vector<4096x8xi32>
    %eq3A_56 = arith.cmpi eq, %iota3A, %eq3A_55 : vector<4096x8xi32>
    %convert_element_type3A_57 = arith.extui %eq3A_56 : vector<4096x8xi1> to vector<4096x8xi32>
    %convert_element_type3A_58 = arith.sitofp %convert_element_type3A_57 : vector<4096x8xi32> to vector<4096x8xf32>
    %concatenate3A = tpu.concatenate %convert_element_type3A_54, %convert_element_type3A_58 in 1 : vector<4096x8xf32>, vector<4096x8xf32> -> vector<4096x16xf32>
    %broadcast_in_dim3A_59 = arith.constant 0.000000e+00 : f32
    %broadcast_in_dim3A_60 = vector.broadcast %broadcast_in_dim3A_59 : f32 to vector<1x16xf32>
    %slice3A = vector.extract_strided_slice %concatenate3A {offsets = [0, 0], sizes = [4095, 16], strides = [1, 1]} : vector<4096x16xf32> to vector<4095x16xf32>
    %concatenate3A_61 = tpu.concatenate %broadcast_in_dim3A_60, %slice3A in 0 : vector<1x16xf32>, vector<4095x16xf32> -> vector<4096x16xf32>
    %add3A_62 = arith.addf %concatenate3A, %concatenate3A_61 : vector<4096x16xf32>
    %broadcast_in_dim3A_63 = arith.constant 0.000000e+00 : f32
    %broadcast_in_dim3A_64 = vector.broadcast %broadcast_in_dim3A_63 : f32 to vector<2x16xf32>
    %slice3A_65 = vector.extract_strided_slice %add3A_62 {offsets = [0, 0], sizes = [4094, 16], strides = [1, 1]} : vector<4096x16xf32> to vector<4094x16xf32>
    %concatenate3A_66 = tpu.concatenate %broadcast_in_dim3A_64, %slice3A_65 in 0 : vector<2x16xf32>, vector<4094x16xf32> -> vector<4096x16xf32>
    %add3A_67 = arith.addf %add3A_62, %concatenate3A_66 : vector<4096x16xf32>
    %broadcast_in_dim3A_68 = arith.constant 0.000000e+00 : f32
    %broadcast_in_dim3A_69 = vector.broadcast %broadcast_in_dim3A_68 : f32 to vector<4x16xf32>
    %slice3A_70 = vector.extract_strided_slice %add3A_67 {offsets = [0, 0], sizes = [4092, 16], strides = [1, 1]} : vector<4096x16xf32> to vector<4092x16xf32>
    %concatenate3A_71 = tpu.concatenate %broadcast_in_dim3A_69, %slice3A_70 in 0 : vector<4x16xf32>, vector<4092x16xf32> -> vector<4096x16xf32>
    %add3A_72 = arith.addf %add3A_67, %concatenate3A_71 : vector<4096x16xf32>
    %broadcast_in_dim3A_73 = arith.constant 0.000000e+00 : f32
    %broadcast_in_dim3A_74 = vector.broadcast %broadcast_in_dim3A_73 : f32 to vector<8x16xf32>
    %slice3A_75 = vector.extract_strided_slice %add3A_72 {offsets = [0, 0], sizes = [4088, 16], strides = [1, 1]} : vector<4096x16xf32> to vector<4088x16xf32>
    %concatenate3A_76 = tpu.concatenate %broadcast_in_dim3A_74, %slice3A_75 in 0 : vector<8x16xf32>, vector<4088x16xf32> -> vector<4096x16xf32>
    %add3A_77 = arith.addf %add3A_72, %concatenate3A_76 : vector<4096x16xf32>
    %broadcast_in_dim3A_78 = arith.constant 0.000000e+00 : f32
    %broadcast_in_dim3A_79 = vector.broadcast %broadcast_in_dim3A_78 : f32 to vector<16x16xf32>
    %slice3A_80 = vector.extract_strided_slice %add3A_77 {offsets = [0, 0], sizes = [4080, 16], strides = [1, 1]} : vector<4096x16xf32> to vector<4080x16xf32>
    %concatenate3A_81 = tpu.concatenate %broadcast_in_dim3A_79, %slice3A_80 in 0 : vector<16x16xf32>, vector<4080x16xf32> -> vector<4096x16xf32>
    %add3A_82 = arith.addf %add3A_77, %concatenate3A_81 : vector<4096x16xf32>
    %broadcast_in_dim3A_83 = arith.constant 0.000000e+00 : f32
    %broadcast_in_dim3A_84 = vector.broadcast %broadcast_in_dim3A_83 : f32 to vector<32x16xf32>
    %slice3A_85 = vector.extract_strided_slice %add3A_82 {offsets = [0, 0], sizes = [4064, 16], strides = [1, 1]} : vector<4096x16xf32> to vector<4064x16xf32>
    %concatenate3A_86 = tpu.concatenate %broadcast_in_dim3A_84, %slice3A_85 in 0 : vector<32x16xf32>, vector<4064x16xf32> -> vector<4096x16xf32>
    %add3A_87 = arith.addf %add3A_82, %concatenate3A_86 : vector<4096x16xf32>
    %broadcast_in_dim3A_88 = arith.constant 0.000000e+00 : f32
    %broadcast_in_dim3A_89 = vector.broadcast %broadcast_in_dim3A_88 : f32 to vector<64x16xf32>
    %slice3A_90 = vector.extract_strided_slice %add3A_87 {offsets = [0, 0], sizes = [4032, 16], strides = [1, 1]} : vector<4096x16xf32> to vector<4032x16xf32>
    %concatenate3A_91 = tpu.concatenate %broadcast_in_dim3A_89, %slice3A_90 in 0 : vector<64x16xf32>, vector<4032x16xf32> -> vector<4096x16xf32>
    %add3A_92 = arith.addf %add3A_87, %concatenate3A_91 : vector<4096x16xf32>
    %broadcast_in_dim3A_93 = arith.constant 0.000000e+00 : f32
    %broadcast_in_dim3A_94 = vector.broadcast %broadcast_in_dim3A_93 : f32 to vector<128x16xf32>
    %slice3A_95 = vector.extract_strided_slice %add3A_92 {offsets = [0, 0], sizes = [3968, 16], strides = [1, 1]} : vector<4096x16xf32> to vector<3968x16xf32>
    %concatenate3A_96 = tpu.concatenate %broadcast_in_dim3A_94, %slice3A_95 in 0 : vector<128x16xf32>, vector<3968x16xf32> -> vector<4096x16xf32>
    %add3A_97 = arith.addf %add3A_92, %concatenate3A_96 : vector<4096x16xf32>
    %broadcast_in_dim3A_98 = arith.constant 0.000000e+00 : f32
    %broadcast_in_dim3A_99 = vector.broadcast %broadcast_in_dim3A_98 : f32 to vector<256x16xf32>
    %slice3A_100 = vector.extract_strided_slice %add3A_97 {offsets = [0, 0], sizes = [3840, 16], strides = [1, 1]} : vector<4096x16xf32> to vector<3840x16xf32>
    %concatenate3A_101 = tpu.concatenate %broadcast_in_dim3A_99, %slice3A_100 in 0 : vector<256x16xf32>, vector<3840x16xf32> -> vector<4096x16xf32>
    %add3A_102 = arith.addf %add3A_97, %concatenate3A_101 : vector<4096x16xf32>
    %broadcast_in_dim3A_103 = arith.constant 0.000000e+00 : f32
    %broadcast_in_dim3A_104 = vector.broadcast %broadcast_in_dim3A_103 : f32 to vector<512x16xf32>
    %slice3A_105 = vector.extract_strided_slice %add3A_102 {offsets = [0, 0], sizes = [3584, 16], strides = [1, 1]} : vector<4096x16xf32> to vector<3584x16xf32>
    %concatenate3A_106 = tpu.concatenate %broadcast_in_dim3A_104, %slice3A_105 in 0 : vector<512x16xf32>, vector<3584x16xf32> -> vector<4096x16xf32>
    %add3A_107 = arith.addf %add3A_102, %concatenate3A_106 : vector<4096x16xf32>
    %broadcast_in_dim3A_108 = arith.constant 0.000000e+00 : f32
    %broadcast_in_dim3A_109 = vector.broadcast %broadcast_in_dim3A_108 : f32 to vector<1024x16xf32>
    %slice3A_110 = vector.extract_strided_slice %add3A_107 {offsets = [0, 0], sizes = [3072, 16], strides = [1, 1]} : vector<4096x16xf32> to vector<3072x16xf32>
    %concatenate3A_111 = tpu.concatenate %broadcast_in_dim3A_109, %slice3A_110 in 0 : vector<1024x16xf32>, vector<3072x16xf32> -> vector<4096x16xf32>
    %add3A_112 = arith.addf %add3A_107, %concatenate3A_111 : vector<4096x16xf32>
    %broadcast_in_dim3A_113 = arith.constant 0.000000e+00 : f32
    %broadcast_in_dim3A_114 = vector.broadcast %broadcast_in_dim3A_113 : f32 to vector<2048x16xf32>
    %slice3A_115 = vector.extract_strided_slice %add3A_112 {offsets = [0, 0], sizes = [2048, 16], strides = [1, 1]} : vector<4096x16xf32> to vector<2048x16xf32>
    %concatenate3A_116 = tpu.concatenate %broadcast_in_dim3A_114, %slice3A_115 in 0 : vector<2048x16xf32>, vector<2048x16xf32> -> vector<4096x16xf32>
    %add3A_117 = arith.addf %add3A_112, %concatenate3A_116 : vector<4096x16xf32>
    %sub3A_118 = arith.subf %add3A_117, %concatenate3A : vector<4096x16xf32>
    %slice3A_119 = vector.extract_strided_slice %sub3A_118 {offsets = [0, 0], sizes = [4096, 8], strides = [1, 1]} : vector<4096x16xf32> to vector<4096x8xf32>
    %slice3A_120 = vector.extract_strided_slice %sub3A_118 {offsets = [0, 8], sizes = [4096, 8], strides = [1, 1]} : vector<4096x16xf32> to vector<4096x8xf32>
    %reduce_sum3A = arith.constant dense<0.000000e+00> : vector<8xf32>
    %reduce_sum3A_121 = vector.multi_reduction <add>, %convert_element_type3A_54, %reduce_sum3A [0] : vector<4096x8xf32> to vector<8xf32>
    %broadcast_in_dim3A_122 = vector.shape_cast %reduce_sum3A_121 : vector<8xf32> to vector<1x8xf32>
    %reduce_sum3A_123 = arith.constant dense<0.000000e+00> : vector<8xf32>
    %reduce_sum3A_124 = vector.multi_reduction <add>, %convert_element_type3A_58, %reduce_sum3A_123 [0] : vector<4096x8xf32> to vector<8xf32>
    %broadcast_in_dim3A_125 = vector.shape_cast %reduce_sum3A_124 : vector<8xf32> to vector<1x8xf32>
    %add3A_126 = arith.addf %broadcast_in_dim3A_122, %broadcast_in_dim3A_125 : vector<1x8xf32>
    %div3A_127 = arith.constant 5.120000e+02 : f32
    %div3A_128 = vector.broadcast %div3A_127 : f32 to vector<1x8xf32>
    %div3A_129 = arith.divf %add3A_126, %div3A_128 : vector<1x8xf32>
    %ceil3A = math.ceil %div3A_129 : vector<1x8xf32>
    %mul3A_130 = arith.constant 5.120000e+02 : f32
    %mul3A_131 = vector.broadcast %mul3A_130 : f32 to vector<1x8xf32>
    %mul3A_132 = arith.mulf %ceil3A, %mul3A_131 : vector<1x8xf32>
    %broadcast_in_dim3A_133 = arith.constant 0.000000e+00 : f32
    %broadcast_in_dim3A_134 = vector.broadcast %broadcast_in_dim3A_133 : f32 to vector<1x8xf32>
    %broadcast_in_dim3A_135 = arith.constant 0.000000e+00 : f32
    %broadcast_in_dim3A_136 = vector.broadcast %broadcast_in_dim3A_135 : f32 to vector<1x1xf32>
    %slice3A_137 = vector.extract_strided_slice %mul3A_132 {offsets = [0, 0], sizes = [1, 7], strides = [1, 1]} : vector<1x8xf32> to vector<1x7xf32>
    %concatenate3A_138 = tpu.concatenate %broadcast_in_dim3A_136, %slice3A_137 in 1 : vector<1x1xf32>, vector<1x7xf32> -> vector<1x8xf32>
    %add3A_139 = arith.addf %broadcast_in_dim3A_134, %concatenate3A_138 : vector<1x8xf32>
    %broadcast_in_dim3A_140 = arith.constant 0.000000e+00 : f32
    %broadcast_in_dim3A_141 = vector.broadcast %broadcast_in_dim3A_140 : f32 to vector<1x1xf32>
    %slice3A_142 = vector.extract_strided_slice %mul3A_132 {offsets = [0, 0], sizes = [1, 7], strides = [1, 1]} : vector<1x8xf32> to vector<1x7xf32>
    %concatenate3A_143 = tpu.concatenate %broadcast_in_dim3A_141, %slice3A_142 in 1 : vector<1x1xf32>, vector<1x7xf32> -> vector<1x8xf32>
    %add3A_144 = arith.addf %concatenate3A_143, %mul3A_132 : vector<1x8xf32>
    %broadcast_in_dim3A_145 = arith.constant 0.000000e+00 : f32
    %broadcast_in_dim3A_146 = vector.broadcast %broadcast_in_dim3A_145 : f32 to vector<1x2xf32>
    %slice3A_147 = vector.extract_strided_slice %add3A_144 {offsets = [0, 0], sizes = [1, 6], strides = [1, 1]} : vector<1x8xf32> to vector<1x6xf32>
    %concatenate3A_148 = tpu.concatenate %broadcast_in_dim3A_146, %slice3A_147 in 1 : vector<1x2xf32>, vector<1x6xf32> -> vector<1x8xf32>
    %add3A_149 = arith.addf %add3A_139, %concatenate3A_148 : vector<1x8xf32>
    %broadcast_in_dim3A_150 = arith.constant 0.000000e+00 : f32
    %broadcast_in_dim3A_151 = vector.broadcast %broadcast_in_dim3A_150 : f32 to vector<1x2xf32>
    %slice3A_152 = vector.extract_strided_slice %add3A_144 {offsets = [0, 0], sizes = [1, 6], strides = [1, 1]} : vector<1x8xf32> to vector<1x6xf32>
    %concatenate3A_153 = tpu.concatenate %broadcast_in_dim3A_151, %slice3A_152 in 1 : vector<1x2xf32>, vector<1x6xf32> -> vector<1x8xf32>
    %add3A_154 = arith.addf %concatenate3A_153, %add3A_144 : vector<1x8xf32>
    %broadcast_in_dim3A_155 = arith.constant 0.000000e+00 : f32
    %broadcast_in_dim3A_156 = vector.broadcast %broadcast_in_dim3A_155 : f32 to vector<1x4xf32>
    %slice3A_157 = vector.extract_strided_slice %add3A_154 {offsets = [0, 0], sizes = [1, 4], strides = [1, 1]} : vector<1x8xf32> to vector<1x4xf32>
    %concatenate3A_158 = tpu.concatenate %broadcast_in_dim3A_156, %slice3A_157 in 1 : vector<1x4xf32>, vector<1x4xf32> -> vector<1x8xf32>
    %add3A_159 = arith.addf %add3A_149, %concatenate3A_158 : vector<1x8xf32>
    %add3A_160 = vector.broadcast %add3A_159 : vector<1x8xf32> to vector<4096x8xf32>
    %add3A_161 = arith.addf %add3A_160, %slice3A_119 : vector<4096x8xf32>
    %mul3A_162 = arith.mulf %convert_element_type3A_54, %add3A_161 : vector<4096x8xf32>
    %reduce_sum3A_163 = arith.constant dense<0.000000e+00> : vector<4096xf32>
    %reduce_sum3A_164 = vector.multi_reduction <add>, %mul3A_162, %reduce_sum3A_163 [1] : vector<4096x8xf32> to vector<4096xf32>
    %broadcast_in_dim3A_165 = vector.shape_cast %reduce_sum3A_164 : vector<4096xf32> to vector<4096x1xf32>
    %add3A_166 = arith.addf %add3A_159, %broadcast_in_dim3A_122 : vector<1x8xf32>
    %add3A_167 = vector.broadcast %add3A_166 : vector<1x8xf32> to vector<4096x8xf32>
    %add3A_168 = arith.addf %add3A_167, %slice3A_120 : vector<4096x8xf32>
    %mul3A_169 = arith.mulf %convert_element_type3A_58, %add3A_168 : vector<4096x8xf32>
    %reduce_sum3A_170 = arith.constant dense<0.000000e+00> : vector<4096xf32>
    %reduce_sum3A_171 = vector.multi_reduction <add>, %mul3A_169, %reduce_sum3A_170 [1] : vector<4096x8xf32> to vector<4096xf32>
    %broadcast_in_dim3A_172 = vector.shape_cast %reduce_sum3A_171 : vector<4096xf32> to vector<4096x1xf32>
    %convert_element_type3A_173 = arith.fptosi %broadcast_in_dim3A_165 : vector<4096x1xf32> to vector<4096x1xi32>
    %squeeze3A = vector.shape_cast %convert_element_type3A_173 : vector<4096x1xi32> to vector<4096xi32>
    %swap3A_174 = arith.constant 0 : index
    %swap3A_175 = vector.load %arg3[%swap3A_174] : memref<4096xi32, #tpu.memory_space<vmem>>, vector<4096xi32>
    tpu.vector_store %arg3[%swap3A_174], %squeeze3A {strides = array<i32>} : memref<4096xi32, #tpu.memory_space<vmem>>, vector<4096xi32>,
    %convert_element_type3A_176 = arith.fptosi %broadcast_in_dim3A_172 : vector<4096x1xf32> to vector<4096x1xi32>
    %squeeze3A_177 = vector.shape_cast %convert_element_type3A_176 : vector<4096x1xi32> to vector<4096xi32>
    %swap3A_178 = arith.constant 0 : index
    %swap3A_179 = vector.load %arg4[%swap3A_178] : memref<4096xi32, #tpu.memory_space<vmem>>, vector<4096xi32>
    tpu.vector_store %arg4[%swap3A_178], %squeeze3A_177 {strides = array<i32>} : memref<4096xi32, #tpu.memory_space<vmem>>, vector<4096xi32>,
    %add3A_180 = arith.addf %add3A_159, %mul3A_132 : vector<1x8xf32>
    %div3A_181 = arith.constant 5.120000e+02 : f32
    %div3A_182 = vector.broadcast %div3A_181 : f32 to vector<1x8xf32>
    %div3A_183 = arith.divf %add3A_180, %div3A_182 : vector<1x8xf32>
    %iota3A_184 = tpu.iota {dimensions = array<i32: 0>} : vector<24x8xi32>
    %convert_element_type3A_185 = arith.sitofp %iota3A_184 : vector<24x8xi32> to vector<24x8xf32>
    %ge3A = vector.broadcast %div3A_183 : vector<1x8xf32> to vector<24x8xf32>
    %ge3A_186 = arith.cmpf oge, %convert_element_type3A_185, %ge3A : vector<24x8xf32>
    %convert_element_type3A_187 = arith.extui %ge3A_186 : vector<24x8xi1> to vector<24x8xi32>
    %convert_element_type3A_188 = arith.sitofp %convert_element_type3A_187 : vector<24x8xi32> to vector<24x8xf32>
    %reduce_sum3A_189 = arith.constant dense<0.000000e+00> : vector<24xf32>
    %reduce_sum3A_190 = vector.multi_reduction <add>, %convert_element_type3A_188, %reduce_sum3A_189 [1] : vector<24x8xf32> to vector<24xf32>
    %broadcast_in_dim3A_191 = vector.shape_cast %reduce_sum3A_190 : vector<24xf32> to vector<24x1xf32>
    %reduce_sum3A_192 = arith.constant dense<0.000000e+00> : vector<1xf32>
    %reduce_sum3A_193 = vector.multi_reduction <add>, %mul3A_132, %reduce_sum3A_192 [1] : vector<1x8xf32> to vector<1xf32>
    %broadcast_in_dim3A_194 = vector.shape_cast %reduce_sum3A_193 : vector<1xf32> to vector<1x1xf32>
    %div3A_195 = arith.constant 5.120000e+02 : f32
    %div3A_196 = vector.broadcast %div3A_195 : f32 to vector<1x1xf32>
    %div3A_197 = arith.divf %broadcast_in_dim3A_194, %div3A_196 : vector<1x1xf32>
    %iota3A_198 = tpu.iota {dimensions = array<i32: 1>} : vector<1x8xi32>
    %convert_element_type3A_199 = arith.sitofp %iota3A_198 : vector<1x8xi32> to vector<1x8xf32>
    %gt3A = arith.constant 0.000000e+00 : f32
    %gt3A_200 = vector.broadcast %gt3A : f32 to vector<1x8xf32>
    %gt3A_201 = arith.cmpf ogt, %add3A_126, %gt3A_200 : vector<1x8xf32>
    %jit3A_202 = arith.constant 0.000000e+00 : f32
    %broadcast_in_dim3A_203 = vector.broadcast %jit3A_202 : f32 to vector<1x8xf32>
    %select_n3A_204 = arith.select %gt3A_201, %convert_element_type3A_199, %broadcast_in_dim3A_203 : vector<1x8xi1>, vector<1x8xf32>
    %reduce_max3A_205 = arith.constant dense<0xFF800000> : vector<1xf32>
    %reduce_max3A_206 = vector.multi_reduction <maximumf>, %select_n3A_204, %reduce_max3A_205 [1] : vector<1x8xf32> to vector<1xf32>
    %broadcast_in_dim3A_207 = vector.shape_cast %reduce_max3A_206 : vector<1xf32> to vector<1x1xf32>
    %iota3A_208 = tpu.iota {dimensions = array<i32: 0>} : vector<24x1xi32>
    %convert_element_type3A_209 = arith.sitofp %iota3A_208 : vector<24x1xi32> to vector<24x1xf32>
    %lt3A = vector.broadcast %div3A_197 : vector<1x1xf32> to vector<24x1xf32>
    %lt3A_210 = arith.cmpf olt, %convert_element_type3A_209, %lt3A : vector<24x1xf32>
    %convert_element_type3A_211 = arith.extui %lt3A_210 : vector<24x1xi1> to vector<24x1xi32>
    %convert_element_type3A_212 = arith.sitofp %convert_element_type3A_211 : vector<24x1xi32> to vector<24x1xf32>
    %gt3A_213 = arith.constant 0.000000e+00 : f32
    %gt3A_214 = vector.broadcast %gt3A_213 : f32 to vector<24x1xf32>
    %gt3A_215 = arith.cmpf ogt, %convert_element_type3A_212, %gt3A_214 : vector<24x1xf32>
    %min3A = arith.constant 7.000000e+00 : f32
    %min3A_216 = vector.broadcast %min3A : f32 to vector<24x1xf32>
    %min3A_217 = arith.minimumf %broadcast_in_dim3A_191, %min3A_216 : vector<24x1xf32>
    %broadcast_in_dim3A_218 = vector.shape_cast %broadcast_in_dim3A_207 : vector<1x1xf32> to vector<1x1xf32>
    %broadcast_in_dim3A_219 = vector.broadcast %broadcast_in_dim3A_218 : vector<1x1xf32> to vector<24x1xf32>
    %select_n3A_220 = arith.select %gt3A_215, %min3A_217, %broadcast_in_dim3A_219 : vector<24x1xi1>, vector<24x1xf32>
    %convert_element_type3A_221 = arith.fptosi %select_n3A_220 : vector<24x1xf32> to vector<24x1xi32>
    %squeeze3A_222 = vector.shape_cast %convert_element_type3A_221 : vector<24x1xi32> to vector<24xi32>
    %swap3A_223 = arith.constant 0 : index
    %swap3A_224 = vector.load %arg7[%swap3A_223] : memref<24xi32, #tpu.memory_space<vmem>>, vector<24xi32>
    tpu.vector_store %arg7[%swap3A_223], %squeeze3A_222 {strides = array<i32>} : memref<24xi32, #tpu.memory_space<vmem>>, vector<24xi32>,
    %convert_element_type3A_225 = arith.fptosi %convert_element_type3A_212 : vector<24x1xf32> to vector<24x1xi32>
    %squeeze3A_226 = vector.shape_cast %convert_element_type3A_225 : vector<24x1xi32> to vector<24xi32>
    %swap3A_227 = arith.constant 0 : index
    %swap3A_228 = vector.load %arg8[%swap3A_227] : memref<24xi32, #tpu.memory_space<vmem>>, vector<24xi32>
    tpu.vector_store %arg8[%swap3A_227], %squeeze3A_226 {strides = array<i32>} : memref<24xi32, #tpu.memory_space<vmem>>, vector<24xi32>,
    %sub3A_229 = arith.constant 1.000000e+00 : f32
    %sub3A_230 = vector.broadcast %sub3A_229 : f32 to vector<1x1xf32>
    %sub3A_231 = arith.subf %div3A_197, %sub3A_230 : vector<1x1xf32>
    %min3A_232 = vector.broadcast %sub3A_231 : vector<1x1xf32> to vector<24x1xf32>
    %min3A_233 = arith.minimumf %convert_element_type3A_209, %min3A_232 : vector<24x1xf32>
    %convert_element_type3A_234 = arith.fptosi %min3A_233 : vector<24x1xf32> to vector<24x1xi32>
    %squeeze3A_235 = vector.shape_cast %convert_element_type3A_234 : vector<24x1xi32> to vector<24xi32>
    %swap3A_236 = arith.constant 0 : index
    %swap3A_237 = vector.load %arg9[%swap3A_236] : memref<24xi32, #tpu.memory_space<vmem>>, vector<24xi32>
    tpu.vector_store %arg9[%swap3A_236], %squeeze3A_235 {strides = array<i32>} : memref<24xi32, #tpu.memory_space<vmem>>, vector<24xi32>,
    %reduce_sum3A_238 = arith.constant dense<0.000000e+00> : vector<1xf32>
    %reduce_sum3A_239 = vector.multi_reduction <add>, %add3A_126, %reduce_sum3A_238 [1] : vector<1x8xf32> to vector<1xf32>
    %broadcast_in_dim3A_240 = vector.shape_cast %reduce_sum3A_239 : vector<1xf32> to vector<1x1xf32>
    %div3A_241 = arith.constant 8.000000e+00 : f32
    %div3A_242 = vector.broadcast %div3A_241 : f32 to vector<1x1xf32>
    %div3A_243 = arith.divf %broadcast_in_dim3A_240, %div3A_242 : vector<1x1xf32>
    %sub3A_244 = vector.broadcast %div3A_243 : vector<1x1xf32> to vector<1x8xf32>
    %sub3A_245 = arith.subf %add3A_126, %sub3A_244 : vector<1x8xf32>
    %mul3A_246 = arith.mulf %sub3A_245, %sub3A_245 : vector<1x8xf32>
    %reduce_sum3A_247 = arith.constant dense<0.000000e+00> : vector<1xf32>
    %reduce_sum3A_248 = vector.multi_reduction <add>, %mul3A_246, %reduce_sum3A_247 [1] : vector<1x8xf32> to vector<1xf32>
    %broadcast_in_dim3A_249 = vector.shape_cast %reduce_sum3A_248 : vector<1xf32> to vector<1x1xf32>
    %div3A_250 = arith.constant 7.000000e+00 : f32
    %div3A_251 = vector.broadcast %div3A_250 : f32 to vector<1x1xf32>
    %div3A_252 = arith.divf %broadcast_in_dim3A_249, %div3A_251 : vector<1x1xf32>
    %div3A_253 = arith.constant 4.096000e+03 : f32
    %div3A_254 = vector.broadcast %div3A_253 : f32 to vector<1x1xf32>
    %div3A_255 = arith.divf %div3A_252, %div3A_254 : vector<1x1xf32>
    %swap3A_256 = arith.constant 0 : index
    %swap3A_257 = arith.constant 0 : index
    %swap3A_258 = vector.load %arg10[%swap3A_256, %swap3A_257] : memref<1x1xf32, #tpu.memory_space<vmem>>, vector<1x1xf32>
    tpu.vector_store %arg10[%swap3A_256, %swap3A_257], %div3A_255 {strides = array<i32>} : memref<1x1xf32, #tpu.memory_space<vmem>>, vector<1x1xf32>,
    %sub3A_259 = vector.broadcast %broadcast_in_dim3A : vector<4096x1xf32> to vector<4096x8xf32>
    %sub3A_260 = arith.subf %add3A_9, %sub3A_259 : vector<4096x8xf32>
    %exp3A_261 = math.exp %sub3A_260 : vector<4096x8xf32>
    %reduce_sum3A_262 = arith.constant dense<0.000000e+00> : vector<4096xf32>
    %reduce_sum3A_263 = vector.multi_reduction <add>, %exp3A_261, %reduce_sum3A_262 [1] : vector<4096x8xf32> to vector<4096xf32>
    %broadcast_in_dim3A_264 = vector.shape_cast %reduce_sum3A_263 : vector<4096xf32> to vector<4096x1xf32>
    %div3A_265 = vector.broadcast %broadcast_in_dim3A_264 : vector<4096x1xf32> to vector<4096x8xf32>
    %div3A_266 = arith.divf %exp3A_261, %div3A_265 : vector<4096x8xf32>
    %reduce_sum3A_267 = arith.constant dense<0.000000e+00> : vector<8xf32>
    %reduce_sum3A_268 = vector.multi_reduction <add>, %div3A_266, %reduce_sum3A_267 [0] : vector<4096x8xf32> to vector<8xf32>
    %broadcast_in_dim3A_269 = vector.shape_cast %reduce_sum3A_268 : vector<8xf32> to vector<1x8xf32>
    %reduce_sum3A_270 = arith.constant dense<0.000000e+00> : vector<1xf32>
    %reduce_sum3A_271 = vector.multi_reduction <add>, %broadcast_in_dim3A_269, %reduce_sum3A_270 [1] : vector<1x8xf32> to vector<1xf32>
    %broadcast_in_dim3A_272 = vector.shape_cast %reduce_sum3A_271 : vector<1xf32> to vector<1x1xf32>
    %div3A_273 = arith.constant 8.000000e+00 : f32
    %div3A_274 = vector.broadcast %div3A_273 : f32 to vector<1x1xf32>
    %div3A_275 = arith.divf %broadcast_in_dim3A_272, %div3A_274 : vector<1x1xf32>
    %sub3A_276 = vector.broadcast %div3A_275 : vector<1x1xf32> to vector<1x8xf32>
    %sub3A_277 = arith.subf %broadcast_in_dim3A_269, %sub3A_276 : vector<1x8xf32>
    %mul3A_278 = arith.mulf %sub3A_277, %sub3A_277 : vector<1x8xf32>
    %reduce_sum3A_279 = arith.constant dense<0.000000e+00> : vector<1xf32>
    %reduce_sum3A_280 = vector.multi_reduction <add>, %mul3A_278, %reduce_sum3A_279 [1] : vector<1x8xf32> to vector<1xf32>
    %broadcast_in_dim3A_281 = vector.shape_cast %reduce_sum3A_280 : vector<1xf32> to vector<1x1xf32>
    %div3A_282 = arith.constant 7.000000e+00 : f32
    %div3A_283 = vector.broadcast %div3A_282 : f32 to vector<1x1xf32>
    %div3A_284 = arith.divf %broadcast_in_dim3A_281, %div3A_283 : vector<1x1xf32>
    %add3A_285 = arith.constant 9.99999993E-9 : f32
    %add3A_286 = vector.broadcast %add3A_285 : f32 to vector<1x1xf32>
    %add3A_287 = arith.addf %div3A_275, %add3A_286 : vector<1x1xf32>
    %div3A_288 = arith.divf %div3A_284, %add3A_287 : vector<1x1xf32>
    %swap3A_289 = arith.constant 0 : index
    %swap3A_290 = arith.constant 0 : index
    %swap3A_291 = vector.load %arg11[%swap3A_289, %swap3A_290] : memref<1x1xf32, #tpu.memory_space<vmem>>, vector<1x1xf32>
    tpu.vector_store %arg11[%swap3A_289, %swap3A_290], %div3A_288 {strides = array<i32>} : memref<1x1xf32, #tpu.memory_space<vmem>>, vector<1x1xf32>,
    return
  }
}

</mosaic_0001>

<sc_bundles>
// kernel: kernel.6.cloned.1.call-start
scs
__scs_entry_jumppad:
0x0: {  	(pc) =	sbr.rel $0x88, $3  }
0x1: {  	(tag) =	ssettag $0x0;
	lr =	simm.s32 $0x1  }
0x2: {  	[smem:$0x3F9A] =	sst lr;
	_ =	strace $0xD0000000  }
0x3: {  	_ = 	snop  }
0x4: {  	_ = 	snop  }
0x5: {  	_ = 	snop  }
0x6: {  	_ = 	snop  }
0x7: {  	_ = 	snop  }
__scs_overlays_trampoline_lowered:
0x8: {  	[smem:$0x3FA9] =	sst s0  }
0x9: {  	[smem:$0x3FAA] =	sst s1  }
0xa: {  	[smem:$0x3FAB] =	sst s2  }
0xb: {  	[smem:$0x3FAC] =	sst s3  }
0xc: {  	[smem:$0x3FAD] =	sst s4  }
0xd: {  	[smem:$0x3FAE] =	sst s5  }
0xe: {  	[smem:$0x3FAF] =	sst s6  }
0xf: {  	[smem:$0x3FB0] =	sst s7  }
0x10: {  	[smem:$0x3FB1] =	sst s8  }
0x11: {  	[smem:$0x3FB2] =	sst s9;
	s0 =	simm.s32 @!p0 $0x0  }
0x12: {  	s1 =	sld [smem:$0x3F98];
	s0 =	simm.s32 @p0 $0x1  }
0x13: {  	[smem:$0x3FB3] =	sst s0;
	s0 =	simm.s32 @!p1 $0x0  }
0x14: {  	s2 =	sld [smem:$0x3F97];
	s0 =	simm.s32 @p1 $0x1  }
0x15: {  	[smem:$0x3FB4] =	sst s0;
	s0 =	simm.s32 @!p2 $0x0  }
0x16: {  	s3 =	sld [smem:$0x3FDB];
	s0 =	simm.s32 @p2 $0x1  }
0x17: {  	s4 =	simm.s32 $0x1BF5;
	[smem:$0x3FB6] =	sst s0  }
0x18: {  	s0 =	sld [smem:$0x3F99];
	_ =	swait.ge [sflag:s4], $0x0  }
0x19: {  	s7 =	sld [smem:$0x3F9A]  }
0x1a: {  	s8 =	sadd.s32 $0xFFFFE003, lr  }
0x1b: {  	s9 =	sadd.s32 $0xFFFFFEF7, lr;
	s5 =	simm.s32 $0xFFFFFFFF;
	p2 =	slt.u32 s8, $0xFFFFF086  }
0x1c: {  	p1 =	slt.u32 s9, $0xF7A;
	s5 =	simm.s32 @!p2 $0x0  }
0x1d: {  	s5 =	simm.s32 @p1 $0x1;
	p0 =	seq.s32 s7, s2  }
0x1e: {  	s7 =	smul.u32 @!p0 $0xF7A, s2;
	p2 =	seq.s32 @!p0 s5, $0x0  }
0x1f: {  	s9 =	smul.u32 $0xF7A, s1;
	s8 =	simm.s32 @!p0 $0x1BF5;
	p2 =	por !p2, p0  }
0x20: {  	[sflag:s8] =	ssyncset.s32 @!p0 $0xFFFFF086;
	s6 =	sadd.s32 @!p0 s3, s7;
	s7 =	simm.s32 @!p0 $0x108  }
0x21: {  	s3 =	sadd.s32 s3, s9;
	s6 =	sadd.s32 @!p0 $0x88, s6;
	s7 =	simm.s32 @p2 $0x1082  }
0x22: {  	[simem:s7], [sflag:s8] =	dma.local @!p0 [hbm:s6], $0xF7A  }
0x23: {  	s9 =	sor.u32 $0xD0000000, s2;
	s6 =	simm.s32 $0x108;
	_ =	swait.ge @!p0 [sflag:s8], $0x0  }
0x24: {  	s3 =	sadd.s32 $0x88, s3;
	s6 =	simm.s32 @!p1 $0x1082;
	[sflag:s4] =	ssyncset.s32 $0xFFFFF086  }
0x25: {  	[simem:s6], [sflag:s4] =	dma.local [hbm:s3], $0xF7A  }
0x26: {  	[smem:$0x3F9A] =	sst s1;
	(tag) =	ssettag s2;
	_ =	strace s9  }
0x27: {  	s1 =	sld [smem:$0x3FAA]  }
0x28: {  	s2 =	sld [smem:$0x3FAB]  }
0x29: {  	s4 =	sld [smem:$0x3FAD]  }
0x2a: {  	p0 =	seq.s32 s5, $0x0;
	s5 =	sld [smem:$0x3FAE]  }
0x2b: {  	s6 =	sld [smem:$0x3FAF]  }
0x2c: {  	s7 =	sld [smem:$0x3FB0]  }
0x2d: {  	s3 =	simm.s32 $0x108;
	s8 =	sld [smem:$0x3FB1]  }
0x2e: {  	s3 =	simm.s32 @!p0 $0x1082;
	s9 =	sld [smem:$0x3FB2]  }
0x2f: {  	lr =	sadd.s32 s0, s3;
	s0 =	sld [smem:$0x3FA9]  }
0x30: {  	s3 =	sld [smem:$0x3FAC]  }
0x31: {  	[smem:$0x3FB5] =	sst s10  }
0x32: {  	s10 =	sld [smem:$0x3FB3];
	_ =	sdelay $0x3  }
0x33: {  	p0 =	seq.s32 s10, $0x1;
	s10 =	sld [smem:$0x3FB5];
	_ =	sdelay $0x3  }
0x34: {  	[smem:$0x3FB5] =	sst s10  }
0x35: {  	s10 =	sld [smem:$0x3FB4];
	_ =	sdelay $0x3  }
0x36: {  	p1 =	seq.s32 s10, $0x1;
	s10 =	sld [smem:$0x3FB5];
	_ =	sdelay $0x3  }
0x37: {  	[smem:$0x3FB5] =	sst s10  }
0x38: {  	s10 =	sld [smem:$0x3FB6]  }
0x39: {  	_ = 	snop;
	(pc) =	sbr.ind lr, $3  }
0x3a: {  	_ = 	snop  }
0x3b: {  	_ = 	snop  }
0x3c: {  	p2 =	seq.s32 s10, $0x1;
	s10 =	sld [smem:$0x3FB5]  }
0x3d: {  	_ =	shalt  }
0x3e: {  	_ =	shalt  }
0x3f: {  	_ =	shalt  }
0x40: {  	_ =	shalt  }
0x41: {  	_ =	shalt  }
0x42: {  	_ =	shalt  }
0x43: {  	_ =	shalt  }
0x44: {  	_ =	shalt  }
0x45: {  	_ =	shalt  }
0x46: {  	_ =	shalt  }
0x47: {  	_ =	shalt  }
0x48: {  	_ =	shalt  }
0x49: {  	_ =	shalt  }
0x4a: {  	_ =	shalt  }
0x4b: {  	_ =	shalt  }
0x4c: {  	_ =	shalt  }
0x4d: {  	_ =	shalt  }
0x4e: {  	_ =	shalt  }
0x4f: {  	_ =	shalt  }
0x50: {  	_ =	shalt  }
0x51: {  	_ =	shalt  }
0x52: {  	_ =	shalt  }
0x53: {  	_ =	shalt  }
0x54: {  	_ =	shalt  }
0x55: {  	_ =	shalt  }
0x56: {  	_ =	shalt  }
0x57: {  	_ =	shalt  }
0x58: {  	_ =	shalt  }
0x59: {  	_ =	shalt  }
0x5a: {  	_ =	shalt  }
0x5b: {  	_ =	shalt  }
0x5c: {  	_ =	shalt  }
0x5d: {  	_ =	shalt  }
0x5e: {  	_ =	shalt  }
0x5f: {  	_ =	shalt  }
0x60: {  	_ =	shalt  }
0x61: {  	_ =	shalt  }
0x62: {  	_ =	shalt  }
0x63: {  	_ =	shalt  }
0x64: {  	_ =	shalt  }
0x65: {  	_ =	shalt  }
0x66: {  	_ =	shalt  }
0x67: {  	_ =	shalt  }
0x68: {  	_ =	shalt  }
0x69: {  	_ =	shalt  }
0x6a: {  	_ =	shalt  }
0x6b: {  	_ =	shalt  }
0x6c: {  	_ =	shalt  }
0x6d: {  	_ =	shalt  }
0x6e: {  	_ =	shalt  }
0x6f: {  	_ =	shalt  }
0x70: {  	_ =	shalt  }
0x71: {  	_ =	shalt  }
0x72: {  	_ =	shalt  }
0x73: {  	_ =	shalt  }
0x74: {  	_ =	shalt  }
0x75: {  	_ =	shalt  }
0x76: {  	_ =	shalt  }
0x77: {  	_ =	shalt  }
0x78: {  	_ =	shalt  }
0x79: {  	_ =	shalt  }
0x7a: {  	_ =	shalt  }
0x7b: {  	_ =	shalt  }
0x7c: {  	_ =	shalt  }
0x7d: {  	_ =	shalt  }
0x7e: {  	_ =	shalt  }
0x7f: {  	_ =	shalt  }
0x80: {  	_ =	shalt  }
0x81: {  	_ =	shalt  }
0x82: {  	_ =	shalt  }
0x83: {  	_ =	shalt  }
0x84: {  	_ =	shalt  }
0x85: {  	_ =	shalt  }
0x86: {  	_ =	shalt  }
0x87: {  	_ =	shalt  }
.Lfunc_end0:
.L_simem_size_0:
called_computation_lowered:
.L_overlay_start_0:
0x88: {  	s2 =	sld [smem:$0x3FD9]  }
0x89: {  	s3 =	sld [smem:$0x3FFE];
	_ =	sdelay $0x1  }
0x8a: {  	s1 =	srdreg.scid  }
0x8b: {  	s0 =	sand.u32 $0x1, s1  }
0x8c: {  	s17 =	sshll.u32 s0, $0xA;
	s2 =	sadd.s32 s3, s2  }
0x8d: {  	s2 =	sadd.s32 s2, s17  }
0x8e: {  	[smem:$0x3FC1] =	sst s2  }
0x8f: {  	_ = 	snop  }
0x90: {  	s2 =	sld [smem:$0x3FC9];
	(tm) =	ssettm $0x1  }
0x91: {  	s18 =	sld [smem:$0x3FFB];
	_ =	sdelay $0x3  }
0x92: {  	_ =	strace s18  }
0x93: {  	s3 =	sld [smem:$0x3FFC];
	_ =	sdelay $0x3  }
0x94: {  	_ =	strace s3  }
0x95: {  	s3 =	sld [smem:$0x3FFD];
	_ =	sdelay $0x3  }
0x96: {  	_ =	strace s3  }
0x97: {  	_ =	strace $0x8FFFFFFF  }
0x98: {  	s19 =	sld [smem:$0x3FDB];
	_ =	sdelay $0x1  }
0x99: {  	s4 =	simm.s32 $_scs_section_size  }
0x9a: {  	s5 =	simm.s32 $_size__tile_overlayer_lowered;
	s6 =	simm.s32 $_tile_overlayer_lowered  }
0x9b: {  	s22 =	simm.s32 $0x1BFF;
	s21 =	sshll.u32 s6, $0x1;
	s3 =	sadd.s32 s4, s19  }
0x9c: {  	s7 =	simm.s32 $0x0;
	s20 =	sshll.u32 s5, $0x1;
	s5 =	sadd.s32 s21, s3  }
0x9d: {  	[timem:s7], [sflag:s22] =	dma.local [hbm:s5], s20  }
0x9e: {  	_ =	swait.ge [sflag:s22], s20  }
0x9f: {  	s4 =	ssub.s32 $0x0, s20;
	[sflag:s22] =	ssyncset.done $0x0  }
0xa0: {  	[sflag:s22] =	ssyncadd.s32 s4;
	_ =	sdelay $0x1  }
0xa1: {  	s23 =	simm.s32 $0x1B8B  }
0xa2: {  	_ =	swait.ge [sflag:s23], $0x1  }
0xa3: {  	[sflag:s23] =	ssyncset.done $0x0  }
0xa4: {  	s25 =	simm.s32 $0x1B8E;
	s24 =	sld [smem:$0x3FFE];
	[sflag:s23] =	ssyncadd.s32 $0xFFFFFFFF  }
0xa5: {  	s26 =	simm.s32 $execute0_lowered;
	[smem:$0x3FD2] =	sst s25  }
0xa6: {  	s5 =	sshll.u32 s26, $0x1;
	_ =	strace $0x80000046;
	[dreg:$0x1] =	wrdreg $0xFFFFFFFF  }
0xa7: {  	s28 =	simm.s32 $_size_execute0_lowered;
	s3 =	sadd.s32 s3, s5;
	[dreg:$0x0] =	wrdreg $0x0  }
0xa8: {  	s5 =	sshll.u32 s28, $0x1;
	[dreg:$0x2] =	wrdreg s3  }
0xa9: {  	[dreg:$0x3] =	wrdreg s5  }
0xaa: {  	[dreg:$0x4] =	wrdreg $0xC0  }
0xab: {  	_ =	task [dreg:s7], $0x5FFFF  }
0xac: {  	[dreg:$0x1] =	wrdreg $0xFFFFFFFF  }
0xad: {  	[dreg:$0x0] =	wrdreg $0x60  }
0xae: {  	[dreg:$0x2] =	wrdreg s2  }
0xaf: {  	[dreg:$0x3] =	wrdreg s24  }
0xb0: {  	[dreg:$0x4] =	wrdreg $0x9  }
0xb1: {  	_ =	task.clear_ibuf [dreg:s7], $0x5FFFF;
	_ =	strace $0x90000046  }
0xb2: {  	s29 =	simm.s32 $0x9;
	_ =	strace $0x80000048  }
0xb3: {  	_ =	swait.ge [sflag:s29], $0x1  }
0xb4: {  	[sflag:s29] =	ssyncadd.s32 $0xFFFFFFFF  }
0xb5: {  	_ =	strace $0x90000048  }
0xb6: {  	_ =	sfence  }
0xb7: {  	s30 =	sld [smem:$0x0];
	_ =	sdelay $0x2  }
0xb8: {  	s31 =	sshll.u32 s1, $0xD;
	s1 =	sshrl.u32 s1, $0x2  }
0xb9: {  	s3 =	sand.u32 $0x4000, s31;
	s1 =	sadd.s32 s1, s30  }
0xba: {  	s0 =	sor.u32 s3, s0;
	s1 =	sshll.u32 s1, $0x11  }
0xbb: {  	s0 =	sor.u32 s1, s0  }
0xbc: {  	s0 =	sadd.s32 $0x8F2B, s0  }
0xbd: {  	[sflag:s0] =	ssyncadd.remote.s32 $0x1  }
0xbe: {  	_ =	sfence.sel $0xFFFF  }
0xbf: {  	[dreg:$0x0] =	wrdreg $0xFFFFFFFF;
	(pc) =	sbr.abs _section_cstart, $3  }
0xc0: {  	[dreg:$0x1] =	wrdreg $0xFFFFFFFF  }
0xc1: {  	_ =	task.clear_ibuf [dreg:s7], $0x2FFFF;
	_ =	strace $0x9FFFFFFF  }
0xc2: {  	(tm) =	ssettm $0x7FFFFFFF  }
0xc3: {  	_ =	shalt  }
tec
execute0_lowered:
.L_overlay_start_1:
0x0: {  	(tag) =	ssettag $0x1  }
0x1: {  	s0 =	rddreg [dreg:$0x0]  }
0x2: {  	s1 =	rddreg [dreg:$0x1]  }
0x3: {  	s2 =	simm.s32 $0x0;
	s3 =	srdreg.scid;
	s4 =	stileid.u32  }
0x4: {  	s31 =	simm.s32 $0x2;
	s28 =	simm.s32 $0x200;
	s29 =	simm.s32 $0x2A00  }
0x5: {  	s30 =	simm.s32 $0x3200;
	[smem:$0x7FF] =	sst s2;
	s3 =	sand.u32 $0x1, s3  }
0x6: {  	s5 =	sadd.s32 $0x1C00, s1;
	s4 =	sshll.u32 s4, $0x8;
	s7 =	sadd.s32 $0x1E00, s1  }
0x7: {  	_ =	strace $0x80000047;
	s6 =	sshll.u32 s3, $0x7;
	s8 =	ssub.s32 $0x2, s3  }
0x8: {  	s3 =	sadd.s32 $0x22000, s1;
	s4 =	sor.u32 s6, s4;
	s23 =	sshrl.u32 s8, $0x1  }
0x9: {  	s6 =	sadd.s32 $0x22300, s1;
	s9 =	sshll.u32 s4, $0x7;
	s8 =	ssub.s32 s8, s23  }
0xa: {  	s25 =	sshrl.u32 s4, $0x3;
	s10 =	sor.u32 $0x20, s4;
	s24 =	sadd.s32 s0, s9  }
0xb: {  	s16 =	sor.u32 $0x40, s4;
	s26 =	sadd.s32 s5, s25;
	[dreg:$0x3] =	wrdreg s24  }
0xc: {  	s11 =	sadd.s32 s7, s25;
	s12 =	sshll.u32 s10, $0x7;
	[dreg:$0x4] =	wrdreg s26  }
0xd: {  	s14 =	sshrl.u32 s10, $0x3;
	[dreg:$0x5] =	wrdreg s11;
	s13 =	sadd.s32 s0, s12  }
0xe: {  	s4 =	sor.u32 $0x60, s4;
	s15 =	sadd.s32 s5, s14;
	[dreg:$0x6] =	wrdreg s13  }
0xf: {  	s18 =	sshll.u32 s16, $0x7;
	s17 =	sadd.s32 s7, s14;
	[dreg:$0x7] =	wrdreg s15  }
0x10: {  	s20 =	sshrl.u32 s16, $0x3;
	s19 =	sadd.s32 s0, s18;
	[dreg:$0x8] =	wrdreg s17  }
0x11: {  	s23 =	sshll.u32 s4, $0x7;
	s21 =	sadd.s32 s5, s20;
	[dreg:$0x9] =	wrdreg s19  }
0x12: {  	s10 =	simm.s32 $0x4;
	s22 =	sadd.s32 s7, s20;
	[dreg:$0xa] =	wrdreg s21  }
0x13: {  	s0 =	sadd.s32 s0, s23;
	s24 =	sshrl.u32 s4, $0x3;
	[dreg:$0xb] =	wrdreg s22  }
0x14: {  	s4 =	sadd.s32 $0x22100, s1;
	[dreg:$0xc] =	wrdreg s0;
	s25 =	sadd.s32 s5, s24  }
0x15: {  	v2 =	vlaneseq.u32;
	s5 =	sadd.s32 $0x22200, s1;
	s26 =	sadd.s32 s7, s24;
	s7 =	smax.u32 s8, $0x1  }
0x16: {  	vm0 =	vmmov $0xffff;
	v1 =	vshrl.u32 v2, $0x3;
	s0 =	simm.s32 $0x3;
	s24 =	simm.s32 $0xA200;
	[dreg:$0xd] =	wrdreg s25  }
0x17: {  	v0 =	vand.u32 $0x7, v2;
	v2 =	vor.u32 $0x8, v2;
	v1 =	vmul.u32 $0x8, v1;
	[dreg:$0xe] =	wrdreg s26;
	s25 =	simm.s32 $0x1;
	s26 =	simm.s32 $0x1200  }
.LBB2_1:
0x18: {  	s23 =	rddreg [dreg:$0x3]  }
0x19: {  	[tilespmem:s28], [sflag:$0x1] =	stream.linear.gather [hbm4b:s23+s2], $0x8000, $0x38;
	[tilespmem:$0x10200] =	vst v63  }
0x1a: {  	_ =	swait.ge [sflag:s25], $0x8000  }
0x1b: {  	[sflag:s25] =	ssyncset.done $0x0  }
0x1c: {  	s18 =	rddreg [dreg:$0x4];
	[sflag:s25] =	ssyncadd.s32 $0xFFFF8000  }
0x1d: {  	[tilespmem:s2], [sflag:$0x4] =	stream.linear.gather [hbm4b:s18+s2], $0x20, $0x38;
	[tilespmem:$0x10200] =	vst v63  }
0x1e: {  	_ =	swait.ge [sflag:s10], $0x20  }
0x1f: {  	[sflag:s10] =	ssyncset.done $0x0  }
0x20: {  	s1 =	simm.s32 $0x80;
	s19 =	rddreg [dreg:$0x5];
	[sflag:s10] =	ssyncadd.s32 $0xFFFFFFE0  }
0x21: {  	[tilespmem:s1], [sflag:$0x4] =	stream.linear.gather [hbm4b:s19+s2], $0x20, $0x38;
	[tilespmem:$0x10200] =	vst v63  }
0x22: {  	_ =	swait.ge [sflag:s10], $0x20  }
0x23: {  	[sflag:s10] =	ssyncset.done $0x0  }
0x24: {  	[sflag:s10] =	ssyncadd.s32 $0xFFFFFFE0  }
0x25: {  	v3 =	vld [tilespmem:$0x0];
	_ =	sdelay $0x4  }
0x26: {  	v4 =	vshll.u32 v3, $0x3  }
0x27: {  	v3 =	vand.u32 $0x7, v3;
	v4 =	vand.u32 $0xFFFFFFC0, v4  }
0x28: {  	v3 =	vor.u32 v3, v4  }
0x29: {  	v4 =	vperm.xlane v3, v0;
	_ =	sdelay $0x1  }
0x2a: {  	v4 =	vadd.s32 v1, v4;
	_ =	sdelay $0x4  }
0x2b: {  	[hbm4b:s3+s2] =	stream.indirect_vreg.scatter [tilespmem:s28], [sflag:$0x2], $0x80, v4, vm0, $0xb8;
	[tilespmem:$0x10200] =	vst v63  }
0x2c: {  	s20 =	simm.s32 $0xA00;
	v3 =	vperm.xlane v3, v2  }
0x2d: {  	[hbm4b:s4+s2] =	stream.indirect_vreg.scatter [tilespmem:s20], [sflag:$0x2], $0x80, v4, vm0, $0xb8;
	[tilespmem:$0x10200] =	vst v63  }
0x2e: {  	v3 =	vadd.s32 v1, v3  }
0x2f: {  	[hbm4b:s5+s2] =	stream.indirect_vreg.scatter [tilespmem:s26], [sflag:$0x2], $0x80, v4, vm0, $0xb8;
	[tilespmem:$0x10200] =	vst v63  }
0x30: {  	s21 =	simm.s32 $0x1A00  }
0x31: {  	[hbm4b:s6+s2] =	stream.indirect_vreg.scatter [tilespmem:s21], [sflag:$0x2], $0x80, v4, vm0, $0xb8;
	[tilespmem:$0x10200] =	vst v63  }
0x32: {  	s22 =	simm.s32 $0x2200  }
0x33: {  	[hbm4b:s3+s2] =	stream.indirect_vreg.scatter [tilespmem:s22], [sflag:$0x2], $0x80, v3, vm0, $0xb8;
	[tilespmem:$0x10200] =	vst v63  }
0x34: {  	_ = 	snop  }
0x35: {  	[hbm4b:s4+s2] =	stream.indirect_vreg.scatter [tilespmem:s29], [sflag:$0x2], $0x80, v3, vm0, $0xb8;
	[tilespmem:$0x10200] =	vst v63  }
0x36: {  	_ = 	snop  }
0x37: {  	[hbm4b:s5+s2] =	stream.indirect_vreg.scatter [tilespmem:s30], [sflag:$0x2], $0x80, v3, vm0, $0xb8;
	[tilespmem:$0x10200] =	vst v63  }
0x38: {  	s23 =	simm.s32 $0x3A00  }
0x39: {  	[hbm4b:s6+s2] =	stream.indirect_vreg.scatter [tilespmem:s23], [sflag:$0x2], $0x80, v3, vm0, $0xb8;
	[tilespmem:$0x10200] =	vst v63  }
0x3a: {  	v3 =	vld [tilespmem:$0x10];
	_ =	sdelay $0x4  }
0x3b: {  	v49 =	vshll.u32 v3, $0x3  }
0x3c: {  	v3 =	vand.u32 $0x7, v3;
	v4 =	vand.u32 $0xFFFFFFC0, v49  }
0x3d: {  	v3 =	vor.u32 v3, v4  }
0x3e: {  	v4 =	vperm.xlane v3, v0;
	_ =	sdelay $0x1  }
0x3f: {  	v4 =	vadd.s32 v1, v4;
	_ =	sdelay $0x3  }
0x40: {  	s9 =	simm.s32 $0x4200  }
0x41: {  	[hbm4b:s3+s2] =	stream.indirect_vreg.scatter [tilespmem:s9], [sflag:$0x2], $0x80, v4, vm0, $0xb8;
	[tilespmem:$0x10200] =	vst v63  }
0x42: {  	s11 =	simm.s32 $0x4A00;
	v3 =	vperm.xlane v3, v2  }
0x43: {  	[hbm4b:s4+s2] =	stream.indirect_vreg.scatter [tilespmem:s11], [sflag:$0x2], $0x80, v4, vm0, $0xb8;
	[tilespmem:$0x10200] =	vst v63  }
0x44: {  	s12 =	simm.s32 $0x5200;
	v3 =	vadd.s32 v1, v3  }
0x45: {  	[hbm4b:s5+s2] =	stream.indirect_vreg.scatter [tilespmem:s12], [sflag:$0x2], $0x80, v4, vm0, $0xb8;
	[tilespmem:$0x10200] =	vst v63  }
0x46: {  	s13 =	simm.s32 $0x5A00  }
0x47: {  	[hbm4b:s6+s2] =	stream.indirect_vreg.scatter [tilespmem:s13], [sflag:$0x2], $0x80, v4, vm0, $0xb8;
	[tilespmem:$0x10200] =	vst v63  }
0x48: {  	s14 =	simm.s32 $0x6200  }
0x49: {  	[hbm4b:s3+s2] =	stream.indirect_vreg.scatter [tilespmem:s14], [sflag:$0x2], $0x80, v3, vm0, $0xb8;
	[tilespmem:$0x10200] =	vst v63  }
0x4a: {  	s20 =	simm.s32 $0x6A00  }
0x4b: {  	[hbm4b:s4+s2] =	stream.indirect_vreg.scatter [tilespmem:s20], [sflag:$0x2], $0x80, v3, vm0, $0xb8;
	[tilespmem:$0x10200] =	vst v63  }
0x4c: {  	s21 =	simm.s32 $0x7200  }
0x4d: {  	[hbm4b:s5+s2] =	stream.indirect_vreg.scatter [tilespmem:s21], [sflag:$0x2], $0x80, v3, vm0, $0xb8;
	[tilespmem:$0x10200] =	vst v63  }
0x4e: {  	s22 =	simm.s32 $0x7A00  }
0x4f: {  	[hbm4b:s6+s2] =	stream.indirect_vreg.scatter [tilespmem:s22], [sflag:$0x2], $0x80, v3, vm0, $0xb8;
	[tilespmem:$0x10200] =	vst v63  }
0x50: {  	v3 =	vld [tilespmem:$0x80];
	_ =	sdelay $0x4  }
0x51: {  	v50 =	vshll.u32 v3, $0x3  }
0x52: {  	v3 =	vand.u32 $0x7, v3;
	v4 =	vand.u32 $0xFFFFFFC0, v50  }
0x53: {  	v3 =	vor.u32 v3, v4  }
0x54: {  	v4 =	vperm.xlane v3, v0;
	_ =	sdelay $0x1  }
0x55: {  	v4 =	vadd.s32 v1, v4;
	_ =	sdelay $0x4  }
0x56: {  	[hbm4b:s3+s2] =	stream.indirect_vreg.scatter [tilespmem:s28], [sflag:$0x3], $0x80, v4, vm0, $0xb8;
	[tilespmem:$0x10200] =	vst v63  }
0x57: {  	s19 =	simm.s32 $0xA00;
	v3 =	vperm.xlane v3, v2  }
0x58: {  	[hbm4b:s4+s2] =	stream.indirect_vreg.scatter [tilespmem:s19], [sflag:$0x3], $0x80, v4, vm0, $0xb8;
	[tilespmem:$0x10200] =	vst v63  }
0x59: {  	v3 =	vadd.s32 v1, v3  }
0x5a: {  	[hbm4b:s5+s2] =	stream.indirect_vreg.scatter [tilespmem:s26], [sflag:$0x3], $0x80, v4, vm0, $0xb8;
	[tilespmem:$0x10200] =	vst v63  }
0x5b: {  	s15 =	simm.s32 $0x1A00  }
0x5c: {  	[hbm4b:s6+s2] =	stream.indirect_vreg.scatter [tilespmem:s15], [sflag:$0x3], $0x80, v4, vm0, $0xb8;
	[tilespmem:$0x10200] =	vst v63  }
0x5d: {  	s8 =	simm.s32 $0x2200  }
0x5e: {  	[hbm4b:s3+s2] =	stream.indirect_vreg.scatter [tilespmem:s8], [sflag:$0x3], $0x80, v3, vm0, $0xb8;
	[tilespmem:$0x10200] =	vst v63  }
0x5f: {  	_ = 	snop  }
0x60: {  	[hbm4b:s4+s2] =	stream.indirect_vreg.scatter [tilespmem:s29], [sflag:$0x3], $0x80, v3, vm0, $0xb8;
	[tilespmem:$0x10200] =	vst v63  }
0x61: {  	_ = 	snop  }
0x62: {  	[hbm4b:s5+s2] =	stream.indirect_vreg.scatter [tilespmem:s30], [sflag:$0x3], $0x80, v3, vm0, $0xb8;
	[tilespmem:$0x10200] =	vst v63  }
0x63: {  	s16 =	simm.s32 $0x3A00  }
0x64: {  	[hbm4b:s6+s2] =	stream.indirect_vreg.scatter [tilespmem:s16], [sflag:$0x3], $0x80, v3, vm0, $0xb8;
	[tilespmem:$0x10200] =	vst v63  }
0x65: {  	v3 =	vld [tilespmem:$0x90];
	_ =	sdelay $0x4  }
0x66: {  	v51 =	vshll.u32 v3, $0x3  }
0x67: {  	v3 =	vand.u32 $0x7, v3;
	v4 =	vand.u32 $0xFFFFFFC0, v51  }
0x68: {  	v3 =	vor.u32 v3, v4  }
0x69: {  	v4 =	vperm.xlane v3, v0;
	_ =	sdelay $0x1  }
0x6a: {  	v4 =	vadd.s32 v1, v4;
	_ =	sdelay $0x3  }
0x6b: {  	s17 =	simm.s32 $0x4200  }
0x6c: {  	[hbm4b:s3+s2] =	stream.indirect_vreg.scatter [tilespmem:s17], [sflag:$0x3], $0x80, v4, vm0, $0xb8;
	[tilespmem:$0x10200] =	vst v63  }
0x6d: {  	s18 =	simm.s32 $0x4A00;
	v3 =	vperm.xlane v3, v2  }
0x6e: {  	[hbm4b:s4+s2] =	stream.indirect_vreg.scatter [tilespmem:s18], [sflag:$0x3], $0x80, v4, vm0, $0xb8;
	[tilespmem:$0x10200] =	vst v63  }
0x6f: {  	s9 =	simm.s32 $0x5200;
	v3 =	vadd.s32 v1, v3  }
0x70: {  	[hbm4b:s5+s2] =	stream.indirect_vreg.scatter [tilespmem:s9], [sflag:$0x3], $0x80, v4, vm0, $0xb8;
	[tilespmem:$0x10200] =	vst v63  }
0x71: {  	s11 =	simm.s32 $0x5A00  }
0x72: {  	[hbm4b:s6+s2] =	stream.indirect_vreg.scatter [tilespmem:s11], [sflag:$0x3], $0x80, v4, vm0, $0xb8;
	[tilespmem:$0x10200] =	vst v63  }
0x73: {  	s12 =	simm.s32 $0x6200  }
0x74: {  	[hbm4b:s3+s2] =	stream.indirect_vreg.scatter [tilespmem:s12], [sflag:$0x3], $0x80, v3, vm0, $0xb8;
	[tilespmem:$0x10200] =	vst v63  }
0x75: {  	s13 =	simm.s32 $0x6A00  }
0x76: {  	[hbm4b:s4+s2] =	stream.indirect_vreg.scatter [tilespmem:s13], [sflag:$0x3], $0x80, v3, vm0, $0xb8;
	[tilespmem:$0x10200] =	vst v63  }
0x77: {  	s14 =	simm.s32 $0x7200  }
0x78: {  	[hbm4b:s5+s2] =	stream.indirect_vreg.scatter [tilespmem:s14], [sflag:$0x3], $0x80, v3, vm0, $0xb8;
	[tilespmem:$0x10200] =	vst v63  }
0x79: {  	s23 =	simm.s32 $0x7A00  }
0x7a: {  	[hbm4b:s6+s2] =	stream.indirect_vreg.scatter [tilespmem:s23], [sflag:$0x3], $0x80, v3, vm0, $0xb8;
	[tilespmem:$0x10200] =	vst v63  }
0x7b: {  	s1 =	simm.s32 $0x8200;
	s20 =	rddreg [dreg:$0x6]  }
0x7c: {  	[tilespmem:s1], [sflag:$0x1] =	stream.linear.gather [hbm4b:s20+s2], $0x8000, $0x38;
	[tilespmem:$0x10200] =	vst v63  }
0x7d: {  	_ =	swait.ge [sflag:s25], $0x8000  }
0x7e: {  	[sflag:s25] =	ssyncset.done $0x0  }
0x7f: {  	s22 =	simm.s32 $0x100;
	s21 =	rddreg [dreg:$0x7];
	[sflag:s25] =	ssyncadd.s32 $0xFFFF8000  }
0x80: {  	[tilespmem:s22], [sflag:$0x4] =	stream.linear.gather [hbm4b:s21+s2], $0x20, $0x38;
	[tilespmem:$0x10200] =	vst v63  }
0x81: {  	_ =	swait.ge [sflag:s10], $0x20  }
0x82: {  	[sflag:s10] =	ssyncset.done $0x0  }
0x83: {  	s9 =	simm.s32 $0x180;
	s8 =	rddreg [dreg:$0x8];
	[sflag:s10] =	ssyncadd.s32 $0xFFFFFFE0  }
0x84: {  	[tilespmem:s9], [sflag:$0x4] =	stream.linear.gather [hbm4b:s8+s2], $0x20, $0x38;
	[tilespmem:$0x10200] =	vst v63  }
0x85: {  	_ =	swait.ge [sflag:s10], $0x20  }
0x86: {  	[sflag:s10] =	ssyncset.done $0x0  }
0x87: {  	[sflag:s10] =	ssyncadd.s32 $0xFFFFFFE0  }
0x88: {  	_ =	swait.ge [sflag:s31], $0x8000  }
0x89: {  	[sflag:s31] =	ssyncset.done $0x0  }
0x8a: {  	[sflag:s31] =	ssyncadd.s32 $0xFFFF8000  }
0x8b: {  	_ =	swait.ge [sflag:s0], $0x8000  }
0x8c: {  	[sflag:s0] =	ssyncset.done $0x0  }
0x8d: {  	[sflag:s0] =	ssyncadd.s32 $0xFFFF8000  }
0x8e: {  	v3 =	vld [tilespmem:$0x100];
	_ =	sdelay $0x4  }
0x8f: {  	v52 =	vshll.u32 v3, $0x3  }
0x90: {  	v3 =	vand.u32 $0x7, v3;
	v4 =	vand.u32 $0xFFFFFFC0, v52  }
0x91: {  	v3 =	vor.u32 v3, v4  }
0x92: {  	v4 =	vperm.xlane v3, v0;
	_ =	sdelay $0x1  }
0x93: {  	v4 =	vadd.s32 v1, v4;
	_ =	sdelay $0x4  }
0x94: {  	[hbm4b:s3+s2] =	stream.indirect_vreg.scatter [tilespmem:s1], [sflag:$0x2], $0x80, v4, vm0, $0xb8;
	[tilespmem:$0x10200] =	vst v63  }
0x95: {  	s11 =	simm.s32 $0x8A00;
	v3 =	vperm.xlane v3, v2  }
0x96: {  	[hbm4b:s4+s2] =	stream.indirect_vreg.scatter [tilespmem:s11], [sflag:$0x2], $0x80, v4, vm0, $0xb8;
	[tilespmem:$0x10200] =	vst v63  }
0x97: {  	s12 =	simm.s32 $0x9200;
	v3 =	vadd.s32 v1, v3  }
0x98: {  	[hbm4b:s5+s2] =	stream.indirect_vreg.scatter [tilespmem:s12], [sflag:$0x2], $0x80, v4, vm0, $0xb8;
	[tilespmem:$0x10200] =	vst v63  }
0x99: {  	s13 =	simm.s32 $0x9A00  }
0x9a: {  	[hbm4b:s6+s2] =	stream.indirect_vreg.scatter [tilespmem:s13], [sflag:$0x2], $0x80, v4, vm0, $0xb8;
	[tilespmem:$0x10200] =	vst v63  }
0x9b: {  	s14 =	simm.s32 $0xA200  }
0x9c: {  	[hbm4b:s3+s2] =	stream.indirect_vreg.scatter [tilespmem:s14], [sflag:$0x2], $0x80, v3, vm0, $0xb8;
	[tilespmem:$0x10200] =	vst v63  }
0x9d: {  	s15 =	simm.s32 $0xAA00  }
0x9e: {  	[hbm4b:s4+s2] =	stream.indirect_vreg.scatter [tilespmem:s15], [sflag:$0x2], $0x80, v3, vm0, $0xb8;
	[tilespmem:$0x10200] =	vst v63  }
0x9f: {  	s16 =	simm.s32 $0xB200  }
0xa0: {  	[hbm4b:s5+s2] =	stream.indirect_vreg.scatter [tilespmem:s16], [sflag:$0x2], $0x80, v3, vm0, $0xb8;
	[tilespmem:$0x10200] =	vst v63  }
0xa1: {  	s17 =	simm.s32 $0xBA00  }
0xa2: {  	[hbm4b:s6+s2] =	stream.indirect_vreg.scatter [tilespmem:s17], [sflag:$0x2], $0x80, v3, vm0, $0xb8;
	[tilespmem:$0x10200] =	vst v63  }
0xa3: {  	v3 =	vld [tilespmem:$0x110];
	_ =	sdelay $0x4  }
0xa4: {  	v53 =	vshll.u32 v3, $0x3  }
0xa5: {  	v3 =	vand.u32 $0x7, v3;
	v4 =	vand.u32 $0xFFFFFFC0, v53  }
0xa6: {  	v3 =	vor.u32 v3, v4  }
0xa7: {  	v4 =	vperm.xlane v3, v0;
	_ =	sdelay $0x1  }
0xa8: {  	v4 =	vadd.s32 v1, v4;
	_ =	sdelay $0x3  }
0xa9: {  	s18 =	simm.s32 $0xC200  }
0xaa: {  	[hbm4b:s3+s2] =	stream.indirect_vreg.scatter [tilespmem:s18], [sflag:$0x2], $0x80, v4, vm0, $0xb8;
	[tilespmem:$0x10200] =	vst v63  }
0xab: {  	s19 =	simm.s32 $0xCA00;
	v3 =	vperm.xlane v3, v2  }
0xac: {  	[hbm4b:s4+s2] =	stream.indirect_vreg.scatter [tilespmem:s19], [sflag:$0x2], $0x80, v4, vm0, $0xb8;
	[tilespmem:$0x10200] =	vst v63  }
0xad: {  	s11 =	simm.s32 $0xD200;
	v3 =	vadd.s32 v1, v3  }
0xae: {  	[hbm4b:s5+s2] =	stream.indirect_vreg.scatter [tilespmem:s11], [sflag:$0x2], $0x80, v4, vm0, $0xb8;
	[tilespmem:$0x10200] =	vst v63  }
0xaf: {  	s12 =	simm.s32 $0xDA00  }
0xb0: {  	[hbm4b:s6+s2] =	stream.indirect_vreg.scatter [tilespmem:s12], [sflag:$0x2], $0x80, v4, vm0, $0xb8;
	[tilespmem:$0x10200] =	vst v63  }
0xb1: {  	s13 =	simm.s32 $0xE200  }
0xb2: {  	[hbm4b:s3+s2] =	stream.indirect_vreg.scatter [tilespmem:s13], [sflag:$0x2], $0x80, v3, vm0, $0xb8;
	[tilespmem:$0x10200] =	vst v63  }
0xb3: {  	s14 =	simm.s32 $0xEA00  }
0xb4: {  	[hbm4b:s4+s2] =	stream.indirect_vreg.scatter [tilespmem:s14], [sflag:$0x2], $0x80, v3, vm0, $0xb8;
	[tilespmem:$0x10200] =	vst v63  }
0xb5: {  	s15 =	simm.s32 $0xF200  }
0xb6: {  	[hbm4b:s5+s2] =	stream.indirect_vreg.scatter [tilespmem:s15], [sflag:$0x2], $0x80, v3, vm0, $0xb8;
	[tilespmem:$0x10200] =	vst v63  }
0xb7: {  	s19 =	simm.s32 $0xFA00  }
0xb8: {  	[hbm4b:s6+s2] =	stream.indirect_vreg.scatter [tilespmem:s19], [sflag:$0x2], $0x80, v3, vm0, $0xb8;
	[tilespmem:$0x10200] =	vst v63  }
0xb9: {  	v3 =	vld [tilespmem:$0x180];
	_ =	sdelay $0x4  }
0xba: {  	v54 =	vshll.u32 v3, $0x3  }
0xbb: {  	v3 =	vand.u32 $0x7, v3;
	v4 =	vand.u32 $0xFFFFFFC0, v54  }
0xbc: {  	v3 =	vor.u32 v3, v4  }
0xbd: {  	v4 =	vperm.xlane v3, v0;
	_ =	sdelay $0x1  }
0xbe: {  	v4 =	vadd.s32 v1, v4;
	_ =	sdelay $0x4  }
0xbf: {  	[hbm4b:s3+s2] =	stream.indirect_vreg.scatter [tilespmem:s1], [sflag:$0x3], $0x80, v4, vm0, $0xb8;
	[tilespmem:$0x10200] =	vst v63  }
0xc0: {  	s20 =	simm.s32 $0x8A00;
	v3 =	vperm.xlane v3, v2  }
0xc1: {  	[hbm4b:s4+s2] =	stream.indirect_vreg.scatter [tilespmem:s20], [sflag:$0x3], $0x80, v4, vm0, $0xb8;
	[tilespmem:$0x10200] =	vst v63  }
0xc2: {  	s21 =	simm.s32 $0x9200;
	v3 =	vadd.s32 v1, v3  }
0xc3: {  	[hbm4b:s5+s2] =	stream.indirect_vreg.scatter [tilespmem:s21], [sflag:$0x3], $0x80, v4, vm0, $0xb8;
	[tilespmem:$0x10200] =	vst v63  }
0xc4: {  	s22 =	simm.s32 $0x9A00  }
0xc5: {  	[hbm4b:s6+s2] =	stream.indirect_vreg.scatter [tilespmem:s22], [sflag:$0x3], $0x80, v4, vm0, $0xb8;
	[tilespmem:$0x10200] =	vst v63  }
0xc6: {  	_ = 	snop  }
0xc7: {  	[hbm4b:s3+s2] =	stream.indirect_vreg.scatter [tilespmem:s24], [sflag:$0x3], $0x80, v3, vm0, $0xb8;
	[tilespmem:$0x10200] =	vst v63  }
0xc8: {  	s9 =	simm.s32 $0xAA00  }
0xc9: {  	[hbm4b:s4+s2] =	stream.indirect_vreg.scatter [tilespmem:s9], [sflag:$0x3], $0x80, v3, vm0, $0xb8;
	[tilespmem:$0x10200] =	vst v63  }
0xca: {  	s8 =	simm.s32 $0xB200  }
0xcb: {  	[hbm4b:s5+s2] =	stream.indirect_vreg.scatter [tilespmem:s8], [sflag:$0x3], $0x80, v3, vm0, $0xb8;
	[tilespmem:$0x10200] =	vst v63  }
0xcc: {  	s16 =	simm.s32 $0xBA00  }
0xcd: {  	[hbm4b:s6+s2] =	stream.indirect_vreg.scatter [tilespmem:s16], [sflag:$0x3], $0x80, v3, vm0, $0xb8;
	[tilespmem:$0x10200] =	vst v63  }
0xce: {  	v3 =	vld [tilespmem:$0x190];
	_ =	sdelay $0x4  }
0xcf: {  	v55 =	vshll.u32 v3, $0x3  }
0xd0: {  	v3 =	vand.u32 $0x7, v3;
	v4 =	vand.u32 $0xFFFFFFC0, v55  }
0xd1: {  	v3 =	vor.u32 v3, v4  }
0xd2: {  	v4 =	vperm.xlane v3, v0;
	_ =	sdelay $0x1  }
0xd3: {  	v4 =	vadd.s32 v1, v4;
	_ =	sdelay $0x3  }
0xd4: {  	s17 =	simm.s32 $0xC200  }
0xd5: {  	[hbm4b:s3+s2] =	stream.indirect_vreg.scatter [tilespmem:s17], [sflag:$0x3], $0x80, v4, vm0, $0xb8;
	[tilespmem:$0x10200] =	vst v63  }
0xd6: {  	s18 =	simm.s32 $0xCA00;
	v3 =	vperm.xlane v3, v2  }
0xd7: {  	[hbm4b:s4+s2] =	stream.indirect_vreg.scatter [tilespmem:s18], [sflag:$0x3], $0x80, v4, vm0, $0xb8;
	[tilespmem:$0x10200] =	vst v63  }
0xd8: {  	s11 =	simm.s32 $0xD200;
	v3 =	vadd.s32 v1, v3  }
0xd9: {  	[hbm4b:s5+s2] =	stream.indirect_vreg.scatter [tilespmem:s11], [sflag:$0x3], $0x80, v4, vm0, $0xb8;
	[tilespmem:$0x10200] =	vst v63  }
0xda: {  	s12 =	simm.s32 $0xDA00  }
0xdb: {  	[hbm4b:s6+s2] =	stream.indirect_vreg.scatter [tilespmem:s12], [sflag:$0x3], $0x80, v4, vm0, $0xb8;
	[tilespmem:$0x10200] =	vst v63  }
0xdc: {  	s13 =	simm.s32 $0xE200  }
0xdd: {  	[hbm4b:s3+s2] =	stream.indirect_vreg.scatter [tilespmem:s13], [sflag:$0x3], $0x80, v3, vm0, $0xb8;
	[tilespmem:$0x10200] =	vst v63  }
0xde: {  	s14 =	simm.s32 $0xEA00  }
0xdf: {  	[hbm4b:s4+s2] =	stream.indirect_vreg.scatter [tilespmem:s14], [sflag:$0x3], $0x80, v3, vm0, $0xb8;
	[tilespmem:$0x10200] =	vst v63  }
0xe0: {  	s15 =	simm.s32 $0xF200  }
0xe1: {  	[hbm4b:s5+s2] =	stream.indirect_vreg.scatter [tilespmem:s15], [sflag:$0x3], $0x80, v3, vm0, $0xb8;
	[tilespmem:$0x10200] =	vst v63  }
0xe2: {  	s23 =	simm.s32 $0xFA00  }
0xe3: {  	[hbm4b:s6+s2] =	stream.indirect_vreg.scatter [tilespmem:s23], [sflag:$0x3], $0x80, v3, vm0, $0xb8;
	[tilespmem:$0x10200] =	vst v63  }
0xe4: {  	s13 =	rddreg [dreg:$0x9]  }
0xe5: {  	[tilespmem:s28], [sflag:$0x1] =	stream.linear.gather [hbm4b:s13+s2], $0x8000, $0x38;
	[tilespmem:$0x10200] =	vst v63  }
0xe6: {  	_ =	swait.ge [sflag:s25], $0x8000  }
0xe7: {  	[sflag:s25] =	ssyncset.done $0x0  }
0xe8: {  	s14 =	rddreg [dreg:$0xa];
	[sflag:s25] =	ssyncadd.s32 $0xFFFF8000  }
0xe9: {  	[tilespmem:s2], [sflag:$0x4] =	stream.linear.gather [hbm4b:s14+s2], $0x20, $0x38;
	[tilespmem:$0x10200] =	vst v63  }
0xea: {  	_ =	swait.ge [sflag:s10], $0x20  }
0xeb: {  	[sflag:s10] =	ssyncset.done $0x0  }
0xec: {  	s16 =	simm.s32 $0x80;
	s15 =	rddreg [dreg:$0xb];
	[sflag:s10] =	ssyncadd.s32 $0xFFFFFFE0  }
0xed: {  	[tilespmem:s16], [sflag:$0x4] =	stream.linear.gather [hbm4b:s15+s2], $0x20, $0x38;
	[tilespmem:$0x10200] =	vst v63  }
0xee: {  	_ =	swait.ge [sflag:s10], $0x20  }
0xef: {  	[sflag:s10] =	ssyncset.done $0x0  }
0xf0: {  	[sflag:s10] =	ssyncadd.s32 $0xFFFFFFE0  }
0xf1: {  	_ =	swait.ge [sflag:s31], $0x8000  }
0xf2: {  	[sflag:s31] =	ssyncset.done $0x0  }
0xf3: {  	[sflag:s31] =	ssyncadd.s32 $0xFFFF8000  }
0xf4: {  	_ =	swait.ge [sflag:s0], $0x8000  }
0xf5: {  	[sflag:s0] =	ssyncset.done $0x0  }
0xf6: {  	[sflag:s0] =	ssyncadd.s32 $0xFFFF8000  }
0xf7: {  	v3 =	vld [tilespmem:$0x0];
	_ =	sdelay $0x4  }
0xf8: {  	v56 =	vshll.u32 v3, $0x3  }
0xf9: {  	v3 =	vand.u32 $0x7, v3;
	v4 =	vand.u32 $0xFFFFFFC0, v56  }
0xfa: {  	v3 =	vor.u32 v3, v4  }
0xfb: {  	v4 =	vperm.xlane v3, v0;
	_ =	sdelay $0x1  }
0xfc: {  	v4 =	vadd.s32 v1, v4;
	_ =	sdelay $0x4  }
0xfd: {  	[hbm4b:s3+s2] =	stream.indirect_vreg.scatter [tilespmem:s28], [sflag:$0x2], $0x80, v4, vm0, $0xb8;
	[tilespmem:$0x10200] =	vst v63  }
0xfe: {  	s17 =	simm.s32 $0xA00;
	v3 =	vperm.xlane v3, v2  }
0xff: {  	[hbm4b:s4+s2] =	stream.indirect_vreg.scatter [tilespmem:s17], [sflag:$0x2], $0x80, v4, vm0, $0xb8;
	[tilespmem:$0x10200] =	vst v63  }
0x100: {  	v3 =	vadd.s32 v1, v3  }
0x101: {  	[hbm4b:s5+s2] =	stream.indirect_vreg.scatter [tilespmem:s26], [sflag:$0x2], $0x80, v4, vm0, $0xb8;
	[tilespmem:$0x10200] =	vst v63  }
0x102: {  	s18 =	simm.s32 $0x1A00  }
0x103: {  	[hbm4b:s6+s2] =	stream.indirect_vreg.scatter [tilespmem:s18], [sflag:$0x2], $0x80, v4, vm0, $0xb8;
	[tilespmem:$0x10200] =	vst v63  }
0x104: {  	s19 =	simm.s32 $0x2200  }
0x105: {  	[hbm4b:s3+s2] =	stream.indirect_vreg.scatter [tilespmem:s19], [sflag:$0x2], $0x80, v3, vm0, $0xb8;
	[tilespmem:$0x10200] =	vst v63  }
0x106: {  	_ = 	snop  }
0x107: {  	[hbm4b:s4+s2] =	stream.indirect_vreg.scatter [tilespmem:s29], [sflag:$0x2], $0x80, v3, vm0, $0xb8;
	[tilespmem:$0x10200] =	vst v63  }
0x108: {  	_ = 	snop  }
0x109: {  	[hbm4b:s5+s2] =	stream.indirect_vreg.scatter [tilespmem:s30], [sflag:$0x2], $0x80, v3, vm0, $0xb8;
	[tilespmem:$0x10200] =	vst v63  }
0x10a: {  	s8 =	simm.s32 $0x3A00  }
0x10b: {  	[hbm4b:s6+s2] =	stream.indirect_vreg.scatter [tilespmem:s8], [sflag:$0x2], $0x80, v3, vm0, $0xb8;
	[tilespmem:$0x10200] =	vst v63  }
0x10c: {  	v3 =	vld [tilespmem:$0x10];
	_ =	sdelay $0x4  }
0x10d: {  	v57 =	vshll.u32 v3, $0x3  }
0x10e: {  	v3 =	vand.u32 $0x7, v3;
	v4 =	vand.u32 $0xFFFFFFC0, v57  }
0x10f: {  	v3 =	vor.u32 v3, v4  }
0x110: {  	v4 =	vperm.xlane v3, v0;
	_ =	sdelay $0x1  }
0x111: {  	v4 =	vadd.s32 v1, v4;
	_ =	sdelay $0x3  }
0x112: {  	s11 =	simm.s32 $0x4200  }
0x113: {  	[hbm4b:s3+s2] =	stream.indirect_vreg.scatter [tilespmem:s11], [sflag:$0x2], $0x80, v4, vm0, $0xb8;
	[tilespmem:$0x10200] =	vst v63  }
0x114: {  	s12 =	simm.s32 $0x4A00;
	v3 =	vperm.xlane v3, v2  }
0x115: {  	[hbm4b:s4+s2] =	stream.indirect_vreg.scatter [tilespmem:s12], [sflag:$0x2], $0x80, v4, vm0, $0xb8;
	[tilespmem:$0x10200] =	vst v63  }
0x116: {  	s13 =	simm.s32 $0x5200;
	v3 =	vadd.s32 v1, v3  }
0x117: {  	[hbm4b:s5+s2] =	stream.indirect_vreg.scatter [tilespmem:s13], [sflag:$0x2], $0x80, v4, vm0, $0xb8;
	[tilespmem:$0x10200] =	vst v63  }
0x118: {  	s14 =	simm.s32 $0x5A00  }
0x119: {  	[hbm4b:s6+s2] =	stream.indirect_vreg.scatter [tilespmem:s14], [sflag:$0x2], $0x80, v4, vm0, $0xb8;
	[tilespmem:$0x10200] =	vst v63  }
0x11a: {  	s15 =	simm.s32 $0x6200  }
0x11b: {  	[hbm4b:s3+s2] =	stream.indirect_vreg.scatter [tilespmem:s15], [sflag:$0x2], $0x80, v3, vm0, $0xb8;
	[tilespmem:$0x10200] =	vst v63  }
0x11c: {  	s21 =	simm.s32 $0x6A00  }
0x11d: {  	[hbm4b:s4+s2] =	stream.indirect_vreg.scatter [tilespmem:s21], [sflag:$0x2], $0x80, v3, vm0, $0xb8;
	[tilespmem:$0x10200] =	vst v63  }
0x11e: {  	s22 =	simm.s32 $0x7200  }
0x11f: {  	[hbm4b:s5+s2] =	stream.indirect_vreg.scatter [tilespmem:s22], [sflag:$0x2], $0x80, v3, vm0, $0xb8;
	[tilespmem:$0x10200] =	vst v63  }
0x120: {  	s23 =	simm.s32 $0x7A00  }
0x121: {  	[hbm4b:s6+s2] =	stream.indirect_vreg.scatter [tilespmem:s23], [sflag:$0x2], $0x80, v3, vm0, $0xb8;
	[tilespmem:$0x10200] =	vst v63  }
0x122: {  	v3 =	vld [tilespmem:$0x80];
	_ =	sdelay $0x4  }
0x123: {  	v58 =	vshll.u32 v3, $0x3  }
0x124: {  	v3 =	vand.u32 $0x7, v3;
	v4 =	vand.u32 $0xFFFFFFC0, v58  }
0x125: {  	v3 =	vor.u32 v3, v4  }
0x126: {  	v4 =	vperm.xlane v3, v0;
	_ =	sdelay $0x1  }
0x127: {  	v4 =	vadd.s32 v1, v4;
	_ =	sdelay $0x4  }
0x128: {  	[hbm4b:s3+s2] =	stream.indirect_vreg.scatter [tilespmem:s28], [sflag:$0x3], $0x80, v4, vm0, $0xb8;
	[tilespmem:$0x10200] =	vst v63  }
0x129: {  	v3 =	vperm.xlane v3, v2  }
0x12a: {  	[hbm4b:s4+s2] =	stream.indirect_vreg.scatter [tilespmem:s17], [sflag:$0x3], $0x80, v4, vm0, $0xb8;
	[tilespmem:$0x10200] =	vst v63  }
0x12b: {  	v3 =	vadd.s32 v1, v3  }
0x12c: {  	[hbm4b:s5+s2] =	stream.indirect_vreg.scatter [tilespmem:s26], [sflag:$0x3], $0x80, v4, vm0, $0xb8;
	[tilespmem:$0x10200] =	vst v63  }
0x12d: {  	_ = 	snop  }
0x12e: {  	[hbm4b:s6+s2] =	stream.indirect_vreg.scatter [tilespmem:s18], [sflag:$0x3], $0x80, v4, vm0, $0xb8;
	[tilespmem:$0x10200] =	vst v63  }
0x12f: {  	_ = 	snop  }
0x130: {  	[hbm4b:s3+s2] =	stream.indirect_vreg.scatter [tilespmem:s19], [sflag:$0x3], $0x80, v3, vm0, $0xb8;
	[tilespmem:$0x10200] =	vst v63  }
0x131: {  	_ = 	snop  }
0x132: {  	[hbm4b:s4+s2] =	stream.indirect_vreg.scatter [tilespmem:s29], [sflag:$0x3], $0x80, v3, vm0, $0xb8;
	[tilespmem:$0x10200] =	vst v63  }
0x133: {  	_ = 	snop  }
0x134: {  	[hbm4b:s5+s2] =	stream.indirect_vreg.scatter [tilespmem:s30], [sflag:$0x3], $0x80, v3, vm0, $0xb8;
	[tilespmem:$0x10200] =	vst v63  }
0x135: {  	_ = 	snop  }
0x136: {  	[hbm4b:s6+s2] =	stream.indirect_vreg.scatter [tilespmem:s8], [sflag:$0x3], $0x80, v3, vm0, $0xb8;
	[tilespmem:$0x10200] =	vst v63  }
0x137: {  	v3 =	vld [tilespmem:$0x90];
	_ =	sdelay $0x4  }
0x138: {  	v59 =	vshll.u32 v3, $0x3  }
0x139: {  	v3 =	vand.u32 $0x7, v3;
	v4 =	vand.u32 $0xFFFFFFC0, v59  }
0x13a: {  	v3 =	vor.u32 v3, v4  }
0x13b: {  	v4 =	vperm.xlane v3, v0;
	_ =	sdelay $0x1  }
0x13c: {  	v4 =	vadd.s32 v1, v4;
	_ =	sdelay $0x4  }
0x13d: {  	[hbm4b:s3+s2] =	stream.indirect_vreg.scatter [tilespmem:s11], [sflag:$0x3], $0x80, v4, vm0, $0xb8;
	[tilespmem:$0x10200] =	vst v63  }
0x13e: {  	v3 =	vperm.xlane v3, v2  }
0x13f: {  	[hbm4b:s4+s2] =	stream.indirect_vreg.scatter [tilespmem:s12], [sflag:$0x3], $0x80, v4, vm0, $0xb8;
	[tilespmem:$0x10200] =	vst v63  }
0x140: {  	v3 =	vadd.s32 v1, v3  }
0x141: {  	[hbm4b:s5+s2] =	stream.indirect_vreg.scatter [tilespmem:s13], [sflag:$0x3], $0x80, v4, vm0, $0xb8;
	[tilespmem:$0x10200] =	vst v63  }
0x142: {  	_ = 	snop  }
0x143: {  	[hbm4b:s6+s2] =	stream.indirect_vreg.scatter [tilespmem:s14], [sflag:$0x3], $0x80, v4, vm0, $0xb8;
	[tilespmem:$0x10200] =	vst v63  }
0x144: {  	_ = 	snop  }
0x145: {  	[hbm4b:s3+s2] =	stream.indirect_vreg.scatter [tilespmem:s15], [sflag:$0x3], $0x80, v3, vm0, $0xb8;
	[tilespmem:$0x10200] =	vst v63  }
0x146: {  	_ = 	snop  }
0x147: {  	[hbm4b:s4+s2] =	stream.indirect_vreg.scatter [tilespmem:s21], [sflag:$0x3], $0x80, v3, vm0, $0xb8;
	[tilespmem:$0x10200] =	vst v63  }
0x148: {  	_ = 	snop  }
0x149: {  	[hbm4b:s5+s2] =	stream.indirect_vreg.scatter [tilespmem:s22], [sflag:$0x3], $0x80, v3, vm0, $0xb8;
	[tilespmem:$0x10200] =	vst v63  }
0x14a: {  	_ = 	snop  }
0x14b: {  	[hbm4b:s6+s2] =	stream.indirect_vreg.scatter [tilespmem:s23], [sflag:$0x3], $0x80, v3, vm0, $0xb8;
	[tilespmem:$0x10200] =	vst v63  }
0x14c: {  	s18 =	rddreg [dreg:$0xc]  }
0x14d: {  	[tilespmem:s1], [sflag:$0x1] =	stream.linear.gather [hbm4b:s18+s2], $0x8000, $0x38;
	[tilespmem:$0x10200] =	vst v63  }
0x14e: {  	_ =	swait.ge [sflag:s25], $0x8000  }
0x14f: {  	[sflag:s25] =	ssyncset.done $0x0  }
0x150: {  	s20 =	simm.s32 $0x100;
	s19 =	rddreg [dreg:$0xd];
	[sflag:s25] =	ssyncadd.s32 $0xFFFF8000  }
0x151: {  	[tilespmem:s20], [sflag:$0x4] =	stream.linear.gather [hbm4b:s19+s2], $0x20, $0x38;
	[tilespmem:$0x10200] =	vst v63  }
0x152: {  	_ =	swait.ge [sflag:s10], $0x20  }
0x153: {  	[sflag:s10] =	ssyncset.done $0x0  }
0x154: {  	s22 =	simm.s32 $0x180;
	s21 =	rddreg [dreg:$0xe];
	[sflag:s10] =	ssyncadd.s32 $0xFFFFFFE0  }
0x155: {  	[tilespmem:s22], [sflag:$0x4] =	stream.linear.gather [hbm4b:s21+s2], $0x20, $0x38;
	[tilespmem:$0x10200] =	vst v63  }
0x156: {  	_ =	swait.ge [sflag:s10], $0x20  }
0x157: {  	[sflag:s10] =	ssyncset.done $0x0  }
0x158: {  	[sflag:s10] =	ssyncadd.s32 $0xFFFFFFE0  }
0x159: {  	_ =	swait.ge [sflag:s31], $0x8000  }
0x15a: {  	[sflag:s31] =	ssyncset.done $0x0  }
0x15b: {  	[sflag:s31] =	ssyncadd.s32 $0xFFFF8000  }
0x15c: {  	_ =	swait.ge [sflag:s0], $0x8000  }
0x15d: {  	[sflag:s0] =	ssyncset.done $0x0  }
0x15e: {  	[sflag:s0] =	ssyncadd.s32 $0xFFFF8000  }
0x15f: {  	v3 =	vld [tilespmem:$0x100];
	_ =	sdelay $0x4  }
0x160: {  	v60 =	vshll.u32 v3, $0x3  }
0x161: {  	v3 =	vand.u32 $0x7, v3;
	v4 =	vand.u32 $0xFFFFFFC0, v60  }
0x162: {  	v3 =	vor.u32 v3, v4  }
0x163: {  	v4 =	vperm.xlane v3, v0;
	_ =	sdelay $0x1  }
0x164: {  	v4 =	vadd.s32 v1, v4;
	_ =	sdelay $0x4  }
0x165: {  	[hbm4b:s3+s2] =	stream.indirect_vreg.scatter [tilespmem:s1], [sflag:$0x2], $0x80, v4, vm0, $0xb8;
	[tilespmem:$0x10200] =	vst v63  }
0x166: {  	s20 =	simm.s32 $0x8A00;
	v3 =	vperm.xlane v3, v2  }
0x167: {  	[hbm4b:s4+s2] =	stream.indirect_vreg.scatter [tilespmem:s20], [sflag:$0x2], $0x80, v4, vm0, $0xb8;
	[tilespmem:$0x10200] =	vst v63  }
0x168: {  	s21 =	simm.s32 $0x9200;
	v3 =	vadd.s32 v1, v3  }
0x169: {  	[hbm4b:s5+s2] =	stream.indirect_vreg.scatter [tilespmem:s21], [sflag:$0x2], $0x80, v4, vm0, $0xb8;
	[tilespmem:$0x10200] =	vst v63  }
0x16a: {  	s22 =	simm.s32 $0x9A00  }
0x16b: {  	[hbm4b:s6+s2] =	stream.indirect_vreg.scatter [tilespmem:s22], [sflag:$0x2], $0x80, v4, vm0, $0xb8;
	[tilespmem:$0x10200] =	vst v63  }
0x16c: {  	s23 =	simm.s32 $0xA200  }
0x16d: {  	[hbm4b:s3+s2] =	stream.indirect_vreg.scatter [tilespmem:s23], [sflag:$0x2], $0x80, v3, vm0, $0xb8;
	[tilespmem:$0x10200] =	vst v63  }
0x16e: {  	s9 =	simm.s32 $0xAA00  }
0x16f: {  	[hbm4b:s4+s2] =	stream.indirect_vreg.scatter [tilespmem:s9], [sflag:$0x2], $0x80, v3, vm0, $0xb8;
	[tilespmem:$0x10200] =	vst v63  }
0x170: {  	s8 =	simm.s32 $0xB200  }
0x171: {  	[hbm4b:s5+s2] =	stream.indirect_vreg.scatter [tilespmem:s8], [sflag:$0x2], $0x80, v3, vm0, $0xb8;
	[tilespmem:$0x10200] =	vst v63  }
0x172: {  	s16 =	simm.s32 $0xBA00  }
0x173: {  	[hbm4b:s6+s2] =	stream.indirect_vreg.scatter [tilespmem:s16], [sflag:$0x2], $0x80, v3, vm0, $0xb8;
	[tilespmem:$0x10200] =	vst v63  }
0x174: {  	v3 =	vld [tilespmem:$0x110];
	_ =	sdelay $0x4  }
0x175: {  	v61 =	vshll.u32 v3, $0x3  }
0x176: {  	v3 =	vand.u32 $0x7, v3;
	v4 =	vand.u32 $0xFFFFFFC0, v61  }
0x177: {  	v3 =	vor.u32 v3, v4  }
0x178: {  	v4 =	vperm.xlane v3, v0;
	_ =	sdelay $0x1  }
0x179: {  	v4 =	vadd.s32 v1, v4;
	_ =	sdelay $0x3  }
0x17a: {  	s17 =	simm.s32 $0xC200  }
0x17b: {  	[hbm4b:s3+s2] =	stream.indirect_vreg.scatter [tilespmem:s17], [sflag:$0x2], $0x80, v4, vm0, $0xb8;
	[tilespmem:$0x10200] =	vst v63  }
0x17c: {  	s18 =	simm.s32 $0xCA00;
	v3 =	vperm.xlane v3, v2  }
0x17d: {  	[hbm4b:s4+s2] =	stream.indirect_vreg.scatter [tilespmem:s18], [sflag:$0x2], $0x80, v4, vm0, $0xb8;
	[tilespmem:$0x10200] =	vst v63  }
0x17e: {  	s11 =	simm.s32 $0xD200;
	v3 =	vadd.s32 v1, v3  }
0x17f: {  	[hbm4b:s5+s2] =	stream.indirect_vreg.scatter [tilespmem:s11], [sflag:$0x2], $0x80, v4, vm0, $0xb8;
	[tilespmem:$0x10200] =	vst v63  }
0x180: {  	s12 =	simm.s32 $0xDA00  }
0x181: {  	[hbm4b:s6+s2] =	stream.indirect_vreg.scatter [tilespmem:s12], [sflag:$0x2], $0x80, v4, vm0, $0xb8;
	[tilespmem:$0x10200] =	vst v63  }
0x182: {  	s13 =	simm.s32 $0xE200  }
0x183: {  	[hbm4b:s3+s2] =	stream.indirect_vreg.scatter [tilespmem:s13], [sflag:$0x2], $0x80, v3, vm0, $0xb8;
	[tilespmem:$0x10200] =	vst v63  }
0x184: {  	s14 =	simm.s32 $0xEA00  }
0x185: {  	[hbm4b:s4+s2] =	stream.indirect_vreg.scatter [tilespmem:s14], [sflag:$0x2], $0x80, v3, vm0, $0xb8;
	[tilespmem:$0x10200] =	vst v63  }
0x186: {  	s15 =	simm.s32 $0xF200  }
0x187: {  	[hbm4b:s5+s2] =	stream.indirect_vreg.scatter [tilespmem:s15], [sflag:$0x2], $0x80, v3, vm0, $0xb8;
	[tilespmem:$0x10200] =	vst v63  }
0x188: {  	s19 =	simm.s32 $0xFA00  }
0x189: {  	[hbm4b:s6+s2] =	stream.indirect_vreg.scatter [tilespmem:s19], [sflag:$0x2], $0x80, v3, vm0, $0xb8;
	[tilespmem:$0x10200] =	vst v63  }
0x18a: {  	v3 =	vld [tilespmem:$0x180];
	_ =	sdelay $0x4  }
0x18b: {  	v62 =	vshll.u32 v3, $0x3  }
0x18c: {  	v3 =	vand.u32 $0x7, v3;
	v4 =	vand.u32 $0xFFFFFFC0, v62  }
0x18d: {  	v3 =	vor.u32 v3, v4  }
0x18e: {  	v4 =	vperm.xlane v3, v0;
	_ =	sdelay $0x1  }
0x18f: {  	v4 =	vadd.s32 v1, v4;
	_ =	sdelay $0x4  }
0x190: {  	[hbm4b:s3+s2] =	stream.indirect_vreg.scatter [tilespmem:s1], [sflag:$0x3], $0x80, v4, vm0, $0xb8;
	[tilespmem:$0x10200] =	vst v63  }
0x191: {  	v3 =	vperm.xlane v3, v2  }
0x192: {  	[hbm4b:s4+s2] =	stream.indirect_vreg.scatter [tilespmem:s20], [sflag:$0x3], $0x80, v4, vm0, $0xb8;
	[tilespmem:$0x10200] =	vst v63  }
0x193: {  	v3 =	vadd.s32 v1, v3  }
0x194: {  	[hbm4b:s5+s2] =	stream.indirect_vreg.scatter [tilespmem:s21], [sflag:$0x3], $0x80, v4, vm0, $0xb8;
	[tilespmem:$0x10200] =	vst v63  }
0x195: {  	_ = 	snop  }
0x196: {  	[hbm4b:s6+s2] =	stream.indirect_vreg.scatter [tilespmem:s22], [sflag:$0x3], $0x80, v4, vm0, $0xb8;
	[tilespmem:$0x10200] =	vst v63  }
0x197: {  	_ = 	snop  }
0x198: {  	[hbm4b:s3+s2] =	stream.indirect_vreg.scatter [tilespmem:s23], [sflag:$0x3], $0x80, v3, vm0, $0xb8;
	[tilespmem:$0x10200] =	vst v63  }
0x199: {  	_ = 	snop  }
0x19a: {  	[hbm4b:s4+s2] =	stream.indirect_vreg.scatter [tilespmem:s9], [sflag:$0x3], $0x80, v3, vm0, $0xb8;
	[tilespmem:$0x10200] =	vst v63  }
0x19b: {  	_ = 	snop  }
0x19c: {  	[hbm4b:s5+s2] =	stream.indirect_vreg.scatter [tilespmem:s8], [sflag:$0x3], $0x80, v3, vm0, $0xb8;
	[tilespmem:$0x10200] =	vst v63  }
0x19d: {  	_ = 	snop  }
0x19e: {  	[hbm4b:s6+s2] =	stream.indirect_vreg.scatter [tilespmem:s16], [sflag:$0x3], $0x80, v3, vm0, $0xb8;
	[tilespmem:$0x10200] =	vst v63  }
0x19f: {  	v3 =	vld [tilespmem:$0x190];
	_ =	sdelay $0x4  }
0x1a0: {  	v63 =	vshll.u32 v3, $0x3  }
0x1a1: {  	v3 =	vand.u32 $0x7, v3;
	v4 =	vand.u32 $0xFFFFFFC0, v63  }
0x1a2: {  	v3 =	vor.u32 v3, v4  }
0x1a3: {  	v4 =	vperm.xlane v3, v0;
	_ =	sdelay $0x1  }
0x1a4: {  	v4 =	vadd.s32 v1, v4;
	_ =	sdelay $0x4  }
0x1a5: {  	[hbm4b:s3+s2] =	stream.indirect_vreg.scatter [tilespmem:s17], [sflag:$0x3], $0x80, v4, vm0, $0xb8;
	[tilespmem:$0x10200] =	vst v63  }
0x1a6: {  	v3 =	vperm.xlane v3, v2  }
0x1a7: {  	[hbm4b:s4+s2] =	stream.indirect_vreg.scatter [tilespmem:s18], [sflag:$0x3], $0x80, v4, vm0, $0xb8;
	[tilespmem:$0x10200] =	vst v63  }
0x1a8: {  	v3 =	vadd.s32 v1, v3  }
0x1a9: {  	[hbm4b:s5+s2] =	stream.indirect_vreg.scatter [tilespmem:s11], [sflag:$0x3], $0x80, v4, vm0, $0xb8;
	[tilespmem:$0x10200] =	vst v63  }
0x1aa: {  	_ = 	snop  }
0x1ab: {  	[hbm4b:s6+s2] =	stream.indirect_vreg.scatter [tilespmem:s12], [sflag:$0x3], $0x80, v4, vm0, $0xb8;
	[tilespmem:$0x10200] =	vst v63  }
0x1ac: {  	_ = 	snop  }
0x1ad: {  	[hbm4b:s3+s2] =	stream.indirect_vreg.scatter [tilespmem:s13], [sflag:$0x3], $0x80, v3, vm0, $0xb8;
	[tilespmem:$0x10200] =	vst v63  }
0x1ae: {  	_ = 	snop  }
0x1af: {  	[hbm4b:s4+s2] =	stream.indirect_vreg.scatter [tilespmem:s14], [sflag:$0x3], $0x80, v3, vm0, $0xb8;
	[tilespmem:$0x10200] =	vst v63  }
0x1b0: {  	_ = 	snop  }
0x1b1: {  	[hbm4b:s5+s2] =	stream.indirect_vreg.scatter [tilespmem:s15], [sflag:$0x3], $0x80, v3, vm0, $0xb8;
	[tilespmem:$0x10200] =	vst v63  }
0x1b2: {  	_ = 	snop  }
0x1b3: {  	[hbm4b:s6+s2] =	stream.indirect_vreg.scatter [tilespmem:s19], [sflag:$0x3], $0x80, v3, vm0, $0xb8;
	[tilespmem:$0x10200] =	vst v63  }
0x1b4: {  	p0 =	sne.s32 s7, $0x1;
	_ =	swait.ge [sflag:s31], $0x8000  }
.Ltmp0:
0x1b5: {  	[sflag:s31] =	ssyncset.done $0x0;
	(pc) =	sbr.rel @p0 .LBB2_1-.Ltmp0, $4  }
0x1b6: {  	[sflag:s31] =	ssyncadd.s32 $0xFFFF8000  }
0x1b7: {  	_ =	swait.ge [sflag:s0], $0x8000  }
0x1b8: {  	[sflag:s0] =	ssyncset.done $0x0  }
0x1b9: {  	s7 =	sadd.s32 $0xFFFFFFFF, s7;
	[sflag:s0] =	ssyncadd.s32 $0xFFFF8000  }
0x1ba: {  	_ =	sfence.sel $0x180000  }
0x1bb: {  	[bflag:$0x0] =	sbarrier.arrive $0xFFFF  }
0x1bc: {  	_ =	strace $0x90000047  }
0x1bd: {  	s0 =	stileid.u32;
	[bflag:$0x2] =	sbarrier.arrive $0xFFFF  }
0x1be: {  	p0 =	sne.s32 s0, $0x0;
	s0 =	rddreg [dreg:$0x2]  }
0x1bf: {  	s0 =	sadd.s32 @!p0 $0x100000, s0  }
0x1c0: {  	[sflag:s0] =	ssyncadd.tile.s32 @!p0 $0x1;
	_ =	shalt  }
.Lfunc_end2:
_tile_overlayer_lowered:
.L_overlay_start_2:
0x1c1: {  	(tag) =	ssettag $0x2  }
0x1c2: {  	s0 =	rddreg [dreg:$0x0];
	s2 =	stileid.u32  }
0x1c3: {  	s1 =	rddreg [dreg:$0x1];
	p0 =	sne.s32 s2, $0x0  }
0x1c4: {  	s3 =	rddreg [dreg:$0x2];
	[bflag:$0x3] =	sbarrier.arrive $0xFFFF;
	s2 =	simm.s32 @!p0 $0x1C04  }
0x1c5: {  	[timem:s3], [sflag:s2] =	dma.local @!p0 [hbm:s0], s1  }
0x1c6: {  	s0 =	simm.s32 @!p0 $0x4  }
0x1c7: {  	_ =	swait.ge @!p0 [sflag:s0], s1  }
0x1c8: {  	s1 =	ssub.s32 @!p0 $0x0, s1;
	[sflag:s0] =	ssyncset.done @!p0 $0x0  }
0x1c9: {  	[sflag:s0] =	ssyncadd.s32 @!p0 s1  }
0x1ca: {  	[bflag:$0x3] =	sbarrier.arrive $0xFFFF  }
0x1cb: {  	_ =	shalt  }

// kernel: kernel.9.cloned.1.call-start
scs
__scs_entry_jumppad:
0x0: {  	(pc) =	sbr.rel $0x88, $3  }
0x1: {  	(tag) =	ssettag $0x0;
	lr =	simm.s32 $0x1  }
0x2: {  	[smem:$0x3F9A] =	sst lr;
	_ =	strace $0xD0000000  }
0x3: {  	_ = 	snop  }
0x4: {  	_ = 	snop  }
0x5: {  	_ = 	snop  }
0x6: {  	_ = 	snop  }
0x7: {  	_ = 	snop  }
__scs_overlays_trampoline_lowered:
0x8: {  	[smem:$0x3FA9] =	sst s0  }
0x9: {  	[smem:$0x3FAA] =	sst s1  }
0xa: {  	[smem:$0x3FAB] =	sst s2  }
0xb: {  	[smem:$0x3FAC] =	sst s3  }
0xc: {  	[smem:$0x3FAD] =	sst s4  }
0xd: {  	[smem:$0x3FAE] =	sst s5  }
0xe: {  	[smem:$0x3FAF] =	sst s6  }
0xf: {  	[smem:$0x3FB0] =	sst s7  }
0x10: {  	[smem:$0x3FB1] =	sst s8  }
0x11: {  	[smem:$0x3FB2] =	sst s9;
	s0 =	simm.s32 @!p0 $0x0  }
0x12: {  	s1 =	sld [smem:$0x3F98];
	s0 =	simm.s32 @p0 $0x1  }
0x13: {  	[smem:$0x3FB3] =	sst s0;
	s0 =	simm.s32 @!p1 $0x0  }
0x14: {  	s2 =	sld [smem:$0x3F97];
	s0 =	simm.s32 @p1 $0x1  }
0x15: {  	[smem:$0x3FB4] =	sst s0;
	s0 =	simm.s32 @!p2 $0x0  }
0x16: {  	s3 =	sld [smem:$0x3FDB];
	s0 =	simm.s32 @p2 $0x1  }
0x17: {  	s4 =	simm.s32 $0x1BF5;
	[smem:$0x3FB6] =	sst s0  }
0x18: {  	s0 =	sld [smem:$0x3F99];
	_ =	swait.ge [sflag:s4], $0x0  }
0x19: {  	s7 =	sld [smem:$0x3F9A]  }
0x1a: {  	s8 =	sadd.s32 $0xFFFFE003, lr  }
0x1b: {  	s9 =	sadd.s32 $0xFFFFFEF7, lr;
	s5 =	simm.s32 $0xFFFFFFFF;
	p2 =	slt.u32 s8, $0xFFFFF086  }
0x1c: {  	p1 =	slt.u32 s9, $0xF7A;
	s5 =	simm.s32 @!p2 $0x0  }
0x1d: {  	s5 =	simm.s32 @p1 $0x1;
	p0 =	seq.s32 s7, s2  }
0x1e: {  	s7 =	smul.u32 @!p0 $0xF7A, s2;
	p2 =	seq.s32 @!p0 s5, $0x0  }
0x1f: {  	s9 =	smul.u32 $0xF7A, s1;
	s8 =	simm.s32 @!p0 $0x1BF5;
	p2 =	por !p2, p0  }
0x20: {  	[sflag:s8] =	ssyncset.s32 @!p0 $0xFFFFF086;
	s6 =	sadd.s32 @!p0 s3, s7;
	s7 =	simm.s32 @!p0 $0x108  }
0x21: {  	s3 =	sadd.s32 s3, s9;
	s6 =	sadd.s32 @!p0 $0x88, s6;
	s7 =	simm.s32 @p2 $0x1082  }
0x22: {  	[simem:s7], [sflag:s8] =	dma.local @!p0 [hbm:s6], $0xF7A  }
0x23: {  	s9 =	sor.u32 $0xD0000000, s2;
	s6 =	simm.s32 $0x108;
	_ =	swait.ge @!p0 [sflag:s8], $0x0  }
0x24: {  	s3 =	sadd.s32 $0x88, s3;
	s6 =	simm.s32 @!p1 $0x1082;
	[sflag:s4] =	ssyncset.s32 $0xFFFFF086  }
0x25: {  	[simem:s6], [sflag:s4] =	dma.local [hbm:s3], $0xF7A  }
0x26: {  	[smem:$0x3F9A] =	sst s1;
	(tag) =	ssettag s2;
	_ =	strace s9  }
0x27: {  	s1 =	sld [smem:$0x3FAA]  }
0x28: {  	s2 =	sld [smem:$0x3FAB]  }
0x29: {  	s4 =	sld [smem:$0x3FAD]  }
0x2a: {  	p0 =	seq.s32 s5, $0x0;
	s5 =	sld [smem:$0x3FAE]  }
0x2b: {  	s6 =	sld [smem:$0x3FAF]  }
0x2c: {  	s7 =	sld [smem:$0x3FB0]  }
0x2d: {  	s3 =	simm.s32 $0x108;
	s8 =	sld [smem:$0x3FB1]  }
0x2e: {  	s3 =	simm.s32 @!p0 $0x1082;
	s9 =	sld [smem:$0x3FB2]  }
0x2f: {  	lr =	sadd.s32 s0, s3;
	s0 =	sld [smem:$0x3FA9]  }
0x30: {  	s3 =	sld [smem:$0x3FAC]  }
0x31: {  	[smem:$0x3FB5] =	sst s10  }
0x32: {  	s10 =	sld [smem:$0x3FB3];
	_ =	sdelay $0x3  }
0x33: {  	p0 =	seq.s32 s10, $0x1;
	s10 =	sld [smem:$0x3FB5];
	_ =	sdelay $0x3  }
0x34: {  	[smem:$0x3FB5] =	sst s10  }
0x35: {  	s10 =	sld [smem:$0x3FB4];
	_ =	sdelay $0x3  }
0x36: {  	p1 =	seq.s32 s10, $0x1;
	s10 =	sld [smem:$0x3FB5];
	_ =	sdelay $0x3  }
0x37: {  	[smem:$0x3FB5] =	sst s10  }
0x38: {  	s10 =	sld [smem:$0x3FB6]  }
0x39: {  	_ = 	snop;
	(pc) =	sbr.ind lr, $3  }
0x3a: {  	_ = 	snop  }
0x3b: {  	_ = 	snop  }
0x3c: {  	p2 =	seq.s32 s10, $0x1;
	s10 =	sld [smem:$0x3FB5]  }
0x3d: {  	_ =	shalt  }
0x3e: {  	_ =	shalt  }
0x3f: {  	_ =	shalt  }
0x40: {  	_ =	shalt  }
0x41: {  	_ =	shalt  }
0x42: {  	_ =	shalt  }
0x43: {  	_ =	shalt  }
0x44: {  	_ =	shalt  }
0x45: {  	_ =	shalt  }
0x46: {  	_ =	shalt  }
0x47: {  	_ =	shalt  }
0x48: {  	_ =	shalt  }
0x49: {  	_ =	shalt  }
0x4a: {  	_ =	shalt  }
0x4b: {  	_ =	shalt  }
0x4c: {  	_ =	shalt  }
0x4d: {  	_ =	shalt  }
0x4e: {  	_ =	shalt  }
0x4f: {  	_ =	shalt  }
0x50: {  	_ =	shalt  }
0x51: {  	_ =	shalt  }
0x52: {  	_ =	shalt  }
0x53: {  	_ =	shalt  }
0x54: {  	_ =	shalt  }
0x55: {  	_ =	shalt  }
0x56: {  	_ =	shalt  }
0x57: {  	_ =	shalt  }
0x58: {  	_ =	shalt  }
0x59: {  	_ =	shalt  }
0x5a: {  	_ =	shalt  }
0x5b: {  	_ =	shalt  }
0x5c: {  	_ =	shalt  }
0x5d: {  	_ =	shalt  }
0x5e: {  	_ =	shalt  }
0x5f: {  	_ =	shalt  }
0x60: {  	_ =	shalt  }
0x61: {  	_ =	shalt  }
0x62: {  	_ =	shalt  }
0x63: {  	_ =	shalt  }
0x64: {  	_ =	shalt  }
0x65: {  	_ =	shalt  }
0x66: {  	_ =	shalt  }
0x67: {  	_ =	shalt  }
0x68: {  	_ =	shalt  }
0x69: {  	_ =	shalt  }
0x6a: {  	_ =	shalt  }
0x6b: {  	_ =	shalt  }
0x6c: {  	_ =	shalt  }
0x6d: {  	_ =	shalt  }
0x6e: {  	_ =	shalt  }
0x6f: {  	_ =	shalt  }
0x70: {  	_ =	shalt  }
0x71: {  	_ =	shalt  }
0x72: {  	_ =	shalt  }
0x73: {  	_ =	shalt  }
0x74: {  	_ =	shalt  }
0x75: {  	_ =	shalt  }
0x76: {  	_ =	shalt  }
0x77: {  	_ =	shalt  }
0x78: {  	_ =	shalt  }
0x79: {  	_ =	shalt  }
0x7a: {  	_ =	shalt  }
0x7b: {  	_ =	shalt  }
0x7c: {  	_ =	shalt  }
0x7d: {  	_ =	shalt  }
0x7e: {  	_ =	shalt  }
0x7f: {  	_ =	shalt  }
0x80: {  	_ =	shalt  }
0x81: {  	_ =	shalt  }
0x82: {  	_ =	shalt  }
0x83: {  	_ =	shalt  }
0x84: {  	_ =	shalt  }
0x85: {  	_ =	shalt  }
0x86: {  	_ =	shalt  }
0x87: {  	_ =	shalt  }
.Lfunc_end0:
.L_simem_size_0:
called_computation.1_lowered:
.L_overlay_start_0:
0x88: {  	s2 =	sld [smem:$0x3FD9]  }
0x89: {  	s3 =	sld [smem:$0x3FFE];
	_ =	sdelay $0x1  }
0x8a: {  	s1 =	srdreg.scid  }
0x8b: {  	s0 =	sand.u32 $0x1, s1  }
0x8c: {  	s14 =	sshll.u32 s0, $0xA;
	s2 =	sadd.s32 s3, s2  }
0x8d: {  	s2 =	sadd.s32 s2, s14  }
0x8e: {  	[smem:$0x3FC1] =	sst s2  }
0x8f: {  	_ = 	snop  }
0x90: {  	s2 =	sld [smem:$0x3FD0];
	_ =	sdelay $0x2  }
0x91: {  	s15 =	simm.s32 $0xA;
	s4 =	simm.s32 $0x10  }
0x92: {  	[smem:s4], [sflag:s15] =	dma.local [hbm:s2], $0x1  }
0x93: {  	_ =	swait.eq [sflag:s15], $0x1  }
0x94: {  	[sflag:s15] =	ssyncset.done $0x0  }
0x95: {  	[sflag:s15] =	ssyncadd.s32 $0xFFFFFFFF  }
0x96: {  	s16 =	sld [smem:$0x10];
	(tm) =	ssettm $0x1  }
0x97: {  	s17 =	sld [smem:$0x3FFB];
	_ =	sdelay $0x3  }
0x98: {  	_ =	strace s17  }
0x99: {  	s3 =	sld [smem:$0x3FFC];
	_ =	sdelay $0x3  }
0x9a: {  	_ =	strace s3  }
0x9b: {  	s3 =	sld [smem:$0x3FFD];
	_ =	sdelay $0x3  }
0x9c: {  	_ =	strace s3  }
0x9d: {  	_ =	strace $0x8FFFFFFF  }
0x9e: {  	s18 =	sld [smem:$0x3FDB];
	_ =	sdelay $0x1  }
0x9f: {  	s19 =	simm.s32 $_scs_section_size  }
0xa0: {  	s5 =	simm.s32 $_size__tile_overlayer_lowered;
	s6 =	simm.s32 $_tile_overlayer_lowered  }
0xa1: {  	s22 =	simm.s32 $0x1BFF;
	s21 =	sshll.u32 s6, $0x1;
	s3 =	sadd.s32 s19, s18  }
0xa2: {  	s7 =	simm.s32 $0x0;
	s20 =	sshll.u32 s5, $0x1;
	s5 =	sadd.s32 s21, s3  }
0xa3: {  	[timem:s7], [sflag:s22] =	dma.local [hbm:s5], s20  }
0xa4: {  	_ =	swait.ge [sflag:s22], s20  }
0xa5: {  	s4 =	ssub.s32 $0x0, s20;
	[sflag:s22] =	ssyncset.done $0x0  }
0xa6: {  	[sflag:s22] =	ssyncadd.s32 s4;
	_ =	sdelay $0x1  }
0xa7: {  	s23 =	simm.s32 $0x1B8B  }
0xa8: {  	_ =	swait.ge [sflag:s23], $0x1  }
0xa9: {  	[sflag:s23] =	ssyncset.done $0x0  }
0xaa: {  	s25 =	simm.s32 $0x1B8E;
	s24 =	sld [smem:$0x3FFE];
	[sflag:s23] =	ssyncadd.s32 $0xFFFFFFFF  }
0xab: {  	s26 =	simm.s32 $execute0_lowered;
	[smem:$0x3FD2] =	sst s25  }
0xac: {  	s5 =	sshll.u32 s26, $0x1;
	_ =	strace $0x80000049;
	[dreg:$0x1] =	wrdreg $0xFFFFFFFF  }
0xad: {  	s28 =	simm.s32 $_size_execute0_lowered;
	s3 =	sadd.s32 s3, s5;
	[dreg:$0x0] =	wrdreg $0x0  }
0xae: {  	s5 =	sshll.u32 s28, $0x1;
	[dreg:$0x2] =	wrdreg s3  }
0xaf: {  	[dreg:$0x3] =	wrdreg s5  }
0xb0: {  	[dreg:$0x4] =	wrdreg $0xC0  }
0xb1: {  	_ =	task [dreg:s7], $0x5FFFF  }
0xb2: {  	[dreg:$0x1] =	wrdreg $0xFFFFFFFF  }
0xb3: {  	[dreg:$0x0] =	wrdreg $0x60  }
0xb4: {  	[dreg:$0x2] =	wrdreg s24  }
0xb5: {  	[dreg:$0x3] =	wrdreg s16  }
0xb6: {  	[dreg:$0x4] =	wrdreg $0x9  }
0xb7: {  	_ =	task.clear_ibuf [dreg:s7], $0x5FFFF;
	_ =	strace $0x90000049  }
0xb8: {  	s29 =	simm.s32 $0x9;
	_ =	strace $0x8000004B  }
0xb9: {  	_ =	swait.ge [sflag:s29], $0x1  }
0xba: {  	[sflag:s29] =	ssyncadd.s32 $0xFFFFFFFF  }
0xbb: {  	_ =	strace $0x9000004B  }
0xbc: {  	_ =	sfence  }
0xbd: {  	s30 =	sld [smem:$0x0];
	_ =	sdelay $0x2  }
0xbe: {  	s31 =	sshll.u32 s1, $0xD;
	s1 =	sshrl.u32 s1, $0x2  }
0xbf: {  	s3 =	sand.u32 $0x4000, s31;
	s1 =	sadd.s32 s1, s30  }
0xc0: {  	s0 =	sor.u32 s3, s0;
	s1 =	sshll.u32 s1, $0x11  }
0xc1: {  	s0 =	sor.u32 s1, s0  }
0xc2: {  	s0 =	sadd.s32 $0x8F2B, s0  }
0xc3: {  	[sflag:s0] =	ssyncadd.remote.s32 $0x1  }
0xc4: {  	_ =	sfence.sel $0xFFFF  }
0xc5: {  	[dreg:$0x0] =	wrdreg $0xFFFFFFFF;
	(pc) =	sbr.abs _section_cstart, $3  }
0xc6: {  	[dreg:$0x1] =	wrdreg $0xFFFFFFFF  }
0xc7: {  	_ =	task.clear_ibuf [dreg:s7], $0x2FFFF;
	_ =	strace $0x9FFFFFFF  }
0xc8: {  	(tm) =	ssettm $0x7FFFFFFF  }
0xc9: {  	_ =	shalt  }
tec
execute0_lowered:
.L_overlay_start_1:
0x0: {  	(tag) =	ssettag $0x1  }
0x1: {  	s0 =	rddreg [dreg:$0x0]  }
0x2: {  	s1 =	rddreg [dreg:$0x1];
	s3 =	srdreg.scid;
	s2 =	simm.s32 $0x0  }
0x3: {  	s5 =	stileid.u32;
	s12 =	simm.s32 $0x1;
	s13 =	simm.s32 $0x2  }
0x4: {  	s14 =	simm.s32 $0xC100;
	s10 =	simm.s32 $0xF100;
	s4 =	sand.u32 $0x1, s3  }
0x5: {  	s5 =	sshll.u32 s5, $0x8;
	s6 =	sshll.u32 s4, $0x7;
	s4 =	ssub.s32 $0x2, s4  }
0x6: {  	[smem:$0x7FF] =	sst s2;
	s5 =	sor.u32 s6, s5;
	s8 =	sshrl.u32 s4, $0x1  }
0x7: {  	s6 =	sshrl.u32 s5, $0x3;
	s7 =	sshll.u32 s5, $0x4;
	s5 =	sshll.u32 s5, $0x7  }
0x8: {  	_ =	strace $0x8000004A;
	s4 =	ssub.s32 s4, s8;
	s1 =	sadd.s32 s1, s5  }
0x9: {  	s6 =	sadd.s32 s6, s0;
	s26 =	smax.u32 s4, $0x1;
	[dreg:$0x7] =	wrdreg s1  }
0xa: {  	s28 =	simm.s32 $0x14900;
	s16 =	sadd.s32 $0x1C00, s6;
	[dreg:$0xf] =	wrdreg s26  }
0xb: {  	s7 =	sadd.s32 s7, s0;
	s6 =	sadd.s32 $0x1E00, s6;
	[dreg:$0x3] =	wrdreg s16  }
0xc: {  	s29 =	simm.s32 $0x15100;
	s17 =	sadd.s32 $0x2000, s7;
	[dreg:$0x4] =	wrdreg s6  }
0xd: {  	s30 =	simm.s32 $0x15900;
	s18 =	sadd.s32 $0x12000, s7;
	[dreg:$0x5] =	wrdreg s17  }
0xe: {  	s31 =	simm.s32 $0x16100;
	s19 =	sadd.s32 $0x800, s1;
	[dreg:$0x6] =	wrdreg s18  }
0xf: {  	s3 =	sadd.s32 $0x1A2000, s0;
	s20 =	sadd.s32 $0x1000, s1;
	[dreg:$0x8] =	wrdreg s19  }
0x10: {  	s9 =	sadd.s32 $0x1A2200, s0;
	s21 =	sadd.s32 $0x1800, s1;
	[dreg:$0x9] =	wrdreg s20  }
0x11: {  	s11 =	sadd.s32 $0x1A2300, s0;
	s22 =	sadd.s32 $0x2000, s1;
	[dreg:$0xa] =	wrdreg s21  }
0x12: {  	s8 =	sadd.s32 $0x1A2100, s0;
	s23 =	sadd.s32 $0x2800, s1;
	[dreg:$0xb] =	wrdreg s22  }
0x13: {  	s0 =	simm.s32 $0x16900;
	s24 =	sadd.s32 $0x3000, s1;
	[dreg:$0xc] =	wrdreg s23  }
0x14: {  	s25 =	sadd.s32 $0x3800, s1;
	s26 =	simm.s32 $0x14100;
	[dreg:$0xd] =	wrdreg s24  }
0x15: {  	v2 =	vlaneseq.u32;
	s1 =	simm.s32 $0x17100;
	[dreg:$0xe] =	wrdreg s25;
	s20 =	simm.s32 $0x3  }
0x16: {  	vm0 =	vmmov $0xffff;
	v1 =	vshrl.u32 v2, $0x3;
	s24 =	simm.s32 $0x8100;
	s18 =	simm.s32 $0xE100;
	s19 =	simm.s32 $0xE900  }
0x17: {  	v0 =	vand.u32 $0x7, v2;
	v2 =	vor.u32 $0x8, v2;
	v1 =	vmul.u32 $0x8, v1;
	s25 =	simm.s32 $0xF900;
	s21 =	simm.s32 $0x17900;
	s22 =	simm.s32 $0x0  }
.LBB2_1:
0x18: {  	s4 =	rddreg [dreg:$0x3]  }
0x19: {  	[tilespmem:s2], [sflag:$0x3] =	stream.linear.gather [hbm4b:s4+s2], $0x80, $0x38;
	[tilespmem:$0x18100] =	vst v63  }
0x1a: {  	_ =	swait.ge [sflag:s20], $0x80  }
0x1b: {  	[sflag:s20] =	ssyncset.done $0x0  }
0x1c: {  	s5 =	simm.s32 $0x80;
	s16 =	rddreg [dreg:$0x4];
	[sflag:s20] =	ssyncadd.s32 $0xFFFFFF80  }
0x1d: {  	[tilespmem:s5], [sflag:$0x3] =	stream.linear.gather [hbm4b:s16+s2], $0x80, $0x38;
	[tilespmem:$0x18100] =	vst v63  }
0x1e: {  	_ =	swait.ge [sflag:s20], $0x80  }
0x1f: {  	[sflag:s20] =	ssyncset.done $0x0  }
0x20: {  	s23 =	simm.s32 $0x100;
	s17 =	rddreg [dreg:$0x5];
	[sflag:s20] =	ssyncadd.s32 $0xFFFFFF80  }
0x21: {  	[tilespmem:s23], [sflag:$0x3] =	stream.linear.gather [hbm4b:s17+s2], $0x4000, $0x38;
	[tilespmem:$0x18100] =	vst v63  }
0x22: {  	_ =	swait.ge [sflag:s20], $0x4000  }
0x23: {  	[sflag:s20] =	ssyncset.done $0x0  }
0x24: {  	s7 =	simm.s32 $0x4100;
	s6 =	rddreg [dreg:$0x6];
	[sflag:s20] =	ssyncadd.s32 $0xFFFFC000  }
0x25: {  	[tilespmem:s7], [sflag:$0x3] =	stream.linear.gather [hbm4b:s6+s2], $0x4000, $0x38;
	[tilespmem:$0x18100] =	vst v63  }
0x26: {  	_ =	swait.ge [sflag:s20], $0x4000  }
0x27: {  	[sflag:s20] =	ssyncset.done $0x0  }
0x28: {  	[sflag:s20] =	ssyncadd.s32 $0xFFFFC000  }
0x29: {  	v3 =	vld [tilespmem:$0x0];
	_ =	sdelay $0x4  }
0x2a: {  	v4 =	vshll.u32 v3, $0x3  }
0x2b: {  	v3 =	vand.u32 $0x7, v3;
	v4 =	vand.u32 $0xFFFFFFC0, v4  }
0x2c: {  	v3 =	vor.u32 v3, v4  }
0x2d: {  	v4 =	vperm.xlane v3, v0;
	_ =	sdelay $0x1  }
0x2e: {  	v4 =	vadd.s32 v1, v4;
	_ =	sdelay $0x4  }
0x2f: {  	[tilespmem:s24], [sflag:$0x1] =	stream.indirect_vreg.gather [hbm4b:s3+s2], $0x80, v4, vm0, $0xb8;
	[tilespmem:$0x18100] =	vst v63  }
0x30: {  	s15 =	simm.s32 $0x8900;
	v3 =	vperm.xlane v3, v2  }
0x31: {  	[tilespmem:s15], [sflag:$0x1] =	stream.indirect_vreg.gather [hbm4b:s8+s2], $0x80, v4, vm0, $0xb8;
	[tilespmem:$0x18100] =	vst v63  }
0x32: {  	s16 =	simm.s32 $0x9100;
	v3 =	vadd.s32 v1, v3  }
0x33: {  	[tilespmem:s16], [sflag:$0x1] =	stream.indirect_vreg.gather [hbm4b:s9+s2], $0x80, v4, vm0, $0xb8;
	[tilespmem:$0x18100] =	vst v63  }
0x34: {  	s17 =	simm.s32 $0x9900  }
0x35: {  	[tilespmem:s17], [sflag:$0x1] =	stream.indirect_vreg.gather [hbm4b:s11+s2], $0x80, v4, vm0, $0xb8;
	[tilespmem:$0x18100] =	vst v63  }
0x36: {  	s23 =	simm.s32 $0xA100  }
0x37: {  	[tilespmem:s23], [sflag:$0x1] =	stream.indirect_vreg.gather [hbm4b:s3+s2], $0x80, v3, vm0, $0xb8;
	[tilespmem:$0x18100] =	vst v63  }
0x38: {  	s5 =	simm.s32 $0xA900  }
0x39: {  	[tilespmem:s5], [sflag:$0x1] =	stream.indirect_vreg.gather [hbm4b:s8+s2], $0x80, v3, vm0, $0xb8;
	[tilespmem:$0x18100] =	vst v63  }
0x3a: {  	s6 =	simm.s32 $0xB100  }
0x3b: {  	[tilespmem:s6], [sflag:$0x1] =	stream.indirect_vreg.gather [hbm4b:s9+s2], $0x80, v3, vm0, $0xb8;
	[tilespmem:$0x18100] =	vst v63  }
0x3c: {  	s7 =	simm.s32 $0xB900  }
0x3d: {  	[tilespmem:s7], [sflag:$0x1] =	stream.indirect_vreg.gather [hbm4b:s11+s2], $0x80, v3, vm0, $0xb8;
	[tilespmem:$0x18100] =	vst v63  }
0x3e: {  	v3 =	vld [tilespmem:$0x80];
	_ =	sdelay $0x4  }
0x3f: {  	v61 =	vshll.u32 v3, $0x3  }
0x40: {  	v3 =	vand.u32 $0x7, v3;
	v4 =	vand.u32 $0xFFFFFFC0, v61  }
0x41: {  	v3 =	vor.u32 v3, v4  }
0x42: {  	v4 =	vperm.xlane v3, v0;
	_ =	sdelay $0x1  }
0x43: {  	v4 =	vadd.s32 v1, v4;
	_ =	sdelay $0x3  }
0x44: {  	s15 =	simm.s32 $0x10100  }
0x45: {  	[tilespmem:s15], [sflag:$0x2] =	stream.indirect_vreg.gather [hbm4b:s3+s2], $0x80, v4, vm0, $0xb8;
	[tilespmem:$0x18100] =	vst v63  }
0x46: {  	s16 =	simm.s32 $0x10900;
	v3 =	vperm.xlane v3, v2  }
0x47: {  	[tilespmem:s16], [sflag:$0x2] =	stream.indirect_vreg.gather [hbm4b:s8+s2], $0x80, v4, vm0, $0xb8;
	[tilespmem:$0x18100] =	vst v63  }
0x48: {  	s17 =	simm.s32 $0x11100;
	v3 =	vadd.s32 v1, v3  }
0x49: {  	[tilespmem:s17], [sflag:$0x2] =	stream.indirect_vreg.gather [hbm4b:s9+s2], $0x80, v4, vm0, $0xb8;
	[tilespmem:$0x18100] =	vst v63  }
0x4a: {  	s23 =	simm.s32 $0x11900  }
0x4b: {  	[tilespmem:s23], [sflag:$0x2] =	stream.indirect_vreg.gather [hbm4b:s11+s2], $0x80, v4, vm0, $0xb8;
	[tilespmem:$0x18100] =	vst v63  }
0x4c: {  	s5 =	simm.s32 $0x12100  }
0x4d: {  	[tilespmem:s5], [sflag:$0x2] =	stream.indirect_vreg.gather [hbm4b:s3+s2], $0x80, v3, vm0, $0xb8;
	[tilespmem:$0x18100] =	vst v63  }
0x4e: {  	s6 =	simm.s32 $0x12900  }
0x4f: {  	[tilespmem:s6], [sflag:$0x2] =	stream.indirect_vreg.gather [hbm4b:s8+s2], $0x80, v3, vm0, $0xb8;
	[tilespmem:$0x18100] =	vst v63  }
0x50: {  	s7 =	simm.s32 $0x13100  }
0x51: {  	[tilespmem:s7], [sflag:$0x2] =	stream.indirect_vreg.gather [hbm4b:s9+s2], $0x80, v3, vm0, $0xb8;
	[tilespmem:$0x18100] =	vst v63  }
0x52: {  	s15 =	simm.s32 $0x13900  }
0x53: {  	[tilespmem:s15], [sflag:$0x2] =	stream.indirect_vreg.gather [hbm4b:s11+s2], $0x80, v3, vm0, $0xb8;
	[tilespmem:$0x18100] =	vst v63  }
0x54: {  	_ =	swait.ge [sflag:s12], $0x4000  }
0x55: {  	[sflag:s12] =	ssyncset.done $0x0  }
0x56: {  	[sflag:s12] =	ssyncadd.s32 $0xFFFFC000  }
0x57: {  	_ =	swait.ge [sflag:s13], $0x4000  }
0x58: {  	[sflag:s13] =	ssyncset.done $0x0  }
0x59: {  	[sflag:s13] =	ssyncadd.s32 $0xFFFFC000  }
0x5a: {  	v3 =	vld [tilespmem:$0x10];
	_ =	sdelay $0x4  }
0x5b: {  	v62 =	vshll.u32 v3, $0x3  }
0x5c: {  	v3 =	vand.u32 $0x7, v3;
	v4 =	vand.u32 $0xFFFFFFC0, v62  }
0x5d: {  	v3 =	vor.u32 v3, v4  }
0x5e: {  	v4 =	vperm.xlane v3, v0;
	_ =	sdelay $0x1  }
0x5f: {  	v4 =	vadd.s32 v1, v4;
	_ =	sdelay $0x4  }
0x60: {  	[tilespmem:s14], [sflag:$0x1] =	stream.indirect_vreg.gather [hbm4b:s3+s2], $0x80, v4, vm0, $0xb8;
	[tilespmem:$0x18100] =	vst v63  }
0x61: {  	s16 =	simm.s32 $0xC900;
	v3 =	vperm.xlane v3, v2  }
0x62: {  	[tilespmem:s16], [sflag:$0x1] =	stream.indirect_vreg.gather [hbm4b:s8+s2], $0x80, v4, vm0, $0xb8;
	[tilespmem:$0x18100] =	vst v63  }
0x63: {  	s17 =	simm.s32 $0xD100;
	v3 =	vadd.s32 v1, v3  }
0x64: {  	[tilespmem:s17], [sflag:$0x1] =	stream.indirect_vreg.gather [hbm4b:s9+s2], $0x80, v4, vm0, $0xb8;
	[tilespmem:$0x18100] =	vst v63  }
0x65: {  	s23 =	simm.s32 $0xD900  }
0x66: {  	[tilespmem:s23], [sflag:$0x1] =	stream.indirect_vreg.gather [hbm4b:s11+s2], $0x80, v4, vm0, $0xb8;
	[tilespmem:$0x18100] =	vst v63  }
0x67: {  	_ = 	snop  }
0x68: {  	[tilespmem:s18], [sflag:$0x1] =	stream.indirect_vreg.gather [hbm4b:s3+s2], $0x80, v3, vm0, $0xb8;
	[tilespmem:$0x18100] =	vst v63  }
0x69: {  	_ = 	snop  }
0x6a: {  	[tilespmem:s19], [sflag:$0x1] =	stream.indirect_vreg.gather [hbm4b:s8+s2], $0x80, v3, vm0, $0xb8;
	[tilespmem:$0x18100] =	vst v63  }
0x6b: {  	_ = 	snop  }
0x6c: {  	[tilespmem:s10], [sflag:$0x1] =	stream.indirect_vreg.gather [hbm4b:s9+s2], $0x80, v3, vm0, $0xb8;
	[tilespmem:$0x18100] =	vst v63  }
0x6d: {  	_ = 	snop  }
0x6e: {  	[tilespmem:s25], [sflag:$0x1] =	stream.indirect_vreg.gather [hbm4b:s11+s2], $0x80, v3, vm0, $0xb8;
	[tilespmem:$0x18100] =	vst v63  }
0x6f: {  	v3 =	vld [tilespmem:$0x90];
	_ =	sdelay $0x4  }
0x70: {  	v63 =	vshll.u32 v3, $0x3  }
0x71: {  	v3 =	vand.u32 $0x7, v3;
	v4 =	vand.u32 $0xFFFFFFC0, v63  }
0x72: {  	v3 =	vor.u32 v3, v4  }
0x73: {  	v4 =	vperm.xlane v3, v0;
	_ =	sdelay $0x1  }
0x74: {  	v4 =	vadd.s32 v1, v4;
	_ =	sdelay $0x4  }
0x75: {  	[tilespmem:s26], [sflag:$0x2] =	stream.indirect_vreg.gather [hbm4b:s3+s2], $0x80, v4, vm0, $0xb8;
	[tilespmem:$0x18100] =	vst v63  }
0x76: {  	v3 =	vperm.xlane v3, v2  }
0x77: {  	[tilespmem:s28], [sflag:$0x2] =	stream.indirect_vreg.gather [hbm4b:s8+s2], $0x80, v4, vm0, $0xb8;
	[tilespmem:$0x18100] =	vst v63  }
0x78: {  	v3 =	vadd.s32 v1, v3  }
0x79: {  	[tilespmem:s29], [sflag:$0x2] =	stream.indirect_vreg.gather [hbm4b:s9+s2], $0x80, v4, vm0, $0xb8;
	[tilespmem:$0x18100] =	vst v63  }
0x7a: {  	_ = 	snop  }
0x7b: {  	[tilespmem:s30], [sflag:$0x2] =	stream.indirect_vreg.gather [hbm4b:s11+s2], $0x80, v4, vm0, $0xb8;
	[tilespmem:$0x18100] =	vst v63  }
0x7c: {  	_ = 	snop  }
0x7d: {  	[tilespmem:s31], [sflag:$0x2] =	stream.indirect_vreg.gather [hbm4b:s3+s2], $0x80, v3, vm0, $0xb8;
	[tilespmem:$0x18100] =	vst v63  }
0x7e: {  	_ = 	snop  }
0x7f: {  	[tilespmem:s0], [sflag:$0x2] =	stream.indirect_vreg.gather [hbm4b:s8+s2], $0x80, v3, vm0, $0xb8;
	[tilespmem:$0x18100] =	vst v63  }
0x80: {  	_ = 	snop  }
0x81: {  	[tilespmem:s1], [sflag:$0x2] =	stream.indirect_vreg.gather [hbm4b:s9+s2], $0x80, v3, vm0, $0xb8;
	[tilespmem:$0x18100] =	vst v63  }
0x82: {  	s23 =	simm.s32 $0x0  }
0x83: {  	[tilespmem:s21], [sflag:$0x2] =	stream.indirect_vreg.gather [hbm4b:s11+s2], $0x80, v3, vm0, $0xb8;
	[tilespmem:$0x18100] =	vst v63  }
.LBB2_2:
0x84: {  	s5 =	sshll.u32 s23, $0x7;
	s4 =	sshll.u32 s23, $0xA  }
0x85: {  	s7 =	simm.s32 $0x0;
	s4 =	sand.u32 $0x2000, s4;
	s6 =	sand.u32 $0x380, s5  }
0x86: {  	s16 =	sand.u32 $0x40, s7;
	s4 =	sor.u32 s4, s6  }
0x87: {  	v3 =	vld [tilespmem:s5+$0x100];
	s7 =	sand.u32 $0x1C00, s7;
	s6 =	sor.u32 s16, s4  }
0x88: {  	v4 =	vld [tilespmem:s5+$0x4100];
	s5 =	sor.u32 s7, s6  }
0x89: {  	v5 =	vld [tilespmem:s5+$0x10100]  }
0x8a: {  	v7 =	vld [tilespmem:s5+$0x10110]  }
0x8b: {  	v8 =	vld [tilespmem:s5+$0x10120]  }
0x8c: {  	v6 =	vld [tilespmem:s5+$0x8100]  }
0x8d: {  	v9 =	vld [tilespmem:s5+$0x10130]  }
0x8e: {  	v10 =	vld [tilespmem:s5+$0x8110]  }
0x8f: {  	s17 =	simm.s32 $0x40;
	v11 =	vld [tilespmem:s5+$0x8120]  }
0x90: {  	s6 =	sand.u32 $0x40, s17;
	s7 =	simm.s32 $0x200;
	v12 =	vld [tilespmem:s5+$0x8130]  }
0x91: {  	s15 =	sand.u32 $0x1C00, s7;
	s6 =	sor.u32 s6, s4  }
0x92: {  	s6 =	sor.u32 s15, s6;
	v13 =	vmul.f32 v6, v3;
	v14 =	vmul.f32 v5, v4  }
0x93: {  	v6 =	vld [tilespmem:s6+$0x10100];
	v10 =	vmul.f32 v10, v3;
	v15 =	vmul.f32 v7, v4  }
0x94: {  	v5 =	vld [tilespmem:s6+$0x10110];
	v11 =	vmul.f32 v11, v3;
	v63 =	vmul.f32 v8, v4;
	v13 =	vadd.f32 v14, v13  }
0x95: {  	v7 =	vld [tilespmem:s6+$0x10120];
	v12 =	vmul.f32 v12, v3;
	v16 =	vmul.f32 v9, v4;
	v15 =	vadd.f32 v15, v10  }
0x96: {  	v8 =	vld [tilespmem:s6+$0x10130];
	v10 =	vadd.f32 v63, v11;
	[tilespmem:s5+$0x8100] =	vst v13  }
0x97: {  	s15 =	simm.s32 $0x80;
	v11 =	vadd.f32 v16, v12;
	v9 =	vld [tilespmem:s6+$0x8100];
	[tilespmem:s5+$0x8110] =	vst v15  }
.LBB2_3:
0x98: {  	p0 =	sne.s32 s15, $0x3C0;
	v12 =	vld [tilespmem:s6+$0x8110];
	[tilespmem:s5+$0x8120] =	vst v10  }
0x99: {  	v10 =	vld [tilespmem:s6+$0x8120];
	[tilespmem:s5+$0x8130] =	vst v11;
	s5 =	smov.u32 s6  }
0x9a: {  	s7 =	sadd.s32 $0x200, s7;
	s6 =	sand.u32 $0x40, s15;
	v11 =	vld [tilespmem:s5+$0x8130]  }
0x9b: {  	s16 =	sand.u32 $0x1C00, s7;
	s6 =	sor.u32 s6, s4  }
0x9c: {  	v13 =	vmul.f32 v6, v4;
	s6 =	sor.u32 s16, s6;
	v9 =	vmul.f32 v9, v3  }
.Ltmp0:
0x9d: {  	v14 =	vmul.f32 v5, v4;
	v6 =	vld [tilespmem:s6+$0x10100];
	v12 =	vmul.f32 v12, v3;
	(pc) =	sbr.rel @p0 .LBB2_3-.Ltmp0, $4  }
0x9e: {  	v5 =	vld [tilespmem:s6+$0x10110];
	v9 =	vadd.f32 v13, v9;
	v10 =	vmul.f32 v10, v3;
	v13 =	vmul.f32 v7, v4  }
0x9f: {  	v7 =	vld [tilespmem:s6+$0x10120];
	v12 =	vadd.f32 v14, v12;
	v11 =	vmul.f32 v11, v3;
	v14 =	vmul.f32 v8, v4  }
0xa0: {  	v8 =	vld [tilespmem:s6+$0x10130];
	[tilespmem:s5+$0x8100] =	vst v9;
	v10 =	vadd.f32 v13, v10  }
0xa1: {  	s15 =	sadd.s32 $0x40, s15;
	v9 =	vld [tilespmem:s6+$0x8100];
	[tilespmem:s5+$0x8110] =	vst v12;
	v11 =	vadd.f32 v14, v11  }
0xa2: {  	v12 =	vld [tilespmem:s6+$0x8110];
	[tilespmem:s5+$0x8120] =	vst v10  }
0xa3: {  	v10 =	vld [tilespmem:s6+$0x8120];
	[tilespmem:s5+$0x8130] =	vst v11  }
0xa4: {  	v11 =	vld [tilespmem:s6+$0x8130];
	_ =	sdelay $0x1  }
0xa5: {  	v6 =	vmul.f32 v6, v4;
	v9 =	vmul.f32 v9, v3  }
0xa6: {  	s23 =	sadd.s32 $0x1, s23;
	v5 =	vmul.f32 v5, v4;
	v12 =	vmul.f32 v12, v3  }
0xa7: {  	p0 =	sne.s32 s23, $0x10;
	v7 =	vmul.f32 v7, v4;
	v6 =	vadd.f32 v6, v9;
	v61 =	vmul.f32 v10, v3  }
.Ltmp1:
0xa8: {  	v62 =	vmul.f32 v8, v4;
	v5 =	vadd.f32 v5, v12;
	v3 =	vmul.f32 v11, v3;
	(pc) =	sbr.rel @p0 .LBB2_2-.Ltmp1, $4  }
0xa9: {  	[tilespmem:s6+$0x8100] =	vst v6;
	v63 =	vadd.f32 v7, v61  }
0xaa: {  	[tilespmem:s6+$0x8110] =	vst v5;
	v3 =	vadd.f32 v62, v3  }
0xab: {  	[tilespmem:s6+$0x8120] =	vst v63  }
0xac: {  	[tilespmem:s6+$0x8130] =	vst v3  }
0xad: {  	s23 =	simm.s32 $0x0;
	s4 =	rddreg [dreg:$0x7]  }
0xae: {  	[hbm4b:s4+s23] =	stream.linear.scatter [tilespmem:s24], [sflag:$0x3], $0x4000, $0x38;
	[tilespmem:$0x18100] =	vst v63  }
0xaf: {  	_ =	swait.ge [sflag:s20], $0x4000  }
0xb0: {  	[sflag:s20] =	ssyncset.done $0x0  }
0xb1: {  	[sflag:s20] =	ssyncadd.s32 $0xFFFFC000  }
0xb2: {  	_ =	swait.ge [sflag:s12], $0x4000  }
0xb3: {  	[sflag:s12] =	ssyncset.done $0x0  }
0xb4: {  	[sflag:s12] =	ssyncadd.s32 $0xFFFFC000  }
0xb5: {  	_ =	swait.ge [sflag:s13], $0x4000  }
0xb6: {  	[sflag:s13] =	ssyncset.done $0x0  }
0xb7: {  	[sflag:s13] =	ssyncadd.s32 $0xFFFFC000  }
0xb8: {  	v3 =	vld [tilespmem:$0x20];
	_ =	sdelay $0x4  }
0xb9: {  	v4 =	vshll.u32 v3, $0x3  }
0xba: {  	v3 =	vand.u32 $0x7, v3;
	v4 =	vand.u32 $0xFFFFFFC0, v4  }
0xbb: {  	v3 =	vor.u32 v3, v4  }
0xbc: {  	v4 =	vperm.xlane v3, v0;
	_ =	sdelay $0x1  }
0xbd: {  	v4 =	vadd.s32 v1, v4;
	_ =	sdelay $0x4  }
0xbe: {  	[tilespmem:s24], [sflag:$0x1] =	stream.indirect_vreg.gather [hbm4b:s3+s23], $0x80, v4, vm0, $0xb8;
	[tilespmem:$0x18100] =	vst v63  }
0xbf: {  	s15 =	simm.s32 $0x8900;
	v3 =	vperm.xlane v3, v2  }
0xc0: {  	[tilespmem:s15], [sflag:$0x1] =	stream.indirect_vreg.gather [hbm4b:s8+s23], $0x80, v4, vm0, $0xb8;
	[tilespmem:$0x18100] =	vst v63  }
0xc1: {  	s16 =	simm.s32 $0x9100;
	v3 =	vadd.s32 v1, v3  }
0xc2: {  	[tilespmem:s16], [sflag:$0x1] =	stream.indirect_vreg.gather [hbm4b:s9+s23], $0x80, v4, vm0, $0xb8;
	[tilespmem:$0x18100] =	vst v63  }
0xc3: {  	s17 =	simm.s32 $0x9900  }
0xc4: {  	[tilespmem:s17], [sflag:$0x1] =	stream.indirect_vreg.gather [hbm4b:s11+s23], $0x80, v4, vm0, $0xb8;
	[tilespmem:$0x18100] =	vst v63  }
0xc5: {  	s5 =	simm.s32 $0xA100  }
0xc6: {  	[tilespmem:s5], [sflag:$0x1] =	stream.indirect_vreg.gather [hbm4b:s3+s23], $0x80, v3, vm0, $0xb8;
	[tilespmem:$0x18100] =	vst v63  }
0xc7: {  	s6 =	simm.s32 $0xA900  }
0xc8: {  	[tilespmem:s6], [sflag:$0x1] =	stream.indirect_vreg.gather [hbm4b:s8+s23], $0x80, v3, vm0, $0xb8;
	[tilespmem:$0x18100] =	vst v63  }
0xc9: {  	s7 =	simm.s32 $0xB100  }
0xca: {  	[tilespmem:s7], [sflag:$0x1] =	stream.indirect_vreg.gather [hbm4b:s9+s23], $0x80, v3, vm0, $0xb8;
	[tilespmem:$0x18100] =	vst v63  }
0xcb: {  	s15 =	simm.s32 $0xB900  }
0xcc: {  	[tilespmem:s15], [sflag:$0x1] =	stream.indirect_vreg.gather [hbm4b:s11+s23], $0x80, v3, vm0, $0xb8;
	[tilespmem:$0x18100] =	vst v63  }
0xcd: {  	v3 =	vld [tilespmem:$0xA0];
	_ =	sdelay $0x4  }
0xce: {  	v63 =	vshll.u32 v3, $0x3  }
0xcf: {  	v3 =	vand.u32 $0x7, v3;
	v4 =	vand.u32 $0xFFFFFFC0, v63  }
0xd0: {  	v3 =	vor.u32 v3, v4  }
0xd1: {  	v4 =	vperm.xlane v3, v0;
	_ =	sdelay $0x1  }
0xd2: {  	v4 =	vadd.s32 v1, v4;
	_ =	sdelay $0x3  }
0xd3: {  	s16 =	simm.s32 $0x10100  }
0xd4: {  	[tilespmem:s16], [sflag:$0x2] =	stream.indirect_vreg.gather [hbm4b:s3+s23], $0x80, v4, vm0, $0xb8;
	[tilespmem:$0x18100] =	vst v63  }
0xd5: {  	s17 =	simm.s32 $0x10900;
	v3 =	vperm.xlane v3, v2  }
0xd6: {  	[tilespmem:s17], [sflag:$0x2] =	stream.indirect_vreg.gather [hbm4b:s8+s23], $0x80, v4, vm0, $0xb8;
	[tilespmem:$0x18100] =	vst v63  }
0xd7: {  	s5 =	simm.s32 $0x11100;
	v3 =	vadd.s32 v1, v3  }
0xd8: {  	[tilespmem:s5], [sflag:$0x2] =	stream.indirect_vreg.gather [hbm4b:s9+s23], $0x80, v4, vm0, $0xb8;
	[tilespmem:$0x18100] =	vst v63  }
0xd9: {  	s6 =	simm.s32 $0x11900  }
0xda: {  	[tilespmem:s6], [sflag:$0x2] =	stream.indirect_vreg.gather [hbm4b:s11+s23], $0x80, v4, vm0, $0xb8;
	[tilespmem:$0x18100] =	vst v63  }
0xdb: {  	s7 =	simm.s32 $0x12100  }
0xdc: {  	[tilespmem:s7], [sflag:$0x2] =	stream.indirect_vreg.gather [hbm4b:s3+s23], $0x80, v3, vm0, $0xb8;
	[tilespmem:$0x18100] =	vst v63  }
0xdd: {  	s15 =	simm.s32 $0x12900  }
0xde: {  	[tilespmem:s15], [sflag:$0x2] =	stream.indirect_vreg.gather [hbm4b:s8+s23], $0x80, v3, vm0, $0xb8;
	[tilespmem:$0x18100] =	vst v63  }
0xdf: {  	s16 =	simm.s32 $0x13100  }
0xe0: {  	[tilespmem:s16], [sflag:$0x2] =	stream.indirect_vreg.gather [hbm4b:s9+s23], $0x80, v3, vm0, $0xb8;
	[tilespmem:$0x18100] =	vst v63  }
0xe1: {  	s4 =	simm.s32 $0x0;
	s17 =	simm.s32 $0x13900  }
0xe2: {  	[tilespmem:s17], [sflag:$0x2] =	stream.indirect_vreg.gather [hbm4b:s11+s23], $0x80, v3, vm0, $0xb8;
	[tilespmem:$0x18100] =	vst v63  }
.LBB2_6:
0xe3: {  	s6 =	sshll.u32 s4, $0x7;
	s5 =	sshll.u32 s4, $0xA  }
0xe4: {  	s5 =	sand.u32 $0x2000, s5;
	s7 =	sand.u32 $0x380, s6  }
0xe5: {  	s16 =	sand.u32 $0x40, s23;
	s5 =	sor.u32 s7, s5  }
0xe6: {  	s15 =	sand.u32 $0x1C00, s23;
	v3 =	vld [tilespmem:s6+$0x900];
	s7 =	sor.u32 s16, s5  }
0xe7: {  	v4 =	vld [tilespmem:s6+$0x4900];
	s6 =	sor.u32 s15, s7  }
0xe8: {  	v5 =	vld [tilespmem:s6+$0x14100]  }
0xe9: {  	v7 =	vld [tilespmem:s6+$0x14110]  }
0xea: {  	v8 =	vld [tilespmem:s6+$0x14120]  }
0xeb: {  	v6 =	vld [tilespmem:s6+$0xC100]  }
0xec: {  	v9 =	vld [tilespmem:s6+$0x14130]  }
0xed: {  	v10 =	vld [tilespmem:s6+$0xC110]  }
0xee: {  	s17 =	simm.s32 $0x40;
	v11 =	vld [tilespmem:s6+$0xC120]  }
0xef: {  	s7 =	sand.u32 $0x40, s17;
	s15 =	simm.s32 $0x200;
	v12 =	vld [tilespmem:s6+$0xC130]  }
0xf0: {  	s16 =	sand.u32 $0x1C00, s15;
	s7 =	sor.u32 s7, s5  }
0xf1: {  	s7 =	sor.u32 s16, s7;
	v13 =	vmul.f32 v6, v3;
	v14 =	vmul.f32 v5, v4  }
0xf2: {  	v6 =	vld [tilespmem:s7+$0x14100];
	v10 =	vmul.f32 v10, v3;
	v15 =	vmul.f32 v7, v4  }
0xf3: {  	v5 =	vld [tilespmem:s7+$0x14110];
	v11 =	vmul.f32 v11, v3;
	v63 =	vmul.f32 v8, v4;
	v13 =	vadd.f32 v14, v13  }
0xf4: {  	v7 =	vld [tilespmem:s7+$0x14120];
	v12 =	vmul.f32 v12, v3;
	v16 =	vmul.f32 v9, v4;
	v15 =	vadd.f32 v15, v10  }
0xf5: {  	v8 =	vld [tilespmem:s7+$0x14130];
	v10 =	vadd.f32 v63, v11;
	[tilespmem:s6+$0xC100] =	vst v13  }
0xf6: {  	s16 =	simm.s32 $0x80;
	v11 =	vadd.f32 v16, v12;
	v9 =	vld [tilespmem:s7+$0xC100];
	[tilespmem:s6+$0xC110] =	vst v15  }
.LBB2_7:
0xf7: {  	p0 =	sne.s32 s16, $0x3C0;
	v12 =	vld [tilespmem:s7+$0xC110];
	[tilespmem:s6+$0xC120] =	vst v10  }
0xf8: {  	v10 =	vld [tilespmem:s7+$0xC120];
	[tilespmem:s6+$0xC130] =	vst v11;
	s6 =	smov.u32 s7  }
0xf9: {  	s15 =	sadd.s32 $0x200, s15;
	s7 =	sand.u32 $0x40, s16;
	v11 =	vld [tilespmem:s6+$0xC130]  }
0xfa: {  	s17 =	sand.u32 $0x1C00, s15;
	s7 =	sor.u32 s7, s5  }
0xfb: {  	v13 =	vmul.f32 v6, v4;
	s7 =	sor.u32 s17, s7;
	v9 =	vmul.f32 v9, v3  }
.Ltmp2:
0xfc: {  	v14 =	vmul.f32 v5, v4;
	v6 =	vld [tilespmem:s7+$0x14100];
	v12 =	vmul.f32 v12, v3;
	(pc) =	sbr.rel @p0 .LBB2_7-.Ltmp2, $4  }
0xfd: {  	v5 =	vld [tilespmem:s7+$0x14110];
	v9 =	vadd.f32 v13, v9;
	v10 =	vmul.f32 v10, v3;
	v13 =	vmul.f32 v7, v4  }
0xfe: {  	v7 =	vld [tilespmem:s7+$0x14120];
	v12 =	vadd.f32 v14, v12;
	v11 =	vmul.f32 v11, v3;
	v14 =	vmul.f32 v8, v4  }
0xff: {  	v8 =	vld [tilespmem:s7+$0x14130];
	[tilespmem:s6+$0xC100] =	vst v9;
	v10 =	vadd.f32 v13, v10  }
0x100: {  	s16 =	sadd.s32 $0x40, s16;
	v9 =	vld [tilespmem:s7+$0xC100];
	[tilespmem:s6+$0xC110] =	vst v12;
	v11 =	vadd.f32 v14, v11  }
0x101: {  	v12 =	vld [tilespmem:s7+$0xC110];
	[tilespmem:s6+$0xC120] =	vst v10  }
0x102: {  	v10 =	vld [tilespmem:s7+$0xC120];
	[tilespmem:s6+$0xC130] =	vst v11  }
0x103: {  	v11 =	vld [tilespmem:s7+$0xC130];
	_ =	sdelay $0x1  }
0x104: {  	v6 =	vmul.f32 v6, v4;
	v9 =	vmul.f32 v9, v3  }
0x105: {  	s4 =	sadd.s32 $0x1, s4;
	v5 =	vmul.f32 v5, v4;
	v12 =	vmul.f32 v12, v3  }
0x106: {  	p0 =	sne.s32 s4, $0x10;
	v7 =	vmul.f32 v7, v4;
	v6 =	vadd.f32 v6, v9;
	v61 =	vmul.f32 v10, v3  }
.Ltmp3:
0x107: {  	v62 =	vmul.f32 v8, v4;
	v5 =	vadd.f32 v5, v12;
	v3 =	vmul.f32 v11, v3;
	(pc) =	sbr.rel @p0 .LBB2_6-.Ltmp3, $4  }
0x108: {  	[tilespmem:s7+$0xC100] =	vst v6;
	v63 =	vadd.f32 v7, v61  }
0x109: {  	[tilespmem:s7+$0xC110] =	vst v5;
	v3 =	vadd.f32 v62, v3  }
0x10a: {  	[tilespmem:s7+$0xC120] =	vst v63  }
0x10b: {  	[tilespmem:s7+$0xC130] =	vst v3  }
0x10c: {  	s23 =	simm.s32 $0x0;
	s4 =	rddreg [dreg:$0x8]  }
0x10d: {  	[hbm4b:s4+s23] =	stream.linear.scatter [tilespmem:s14], [sflag:$0x3], $0x4000, $0x38;
	[tilespmem:$0x18100] =	vst v63  }
0x10e: {  	_ =	swait.ge [sflag:s20], $0x4000  }
0x10f: {  	[sflag:s20] =	ssyncset.done $0x0  }
0x110: {  	[sflag:s20] =	ssyncadd.s32 $0xFFFFC000  }
0x111: {  	_ =	swait.ge [sflag:s12], $0x4000  }
0x112: {  	[sflag:s12] =	ssyncset.done $0x0  }
0x113: {  	[sflag:s12] =	ssyncadd.s32 $0xFFFFC000  }
0x114: {  	_ =	swait.ge [sflag:s13], $0x4000  }
0x115: {  	[sflag:s13] =	ssyncset.done $0x0  }
0x116: {  	[sflag:s13] =	ssyncadd.s32 $0xFFFFC000  }
0x117: {  	v3 =	vld [tilespmem:$0x30];
	_ =	sdelay $0x4  }
0x118: {  	v4 =	vshll.u32 v3, $0x3  }
0x119: {  	v3 =	vand.u32 $0x7, v3;
	v4 =	vand.u32 $0xFFFFFFC0, v4  }
0x11a: {  	v3 =	vor.u32 v3, v4  }
0x11b: {  	v4 =	vperm.xlane v3, v0;
	_ =	sdelay $0x1  }
0x11c: {  	v4 =	vadd.s32 v1, v4;
	_ =	sdelay $0x4  }
0x11d: {  	[tilespmem:s14], [sflag:$0x1] =	stream.indirect_vreg.gather [hbm4b:s3+s23], $0x80, v4, vm0, $0xb8;
	[tilespmem:$0x18100] =	vst v63  }
0x11e: {  	s15 =	simm.s32 $0xC900;
	v3 =	vperm.xlane v3, v2  }
0x11f: {  	[tilespmem:s15], [sflag:$0x1] =	stream.indirect_vreg.gather [hbm4b:s8+s23], $0x80, v4, vm0, $0xb8;
	[tilespmem:$0x18100] =	vst v63  }
0x120: {  	s16 =	simm.s32 $0xD100;
	v3 =	vadd.s32 v1, v3  }
0x121: {  	[tilespmem:s16], [sflag:$0x1] =	stream.indirect_vreg.gather [hbm4b:s9+s23], $0x80, v4, vm0, $0xb8;
	[tilespmem:$0x18100] =	vst v63  }
0x122: {  	s17 =	simm.s32 $0xD900  }
0x123: {  	[tilespmem:s17], [sflag:$0x1] =	stream.indirect_vreg.gather [hbm4b:s11+s23], $0x80, v4, vm0, $0xb8;
	[tilespmem:$0x18100] =	vst v63  }
0x124: {  	_ = 	snop  }
0x125: {  	[tilespmem:s18], [sflag:$0x1] =	stream.indirect_vreg.gather [hbm4b:s3+s23], $0x80, v3, vm0, $0xb8;
	[tilespmem:$0x18100] =	vst v63  }
0x126: {  	_ = 	snop  }
0x127: {  	[tilespmem:s19], [sflag:$0x1] =	stream.indirect_vreg.gather [hbm4b:s8+s23], $0x80, v3, vm0, $0xb8;
	[tilespmem:$0x18100] =	vst v63  }
0x128: {  	_ = 	snop  }
0x129: {  	[tilespmem:s10], [sflag:$0x1] =	stream.indirect_vreg.gather [hbm4b:s9+s23], $0x80, v3, vm0, $0xb8;
	[tilespmem:$0x18100] =	vst v63  }
0x12a: {  	_ = 	snop  }
0x12b: {  	[tilespmem:s25], [sflag:$0x1] =	stream.indirect_vreg.gather [hbm4b:s11+s23], $0x80, v3, vm0, $0xb8;
	[tilespmem:$0x18100] =	vst v63  }
0x12c: {  	v3 =	vld [tilespmem:$0xB0];
	_ =	sdelay $0x4  }
0x12d: {  	v63 =	vshll.u32 v3, $0x3  }
0x12e: {  	v3 =	vand.u32 $0x7, v3;
	v4 =	vand.u32 $0xFFFFFFC0, v63  }
0x12f: {  	v3 =	vor.u32 v3, v4  }
0x130: {  	v4 =	vperm.xlane v3, v0;
	_ =	sdelay $0x1  }
0x131: {  	v4 =	vadd.s32 v1, v4;
	_ =	sdelay $0x4  }
0x132: {  	[tilespmem:s26], [sflag:$0x2] =	stream.indirect_vreg.gather [hbm4b:s3+s23], $0x80, v4, vm0, $0xb8;
	[tilespmem:$0x18100] =	vst v63  }
0x133: {  	v3 =	vperm.xlane v3, v2  }
0x134: {  	[tilespmem:s28], [sflag:$0x2] =	stream.indirect_vreg.gather [hbm4b:s8+s23], $0x80, v4, vm0, $0xb8;
	[tilespmem:$0x18100] =	vst v63  }
0x135: {  	v3 =	vadd.s32 v1, v3  }
0x136: {  	[tilespmem:s29], [sflag:$0x2] =	stream.indirect_vreg.gather [hbm4b:s9+s23], $0x80, v4, vm0, $0xb8;
	[tilespmem:$0x18100] =	vst v63  }
0x137: {  	_ = 	snop  }
0x138: {  	[tilespmem:s30], [sflag:$0x2] =	stream.indirect_vreg.gather [hbm4b:s11+s23], $0x80, v4, vm0, $0xb8;
	[tilespmem:$0x18100] =	vst v63  }
0x139: {  	_ = 	snop  }
0x13a: {  	[tilespmem:s31], [sflag:$0x2] =	stream.indirect_vreg.gather [hbm4b:s3+s23], $0x80, v3, vm0, $0xb8;
	[tilespmem:$0x18100] =	vst v63  }
0x13b: {  	_ = 	snop  }
0x13c: {  	[tilespmem:s0], [sflag:$0x2] =	stream.indirect_vreg.gather [hbm4b:s8+s23], $0x80, v3, vm0, $0xb8;
	[tilespmem:$0x18100] =	vst v63  }
0x13d: {  	_ = 	snop  }
0x13e: {  	[tilespmem:s1], [sflag:$0x2] =	stream.indirect_vreg.gather [hbm4b:s9+s23], $0x80, v3, vm0, $0xb8;
	[tilespmem:$0x18100] =	vst v63  }
0x13f: {  	s4 =	simm.s32 $0x0  }
0x140: {  	[tilespmem:s21], [sflag:$0x2] =	stream.indirect_vreg.gather [hbm4b:s11+s23], $0x80, v3, vm0, $0xb8;
	[tilespmem:$0x18100] =	vst v63  }
.LBB2_10:
0x141: {  	s6 =	sshll.u32 s4, $0x7;
	s5 =	sshll.u32 s4, $0xA  }
0x142: {  	s5 =	sand.u32 $0x2000, s5;
	s7 =	sand.u32 $0x380, s6  }
0x143: {  	s16 =	sand.u32 $0x40, s23;
	s5 =	sor.u32 s5, s7  }
0x144: {  	s15 =	sand.u32 $0x1C00, s23;
	v3 =	vld [tilespmem:s6+$0x1100];
	s7 =	sor.u32 s16, s5  }
0x145: {  	v4 =	vld [tilespmem:s6+$0x5100];
	s6 =	sor.u32 s15, s7  }
0x146: {  	v5 =	vld [tilespmem:s6+$0x10100]  }
0x147: {  	v7 =	vld [tilespmem:s6+$0x10110]  }
0x148: {  	v8 =	vld [tilespmem:s6+$0x10120]  }
0x149: {  	v6 =	vld [tilespmem:s6+$0x8100]  }
0x14a: {  	v9 =	vld [tilespmem:s6+$0x10130]  }
0x14b: {  	v10 =	vld [tilespmem:s6+$0x8110]  }
0x14c: {  	s17 =	simm.s32 $0x40;
	v11 =	vld [tilespmem:s6+$0x8120]  }
0x14d: {  	s7 =	sand.u32 $0x40, s17;
	s15 =	simm.s32 $0x200;
	v12 =	vld [tilespmem:s6+$0x8130]  }
0x14e: {  	s16 =	sand.u32 $0x1C00, s15;
	s7 =	sor.u32 s7, s5  }
0x14f: {  	s7 =	sor.u32 s16, s7;
	v13 =	vmul.f32 v6, v3;
	v14 =	vmul.f32 v5, v4  }
0x150: {  	v6 =	vld [tilespmem:s7+$0x10100];
	v10 =	vmul.f32 v10, v3;
	v15 =	vmul.f32 v7, v4  }
0x151: {  	v5 =	vld [tilespmem:s7+$0x10110];
	v11 =	vmul.f32 v11, v3;
	v63 =	vmul.f32 v8, v4;
	v13 =	vadd.f32 v14, v13  }
0x152: {  	v7 =	vld [tilespmem:s7+$0x10120];
	v12 =	vmul.f32 v12, v3;
	v16 =	vmul.f32 v9, v4;
	v15 =	vadd.f32 v15, v10  }
0x153: {  	v8 =	vld [tilespmem:s7+$0x10130];
	v10 =	vadd.f32 v63, v11;
	[tilespmem:s6+$0x8100] =	vst v13  }
0x154: {  	s16 =	simm.s32 $0x80;
	v11 =	vadd.f32 v16, v12;
	v9 =	vld [tilespmem:s7+$0x8100];
	[tilespmem:s6+$0x8110] =	vst v15  }
.LBB2_11:
0x155: {  	p0 =	sne.s32 s16, $0x3C0;
	v12 =	vld [tilespmem:s7+$0x8110];
	[tilespmem:s6+$0x8120] =	vst v10  }
0x156: {  	v10 =	vld [tilespmem:s7+$0x8120];
	[tilespmem:s6+$0x8130] =	vst v11;
	s6 =	smov.u32 s7  }
0x157: {  	s15 =	sadd.s32 $0x200, s15;
	s7 =	sand.u32 $0x40, s16;
	v11 =	vld [tilespmem:s6+$0x8130]  }
0x158: {  	s17 =	sand.u32 $0x1C00, s15;
	s7 =	sor.u32 s7, s5  }
0x159: {  	v13 =	vmul.f32 v6, v4;
	s7 =	sor.u32 s17, s7;
	v9 =	vmul.f32 v9, v3  }
.Ltmp4:
0x15a: {  	v14 =	vmul.f32 v5, v4;
	v6 =	vld [tilespmem:s7+$0x10100];
	v12 =	vmul.f32 v12, v3;
	(pc) =	sbr.rel @p0 .LBB2_11-.Ltmp4, $4  }
0x15b: {  	v5 =	vld [tilespmem:s7+$0x10110];
	v9 =	vadd.f32 v13, v9;
	v10 =	vmul.f32 v10, v3;
	v13 =	vmul.f32 v7, v4  }
0x15c: {  	v7 =	vld [tilespmem:s7+$0x10120];
	v12 =	vadd.f32 v14, v12;
	v11 =	vmul.f32 v11, v3;
	v14 =	vmul.f32 v8, v4  }
0x15d: {  	v8 =	vld [tilespmem:s7+$0x10130];
	[tilespmem:s6+$0x8100] =	vst v9;
	v10 =	vadd.f32 v13, v10  }
0x15e: {  	s16 =	sadd.s32 $0x40, s16;
	v9 =	vld [tilespmem:s7+$0x8100];
	[tilespmem:s6+$0x8110] =	vst v12;
	v11 =	vadd.f32 v14, v11  }
0x15f: {  	v12 =	vld [tilespmem:s7+$0x8110];
	[tilespmem:s6+$0x8120] =	vst v10  }
0x160: {  	v10 =	vld [tilespmem:s7+$0x8120];
	[tilespmem:s6+$0x8130] =	vst v11  }
0x161: {  	v11 =	vld [tilespmem:s7+$0x8130];
	_ =	sdelay $0x1  }
0x162: {  	v6 =	vmul.f32 v6, v4;
	v9 =	vmul.f32 v9, v3  }
0x163: {  	s4 =	sadd.s32 $0x1, s4;
	v5 =	vmul.f32 v5, v4;
	v12 =	vmul.f32 v12, v3  }
0x164: {  	p0 =	sne.s32 s4, $0x10;
	v7 =	vmul.f32 v7, v4;
	v6 =	vadd.f32 v6, v9;
	v61 =	vmul.f32 v10, v3  }
.Ltmp5:
0x165: {  	v62 =	vmul.f32 v8, v4;
	v5 =	vadd.f32 v5, v12;
	v3 =	vmul.f32 v11, v3;
	(pc) =	sbr.rel @p0 .LBB2_10-.Ltmp5, $4  }
0x166: {  	[tilespmem:s7+$0x8100] =	vst v6;
	v63 =	vadd.f32 v7, v61  }
0x167: {  	[tilespmem:s7+$0x8110] =	vst v5;
	v3 =	vadd.f32 v62, v3  }
0x168: {  	[tilespmem:s7+$0x8120] =	vst v63  }
0x169: {  	[tilespmem:s7+$0x8130] =	vst v3  }
0x16a: {  	s23 =	simm.s32 $0x0;
	s4 =	rddreg [dreg:$0x9]  }
0x16b: {  	[hbm4b:s4+s23] =	stream.linear.scatter [tilespmem:s24], [sflag:$0x3], $0x4000, $0x38;
	[tilespmem:$0x18100] =	vst v63  }
0x16c: {  	_ =	swait.ge [sflag:s20], $0x4000  }
0x16d: {  	[sflag:s20] =	ssyncset.done $0x0  }
0x16e: {  	[sflag:s20] =	ssyncadd.s32 $0xFFFFC000  }
0x16f: {  	_ =	swait.ge [sflag:s12], $0x4000  }
0x170: {  	[sflag:s12] =	ssyncset.done $0x0  }
0x171: {  	[sflag:s12] =	ssyncadd.s32 $0xFFFFC000  }
0x172: {  	_ =	swait.ge [sflag:s13], $0x4000  }
0x173: {  	[sflag:s13] =	ssyncset.done $0x0  }
0x174: {  	[sflag:s13] =	ssyncadd.s32 $0xFFFFC000  }
0x175: {  	v3 =	vld [tilespmem:$0x40];
	_ =	sdelay $0x4  }
0x176: {  	v4 =	vshll.u32 v3, $0x3  }
0x177: {  	v3 =	vand.u32 $0x7, v3;
	v4 =	vand.u32 $0xFFFFFFC0, v4  }
0x178: {  	v3 =	vor.u32 v3, v4  }
0x179: {  	v4 =	vperm.xlane v3, v0;
	_ =	sdelay $0x1  }
0x17a: {  	v4 =	vadd.s32 v1, v4;
	_ =	sdelay $0x4  }
0x17b: {  	[tilespmem:s24], [sflag:$0x1] =	stream.indirect_vreg.gather [hbm4b:s3+s23], $0x80, v4, vm0, $0xb8;
	[tilespmem:$0x18100] =	vst v63  }
0x17c: {  	s15 =	simm.s32 $0x8900;
	v3 =	vperm.xlane v3, v2  }
0x17d: {  	[tilespmem:s15], [sflag:$0x1] =	stream.indirect_vreg.gather [hbm4b:s8+s23], $0x80, v4, vm0, $0xb8;
	[tilespmem:$0x18100] =	vst v63  }
0x17e: {  	s16 =	simm.s32 $0x9100;
	v3 =	vadd.s32 v1, v3  }
0x17f: {  	[tilespmem:s16], [sflag:$0x1] =	stream.indirect_vreg.gather [hbm4b:s9+s23], $0x80, v4, vm0, $0xb8;
	[tilespmem:$0x18100] =	vst v63  }
0x180: {  	s17 =	simm.s32 $0x9900  }
0x181: {  	[tilespmem:s17], [sflag:$0x1] =	stream.indirect_vreg.gather [hbm4b:s11+s23], $0x80, v4, vm0, $0xb8;
	[tilespmem:$0x18100] =	vst v63  }
0x182: {  	s5 =	simm.s32 $0xA100  }
0x183: {  	[tilespmem:s5], [sflag:$0x1] =	stream.indirect_vreg.gather [hbm4b:s3+s23], $0x80, v3, vm0, $0xb8;
	[tilespmem:$0x18100] =	vst v63  }
0x184: {  	s6 =	simm.s32 $0xA900  }
0x185: {  	[tilespmem:s6], [sflag:$0x1] =	stream.indirect_vreg.gather [hbm4b:s8+s23], $0x80, v3, vm0, $0xb8;
	[tilespmem:$0x18100] =	vst v63  }
0x186: {  	s7 =	simm.s32 $0xB100  }
0x187: {  	[tilespmem:s7], [sflag:$0x1] =	stream.indirect_vreg.gather [hbm4b:s9+s23], $0x80, v3, vm0, $0xb8;
	[tilespmem:$0x18100] =	vst v63  }
0x188: {  	s15 =	simm.s32 $0xB900  }
0x189: {  	[tilespmem:s15], [sflag:$0x1] =	stream.indirect_vreg.gather [hbm4b:s11+s23], $0x80, v3, vm0, $0xb8;
	[tilespmem:$0x18100] =	vst v63  }
0x18a: {  	v3 =	vld [tilespmem:$0xC0];
	_ =	sdelay $0x4  }
0x18b: {  	v63 =	vshll.u32 v3, $0x3  }
0x18c: {  	v3 =	vand.u32 $0x7, v3;
	v4 =	vand.u32 $0xFFFFFFC0, v63  }
0x18d: {  	v3 =	vor.u32 v3, v4  }
0x18e: {  	v4 =	vperm.xlane v3, v0;
	_ =	sdelay $0x1  }
0x18f: {  	v4 =	vadd.s32 v1, v4;
	_ =	sdelay $0x3  }
0x190: {  	s16 =	simm.s32 $0x10100  }
0x191: {  	[tilespmem:s16], [sflag:$0x2] =	stream.indirect_vreg.gather [hbm4b:s3+s23], $0x80, v4, vm0, $0xb8;
	[tilespmem:$0x18100] =	vst v63  }
0x192: {  	s17 =	simm.s32 $0x10900;
	v3 =	vperm.xlane v3, v2  }
0x193: {  	[tilespmem:s17], [sflag:$0x2] =	stream.indirect_vreg.gather [hbm4b:s8+s23], $0x80, v4, vm0, $0xb8;
	[tilespmem:$0x18100] =	vst v63  }
0x194: {  	s5 =	simm.s32 $0x11100;
	v3 =	vadd.s32 v1, v3  }
0x195: {  	[tilespmem:s5], [sflag:$0x2] =	stream.indirect_vreg.gather [hbm4b:s9+s23], $0x80, v4, vm0, $0xb8;
	[tilespmem:$0x18100] =	vst v63  }
0x196: {  	s6 =	simm.s32 $0x11900  }
0x197: {  	[tilespmem:s6], [sflag:$0x2] =	stream.indirect_vreg.gather [hbm4b:s11+s23], $0x80, v4, vm0, $0xb8;
	[tilespmem:$0x18100] =	vst v63  }
0x198: {  	s7 =	simm.s32 $0x12100  }
0x199: {  	[tilespmem:s7], [sflag:$0x2] =	stream.indirect_vreg.gather [hbm4b:s3+s23], $0x80, v3, vm0, $0xb8;
	[tilespmem:$0x18100] =	vst v63  }
0x19a: {  	s15 =	simm.s32 $0x12900  }
0x19b: {  	[tilespmem:s15], [sflag:$0x2] =	stream.indirect_vreg.gather [hbm4b:s8+s23], $0x80, v3, vm0, $0xb8;
	[tilespmem:$0x18100] =	vst v63  }
0x19c: {  	s16 =	simm.s32 $0x13100  }
0x19d: {  	[tilespmem:s16], [sflag:$0x2] =	stream.indirect_vreg.gather [hbm4b:s9+s23], $0x80, v3, vm0, $0xb8;
	[tilespmem:$0x18100] =	vst v63  }
0x19e: {  	s4 =	simm.s32 $0x0;
	s17 =	simm.s32 $0x13900  }
0x19f: {  	[tilespmem:s17], [sflag:$0x2] =	stream.indirect_vreg.gather [hbm4b:s11+s23], $0x80, v3, vm0, $0xb8;
	[tilespmem:$0x18100] =	vst v63  }
.LBB2_14:
0x1a0: {  	s6 =	sshll.u32 s4, $0x7;
	s5 =	sshll.u32 s4, $0xA  }
0x1a1: {  	s5 =	sand.u32 $0x2000, s5;
	s7 =	sand.u32 $0x380, s6  }
0x1a2: {  	s16 =	sand.u32 $0x40, s23;
	s5 =	sor.u32 s7, s5  }
0x1a3: {  	s15 =	sand.u32 $0x1C00, s23;
	v3 =	vld [tilespmem:s6+$0x1900];
	s7 =	sor.u32 s16, s5  }
0x1a4: {  	v4 =	vld [tilespmem:s6+$0x5900];
	s6 =	sor.u32 s15, s7  }
0x1a5: {  	v5 =	vld [tilespmem:s6+$0x14100]  }
0x1a6: {  	v7 =	vld [tilespmem:s6+$0x14110]  }
0x1a7: {  	v8 =	vld [tilespmem:s6+$0x14120]  }
0x1a8: {  	v6 =	vld [tilespmem:s6+$0xC100]  }
0x1a9: {  	v9 =	vld [tilespmem:s6+$0x14130]  }
0x1aa: {  	v10 =	vld [tilespmem:s6+$0xC110]  }
0x1ab: {  	s17 =	simm.s32 $0x40;
	v11 =	vld [tilespmem:s6+$0xC120]  }
0x1ac: {  	s7 =	sand.u32 $0x40, s17;
	s15 =	simm.s32 $0x200;
	v12 =	vld [tilespmem:s6+$0xC130]  }
0x1ad: {  	s16 =	sand.u32 $0x1C00, s15;
	s7 =	sor.u32 s7, s5  }
0x1ae: {  	s7 =	sor.u32 s16, s7;
	v13 =	vmul.f32 v6, v3;
	v14 =	vmul.f32 v5, v4  }
0x1af: {  	v6 =	vld [tilespmem:s7+$0x14100];
	v10 =	vmul.f32 v10, v3;
	v15 =	vmul.f32 v7, v4  }
0x1b0: {  	v5 =	vld [tilespmem:s7+$0x14110];
	v11 =	vmul.f32 v11, v3;
	v63 =	vmul.f32 v8, v4;
	v13 =	vadd.f32 v14, v13  }
0x1b1: {  	v7 =	vld [tilespmem:s7+$0x14120];
	v12 =	vmul.f32 v12, v3;
	v16 =	vmul.f32 v9, v4;
	v15 =	vadd.f32 v15, v10  }
0x1b2: {  	v8 =	vld [tilespmem:s7+$0x14130];
	v10 =	vadd.f32 v63, v11;
	[tilespmem:s6+$0xC100] =	vst v13  }
0x1b3: {  	s16 =	simm.s32 $0x80;
	v11 =	vadd.f32 v16, v12;
	v9 =	vld [tilespmem:s7+$0xC100];
	[tilespmem:s6+$0xC110] =	vst v15  }
.LBB2_15:
0x1b4: {  	p0 =	sne.s32 s16, $0x3C0;
	v12 =	vld [tilespmem:s7+$0xC110];
	[tilespmem:s6+$0xC120] =	vst v10  }
0x1b5: {  	v10 =	vld [tilespmem:s7+$0xC120];
	[tilespmem:s6+$0xC130] =	vst v11;
	s6 =	smov.u32 s7  }
0x1b6: {  	s15 =	sadd.s32 $0x200, s15;
	s7 =	sand.u32 $0x40, s16;
	v11 =	vld [tilespmem:s6+$0xC130]  }
0x1b7: {  	s17 =	sand.u32 $0x1C00, s15;
	s7 =	sor.u32 s7, s5  }
0x1b8: {  	v13 =	vmul.f32 v6, v4;
	s7 =	sor.u32 s17, s7;
	v9 =	vmul.f32 v9, v3  }
.Ltmp6:
0x1b9: {  	v14 =	vmul.f32 v5, v4;
	v6 =	vld [tilespmem:s7+$0x14100];
	v12 =	vmul.f32 v12, v3;
	(pc) =	sbr.rel @p0 .LBB2_15-.Ltmp6, $4  }
0x1ba: {  	v5 =	vld [tilespmem:s7+$0x14110];
	v9 =	vadd.f32 v13, v9;
	v10 =	vmul.f32 v10, v3;
	v13 =	vmul.f32 v7, v4  }
0x1bb: {  	v7 =	vld [tilespmem:s7+$0x14120];
	v12 =	vadd.f32 v14, v12;
	v11 =	vmul.f32 v11, v3;
	v14 =	vmul.f32 v8, v4  }
0x1bc: {  	v8 =	vld [tilespmem:s7+$0x14130];
	[tilespmem:s6+$0xC100] =	vst v9;
	v10 =	vadd.f32 v13, v10  }
0x1bd: {  	s16 =	sadd.s32 $0x40, s16;
	v9 =	vld [tilespmem:s7+$0xC100];
	[tilespmem:s6+$0xC110] =	vst v12;
	v11 =	vadd.f32 v14, v11  }
0x1be: {  	v12 =	vld [tilespmem:s7+$0xC110];
	[tilespmem:s6+$0xC120] =	vst v10  }
0x1bf: {  	v10 =	vld [tilespmem:s7+$0xC120];
	[tilespmem:s6+$0xC130] =	vst v11  }
0x1c0: {  	v11 =	vld [tilespmem:s7+$0xC130];
	_ =	sdelay $0x1  }
0x1c1: {  	v6 =	vmul.f32 v6, v4;
	v9 =	vmul.f32 v9, v3  }
0x1c2: {  	s4 =	sadd.s32 $0x1, s4;
	v5 =	vmul.f32 v5, v4;
	v12 =	vmul.f32 v12, v3  }
0x1c3: {  	p0 =	sne.s32 s4, $0x10;
	v7 =	vmul.f32 v7, v4;
	v6 =	vadd.f32 v6, v9;
	v61 =	vmul.f32 v10, v3  }
.Ltmp7:
0x1c4: {  	v62 =	vmul.f32 v8, v4;
	v5 =	vadd.f32 v5, v12;
	v3 =	vmul.f32 v11, v3;
	(pc) =	sbr.rel @p0 .LBB2_14-.Ltmp7, $4  }
0x1c5: {  	[tilespmem:s7+$0xC100] =	vst v6;
	v63 =	vadd.f32 v7, v61  }
0x1c6: {  	[tilespmem:s7+$0xC110] =	vst v5;
	v3 =	vadd.f32 v62, v3  }
0x1c7: {  	[tilespmem:s7+$0xC120] =	vst v63  }
0x1c8: {  	[tilespmem:s7+$0xC130] =	vst v3  }
0x1c9: {  	s23 =	simm.s32 $0x0;
	s4 =	rddreg [dreg:$0xa]  }
0x1ca: {  	[hbm4b:s4+s23] =	stream.linear.scatter [tilespmem:s14], [sflag:$0x3], $0x4000, $0x38;
	[tilespmem:$0x18100] =	vst v63  }
0x1cb: {  	_ =	swait.ge [sflag:s20], $0x4000  }
0x1cc: {  	[sflag:s20] =	ssyncset.done $0x0  }
0x1cd: {  	[sflag:s20] =	ssyncadd.s32 $0xFFFFC000  }
0x1ce: {  	_ =	swait.ge [sflag:s12], $0x4000  }
0x1cf: {  	[sflag:s12] =	ssyncset.done $0x0  }
0x1d0: {  	[sflag:s12] =	ssyncadd.s32 $0xFFFFC000  }
0x1d1: {  	_ =	swait.ge [sflag:s13], $0x4000  }
0x1d2: {  	[sflag:s13] =	ssyncset.done $0x0  }
0x1d3: {  	[sflag:s13] =	ssyncadd.s32 $0xFFFFC000  }
0x1d4: {  	v3 =	vld [tilespmem:$0x50];
	_ =	sdelay $0x4  }
0x1d5: {  	v4 =	vshll.u32 v3, $0x3  }
0x1d6: {  	v3 =	vand.u32 $0x7, v3;
	v4 =	vand.u32 $0xFFFFFFC0, v4  }
0x1d7: {  	v3 =	vor.u32 v3, v4  }
0x1d8: {  	v4 =	vperm.xlane v3, v0;
	_ =	sdelay $0x1  }
0x1d9: {  	v4 =	vadd.s32 v1, v4;
	_ =	sdelay $0x4  }
0x1da: {  	[tilespmem:s14], [sflag:$0x1] =	stream.indirect_vreg.gather [hbm4b:s3+s23], $0x80, v4, vm0, $0xb8;
	[tilespmem:$0x18100] =	vst v63  }
0x1db: {  	s15 =	simm.s32 $0xC900;
	v3 =	vperm.xlane v3, v2  }
0x1dc: {  	[tilespmem:s15], [sflag:$0x1] =	stream.indirect_vreg.gather [hbm4b:s8+s23], $0x80, v4, vm0, $0xb8;
	[tilespmem:$0x18100] =	vst v63  }
0x1dd: {  	s16 =	simm.s32 $0xD100;
	v3 =	vadd.s32 v1, v3  }
0x1de: {  	[tilespmem:s16], [sflag:$0x1] =	stream.indirect_vreg.gather [hbm4b:s9+s23], $0x80, v4, vm0, $0xb8;
	[tilespmem:$0x18100] =	vst v63  }
0x1df: {  	s17 =	simm.s32 $0xD900  }
0x1e0: {  	[tilespmem:s17], [sflag:$0x1] =	stream.indirect_vreg.gather [hbm4b:s11+s23], $0x80, v4, vm0, $0xb8;
	[tilespmem:$0x18100] =	vst v63  }
0x1e1: {  	_ = 	snop  }
0x1e2: {  	[tilespmem:s18], [sflag:$0x1] =	stream.indirect_vreg.gather [hbm4b:s3+s23], $0x80, v3, vm0, $0xb8;
	[tilespmem:$0x18100] =	vst v63  }
0x1e3: {  	_ = 	snop  }
0x1e4: {  	[tilespmem:s19], [sflag:$0x1] =	stream.indirect_vreg.gather [hbm4b:s8+s23], $0x80, v3, vm0, $0xb8;
	[tilespmem:$0x18100] =	vst v63  }
0x1e5: {  	_ = 	snop  }
0x1e6: {  	[tilespmem:s10], [sflag:$0x1] =	stream.indirect_vreg.gather [hbm4b:s9+s23], $0x80, v3, vm0, $0xb8;
	[tilespmem:$0x18100] =	vst v63  }
0x1e7: {  	_ = 	snop  }
0x1e8: {  	[tilespmem:s25], [sflag:$0x1] =	stream.indirect_vreg.gather [hbm4b:s11+s23], $0x80, v3, vm0, $0xb8;
	[tilespmem:$0x18100] =	vst v63  }
0x1e9: {  	v3 =	vld [tilespmem:$0xD0];
	_ =	sdelay $0x4  }
0x1ea: {  	v63 =	vshll.u32 v3, $0x3  }
0x1eb: {  	v3 =	vand.u32 $0x7, v3;
	v4 =	vand.u32 $0xFFFFFFC0, v63  }
0x1ec: {  	v3 =	vor.u32 v3, v4  }
0x1ed: {  	v4 =	vperm.xlane v3, v0;
	_ =	sdelay $0x1  }
0x1ee: {  	v4 =	vadd.s32 v1, v4;
	_ =	sdelay $0x4  }
0x1ef: {  	[tilespmem:s26], [sflag:$0x2] =	stream.indirect_vreg.gather [hbm4b:s3+s23], $0x80, v4, vm0, $0xb8;
	[tilespmem:$0x18100] =	vst v63  }
0x1f0: {  	v3 =	vperm.xlane v3, v2  }
0x1f1: {  	[tilespmem:s28], [sflag:$0x2] =	stream.indirect_vreg.gather [hbm4b:s8+s23], $0x80, v4, vm0, $0xb8;
	[tilespmem:$0x18100] =	vst v63  }
0x1f2: {  	v3 =	vadd.s32 v1, v3  }
0x1f3: {  	[tilespmem:s29], [sflag:$0x2] =	stream.indirect_vreg.gather [hbm4b:s9+s23], $0x80, v4, vm0, $0xb8;
	[tilespmem:$0x18100] =	vst v63  }
0x1f4: {  	_ = 	snop  }
0x1f5: {  	[tilespmem:s30], [sflag:$0x2] =	stream.indirect_vreg.gather [hbm4b:s11+s23], $0x80, v4, vm0, $0xb8;
	[tilespmem:$0x18100] =	vst v63  }
0x1f6: {  	_ = 	snop  }
0x1f7: {  	[tilespmem:s31], [sflag:$0x2] =	stream.indirect_vreg.gather [hbm4b:s3+s23], $0x80, v3, vm0, $0xb8;
	[tilespmem:$0x18100] =	vst v63  }
0x1f8: {  	_ = 	snop  }
0x1f9: {  	[tilespmem:s0], [sflag:$0x2] =	stream.indirect_vreg.gather [hbm4b:s8+s23], $0x80, v3, vm0, $0xb8;
	[tilespmem:$0x18100] =	vst v63  }
0x1fa: {  	_ = 	snop  }
0x1fb: {  	[tilespmem:s1], [sflag:$0x2] =	stream.indirect_vreg.gather [hbm4b:s9+s23], $0x80, v3, vm0, $0xb8;
	[tilespmem:$0x18100] =	vst v63  }
0x1fc: {  	s4 =	simm.s32 $0x0  }
0x1fd: {  	[tilespmem:s21], [sflag:$0x2] =	stream.indirect_vreg.gather [hbm4b:s11+s23], $0x80, v3, vm0, $0xb8;
	[tilespmem:$0x18100] =	vst v63  }
.LBB2_18:
0x1fe: {  	s6 =	sshll.u32 s4, $0x7;
	s5 =	sshll.u32 s4, $0xA  }
0x1ff: {  	s5 =	sand.u32 $0x2000, s5;
	s7 =	sand.u32 $0x380, s6  }
0x200: {  	s16 =	sand.u32 $0x40, s23;
	s5 =	sor.u32 s5, s7  }
0x201: {  	s15 =	sand.u32 $0x1C00, s23;
	v3 =	vld [tilespmem:s6+$0x2100];
	s7 =	sor.u32 s16, s5  }
0x202: {  	v4 =	vld [tilespmem:s6+$0x6100];
	s6 =	sor.u32 s15, s7  }
0x203: {  	v5 =	vld [tilespmem:s6+$0x10100]  }
0x204: {  	v7 =	vld [tilespmem:s6+$0x10110]  }
0x205: {  	v8 =	vld [tilespmem:s6+$0x10120]  }
0x206: {  	v6 =	vld [tilespmem:s6+$0x8100]  }
0x207: {  	v9 =	vld [tilespmem:s6+$0x10130]  }
0x208: {  	v10 =	vld [tilespmem:s6+$0x8110]  }
0x209: {  	s17 =	simm.s32 $0x40;
	v11 =	vld [tilespmem:s6+$0x8120]  }
0x20a: {  	s7 =	sand.u32 $0x40, s17;
	s15 =	simm.s32 $0x200;
	v12 =	vld [tilespmem:s6+$0x8130]  }
0x20b: {  	s16 =	sand.u32 $0x1C00, s15;
	s7 =	sor.u32 s7, s5  }
0x20c: {  	s7 =	sor.u32 s16, s7;
	v13 =	vmul.f32 v6, v3;
	v14 =	vmul.f32 v5, v4  }
0x20d: {  	v6 =	vld [tilespmem:s7+$0x10100];
	v10 =	vmul.f32 v10, v3;
	v15 =	vmul.f32 v7, v4  }
0x20e: {  	v5 =	vld [tilespmem:s7+$0x10110];
	v11 =	vmul.f32 v11, v3;
	v63 =	vmul.f32 v8, v4;
	v13 =	vadd.f32 v14, v13  }
0x20f: {  	v7 =	vld [tilespmem:s7+$0x10120];
	v12 =	vmul.f32 v12, v3;
	v16 =	vmul.f32 v9, v4;
	v15 =	vadd.f32 v15, v10  }
0x210: {  	v8 =	vld [tilespmem:s7+$0x10130];
	v10 =	vadd.f32 v63, v11;
	[tilespmem:s6+$0x8100] =	vst v13  }
0x211: {  	s16 =	simm.s32 $0x80;
	v11 =	vadd.f32 v16, v12;
	v9 =	vld [tilespmem:s7+$0x8100];
	[tilespmem:s6+$0x8110] =	vst v15  }
.LBB2_19:
0x212: {  	p0 =	sne.s32 s16, $0x3C0;
	v12 =	vld [tilespmem:s7+$0x8110];
	[tilespmem:s6+$0x8120] =	vst v10  }
0x213: {  	v10 =	vld [tilespmem:s7+$0x8120];
	[tilespmem:s6+$0x8130] =	vst v11;
	s6 =	smov.u32 s7  }
0x214: {  	s15 =	sadd.s32 $0x200, s15;
	s7 =	sand.u32 $0x40, s16;
	v11 =	vld [tilespmem:s6+$0x8130]  }
0x215: {  	s17 =	sand.u32 $0x1C00, s15;
	s7 =	sor.u32 s7, s5  }
0x216: {  	v13 =	vmul.f32 v6, v4;
	s7 =	sor.u32 s17, s7;
	v9 =	vmul.f32 v9, v3  }
.Ltmp8:
0x217: {  	v14 =	vmul.f32 v5, v4;
	v6 =	vld [tilespmem:s7+$0x10100];
	v12 =	vmul.f32 v12, v3;
	(pc) =	sbr.rel @p0 .LBB2_19-.Ltmp8, $4  }
0x218: {  	v5 =	vld [tilespmem:s7+$0x10110];
	v9 =	vadd.f32 v13, v9;
	v10 =	vmul.f32 v10, v3;
	v13 =	vmul.f32 v7, v4  }
0x219: {  	v7 =	vld [tilespmem:s7+$0x10120];
	v12 =	vadd.f32 v14, v12;
	v11 =	vmul.f32 v11, v3;
	v14 =	vmul.f32 v8, v4  }
0x21a: {  	v8 =	vld [tilespmem:s7+$0x10130];
	[tilespmem:s6+$0x8100] =	vst v9;
	v10 =	vadd.f32 v13, v10  }
0x21b: {  	s16 =	sadd.s32 $0x40, s16;
	v9 =	vld [tilespmem:s7+$0x8100];
	[tilespmem:s6+$0x8110] =	vst v12;
	v11 =	vadd.f32 v14, v11  }
0x21c: {  	v12 =	vld [tilespmem:s7+$0x8110];
	[tilespmem:s6+$0x8120] =	vst v10  }
0x21d: {  	v10 =	vld [tilespmem:s7+$0x8120];
	[tilespmem:s6+$0x8130] =	vst v11  }
0x21e: {  	v11 =	vld [tilespmem:s7+$0x8130];
	_ =	sdelay $0x1  }
0x21f: {  	v6 =	vmul.f32 v6, v4;
	v9 =	vmul.f32 v9, v3  }
0x220: {  	s4 =	sadd.s32 $0x1, s4;
	v5 =	vmul.f32 v5, v4;
	v12 =	vmul.f32 v12, v3  }
0x221: {  	p0 =	sne.s32 s4, $0x10;
	v7 =	vmul.f32 v7, v4;
	v6 =	vadd.f32 v6, v9;
	v61 =	vmul.f32 v10, v3  }
.Ltmp9:
0x222: {  	v62 =	vmul.f32 v8, v4;
	v5 =	vadd.f32 v5, v12;
	v3 =	vmul.f32 v11, v3;
	(pc) =	sbr.rel @p0 .LBB2_18-.Ltmp9, $4  }
0x223: {  	[tilespmem:s7+$0x8100] =	vst v6;
	v63 =	vadd.f32 v7, v61  }
0x224: {  	[tilespmem:s7+$0x8110] =	vst v5;
	v3 =	vadd.f32 v62, v3  }
0x225: {  	[tilespmem:s7+$0x8120] =	vst v63  }
0x226: {  	[tilespmem:s7+$0x8130] =	vst v3  }
0x227: {  	s23 =	simm.s32 $0x0;
	s4 =	rddreg [dreg:$0xb]  }
0x228: {  	[hbm4b:s4+s23] =	stream.linear.scatter [tilespmem:s24], [sflag:$0x3], $0x4000, $0x38;
	[tilespmem:$0x18100] =	vst v63  }
0x229: {  	_ =	swait.ge [sflag:s20], $0x4000  }
0x22a: {  	[sflag:s20] =	ssyncset.done $0x0  }
0x22b: {  	[sflag:s20] =	ssyncadd.s32 $0xFFFFC000  }
0x22c: {  	_ =	swait.ge [sflag:s12], $0x4000  }
0x22d: {  	[sflag:s12] =	ssyncset.done $0x0  }
0x22e: {  	[sflag:s12] =	ssyncadd.s32 $0xFFFFC000  }
0x22f: {  	_ =	swait.ge [sflag:s13], $0x4000  }
0x230: {  	[sflag:s13] =	ssyncset.done $0x0  }
0x231: {  	[sflag:s13] =	ssyncadd.s32 $0xFFFFC000  }
0x232: {  	v3 =	vld [tilespmem:$0x60];
	_ =	sdelay $0x4  }
0x233: {  	v4 =	vshll.u32 v3, $0x3  }
0x234: {  	v3 =	vand.u32 $0x7, v3;
	v4 =	vand.u32 $0xFFFFFFC0, v4  }
0x235: {  	v3 =	vor.u32 v3, v4  }
0x236: {  	v4 =	vperm.xlane v3, v0;
	_ =	sdelay $0x1  }
0x237: {  	v4 =	vadd.s32 v1, v4;
	_ =	sdelay $0x4  }
0x238: {  	[tilespmem:s24], [sflag:$0x1] =	stream.indirect_vreg.gather [hbm4b:s3+s23], $0x80, v4, vm0, $0xb8;
	[tilespmem:$0x18100] =	vst v63  }
0x239: {  	s15 =	simm.s32 $0x8900;
	v3 =	vperm.xlane v3, v2  }
0x23a: {  	[tilespmem:s15], [sflag:$0x1] =	stream.indirect_vreg.gather [hbm4b:s8+s23], $0x80, v4, vm0, $0xb8;
	[tilespmem:$0x18100] =	vst v63  }
0x23b: {  	s16 =	simm.s32 $0x9100;
	v3 =	vadd.s32 v1, v3  }
0x23c: {  	[tilespmem:s16], [sflag:$0x1] =	stream.indirect_vreg.gather [hbm4b:s9+s23], $0x80, v4, vm0, $0xb8;
	[tilespmem:$0x18100] =	vst v63  }
0x23d: {  	s17 =	simm.s32 $0x9900  }
0x23e: {  	[tilespmem:s17], [sflag:$0x1] =	stream.indirect_vreg.gather [hbm4b:s11+s23], $0x80, v4, vm0, $0xb8;
	[tilespmem:$0x18100] =	vst v63  }
0x23f: {  	s5 =	simm.s32 $0xA100  }
0x240: {  	[tilespmem:s5], [sflag:$0x1] =	stream.indirect_vreg.gather [hbm4b:s3+s23], $0x80, v3, vm0, $0xb8;
	[tilespmem:$0x18100] =	vst v63  }
0x241: {  	s6 =	simm.s32 $0xA900  }
0x242: {  	[tilespmem:s6], [sflag:$0x1] =	stream.indirect_vreg.gather [hbm4b:s8+s23], $0x80, v3, vm0, $0xb8;
	[tilespmem:$0x18100] =	vst v63  }
0x243: {  	s7 =	simm.s32 $0xB100  }
0x244: {  	[tilespmem:s7], [sflag:$0x1] =	stream.indirect_vreg.gather [hbm4b:s9+s23], $0x80, v3, vm0, $0xb8;
	[tilespmem:$0x18100] =	vst v63  }
0x245: {  	s15 =	simm.s32 $0xB900  }
0x246: {  	[tilespmem:s15], [sflag:$0x1] =	stream.indirect_vreg.gather [hbm4b:s11+s23], $0x80, v3, vm0, $0xb8;
	[tilespmem:$0x18100] =	vst v63  }
0x247: {  	v3 =	vld [tilespmem:$0xE0];
	_ =	sdelay $0x4  }
0x248: {  	v63 =	vshll.u32 v3, $0x3  }
0x249: {  	v3 =	vand.u32 $0x7, v3;
	v4 =	vand.u32 $0xFFFFFFC0, v63  }
0x24a: {  	v3 =	vor.u32 v3, v4  }
0x24b: {  	v4 =	vperm.xlane v3, v0;
	_ =	sdelay $0x1  }
0x24c: {  	v4 =	vadd.s32 v1, v4;
	_ =	sdelay $0x3  }
0x24d: {  	s16 =	simm.s32 $0x10100  }
0x24e: {  	[tilespmem:s16], [sflag:$0x2] =	stream.indirect_vreg.gather [hbm4b:s3+s23], $0x80, v4, vm0, $0xb8;
	[tilespmem:$0x18100] =	vst v63  }
0x24f: {  	s17 =	simm.s32 $0x10900;
	v3 =	vperm.xlane v3, v2  }
0x250: {  	[tilespmem:s17], [sflag:$0x2] =	stream.indirect_vreg.gather [hbm4b:s8+s23], $0x80, v4, vm0, $0xb8;
	[tilespmem:$0x18100] =	vst v63  }
0x251: {  	s5 =	simm.s32 $0x11100;
	v3 =	vadd.s32 v1, v3  }
0x252: {  	[tilespmem:s5], [sflag:$0x2] =	stream.indirect_vreg.gather [hbm4b:s9+s23], $0x80, v4, vm0, $0xb8;
	[tilespmem:$0x18100] =	vst v63  }
0x253: {  	s6 =	simm.s32 $0x11900  }
0x254: {  	[tilespmem:s6], [sflag:$0x2] =	stream.indirect_vreg.gather [hbm4b:s11+s23], $0x80, v4, vm0, $0xb8;
	[tilespmem:$0x18100] =	vst v63  }
0x255: {  	s7 =	simm.s32 $0x12100  }
0x256: {  	[tilespmem:s7], [sflag:$0x2] =	stream.indirect_vreg.gather [hbm4b:s3+s23], $0x80, v3, vm0, $0xb8;
	[tilespmem:$0x18100] =	vst v63  }
0x257: {  	s15 =	simm.s32 $0x12900  }
0x258: {  	[tilespmem:s15], [sflag:$0x2] =	stream.indirect_vreg.gather [hbm4b:s8+s23], $0x80, v3, vm0, $0xb8;
	[tilespmem:$0x18100] =	vst v63  }
0x259: {  	s16 =	simm.s32 $0x13100  }
0x25a: {  	[tilespmem:s16], [sflag:$0x2] =	stream.indirect_vreg.gather [hbm4b:s9+s23], $0x80, v3, vm0, $0xb8;
	[tilespmem:$0x18100] =	vst v63  }
0x25b: {  	s4 =	simm.s32 $0x0;
	s17 =	simm.s32 $0x13900  }
0x25c: {  	[tilespmem:s17], [sflag:$0x2] =	stream.indirect_vreg.gather [hbm4b:s11+s23], $0x80, v3, vm0, $0xb8;
	[tilespmem:$0x18100] =	vst v63  }
.LBB2_22:
0x25d: {  	s6 =	sshll.u32 s4, $0x7;
	s5 =	sshll.u32 s4, $0xA  }
0x25e: {  	s5 =	sand.u32 $0x2000, s5;
	s7 =	sand.u32 $0x380, s6  }
0x25f: {  	s16 =	sand.u32 $0x40, s23;
	s5 =	sor.u32 s7, s5  }
0x260: {  	s15 =	sand.u32 $0x1C00, s23;
	v3 =	vld [tilespmem:s6+$0x2900];
	s7 =	sor.u32 s16, s5  }
0x261: {  	v4 =	vld [tilespmem:s6+$0x6900];
	s6 =	sor.u32 s15, s7  }
0x262: {  	v5 =	vld [tilespmem:s6+$0x14100]  }
0x263: {  	v7 =	vld [tilespmem:s6+$0x14110]  }
0x264: {  	v8 =	vld [tilespmem:s6+$0x14120]  }
0x265: {  	v6 =	vld [tilespmem:s6+$0xC100]  }
0x266: {  	v9 =	vld [tilespmem:s6+$0x14130]  }
0x267: {  	v10 =	vld [tilespmem:s6+$0xC110]  }
0x268: {  	s17 =	simm.s32 $0x40;
	v11 =	vld [tilespmem:s6+$0xC120]  }
0x269: {  	s7 =	sand.u32 $0x40, s17;
	s15 =	simm.s32 $0x200;
	v12 =	vld [tilespmem:s6+$0xC130]  }
0x26a: {  	s16 =	sand.u32 $0x1C00, s15;
	s7 =	sor.u32 s7, s5  }
0x26b: {  	s7 =	sor.u32 s16, s7;
	v13 =	vmul.f32 v6, v3;
	v14 =	vmul.f32 v5, v4  }
0x26c: {  	v6 =	vld [tilespmem:s7+$0x14100];
	v10 =	vmul.f32 v10, v3;
	v15 =	vmul.f32 v7, v4  }
0x26d: {  	v5 =	vld [tilespmem:s7+$0x14110];
	v11 =	vmul.f32 v11, v3;
	v63 =	vmul.f32 v8, v4;
	v13 =	vadd.f32 v14, v13  }
0x26e: {  	v7 =	vld [tilespmem:s7+$0x14120];
	v12 =	vmul.f32 v12, v3;
	v16 =	vmul.f32 v9, v4;
	v15 =	vadd.f32 v15, v10  }
0x26f: {  	v8 =	vld [tilespmem:s7+$0x14130];
	v10 =	vadd.f32 v63, v11;
	[tilespmem:s6+$0xC100] =	vst v13  }
0x270: {  	s16 =	simm.s32 $0x80;
	v11 =	vadd.f32 v16, v12;
	v9 =	vld [tilespmem:s7+$0xC100];
	[tilespmem:s6+$0xC110] =	vst v15  }
.LBB2_23:
0x271: {  	p0 =	sne.s32 s16, $0x3C0;
	v12 =	vld [tilespmem:s7+$0xC110];
	[tilespmem:s6+$0xC120] =	vst v10  }
0x272: {  	v10 =	vld [tilespmem:s7+$0xC120];
	[tilespmem:s6+$0xC130] =	vst v11;
	s6 =	smov.u32 s7  }
0x273: {  	s15 =	sadd.s32 $0x200, s15;
	s7 =	sand.u32 $0x40, s16;
	v11 =	vld [tilespmem:s6+$0xC130]  }
0x274: {  	s17 =	sand.u32 $0x1C00, s15;
	s7 =	sor.u32 s7, s5  }
0x275: {  	v13 =	vmul.f32 v6, v4;
	s7 =	sor.u32 s17, s7;
	v9 =	vmul.f32 v9, v3  }
.Ltmp10:
0x276: {  	v14 =	vmul.f32 v5, v4;
	v6 =	vld [tilespmem:s7+$0x14100];
	v12 =	vmul.f32 v12, v3;
	(pc) =	sbr.rel @p0 .LBB2_23-.Ltmp10, $4  }
0x277: {  	v5 =	vld [tilespmem:s7+$0x14110];
	v9 =	vadd.f32 v13, v9;
	v10 =	vmul.f32 v10, v3;
	v13 =	vmul.f32 v7, v4  }
0x278: {  	v7 =	vld [tilespmem:s7+$0x14120];
	v12 =	vadd.f32 v14, v12;
	v11 =	vmul.f32 v11, v3;
	v14 =	vmul.f32 v8, v4  }
0x279: {  	v8 =	vld [tilespmem:s7+$0x14130];
	[tilespmem:s6+$0xC100] =	vst v9;
	v10 =	vadd.f32 v13, v10  }
0x27a: {  	s16 =	sadd.s32 $0x40, s16;
	v9 =	vld [tilespmem:s7+$0xC100];
	[tilespmem:s6+$0xC110] =	vst v12;
	v11 =	vadd.f32 v14, v11  }
0x27b: {  	v12 =	vld [tilespmem:s7+$0xC110];
	[tilespmem:s6+$0xC120] =	vst v10  }
0x27c: {  	v10 =	vld [tilespmem:s7+$0xC120];
	[tilespmem:s6+$0xC130] =	vst v11  }
0x27d: {  	v11 =	vld [tilespmem:s7+$0xC130];
	_ =	sdelay $0x1  }
0x27e: {  	v6 =	vmul.f32 v6, v4;
	v9 =	vmul.f32 v9, v3  }
0x27f: {  	s4 =	sadd.s32 $0x1, s4;
	v5 =	vmul.f32 v5, v4;
	v12 =	vmul.f32 v12, v3  }
0x280: {  	p0 =	sne.s32 s4, $0x10;
	v7 =	vmul.f32 v7, v4;
	v6 =	vadd.f32 v6, v9;
	v61 =	vmul.f32 v10, v3  }
.Ltmp11:
0x281: {  	v62 =	vmul.f32 v8, v4;
	v5 =	vadd.f32 v5, v12;
	v3 =	vmul.f32 v11, v3;
	(pc) =	sbr.rel @p0 .LBB2_22-.Ltmp11, $4  }
0x282: {  	[tilespmem:s7+$0xC100] =	vst v6;
	v63 =	vadd.f32 v7, v61  }
0x283: {  	[tilespmem:s7+$0xC110] =	vst v5;
	v3 =	vadd.f32 v62, v3  }
0x284: {  	[tilespmem:s7+$0xC120] =	vst v63  }
0x285: {  	[tilespmem:s7+$0xC130] =	vst v3  }
0x286: {  	s23 =	simm.s32 $0x0;
	s4 =	rddreg [dreg:$0xc]  }
0x287: {  	[hbm4b:s4+s23] =	stream.linear.scatter [tilespmem:s14], [sflag:$0x3], $0x4000, $0x38;
	[tilespmem:$0x18100] =	vst v63  }
0x288: {  	_ =	swait.ge [sflag:s20], $0x4000  }
0x289: {  	[sflag:s20] =	ssyncset.done $0x0  }
0x28a: {  	[sflag:s20] =	ssyncadd.s32 $0xFFFFC000  }
0x28b: {  	_ =	swait.ge [sflag:s12], $0x4000  }
0x28c: {  	[sflag:s12] =	ssyncset.done $0x0  }
0x28d: {  	[sflag:s12] =	ssyncadd.s32 $0xFFFFC000  }
0x28e: {  	_ =	swait.ge [sflag:s13], $0x4000  }
0x28f: {  	[sflag:s13] =	ssyncset.done $0x0  }
0x290: {  	[sflag:s13] =	ssyncadd.s32 $0xFFFFC000  }
0x291: {  	v3 =	vld [tilespmem:$0x70];
	_ =	sdelay $0x4  }
0x292: {  	v4 =	vshll.u32 v3, $0x3  }
0x293: {  	v3 =	vand.u32 $0x7, v3;
	v4 =	vand.u32 $0xFFFFFFC0, v4  }
0x294: {  	v3 =	vor.u32 v3, v4  }
0x295: {  	v4 =	vperm.xlane v3, v0;
	_ =	sdelay $0x1  }
0x296: {  	v4 =	vadd.s32 v1, v4;
	_ =	sdelay $0x4  }
0x297: {  	[tilespmem:s14], [sflag:$0x1] =	stream.indirect_vreg.gather [hbm4b:s3+s23], $0x80, v4, vm0, $0xb8;
	[tilespmem:$0x18100] =	vst v63  }
0x298: {  	s15 =	simm.s32 $0xC900;
	v3 =	vperm.xlane v3, v2  }
0x299: {  	[tilespmem:s15], [sflag:$0x1] =	stream.indirect_vreg.gather [hbm4b:s8+s23], $0x80, v4, vm0, $0xb8;
	[tilespmem:$0x18100] =	vst v63  }
0x29a: {  	s16 =	simm.s32 $0xD100;
	v3 =	vadd.s32 v1, v3  }
0x29b: {  	[tilespmem:s16], [sflag:$0x1] =	stream.indirect_vreg.gather [hbm4b:s9+s23], $0x80, v4, vm0, $0xb8;
	[tilespmem:$0x18100] =	vst v63  }
0x29c: {  	s17 =	simm.s32 $0xD900  }
0x29d: {  	[tilespmem:s17], [sflag:$0x1] =	stream.indirect_vreg.gather [hbm4b:s11+s23], $0x80, v4, vm0, $0xb8;
	[tilespmem:$0x18100] =	vst v63  }
0x29e: {  	_ = 	snop  }
0x29f: {  	[tilespmem:s18], [sflag:$0x1] =	stream.indirect_vreg.gather [hbm4b:s3+s23], $0x80, v3, vm0, $0xb8;
	[tilespmem:$0x18100] =	vst v63  }
0x2a0: {  	_ = 	snop  }
0x2a1: {  	[tilespmem:s19], [sflag:$0x1] =	stream.indirect_vreg.gather [hbm4b:s8+s23], $0x80, v3, vm0, $0xb8;
	[tilespmem:$0x18100] =	vst v63  }
0x2a2: {  	_ = 	snop  }
0x2a3: {  	[tilespmem:s10], [sflag:$0x1] =	stream.indirect_vreg.gather [hbm4b:s9+s23], $0x80, v3, vm0, $0xb8;
	[tilespmem:$0x18100] =	vst v63  }
0x2a4: {  	_ = 	snop  }
0x2a5: {  	[tilespmem:s25], [sflag:$0x1] =	stream.indirect_vreg.gather [hbm4b:s11+s23], $0x80, v3, vm0, $0xb8;
	[tilespmem:$0x18100] =	vst v63  }
0x2a6: {  	v3 =	vld [tilespmem:$0xF0];
	_ =	sdelay $0x4  }
0x2a7: {  	v63 =	vshll.u32 v3, $0x3  }
0x2a8: {  	v3 =	vand.u32 $0x7, v3;
	v4 =	vand.u32 $0xFFFFFFC0, v63  }
0x2a9: {  	v3 =	vor.u32 v3, v4  }
0x2aa: {  	v4 =	vperm.xlane v3, v0;
	_ =	sdelay $0x1  }
0x2ab: {  	v4 =	vadd.s32 v1, v4;
	_ =	sdelay $0x4  }
0x2ac: {  	[tilespmem:s26], [sflag:$0x2] =	stream.indirect_vreg.gather [hbm4b:s3+s23], $0x80, v4, vm0, $0xb8;
	[tilespmem:$0x18100] =	vst v63  }
0x2ad: {  	v3 =	vperm.xlane v3, v2  }
0x2ae: {  	[tilespmem:s28], [sflag:$0x2] =	stream.indirect_vreg.gather [hbm4b:s8+s23], $0x80, v4, vm0, $0xb8;
	[tilespmem:$0x18100] =	vst v63  }
0x2af: {  	v3 =	vadd.s32 v1, v3  }
0x2b0: {  	[tilespmem:s29], [sflag:$0x2] =	stream.indirect_vreg.gather [hbm4b:s9+s23], $0x80, v4, vm0, $0xb8;
	[tilespmem:$0x18100] =	vst v63  }
0x2b1: {  	_ = 	snop  }
0x2b2: {  	[tilespmem:s30], [sflag:$0x2] =	stream.indirect_vreg.gather [hbm4b:s11+s23], $0x80, v4, vm0, $0xb8;
	[tilespmem:$0x18100] =	vst v63  }
0x2b3: {  	_ = 	snop  }
0x2b4: {  	[tilespmem:s31], [sflag:$0x2] =	stream.indirect_vreg.gather [hbm4b:s3+s23], $0x80, v3, vm0, $0xb8;
	[tilespmem:$0x18100] =	vst v63  }
0x2b5: {  	_ = 	snop  }
0x2b6: {  	[tilespmem:s0], [sflag:$0x2] =	stream.indirect_vreg.gather [hbm4b:s8+s23], $0x80, v3, vm0, $0xb8;
	[tilespmem:$0x18100] =	vst v63  }
0x2b7: {  	_ = 	snop  }
0x2b8: {  	[tilespmem:s1], [sflag:$0x2] =	stream.indirect_vreg.gather [hbm4b:s9+s23], $0x80, v3, vm0, $0xb8;
	[tilespmem:$0x18100] =	vst v63  }
0x2b9: {  	s4 =	simm.s32 $0x0  }
0x2ba: {  	[tilespmem:s21], [sflag:$0x2] =	stream.indirect_vreg.gather [hbm4b:s11+s23], $0x80, v3, vm0, $0xb8;
	[tilespmem:$0x18100] =	vst v63  }
.LBB2_26:
0x2bb: {  	s6 =	sshll.u32 s4, $0x7;
	s5 =	sshll.u32 s4, $0xA  }
0x2bc: {  	s5 =	sand.u32 $0x2000, s5;
	s7 =	sand.u32 $0x380, s6  }
0x2bd: {  	s16 =	sand.u32 $0x40, s23;
	s5 =	sor.u32 s5, s7  }
0x2be: {  	s15 =	sand.u32 $0x1C00, s23;
	v3 =	vld [tilespmem:s6+$0x3100];
	s7 =	sor.u32 s16, s5  }
0x2bf: {  	v4 =	vld [tilespmem:s6+$0x7100];
	s6 =	sor.u32 s15, s7  }
0x2c0: {  	v5 =	vld [tilespmem:s6+$0x10100]  }
0x2c1: {  	v7 =	vld [tilespmem:s6+$0x10110]  }
0x2c2: {  	v8 =	vld [tilespmem:s6+$0x10120]  }
0x2c3: {  	v6 =	vld [tilespmem:s6+$0x8100]  }
0x2c4: {  	v9 =	vld [tilespmem:s6+$0x10130]  }
0x2c5: {  	v10 =	vld [tilespmem:s6+$0x8110]  }
0x2c6: {  	s17 =	simm.s32 $0x40;
	v11 =	vld [tilespmem:s6+$0x8120]  }
0x2c7: {  	s7 =	sand.u32 $0x40, s17;
	s15 =	simm.s32 $0x200;
	v12 =	vld [tilespmem:s6+$0x8130]  }
0x2c8: {  	s16 =	sand.u32 $0x1C00, s15;
	s7 =	sor.u32 s7, s5  }
0x2c9: {  	s7 =	sor.u32 s16, s7;
	v13 =	vmul.f32 v6, v3;
	v14 =	vmul.f32 v5, v4  }
0x2ca: {  	v6 =	vld [tilespmem:s7+$0x10100];
	v10 =	vmul.f32 v10, v3;
	v15 =	vmul.f32 v7, v4  }
0x2cb: {  	v5 =	vld [tilespmem:s7+$0x10110];
	v11 =	vmul.f32 v11, v3;
	v63 =	vmul.f32 v8, v4;
	v13 =	vadd.f32 v14, v13  }
0x2cc: {  	v7 =	vld [tilespmem:s7+$0x10120];
	v12 =	vmul.f32 v12, v3;
	v16 =	vmul.f32 v9, v4;
	v15 =	vadd.f32 v15, v10  }
0x2cd: {  	v8 =	vld [tilespmem:s7+$0x10130];
	v10 =	vadd.f32 v63, v11;
	[tilespmem:s6+$0x8100] =	vst v13  }
0x2ce: {  	s16 =	simm.s32 $0x80;
	v11 =	vadd.f32 v16, v12;
	v9 =	vld [tilespmem:s7+$0x8100];
	[tilespmem:s6+$0x8110] =	vst v15  }
.LBB2_27:
0x2cf: {  	p0 =	sne.s32 s16, $0x3C0;
	v12 =	vld [tilespmem:s7+$0x8110];
	[tilespmem:s6+$0x8120] =	vst v10  }
0x2d0: {  	v10 =	vld [tilespmem:s7+$0x8120];
	[tilespmem:s6+$0x8130] =	vst v11;
	s6 =	smov.u32 s7  }
0x2d1: {  	s15 =	sadd.s32 $0x200, s15;
	s7 =	sand.u32 $0x40, s16;
	v11 =	vld [tilespmem:s6+$0x8130]  }
0x2d2: {  	s17 =	sand.u32 $0x1C00, s15;
	s7 =	sor.u32 s7, s5  }
0x2d3: {  	v13 =	vmul.f32 v6, v4;
	s7 =	sor.u32 s17, s7;
	v9 =	vmul.f32 v9, v3  }
.Ltmp12:
0x2d4: {  	v14 =	vmul.f32 v5, v4;
	v6 =	vld [tilespmem:s7+$0x10100];
	v12 =	vmul.f32 v12, v3;
	(pc) =	sbr.rel @p0 .LBB2_27-.Ltmp12, $4  }
0x2d5: {  	v5 =	vld [tilespmem:s7+$0x10110];
	v9 =	vadd.f32 v13, v9;
	v10 =	vmul.f32 v10, v3;
	v13 =	vmul.f32 v7, v4  }
0x2d6: {  	v7 =	vld [tilespmem:s7+$0x10120];
	v12 =	vadd.f32 v14, v12;
	v11 =	vmul.f32 v11, v3;
	v14 =	vmul.f32 v8, v4  }
0x2d7: {  	v8 =	vld [tilespmem:s7+$0x10130];
	[tilespmem:s6+$0x8100] =	vst v9;
	v10 =	vadd.f32 v13, v10  }
0x2d8: {  	s16 =	sadd.s32 $0x40, s16;
	v9 =	vld [tilespmem:s7+$0x8100];
	[tilespmem:s6+$0x8110] =	vst v12;
	v11 =	vadd.f32 v14, v11  }
0x2d9: {  	v12 =	vld [tilespmem:s7+$0x8110];
	[tilespmem:s6+$0x8120] =	vst v10  }
0x2da: {  	v10 =	vld [tilespmem:s7+$0x8120];
	[tilespmem:s6+$0x8130] =	vst v11  }
0x2db: {  	v11 =	vld [tilespmem:s7+$0x8130];
	_ =	sdelay $0x1  }
0x2dc: {  	v6 =	vmul.f32 v6, v4;
	v9 =	vmul.f32 v9, v3  }
0x2dd: {  	s4 =	sadd.s32 $0x1, s4;
	v5 =	vmul.f32 v5, v4;
	v12 =	vmul.f32 v12, v3  }
0x2de: {  	p0 =	sne.s32 s4, $0x10;
	v7 =	vmul.f32 v7, v4;
	v6 =	vadd.f32 v6, v9;
	v61 =	vmul.f32 v10, v3  }
.Ltmp13:
0x2df: {  	v62 =	vmul.f32 v8, v4;
	v5 =	vadd.f32 v5, v12;
	v3 =	vmul.f32 v11, v3;
	(pc) =	sbr.rel @p0 .LBB2_26-.Ltmp13, $4  }
0x2e0: {  	[tilespmem:s7+$0x8100] =	vst v6;
	v63 =	vadd.f32 v7, v61  }
0x2e1: {  	[tilespmem:s7+$0x8110] =	vst v5;
	v3 =	vadd.f32 v62, v3  }
0x2e2: {  	[tilespmem:s7+$0x8120] =	vst v63  }
0x2e3: {  	[tilespmem:s7+$0x8130] =	vst v3  }
0x2e4: {  	s23 =	simm.s32 $0x0;
	s4 =	rddreg [dreg:$0xd]  }
0x2e5: {  	[hbm4b:s4+s23] =	stream.linear.scatter [tilespmem:s24], [sflag:$0x3], $0x4000, $0x38;
	[tilespmem:$0x18100] =	vst v63  }
0x2e6: {  	_ =	swait.ge [sflag:s20], $0x4000  }
0x2e7: {  	[sflag:s20] =	ssyncset.done $0x0  }
0x2e8: {  	[sflag:s20] =	ssyncadd.s32 $0xFFFFC000  }
0x2e9: {  	_ =	swait.ge [sflag:s12], $0x4000  }
0x2ea: {  	[sflag:s12] =	ssyncset.done $0x0  }
0x2eb: {  	[sflag:s12] =	ssyncadd.s32 $0xFFFFC000  }
0x2ec: {  	_ =	swait.ge [sflag:s13], $0x4000  }
0x2ed: {  	[sflag:s13] =	ssyncset.done $0x0  }
0x2ee: {  	s4 =	simm.s32 $0x0;
	[sflag:s13] =	ssyncadd.s32 $0xFFFFC000  }
.LBB2_30:
0x2ef: {  	s6 =	sshll.u32 s4, $0x7;
	s5 =	sshll.u32 s4, $0xA  }
0x2f0: {  	s5 =	sand.u32 $0x2000, s5;
	s7 =	sand.u32 $0x380, s6  }
0x2f1: {  	s16 =	sand.u32 $0x40, s23;
	s5 =	sor.u32 s7, s5  }
0x2f2: {  	s15 =	sand.u32 $0x1C00, s23;
	v3 =	vld [tilespmem:s6+$0x3900];
	s7 =	sor.u32 s16, s5  }
0x2f3: {  	v4 =	vld [tilespmem:s6+$0x7900];
	s6 =	sor.u32 s15, s7  }
0x2f4: {  	v5 =	vld [tilespmem:s6+$0x14100]  }
0x2f5: {  	v7 =	vld [tilespmem:s6+$0x14110]  }
0x2f6: {  	v8 =	vld [tilespmem:s6+$0x14120]  }
0x2f7: {  	v6 =	vld [tilespmem:s6+$0xC100]  }
0x2f8: {  	v9 =	vld [tilespmem:s6+$0x14130]  }
0x2f9: {  	v10 =	vld [tilespmem:s6+$0xC110]  }
0x2fa: {  	s17 =	simm.s32 $0x40;
	v11 =	vld [tilespmem:s6+$0xC120]  }
0x2fb: {  	s7 =	sand.u32 $0x40, s17;
	s15 =	simm.s32 $0x200;
	v12 =	vld [tilespmem:s6+$0xC130]  }
0x2fc: {  	s16 =	sand.u32 $0x1C00, s15;
	s7 =	sor.u32 s7, s5  }
0x2fd: {  	s7 =	sor.u32 s16, s7;
	v13 =	vmul.f32 v6, v3;
	v14 =	vmul.f32 v5, v4  }
0x2fe: {  	v6 =	vld [tilespmem:s7+$0x14100];
	v10 =	vmul.f32 v10, v3;
	v15 =	vmul.f32 v7, v4  }
0x2ff: {  	v5 =	vld [tilespmem:s7+$0x14110];
	v11 =	vmul.f32 v11, v3;
	v63 =	vmul.f32 v8, v4;
	v13 =	vadd.f32 v14, v13  }
0x300: {  	v7 =	vld [tilespmem:s7+$0x14120];
	v12 =	vmul.f32 v12, v3;
	v16 =	vmul.f32 v9, v4;
	v15 =	vadd.f32 v15, v10  }
0x301: {  	v8 =	vld [tilespmem:s7+$0x14130];
	v10 =	vadd.f32 v63, v11;
	[tilespmem:s6+$0xC100] =	vst v13  }
0x302: {  	s16 =	simm.s32 $0x80;
	v11 =	vadd.f32 v16, v12;
	v9 =	vld [tilespmem:s7+$0xC100];
	[tilespmem:s6+$0xC110] =	vst v15  }
.LBB2_31:
0x303: {  	p0 =	sne.s32 s16, $0x3C0;
	v12 =	vld [tilespmem:s7+$0xC110];
	[tilespmem:s6+$0xC120] =	vst v10  }
0x304: {  	v10 =	vld [tilespmem:s7+$0xC120];
	[tilespmem:s6+$0xC130] =	vst v11;
	s6 =	smov.u32 s7  }
0x305: {  	s15 =	sadd.s32 $0x200, s15;
	s7 =	sand.u32 $0x40, s16;
	v11 =	vld [tilespmem:s6+$0xC130]  }
0x306: {  	s17 =	sand.u32 $0x1C00, s15;
	s7 =	sor.u32 s7, s5  }
0x307: {  	v13 =	vmul.f32 v6, v4;
	s7 =	sor.u32 s17, s7;
	v9 =	vmul.f32 v9, v3  }
.Ltmp14:
0x308: {  	v14 =	vmul.f32 v5, v4;
	v6 =	vld [tilespmem:s7+$0x14100];
	v12 =	vmul.f32 v12, v3;
	(pc) =	sbr.rel @p0 .LBB2_31-.Ltmp14, $4  }
0x309: {  	v5 =	vld [tilespmem:s7+$0x14110];
	v9 =	vadd.f32 v13, v9;
	v10 =	vmul.f32 v10, v3;
	v13 =	vmul.f32 v7, v4  }
0x30a: {  	v7 =	vld [tilespmem:s7+$0x14120];
	v12 =	vadd.f32 v14, v12;
	v11 =	vmul.f32 v11, v3;
	v14 =	vmul.f32 v8, v4  }
0x30b: {  	v8 =	vld [tilespmem:s7+$0x14130];
	[tilespmem:s6+$0xC100] =	vst v9;
	v10 =	vadd.f32 v13, v10  }
0x30c: {  	s16 =	sadd.s32 $0x40, s16;
	v9 =	vld [tilespmem:s7+$0xC100];
	[tilespmem:s6+$0xC110] =	vst v12;
	v11 =	vadd.f32 v14, v11  }
0x30d: {  	v12 =	vld [tilespmem:s7+$0xC110];
	[tilespmem:s6+$0xC120] =	vst v10  }
0x30e: {  	v10 =	vld [tilespmem:s7+$0xC120];
	[tilespmem:s6+$0xC130] =	vst v11  }
0x30f: {  	v11 =	vld [tilespmem:s7+$0xC130];
	_ =	sdelay $0x1  }
0x310: {  	v6 =	vmul.f32 v6, v4;
	v9 =	vmul.f32 v9, v3  }
0x311: {  	s4 =	sadd.s32 $0x1, s4;
	v5 =	vmul.f32 v5, v4;
	v12 =	vmul.f32 v12, v3  }
0x312: {  	p0 =	sne.s32 s4, $0x10;
	v7 =	vmul.f32 v7, v4;
	v6 =	vadd.f32 v6, v9;
	v61 =	vmul.f32 v10, v3  }
.Ltmp15:
0x313: {  	v62 =	vmul.f32 v8, v4;
	v5 =	vadd.f32 v5, v12;
	v3 =	vmul.f32 v11, v3;
	(pc) =	sbr.rel @p0 .LBB2_30-.Ltmp15, $4  }
0x314: {  	[tilespmem:s7+$0xC100] =	vst v6;
	v63 =	vadd.f32 v7, v61  }
0x315: {  	[tilespmem:s7+$0xC110] =	vst v5;
	v3 =	vadd.f32 v62, v3  }
0x316: {  	[tilespmem:s7+$0xC120] =	vst v63  }
0x317: {  	[tilespmem:s7+$0xC130] =	vst v3  }
0x318: {  	s4 =	rddreg [dreg:$0xe]  }
0x319: {  	[hbm4b:s4+s2] =	stream.linear.scatter [tilespmem:s14], [sflag:$0x3], $0x4000, $0x38;
	[tilespmem:$0x18100] =	vst v63  }
0x31a: {  	_ =	swait.ge [sflag:s20], $0x4000  }
0x31b: {  	s22 =	sadd.s32 $0x1, s22;
	s23 =	rddreg [dreg:$0xf]  }
0x31c: {  	p0 =	sne.s32 s22, s23  }
.Ltmp16:
0x31d: {  	_ = 	snop;
	(pc) =	sbr.rel @p0 .LBB2_1-.Ltmp16, $3  }
0x31e: {  	_ =	sdelay $0x1  }
0x31f: {  	[sflag:s20] =	ssyncset.done $0x0  }
0x320: {  	[sflag:s20] =	ssyncadd.s32 $0xFFFFC000  }
0x321: {  	_ =	sfence.sel $0x180000  }
0x322: {  	[bflag:$0x0] =	sbarrier.arrive $0xFFFF  }
0x323: {  	_ =	strace $0x9000004A  }
0x324: {  	s0 =	stileid.u32;
	[bflag:$0x2] =	sbarrier.arrive $0xFFFF  }
0x325: {  	p0 =	sne.s32 s0, $0x0;
	s0 =	rddreg [dreg:$0x2]  }
0x326: {  	s0 =	sadd.s32 @!p0 $0x100000, s0  }
0x327: {  	[sflag:s0] =	ssyncadd.tile.s32 @!p0 $0x1;
	_ =	shalt  }
.Lfunc_end2:
_tile_overlayer_lowered:
.L_overlay_start_2:
0x328: {  	(tag) =	ssettag $0x2  }
0x329: {  	s0 =	rddreg [dreg:$0x0];
	s2 =	stileid.u32  }
0x32a: {  	s1 =	rddreg [dreg:$0x1];
	p0 =	sne.s32 s2, $0x0  }
0x32b: {  	s3 =	rddreg [dreg:$0x2];
	[bflag:$0x3] =	sbarrier.arrive $0xFFFF;
	s2 =	simm.s32 @!p0 $0x1C03  }
0x32c: {  	[timem:s3], [sflag:s2] =	dma.local @!p0 [hbm:s0], s1  }
0x32d: {  	s0 =	simm.s32 @!p0 $0x3  }
0x32e: {  	_ =	swait.ge @!p0 [sflag:s0], s1  }
0x32f: {  	s1 =	ssub.s32 @!p0 $0x0, s1;
	[sflag:s0] =	ssyncset.done @!p0 $0x0  }
0x330: {  	[sflag:s0] =	ssyncadd.s32 @!p0 s1  }
0x331: {  	[bflag:$0x3] =	sbarrier.arrive $0xFFFF  }
0x332: {  	_ =	shalt  }

</sc_bundles>
